<compile_context>
chip_gen: v7x
topology: tpu7x:2x2x1
jax: 0.10.2.dev20260603
libtpu: 0.0.44.dev20260713+nightly
codegen_flags: <defaults>
</compile_context>

<pallas_src>
import functools

import jax
import jax.numpy as jnp
import numpy as np
from jax import lax
from jax.experimental import pallas as pl
from jax.experimental.pallas import tpu as pltpu
from jax.experimental.pallas import tpu_sc as plsc

NUM_FIELDS = 26
FIELD_DIM = 100000
TOTAL_ROWS = NUM_FIELDS * FIELD_DIM
EMBED_DIM = 16
BATCH = 16384

NC = 2
NS = 16
NW = NC * NS
BW = BATCH // NW
CB = 32
NCHUNK = BATCH // CB
CPW = BW // CB
IPC = CB * NUM_FIELDS
GPC = CB // 16
NBUF = 4

_OFFSETS = np.array(
    (0, *np.cumsum([FIELD_DIM] * NUM_FIELDS)[:-1]), dtype=np.int32)


def _gather_body(idx_hbm, emb_hbm, fc_hbm, t_hbm, lin_hbm,
                 idx_v, rows_v, fc_v, t_v, lin_v, *sems):
    wid = lax.axis_index("s") * NC + lax.axis_index("c")
    pltpu.sync_copy(idx_hbm.at[wid], idx_v)

    def issue(c, b):
        ig = idx_v.at[c]
        pltpu.async_copy(emb_hbm.at[ig], rows_v.at[b], sems[b])
        pltpu.async_copy(fc_hbm.at[ig], fc_v.at[b], sems[b])

    def drain(b):
        pltpu.make_async_copy(
            emb_hbm.at[pl.ds(0, IPC)], rows_v.at[b], sems[b]).wait()
        pltpu.make_async_copy(
            fc_hbm.at[pl.ds(0, IPC)], fc_v.at[b], sems[b]).wait()

    for b in range(NBUF):
        issue(b, b)

    def body(i, _):
        c0 = i * NBUF
        for b in range(NBUF):
            c = c0 + b
            drain(b)
            ir = lax.iota(jnp.int32, 16)
            for g in range(GPC):
                o = g * 16
                base16 = (o + ir) * NUM_FIELDS
                lin = plsc.load_gather(fc_v.at[b], [base16])
                for f in range(1, NUM_FIELDS):
                    lin = lin + plsc.load_gather(fc_v.at[b], [base16 + f])
                lin_v[pl.ds(c * CB + o, 16)] = lin

            @plsc.parallel_loop(0, CB, unroll=4)
            def row_body(r):
                base = r * NUM_FIELDS
                s = rows_v[b, base]
                q = s * s
                for f in range(1, NUM_FIELDS):
                    v = rows_v[b, base + f]
                    s = s + v
                    q = q + v * v
                t_v[c * CB + r] = s * s - q

            @pl.when(c + NBUF < CPW)
            def _():
                issue(c + NBUF, b)
        return 0

    lax.fori_loop(0, CPW // NBUF, body, 0)
    pltpu.sync_copy(t_v, t_hbm.at[wid])
    pltpu.sync_copy(lin_v, lin_hbm.at[wid])


def _fm_tc_body(t_ref, lin_ref, out_ref):
    x = t_ref[...]
    j = lax.broadcasted_iota(jnp.int32, (128, 8), 0)
    k = lax.broadcasted_iota(jnp.int32, (128, 8), 1)
    m = (j // EMBED_DIM == k).astype(jnp.float32)
    fm = jax.lax.dot(x, m, precision=jax.lax.Precision.HIGHEST)
    out_ref[...] = lin_ref[...] + 0.5 * fm


@jax.jit
def _fm(idx_fm, emb, fc_flat):
    mesh = plsc.VectorSubcoreMesh(
        core_axis_name="c", subcore_axis_name="s",
        num_cores=NC, num_subcores=NS)
    f = functools.partial(
        pl.kernel,
        out_type=[
            jax.ShapeDtypeStruct((NW, BW, EMBED_DIM), jnp.float32),
            jax.ShapeDtypeStruct((NW, BW), jnp.float32),
        ],
        mesh=mesh,
        compiler_params=pltpu.CompilerParams(
            needs_layout_passes=False, use_tc_tiling_on_sc=False),
        scratch_types=[
            pltpu.VMEM((CPW, IPC), jnp.int32),
            pltpu.VMEM((NBUF, IPC, EMBED_DIM), jnp.float32),
            pltpu.VMEM((NBUF, IPC), jnp.float32),
            pltpu.VMEM((BW, EMBED_DIM), jnp.float32),
            pltpu.VMEM((BW,), jnp.float32),
        ] + [pltpu.SemaphoreType.DMA] * NBUF,
    )(_gather_body)
    t, lin = f(idx_fm, emb, fc_flat)

    NR = BATCH * EMBED_DIM // 128
    out = pl.pallas_call(
        _fm_tc_body,
        grid=(1,),
        in_specs=[
            pl.BlockSpec((NR, 128), lambda i: (0, 0)),
            pl.BlockSpec((NR, 8), lambda i: (0, 0)),
        ],
        out_specs=pl.BlockSpec((NR, 8), lambda i: (0, 0)),
        out_shape=jax.ShapeDtypeStruct((NR, 8), jnp.float32),
    )(t.reshape(NR, 128), lin.reshape(NR, 8))
    return out


def kernel(x, emb_table, fc_table, bias):
    idx = x.astype(jnp.int32) + jnp.asarray(_OFFSETS)[None, :]
    idx_fm = idx.reshape(NW, CPW, IPC)
    out = _fm(idx_fm, emb_table, fc_table[:, 0])
    return out.reshape(BATCH)[:, None] + bias[None, :]

# --- scband reference (transcript-rebuilt; emitter-appended) ---
"""Pipeline reference for scband-fm-88270167868108 (READ-ONLY COPY).

The authoritative reference and input builder live on the scoring server;
editing this copy changes nothing except your own understanding.
"""

import jax, jax.numpy as jnp
import numpy as np

NUM_FIELDS = 26
FIELD_DIM = 100000
TOTAL_ROWS = NUM_FIELDS * FIELD_DIM
EMBED_DIM = 16
BATCH = 16384

OFFSETS = jnp.asarray(np.array((0, *np.cumsum([FIELD_DIM] * NUM_FIELDS)[:-1]), dtype=np.int64))


def setup_inputs(seed: int = 0) -> dict:
    key = jax.random.key(seed)
    k1, k2, k3 = jax.random.split(key, 3)
    x = jax.random.randint(k1, (BATCH, NUM_FIELDS), 0, FIELD_DIM, dtype=jnp.int64)
    # xavier_uniform for embedding weight [TOTAL_ROWS, EMBED_DIM]
    bound_e = float(np.sqrt(6.0 / (TOTAL_ROWS + EMBED_DIM)))
    emb_table = jax.random.uniform(k2, (TOTAL_ROWS, EMBED_DIM), minval=-bound_e, maxval=bound_e, dtype=jnp.float32)
    bound_l = float(np.sqrt(6.0 / (TOTAL_ROWS + 1)))
    fc_table = jax.random.uniform(k3, (TOTAL_ROWS, 1), minval=-bound_l, maxval=bound_l, dtype=jnp.float32)
    bias = jnp.zeros((1,), dtype=jnp.float32)
    return {"x": x, "emb_table": emb_table, "fc_table": fc_table, "bias": bias}


def reference(x, emb_table, fc_table, bias):
    idx = x + OFFSETS[None, :]  # [B, F]
    # first-order linear term
    first_order = jnp.take(fc_table, idx, axis=0).sum(axis=1) + bias  # [B, 1]
    # embeddings [B, F, D]
    embeddings = jnp.take(emb_table, idx, axis=0)
    square_of_sum = jnp.sum(embeddings, axis=1) ** 2  # [B, D]
    sum_of_square = jnp.sum(embeddings ** 2, axis=1)  # [B, D]
    second_order = 0.5 * jnp.sum(square_of_sum - sum_of_square, axis=1, keepdims=True)  # [B, 1]
    return first_order + second_order

if __name__ == "__main__":
    import jax
    _d = setup_inputs()
    print(jax.jit(kernel)(*tuple(_d.values())))

</pallas_src>

<mosaic_0001>
#map = affine_map<(d0, d1) -> (0, 0, 0)>
#map1 = affine_map<(d0, d1) -> (0, 0)>
#map2 = affine_map<(d0, d1) -> (0)>
module attributes {stable_mosaic.version = 14 : i64} {
  func.func @_gather_body(%arg0: i32, %arg1: i32, %arg2: memref<32x16x832xi32, #tpu.memory_space<hbm>>, %arg3: memref<2600000x16xf32, #tpu.memory_space<hbm>>, %arg4: memref<2600000xf32, #tpu.memory_space<hbm>>, %arg5: memref<32x512x16xf32, #tpu.memory_space<hbm>>, %arg6: memref<32x512xf32, #tpu.memory_space<hbm>>, %arg7: memref<16x832xi32, #tpu.memory_space<vmem>>, %arg8: memref<4x832x16xf32, #tpu.memory_space<vmem>>, %arg9: memref<4x832xf32, #tpu.memory_space<vmem>>, %arg10: memref<512x16xf32, #tpu.memory_space<vmem>>, %arg11: memref<512xf32, #tpu.memory_space<vmem>>, %arg12: memref<!tpu.dma_semaphore, #tpu.memory_space<semaphore_mem>>, %arg13: memref<!tpu.dma_semaphore, #tpu.memory_space<semaphore_mem>>, %arg14: memref<!tpu.dma_semaphore, #tpu.memory_space<semaphore_mem>>, %arg15: memref<!tpu.dma_semaphore, #tpu.memory_space<semaphore_mem>>) attributes {dimension_semantics = [#tpu.dimension_semantics<core_parallel>, #tpu.dimension_semantics<subcore_parallel>], iteration_bounds = array<i64: 2, 16>, scalar_prefetch = 0 : i64, scratch_operands = 9 : i64, tpu.core_type = #tpu.core_type<sc_vector_subcore>, window_params = [{transform_indices = #map}, {transform_indices = #map1}, {transform_indices = #map2}, {transform_indices = #map}, {transform_indices = #map1}]} {
    %mul3A = arith.constant 2 : i32
    %mul3A_0 = arith.muli %arg1, %mul3A : i32
    %add3A = arith.addi %mul3A_0, %arg0 : i32
    "tpu.region"() ({
      %run_scoped3A = tpu.sem_alloc : memref<!tpu.dma_semaphore, #tpu.memory_space<semaphore_mem>>
      %dma_start3A_94 = arith.constant 0 : i32
      %dma_start3A_95 = arith.constant 0 : i32
      %dma_start3A_96 = tpu.memref_slice %arg2[%add3A, %dma_start3A_94, %dma_start3A_95] : memref<32x16x832xi32, #tpu.memory_space<hbm>> -> memref<1x16x832xi32, #tpu.memory_space<hbm>>
      %dma_start3A_97 = tpu.memref_squeeze %dma_start3A_96 : memref<1x16x832xi32, #tpu.memory_space<hbm>> -> memref<16x832xi32, #tpu.memory_space<hbm>>
      %dma_start3A_98 = arith.constant 0 : i32
      %dma_start3A_99 = arith.constant 0 : i32
      %dma_start3A_100 = tpu.memref_slice %arg2[%add3A, %dma_start3A_98, %dma_start3A_99] : memref<32x16x832xi32, #tpu.memory_space<hbm>> -> memref<1x16x832xi32, #tpu.memory_space<hbm>>
      %dma_start3A_101 = tpu.memref_squeeze %dma_start3A_100 : memref<1x16x832xi32, #tpu.memory_space<hbm>> -> memref<16x832xi32, #tpu.memory_space<hbm>>
      tpu.enqueue_dma source(%dma_start3A_101 : memref<16x832xi32, #tpu.memory_space<hbm>>) target(%arg7 : memref<16x832xi32, #tpu.memory_space<vmem>>) target_semaphore(%run_scoped3A : memref<!tpu.dma_semaphore, #tpu.memory_space<semaphore_mem>>)
      %dma_wait3A = arith.constant 0 : i32
      %dma_wait3A_102 = arith.constant 0 : i32
      %dma_wait3A_103 = tpu.memref_slice %arg2[%add3A, %dma_wait3A, %dma_wait3A_102] : memref<32x16x832xi32, #tpu.memory_space<hbm>> -> memref<1x16x832xi32, #tpu.memory_space<hbm>>
      %dma_wait3A_104 = tpu.memref_squeeze %dma_wait3A_103 : memref<1x16x832xi32, #tpu.memory_space<hbm>> -> memref<16x832xi32, #tpu.memory_space<hbm>>
      %dma_wait3A_105 = arith.constant 0 : i32
      %dma_wait3A_106 = arith.constant 0 : i32
      %dma_wait3A_107 = tpu.memref_slice %arg2[%add3A, %dma_wait3A_105, %dma_wait3A_106] : memref<32x16x832xi32, #tpu.memory_space<hbm>> -> memref<1x16x832xi32, #tpu.memory_space<hbm>>
      %dma_wait3A_108 = tpu.memref_squeeze %dma_wait3A_107 : memref<1x16x832xi32, #tpu.memory_space<hbm>> -> memref<16x832xi32, #tpu.memory_space<hbm>>
      tpu.wait_dma2 semaphore(%run_scoped3A : memref<!tpu.dma_semaphore, #tpu.memory_space<semaphore_mem>>) src(%dma_wait3A_108 : memref<16x832xi32, #tpu.memory_space<hbm>>) dst(%arg7 : memref<16x832xi32, #tpu.memory_space<vmem>>)
      tpu.yield
    }) : () -> ()
    %dma_start3A = arith.constant 0 : i32
    %dma_start3A_1 = arith.constant 0 : i32
    %dma_start3A_2 = arith.constant 0 : i32
    %dma_start3A_3 = arith.constant 0 : i32
    %dma_start3A_4 = tpu.memref_slice %arg8[%dma_start3A_1, %dma_start3A_2, %dma_start3A_3] : memref<4x832x16xf32, #tpu.memory_space<vmem>> -> memref<1x832x16xf32, #tpu.memory_space<vmem>>
    %dma_start3A_5 = tpu.memref_squeeze %dma_start3A_4 : memref<1x832x16xf32, #tpu.memory_space<vmem>> -> memref<832x16xf32, #tpu.memory_space<vmem>>
    %dma_start3A_6 = arith.constant 0 : i32
    %dma_start3A_7 = tpu.memref_slice %arg7[%dma_start3A, %dma_start3A_6] : memref<16x832xi32, #tpu.memory_space<vmem>> -> memref<1x832xi32, #tpu.memory_space<vmem>>
    %dma_start3A_8 = tpu.memref_squeeze %dma_start3A_7 : memref<1x832xi32, #tpu.memory_space<vmem>> -> memref<832xi32, #tpu.memory_space<vmem>>
    %dma_start3A_9 = arith.constant 0 : i32
    %dma_start3A_10 = arith.constant 0 : i32
    %dma_start3A_11 = tpu.memref_slice %arg3[%dma_start3A_9, %dma_start3A_10] : memref<2600000x16xf32, #tpu.memory_space<hbm>> -> memref<2600000x16xf32, #tpu.memory_space<hbm>>
    tpu.enqueue_indirect_dma source(%dma_start3A_11 : memref<2600000x16xf32, #tpu.memory_space<hbm>>) target(%dma_start3A_5 : memref<832x16xf32, #tpu.memory_space<vmem>>) offsets(%dma_start3A_8 : memref<832xi32, #tpu.memory_space<vmem>>) semaphore(%arg12 : memref<!tpu.dma_semaphore, #tpu.memory_space<semaphore_mem>>)
    %dma_start3A_12 = arith.constant 0 : i32
    %dma_start3A_13 = arith.constant 0 : i32
    %dma_start3A_14 = arith.constant 0 : i32
    %dma_start3A_15 = tpu.memref_slice %arg9[%dma_start3A_13, %dma_start3A_14] : memref<4x832xf32, #tpu.memory_space<vmem>> -> memref<1x832xf32, #tpu.memory_space<vmem>>
    %dma_start3A_16 = tpu.memref_squeeze %dma_start3A_15 : memref<1x832xf32, #tpu.memory_space<vmem>> -> memref<832xf32, #tpu.memory_space<vmem>>
    %dma_start3A_17 = arith.constant 0 : i32
    %dma_start3A_18 = tpu.memref_slice %arg7[%dma_start3A_12, %dma_start3A_17] : memref<16x832xi32, #tpu.memory_space<vmem>> -> memref<1x832xi32, #tpu.memory_space<vmem>>
    %dma_start3A_19 = tpu.memref_squeeze %dma_start3A_18 : memref<1x832xi32, #tpu.memory_space<vmem>> -> memref<832xi32, #tpu.memory_space<vmem>>
    %dma_start3A_20 = arith.constant 0 : i32
    %dma_start3A_21 = tpu.memref_slice %arg4[%dma_start3A_20] : memref<2600000xf32, #tpu.memory_space<hbm>> -> memref<2600000xf32, #tpu.memory_space<hbm>>
    tpu.enqueue_indirect_dma source(%dma_start3A_21 : memref<2600000xf32, #tpu.memory_space<hbm>>) target(%dma_start3A_16 : memref<832xf32, #tpu.memory_space<vmem>>) offsets(%dma_start3A_19 : memref<832xi32, #tpu.memory_space<vmem>>) semaphore(%arg12 : memref<!tpu.dma_semaphore, #tpu.memory_space<semaphore_mem>>)
    %dma_start3A_22 = arith.constant 1 : i32
    %dma_start3A_23 = arith.constant 1 : i32
    %dma_start3A_24 = arith.constant 0 : i32
    %dma_start3A_25 = arith.constant 0 : i32
    %dma_start3A_26 = tpu.memref_slice %arg8[%dma_start3A_23, %dma_start3A_24, %dma_start3A_25] : memref<4x832x16xf32, #tpu.memory_space<vmem>> -> memref<1x832x16xf32, #tpu.memory_space<vmem>>
    %dma_start3A_27 = tpu.memref_squeeze %dma_start3A_26 : memref<1x832x16xf32, #tpu.memory_space<vmem>> -> memref<832x16xf32, #tpu.memory_space<vmem>>
    %dma_start3A_28 = arith.constant 0 : i32
    %dma_start3A_29 = tpu.memref_slice %arg7[%dma_start3A_22, %dma_start3A_28] : memref<16x832xi32, #tpu.memory_space<vmem>> -> memref<1x832xi32, #tpu.memory_space<vmem>>
    %dma_start3A_30 = tpu.memref_squeeze %dma_start3A_29 : memref<1x832xi32, #tpu.memory_space<vmem>> -> memref<832xi32, #tpu.memory_space<vmem>>
    %dma_start3A_31 = arith.constant 0 : i32
    %dma_start3A_32 = arith.constant 0 : i32
    %dma_start3A_33 = tpu.memref_slice %arg3[%dma_start3A_31, %dma_start3A_32] : memref<2600000x16xf32, #tpu.memory_space<hbm>> -> memref<2600000x16xf32, #tpu.memory_space<hbm>>
    tpu.enqueue_indirect_dma source(%dma_start3A_33 : memref<2600000x16xf32, #tpu.memory_space<hbm>>) target(%dma_start3A_27 : memref<832x16xf32, #tpu.memory_space<vmem>>) offsets(%dma_start3A_30 : memref<832xi32, #tpu.memory_space<vmem>>) semaphore(%arg13 : memref<!tpu.dma_semaphore, #tpu.memory_space<semaphore_mem>>)
    %dma_start3A_34 = arith.constant 1 : i32
    %dma_start3A_35 = arith.constant 1 : i32
    %dma_start3A_36 = arith.constant 0 : i32
    %dma_start3A_37 = tpu.memref_slice %arg9[%dma_start3A_35, %dma_start3A_36] : memref<4x832xf32, #tpu.memory_space<vmem>> -> memref<1x832xf32, #tpu.memory_space<vmem>>
    %dma_start3A_38 = tpu.memref_squeeze %dma_start3A_37 : memref<1x832xf32, #tpu.memory_space<vmem>> -> memref<832xf32, #tpu.memory_space<vmem>>
    %dma_start3A_39 = arith.constant 0 : i32
    %dma_start3A_40 = tpu.memref_slice %arg7[%dma_start3A_34, %dma_start3A_39] : memref<16x832xi32, #tpu.memory_space<vmem>> -> memref<1x832xi32, #tpu.memory_space<vmem>>
    %dma_start3A_41 = tpu.memref_squeeze %dma_start3A_40 : memref<1x832xi32, #tpu.memory_space<vmem>> -> memref<832xi32, #tpu.memory_space<vmem>>
    %dma_start3A_42 = arith.constant 0 : i32
    %dma_start3A_43 = tpu.memref_slice %arg4[%dma_start3A_42] : memref<2600000xf32, #tpu.memory_space<hbm>> -> memref<2600000xf32, #tpu.memory_space<hbm>>
    tpu.enqueue_indirect_dma source(%dma_start3A_43 : memref<2600000xf32, #tpu.memory_space<hbm>>) target(%dma_start3A_38 : memref<832xf32, #tpu.memory_space<vmem>>) offsets(%dma_start3A_41 : memref<832xi32, #tpu.memory_space<vmem>>) semaphore(%arg13 : memref<!tpu.dma_semaphore, #tpu.memory_space<semaphore_mem>>)
    %dma_start3A_44 = arith.constant 2 : i32
    %dma_start3A_45 = arith.constant 2 : i32
    %dma_start3A_46 = arith.constant 0 : i32
    %dma_start3A_47 = arith.constant 0 : i32
    %dma_start3A_48 = tpu.memref_slice %arg8[%dma_start3A_45, %dma_start3A_46, %dma_start3A_47] : memref<4x832x16xf32, #tpu.memory_space<vmem>> -> memref<1x832x16xf32, #tpu.memory_space<vmem>>
    %dma_start3A_49 = tpu.memref_squeeze %dma_start3A_48 : memref<1x832x16xf32, #tpu.memory_space<vmem>> -> memref<832x16xf32, #tpu.memory_space<vmem>>
    %dma_start3A_50 = arith.constant 0 : i32
    %dma_start3A_51 = tpu.memref_slice %arg7[%dma_start3A_44, %dma_start3A_50] : memref<16x832xi32, #tpu.memory_space<vmem>> -> memref<1x832xi32, #tpu.memory_space<vmem>>
    %dma_start3A_52 = tpu.memref_squeeze %dma_start3A_51 : memref<1x832xi32, #tpu.memory_space<vmem>> -> memref<832xi32, #tpu.memory_space<vmem>>
    %dma_start3A_53 = arith.constant 0 : i32
    %dma_start3A_54 = arith.constant 0 : i32
    %dma_start3A_55 = tpu.memref_slice %arg3[%dma_start3A_53, %dma_start3A_54] : memref<2600000x16xf32, #tpu.memory_space<hbm>> -> memref<2600000x16xf32, #tpu.memory_space<hbm>>
    tpu.enqueue_indirect_dma source(%dma_start3A_55 : memref<2600000x16xf32, #tpu.memory_space<hbm>>) target(%dma_start3A_49 : memref<832x16xf32, #tpu.memory_space<vmem>>) offsets(%dma_start3A_52 : memref<832xi32, #tpu.memory_space<vmem>>) semaphore(%arg14 : memref<!tpu.dma_semaphore, #tpu.memory_space<semaphore_mem>>)
    %dma_start3A_56 = arith.constant 2 : i32
    %dma_start3A_57 = arith.constant 2 : i32
    %dma_start3A_58 = arith.constant 0 : i32
    %dma_start3A_59 = tpu.memref_slice %arg9[%dma_start3A_57, %dma_start3A_58] : memref<4x832xf32, #tpu.memory_space<vmem>> -> memref<1x832xf32, #tpu.memory_space<vmem>>
    %dma_start3A_60 = tpu.memref_squeeze %dma_start3A_59 : memref<1x832xf32, #tpu.memory_space<vmem>> -> memref<832xf32, #tpu.memory_space<vmem>>
    %dma_start3A_61 = arith.constant 0 : i32
    %dma_start3A_62 = tpu.memref_slice %arg7[%dma_start3A_56, %dma_start3A_61] : memref<16x832xi32, #tpu.memory_space<vmem>> -> memref<1x832xi32, #tpu.memory_space<vmem>>
    %dma_start3A_63 = tpu.memref_squeeze %dma_start3A_62 : memref<1x832xi32, #tpu.memory_space<vmem>> -> memref<832xi32, #tpu.memory_space<vmem>>
    %dma_start3A_64 = arith.constant 0 : i32
    %dma_start3A_65 = tpu.memref_slice %arg4[%dma_start3A_64] : memref<2600000xf32, #tpu.memory_space<hbm>> -> memref<2600000xf32, #tpu.memory_space<hbm>>
    tpu.enqueue_indirect_dma source(%dma_start3A_65 : memref<2600000xf32, #tpu.memory_space<hbm>>) target(%dma_start3A_60 : memref<832xf32, #tpu.memory_space<vmem>>) offsets(%dma_start3A_63 : memref<832xi32, #tpu.memory_space<vmem>>) semaphore(%arg14 : memref<!tpu.dma_semaphore, #tpu.memory_space<semaphore_mem>>)
    %dma_start3A_66 = arith.constant 3 : i32
    %dma_start3A_67 = arith.constant 3 : i32
    %dma_start3A_68 = arith.constant 0 : i32
    %dma_start3A_69 = arith.constant 0 : i32
    %dma_start3A_70 = tpu.memref_slice %arg8[%dma_start3A_67, %dma_start3A_68, %dma_start3A_69] : memref<4x832x16xf32, #tpu.memory_space<vmem>> -> memref<1x832x16xf32, #tpu.memory_space<vmem>>
    %dma_start3A_71 = tpu.memref_squeeze %dma_start3A_70 : memref<1x832x16xf32, #tpu.memory_space<vmem>> -> memref<832x16xf32, #tpu.memory_space<vmem>>
    %dma_start3A_72 = arith.constant 0 : i32
    %dma_start3A_73 = tpu.memref_slice %arg7[%dma_start3A_66, %dma_start3A_72] : memref<16x832xi32, #tpu.memory_space<vmem>> -> memref<1x832xi32, #tpu.memory_space<vmem>>
    %dma_start3A_74 = tpu.memref_squeeze %dma_start3A_73 : memref<1x832xi32, #tpu.memory_space<vmem>> -> memref<832xi32, #tpu.memory_space<vmem>>
    %dma_start3A_75 = arith.constant 0 : i32
    %dma_start3A_76 = arith.constant 0 : i32
    %dma_start3A_77 = tpu.memref_slice %arg3[%dma_start3A_75, %dma_start3A_76] : memref<2600000x16xf32, #tpu.memory_space<hbm>> -> memref<2600000x16xf32, #tpu.memory_space<hbm>>
    tpu.enqueue_indirect_dma source(%dma_start3A_77 : memref<2600000x16xf32, #tpu.memory_space<hbm>>) target(%dma_start3A_71 : memref<832x16xf32, #tpu.memory_space<vmem>>) offsets(%dma_start3A_74 : memref<832xi32, #tpu.memory_space<vmem>>) semaphore(%arg15 : memref<!tpu.dma_semaphore, #tpu.memory_space<semaphore_mem>>)
    %dma_start3A_78 = arith.constant 3 : i32
    %dma_start3A_79 = arith.constant 3 : i32
    %dma_start3A_80 = arith.constant 0 : i32
    %dma_start3A_81 = tpu.memref_slice %arg9[%dma_start3A_79, %dma_start3A_80] : memref<4x832xf32, #tpu.memory_space<vmem>> -> memref<1x832xf32, #tpu.memory_space<vmem>>
    %dma_start3A_82 = tpu.memref_squeeze %dma_start3A_81 : memref<1x832xf32, #tpu.memory_space<vmem>> -> memref<832xf32, #tpu.memory_space<vmem>>
    %dma_start3A_83 = arith.constant 0 : i32
    %dma_start3A_84 = tpu.memref_slice %arg7[%dma_start3A_78, %dma_start3A_83] : memref<16x832xi32, #tpu.memory_space<vmem>> -> memref<1x832xi32, #tpu.memory_space<vmem>>
    %dma_start3A_85 = tpu.memref_squeeze %dma_start3A_84 : memref<1x832xi32, #tpu.memory_space<vmem>> -> memref<832xi32, #tpu.memory_space<vmem>>
    %dma_start3A_86 = arith.constant 0 : i32
    %dma_start3A_87 = tpu.memref_slice %arg4[%dma_start3A_86] : memref<2600000xf32, #tpu.memory_space<hbm>> -> memref<2600000xf32, #tpu.memory_space<hbm>>
    tpu.enqueue_indirect_dma source(%dma_start3A_87 : memref<2600000xf32, #tpu.memory_space<hbm>>) target(%dma_start3A_82 : memref<832xf32, #tpu.memory_space<vmem>>) offsets(%dma_start3A_85 : memref<832xi32, #tpu.memory_space<vmem>>) semaphore(%arg15 : memref<!tpu.dma_semaphore, #tpu.memory_space<semaphore_mem>>)
    %scan3A = arith.constant 0 : i32
    %scan3A_88 = arith.constant 0 : i32
    %scan3A_89 = arith.constant 4 : i32
    %scan3A_90 = arith.addi %scan3A_88, %scan3A_89 : i32
    %scan3A_91 = arith.constant 1 : i32
    %scan3A_92 = scf.for %scan3A_94 = %scan3A_88 to %scan3A_90 step %scan3A_91 iter_args(%scan3A_95 = %scan3A) -> (i32)  : i32 {
      %mul3A_96 = arith.constant 4 : i32
      %mul3A_97 = arith.muli %scan3A_94, %mul3A_96 : i32
      %add3A_98 = arith.constant 0 : i32
      %add3A_99 = arith.addi %mul3A_97, %add3A_98 : i32
      %dma_wait3A = arith.constant 0 : i32
      %dma_wait3A_100 = arith.constant 0 : i32
      %dma_wait3A_101 = arith.constant 0 : i32
      %dma_wait3A_102 = tpu.memref_slice %arg8[%dma_wait3A, %dma_wait3A_100, %dma_wait3A_101] : memref<4x832x16xf32, #tpu.memory_space<vmem>> -> memref<1x832x16xf32, #tpu.memory_space<vmem>>
      %dma_wait3A_103 = tpu.memref_squeeze %dma_wait3A_102 : memref<1x832x16xf32, #tpu.memory_space<vmem>> -> memref<832x16xf32, #tpu.memory_space<vmem>>
      %dma_wait3A_104 = arith.constant 0 : i32
      %dma_wait3A_105 = arith.constant 0 : i32
      %dma_wait3A_106 = tpu.memref_slice %arg3[%dma_wait3A_104, %dma_wait3A_105] : memref<2600000x16xf32, #tpu.memory_space<hbm>> -> memref<832x16xf32, #tpu.memory_space<hbm>>
      %dma_wait3A_107 = arith.constant 0 : i32
      %dma_wait3A_108 = arith.constant 0 : i32
      %dma_wait3A_109 = tpu.memref_slice %arg8[%dma_wait3A, %dma_wait3A_107, %dma_wait3A_108] : memref<4x832x16xf32, #tpu.memory_space<vmem>> -> memref<1x832x16xf32, #tpu.memory_space<vmem>>
      %dma_wait3A_110 = tpu.memref_squeeze %dma_wait3A_109 : memref<1x832x16xf32, #tpu.memory_space<vmem>> -> memref<832x16xf32, #tpu.memory_space<vmem>>
      %dma_wait3A_111 = arith.constant 0 : i32
      %dma_wait3A_112 = arith.constant 0 : i32
      %dma_wait3A_113 = tpu.memref_slice %arg3[%dma_wait3A_111, %dma_wait3A_112] : memref<2600000x16xf32, #tpu.memory_space<hbm>> -> memref<832x16xf32, #tpu.memory_space<hbm>>
      tpu.wait_dma2 semaphore(%arg12 : memref<!tpu.dma_semaphore, #tpu.memory_space<semaphore_mem>>) src(%dma_wait3A_113 : memref<832x16xf32, #tpu.memory_space<hbm>>) dst(%dma_wait3A_110 : memref<832x16xf32, #tpu.memory_space<vmem>>)
      %dma_wait3A_114 = arith.constant 0 : i32
      %dma_wait3A_115 = arith.constant 0 : i32
      %dma_wait3A_116 = tpu.memref_slice %arg9[%dma_wait3A_114, %dma_wait3A_115] : memref<4x832xf32, #tpu.memory_space<vmem>> -> memref<1x832xf32, #tpu.memory_space<vmem>>
      %dma_wait3A_117 = tpu.memref_squeeze %dma_wait3A_116 : memref<1x832xf32, #tpu.memory_space<vmem>> -> memref<832xf32, #tpu.memory_space<vmem>>
      %dma_wait3A_118 = arith.constant 0 : i32
      %dma_wait3A_119 = tpu.memref_slice %arg4[%dma_wait3A_118] : memref<2600000xf32, #tpu.memory_space<hbm>> -> memref<832xf32, #tpu.memory_space<hbm>>
      %dma_wait3A_120 = arith.constant 0 : i32
      %dma_wait3A_121 = tpu.memref_slice %arg9[%dma_wait3A_114, %dma_wait3A_120] : memref<4x832xf32, #tpu.memory_space<vmem>> -> memref<1x832xf32, #tpu.memory_space<vmem>>
      %dma_wait3A_122 = tpu.memref_squeeze %dma_wait3A_121 : memref<1x832xf32, #tpu.memory_space<vmem>> -> memref<832xf32, #tpu.memory_space<vmem>>
      %dma_wait3A_123 = arith.constant 0 : i32
      %dma_wait3A_124 = tpu.memref_slice %arg4[%dma_wait3A_123] : memref<2600000xf32, #tpu.memory_space<hbm>> -> memref<832xf32, #tpu.memory_space<hbm>>
      tpu.wait_dma2 semaphore(%arg12 : memref<!tpu.dma_semaphore, #tpu.memory_space<semaphore_mem>>) src(%dma_wait3A_124 : memref<832xf32, #tpu.memory_space<hbm>>) dst(%dma_wait3A_122 : memref<832xf32, #tpu.memory_space<vmem>>)
      %iota3A = tpu.iota {dimensions = array<i32: 0>} : vector<16xi32>
      %add3A_125 = arith.constant 0 : i32
      %add3A_126 = vector.broadcast %add3A_125 : i32 to vector<16xi32>
      %add3A_127 = arith.addi %add3A_126, %iota3A : vector<16xi32>
      %mul3A_128 = arith.constant 26 : i32
      %mul3A_129 = vector.broadcast %mul3A_128 : i32 to vector<16xi32>
      %mul3A_130 = arith.muli %add3A_127, %mul3A_129 : vector<16xi32>
      %gather3A = arith.constant 0 : i32
      %gather3A_131 = arith.constant 0 : i32
      %gather3A_132 = tpu.memref_slice %arg9[%gather3A, %gather3A_131] : memref<4x832xf32, #tpu.memory_space<vmem>> -> memref<1x832xf32, #tpu.memory_space<vmem>>
      %gather3A_133 = tpu.memref_squeeze %gather3A_132 : memref<1x832xf32, #tpu.memory_space<vmem>> -> memref<832xf32, #tpu.memory_space<vmem>>
      %gather3A_134 = tpu.vector_load_idx %gather3A_133[%mul3A_130] : memref<832xf32, #tpu.memory_space<vmem>>[vector<16xi32>], vector<16xf32>,
      %add3A_135 = arith.constant 1 : i32
      %add3A_136 = vector.broadcast %add3A_135 : i32 to vector<16xi32>
      %add3A_137 = arith.addi %mul3A_130, %add3A_136 : vector<16xi32>
      %gather3A_138 = arith.constant 0 : i32
      %gather3A_139 = arith.constant 0 : i32
      %gather3A_140 = tpu.memref_slice %arg9[%gather3A_138, %gather3A_139] : memref<4x832xf32, #tpu.memory_space<vmem>> -> memref<1x832xf32, #tpu.memory_space<vmem>>
      %gather3A_141 = tpu.memref_squeeze %gather3A_140 : memref<1x832xf32, #tpu.memory_space<vmem>> -> memref<832xf32, #tpu.memory_space<vmem>>
      %gather3A_142 = tpu.vector_load_idx %gather3A_141[%add3A_137] : memref<832xf32, #tpu.memory_space<vmem>>[vector<16xi32>], vector<16xf32>,
      %add3A_143 = arith.addf %gather3A_134, %gather3A_142 : vector<16xf32>
      %add3A_144 = arith.constant 2 : i32
      %add3A_145 = vector.broadcast %add3A_144 : i32 to vector<16xi32>
      %add3A_146 = arith.addi %mul3A_130, %add3A_145 : vector<16xi32>
      %gather3A_147 = arith.constant 0 : i32
      %gather3A_148 = arith.constant 0 : i32
      %gather3A_149 = tpu.memref_slice %arg9[%gather3A_147, %gather3A_148] : memref<4x832xf32, #tpu.memory_space<vmem>> -> memref<1x832xf32, #tpu.memory_space<vmem>>
      %gather3A_150 = tpu.memref_squeeze %gather3A_149 : memref<1x832xf32, #tpu.memory_space<vmem>> -> memref<832xf32, #tpu.memory_space<vmem>>
      %gather3A_151 = tpu.vector_load_idx %gather3A_150[%add3A_146] : memref<832xf32, #tpu.memory_space<vmem>>[vector<16xi32>], vector<16xf32>,
      %add3A_152 = arith.addf %add3A_143, %gather3A_151 : vector<16xf32>
      %add3A_153 = arith.constant 3 : i32
      %add3A_154 = vector.broadcast %add3A_153 : i32 to vector<16xi32>
      %add3A_155 = arith.addi %mul3A_130, %add3A_154 : vector<16xi32>
      %gather3A_156 = arith.constant 0 : i32
      %gather3A_157 = arith.constant 0 : i32
      %gather3A_158 = tpu.memref_slice %arg9[%gather3A_156, %gather3A_157] : memref<4x832xf32, #tpu.memory_space<vmem>> -> memref<1x832xf32, #tpu.memory_space<vmem>>
      %gather3A_159 = tpu.memref_squeeze %gather3A_158 : memref<1x832xf32, #tpu.memory_space<vmem>> -> memref<832xf32, #tpu.memory_space<vmem>>
      %gather3A_160 = tpu.vector_load_idx %gather3A_159[%add3A_155] : memref<832xf32, #tpu.memory_space<vmem>>[vector<16xi32>], vector<16xf32>,
      %add3A_161 = arith.addf %add3A_152, %gather3A_160 : vector<16xf32>
      %add3A_162 = arith.constant 4 : i32
      %add3A_163 = vector.broadcast %add3A_162 : i32 to vector<16xi32>
      %add3A_164 = arith.addi %mul3A_130, %add3A_163 : vector<16xi32>
      %gather3A_165 = arith.constant 0 : i32
      %gather3A_166 = arith.constant 0 : i32
      %gather3A_167 = tpu.memref_slice %arg9[%gather3A_165, %gather3A_166] : memref<4x832xf32, #tpu.memory_space<vmem>> -> memref<1x832xf32, #tpu.memory_space<vmem>>
      %gather3A_168 = tpu.memref_squeeze %gather3A_167 : memref<1x832xf32, #tpu.memory_space<vmem>> -> memref<832xf32, #tpu.memory_space<vmem>>
      %gather3A_169 = tpu.vector_load_idx %gather3A_168[%add3A_164] : memref<832xf32, #tpu.memory_space<vmem>>[vector<16xi32>], vector<16xf32>,
      %add3A_170 = arith.addf %add3A_161, %gather3A_169 : vector<16xf32>
      %add3A_171 = arith.constant 5 : i32
      %add3A_172 = vector.broadcast %add3A_171 : i32 to vector<16xi32>
      %add3A_173 = arith.addi %mul3A_130, %add3A_172 : vector<16xi32>
      %gather3A_174 = arith.constant 0 : i32
      %gather3A_175 = arith.constant 0 : i32
      %gather3A_176 = tpu.memref_slice %arg9[%gather3A_174, %gather3A_175] : memref<4x832xf32, #tpu.memory_space<vmem>> -> memref<1x832xf32, #tpu.memory_space<vmem>>
      %gather3A_177 = tpu.memref_squeeze %gather3A_176 : memref<1x832xf32, #tpu.memory_space<vmem>> -> memref<832xf32, #tpu.memory_space<vmem>>
      %gather3A_178 = tpu.vector_load_idx %gather3A_177[%add3A_173] : memref<832xf32, #tpu.memory_space<vmem>>[vector<16xi32>], vector<16xf32>,
      %add3A_179 = arith.addf %add3A_170, %gather3A_178 : vector<16xf32>
      %add3A_180 = arith.constant 6 : i32
      %add3A_181 = vector.broadcast %add3A_180 : i32 to vector<16xi32>
      %add3A_182 = arith.addi %mul3A_130, %add3A_181 : vector<16xi32>
      %gather3A_183 = arith.constant 0 : i32
      %gather3A_184 = arith.constant 0 : i32
      %gather3A_185 = tpu.memref_slice %arg9[%gather3A_183, %gather3A_184] : memref<4x832xf32, #tpu.memory_space<vmem>> -> memref<1x832xf32, #tpu.memory_space<vmem>>
      %gather3A_186 = tpu.memref_squeeze %gather3A_185 : memref<1x832xf32, #tpu.memory_space<vmem>> -> memref<832xf32, #tpu.memory_space<vmem>>
      %gather3A_187 = tpu.vector_load_idx %gather3A_186[%add3A_182] : memref<832xf32, #tpu.memory_space<vmem>>[vector<16xi32>], vector<16xf32>,
      %add3A_188 = arith.addf %add3A_179, %gather3A_187 : vector<16xf32>
      %add3A_189 = arith.constant 7 : i32
      %add3A_190 = vector.broadcast %add3A_189 : i32 to vector<16xi32>
      %add3A_191 = arith.addi %mul3A_130, %add3A_190 : vector<16xi32>
      %gather3A_192 = arith.constant 0 : i32
      %gather3A_193 = arith.constant 0 : i32
      %gather3A_194 = tpu.memref_slice %arg9[%gather3A_192, %gather3A_193] : memref<4x832xf32, #tpu.memory_space<vmem>> -> memref<1x832xf32, #tpu.memory_space<vmem>>
      %gather3A_195 = tpu.memref_squeeze %gather3A_194 : memref<1x832xf32, #tpu.memory_space<vmem>> -> memref<832xf32, #tpu.memory_space<vmem>>
      %gather3A_196 = tpu.vector_load_idx %gather3A_195[%add3A_191] : memref<832xf32, #tpu.memory_space<vmem>>[vector<16xi32>], vector<16xf32>,
      %add3A_197 = arith.addf %add3A_188, %gather3A_196 : vector<16xf32>
      %add3A_198 = arith.constant 8 : i32
      %add3A_199 = vector.broadcast %add3A_198 : i32 to vector<16xi32>
      %add3A_200 = arith.addi %mul3A_130, %add3A_199 : vector<16xi32>
      %gather3A_201 = arith.constant 0 : i32
      %gather3A_202 = arith.constant 0 : i32
      %gather3A_203 = tpu.memref_slice %arg9[%gather3A_201, %gather3A_202] : memref<4x832xf32, #tpu.memory_space<vmem>> -> memref<1x832xf32, #tpu.memory_space<vmem>>
      %gather3A_204 = tpu.memref_squeeze %gather3A_203 : memref<1x832xf32, #tpu.memory_space<vmem>> -> memref<832xf32, #tpu.memory_space<vmem>>
      %gather3A_205 = tpu.vector_load_idx %gather3A_204[%add3A_200] : memref<832xf32, #tpu.memory_space<vmem>>[vector<16xi32>], vector<16xf32>,
      %add3A_206 = arith.addf %add3A_197, %gather3A_205 : vector<16xf32>
      %add3A_207 = arith.constant 9 : i32
      %add3A_208 = vector.broadcast %add3A_207 : i32 to vector<16xi32>
      %add3A_209 = arith.addi %mul3A_130, %add3A_208 : vector<16xi32>
      %gather3A_210 = arith.constant 0 : i32
      %gather3A_211 = arith.constant 0 : i32
      %gather3A_212 = tpu.memref_slice %arg9[%gather3A_210, %gather3A_211] : memref<4x832xf32, #tpu.memory_space<vmem>> -> memref<1x832xf32, #tpu.memory_space<vmem>>
      %gather3A_213 = tpu.memref_squeeze %gather3A_212 : memref<1x832xf32, #tpu.memory_space<vmem>> -> memref<832xf32, #tpu.memory_space<vmem>>
      %gather3A_214 = tpu.vector_load_idx %gather3A_213[%add3A_209] : memref<832xf32, #tpu.memory_space<vmem>>[vector<16xi32>], vector<16xf32>,
      %add3A_215 = arith.addf %add3A_206, %gather3A_214 : vector<16xf32>
      %add3A_216 = arith.constant 10 : i32
      %add3A_217 = vector.broadcast %add3A_216 : i32 to vector<16xi32>
      %add3A_218 = arith.addi %mul3A_130, %add3A_217 : vector<16xi32>
      %gather3A_219 = arith.constant 0 : i32
      %gather3A_220 = arith.constant 0 : i32
      %gather3A_221 = tpu.memref_slice %arg9[%gather3A_219, %gather3A_220] : memref<4x832xf32, #tpu.memory_space<vmem>> -> memref<1x832xf32, #tpu.memory_space<vmem>>
      %gather3A_222 = tpu.memref_squeeze %gather3A_221 : memref<1x832xf32, #tpu.memory_space<vmem>> -> memref<832xf32, #tpu.memory_space<vmem>>
      %gather3A_223 = tpu.vector_load_idx %gather3A_222[%add3A_218] : memref<832xf32, #tpu.memory_space<vmem>>[vector<16xi32>], vector<16xf32>,
      %add3A_224 = arith.addf %add3A_215, %gather3A_223 : vector<16xf32>
      %add3A_225 = arith.constant 11 : i32
      %add3A_226 = vector.broadcast %add3A_225 : i32 to vector<16xi32>
      %add3A_227 = arith.addi %mul3A_130, %add3A_226 : vector<16xi32>
      %gather3A_228 = arith.constant 0 : i32
      %gather3A_229 = arith.constant 0 : i32
      %gather3A_230 = tpu.memref_slice %arg9[%gather3A_228, %gather3A_229] : memref<4x832xf32, #tpu.memory_space<vmem>> -> memref<1x832xf32, #tpu.memory_space<vmem>>
      %gather3A_231 = tpu.memref_squeeze %gather3A_230 : memref<1x832xf32, #tpu.memory_space<vmem>> -> memref<832xf32, #tpu.memory_space<vmem>>
      %gather3A_232 = tpu.vector_load_idx %gather3A_231[%add3A_227] : memref<832xf32, #tpu.memory_space<vmem>>[vector<16xi32>], vector<16xf32>,
      %add3A_233 = arith.addf %add3A_224, %gather3A_232 : vector<16xf32>
      %add3A_234 = arith.constant 12 : i32
      %add3A_235 = vector.broadcast %add3A_234 : i32 to vector<16xi32>
      %add3A_236 = arith.addi %mul3A_130, %add3A_235 : vector<16xi32>
      %gather3A_237 = arith.constant 0 : i32
      %gather3A_238 = arith.constant 0 : i32
      %gather3A_239 = tpu.memref_slice %arg9[%gather3A_237, %gather3A_238] : memref<4x832xf32, #tpu.memory_space<vmem>> -> memref<1x832xf32, #tpu.memory_space<vmem>>
      %gather3A_240 = tpu.memref_squeeze %gather3A_239 : memref<1x832xf32, #tpu.memory_space<vmem>> -> memref<832xf32, #tpu.memory_space<vmem>>
      %gather3A_241 = tpu.vector_load_idx %gather3A_240[%add3A_236] : memref<832xf32, #tpu.memory_space<vmem>>[vector<16xi32>], vector<16xf32>,
      %add3A_242 = arith.addf %add3A_233, %gather3A_241 : vector<16xf32>
      %add3A_243 = arith.constant 13 : i32
      %add3A_244 = vector.broadcast %add3A_243 : i32 to vector<16xi32>
      %add3A_245 = arith.addi %mul3A_130, %add3A_244 : vector<16xi32>
      %gather3A_246 = arith.constant 0 : i32
      %gather3A_247 = arith.constant 0 : i32
      %gather3A_248 = tpu.memref_slice %arg9[%gather3A_246, %gather3A_247] : memref<4x832xf32, #tpu.memory_space<vmem>> -> memref<1x832xf32, #tpu.memory_space<vmem>>
      %gather3A_249 = tpu.memref_squeeze %gather3A_248 : memref<1x832xf32, #tpu.memory_space<vmem>> -> memref<832xf32, #tpu.memory_space<vmem>>
      %gather3A_250 = tpu.vector_load_idx %gather3A_249[%add3A_245] : memref<832xf32, #tpu.memory_space<vmem>>[vector<16xi32>], vector<16xf32>,
      %add3A_251 = arith.addf %add3A_242, %gather3A_250 : vector<16xf32>
      %add3A_252 = arith.constant 14 : i32
      %add3A_253 = vector.broadcast %add3A_252 : i32 to vector<16xi32>
      %add3A_254 = arith.addi %mul3A_130, %add3A_253 : vector<16xi32>
      %gather3A_255 = arith.constant 0 : i32
      %gather3A_256 = arith.constant 0 : i32
      %gather3A_257 = tpu.memref_slice %arg9[%gather3A_255, %gather3A_256] : memref<4x832xf32, #tpu.memory_space<vmem>> -> memref<1x832xf32, #tpu.memory_space<vmem>>
      %gather3A_258 = tpu.memref_squeeze %gather3A_257 : memref<1x832xf32, #tpu.memory_space<vmem>> -> memref<832xf32, #tpu.memory_space<vmem>>
      %gather3A_259 = tpu.vector_load_idx %gather3A_258[%add3A_254] : memref<832xf32, #tpu.memory_space<vmem>>[vector<16xi32>], vector<16xf32>,
      %add3A_260 = arith.addf %add3A_251, %gather3A_259 : vector<16xf32>
      %add3A_261 = arith.constant 15 : i32
      %add3A_262 = vector.broadcast %add3A_261 : i32 to vector<16xi32>
      %add3A_263 = arith.addi %mul3A_130, %add3A_262 : vector<16xi32>
      %gather3A_264 = arith.constant 0 : i32
      %gather3A_265 = arith.constant 0 : i32
      %gather3A_266 = tpu.memref_slice %arg9[%gather3A_264, %gather3A_265] : memref<4x832xf32, #tpu.memory_space<vmem>> -> memref<1x832xf32, #tpu.memory_space<vmem>>
      %gather3A_267 = tpu.memref_squeeze %gather3A_266 : memref<1x832xf32, #tpu.memory_space<vmem>> -> memref<832xf32, #tpu.memory_space<vmem>>
      %gather3A_268 = tpu.vector_load_idx %gather3A_267[%add3A_263] : memref<832xf32, #tpu.memory_space<vmem>>[vector<16xi32>], vector<16xf32>,
      %add3A_269 = arith.addf %add3A_260, %gather3A_268 : vector<16xf32>
      %add3A_270 = arith.constant 16 : i32
      %add3A_271 = vector.broadcast %add3A_270 : i32 to vector<16xi32>
      %add3A_272 = arith.addi %mul3A_130, %add3A_271 : vector<16xi32>
      %gather3A_273 = arith.constant 0 : i32
      %gather3A_274 = arith.constant 0 : i32
      %gather3A_275 = tpu.memref_slice %arg9[%gather3A_273, %gather3A_274] : memref<4x832xf32, #tpu.memory_space<vmem>> -> memref<1x832xf32, #tpu.memory_space<vmem>>
      %gather3A_276 = tpu.memref_squeeze %gather3A_275 : memref<1x832xf32, #tpu.memory_space<vmem>> -> memref<832xf32, #tpu.memory_space<vmem>>
      %gather3A_277 = tpu.vector_load_idx %gather3A_276[%add3A_272] : memref<832xf32, #tpu.memory_space<vmem>>[vector<16xi32>], vector<16xf32>,
      %add3A_278 = arith.addf %add3A_269, %gather3A_277 : vector<16xf32>
      %add3A_279 = arith.constant 17 : i32
      %add3A_280 = vector.broadcast %add3A_279 : i32 to vector<16xi32>
      %add3A_281 = arith.addi %mul3A_130, %add3A_280 : vector<16xi32>
      %gather3A_282 = arith.constant 0 : i32
      %gather3A_283 = arith.constant 0 : i32
      %gather3A_284 = tpu.memref_slice %arg9[%gather3A_282, %gather3A_283] : memref<4x832xf32, #tpu.memory_space<vmem>> -> memref<1x832xf32, #tpu.memory_space<vmem>>
      %gather3A_285 = tpu.memref_squeeze %gather3A_284 : memref<1x832xf32, #tpu.memory_space<vmem>> -> memref<832xf32, #tpu.memory_space<vmem>>
      %gather3A_286 = tpu.vector_load_idx %gather3A_285[%add3A_281] : memref<832xf32, #tpu.memory_space<vmem>>[vector<16xi32>], vector<16xf32>,
      %add3A_287 = arith.addf %add3A_278, %gather3A_286 : vector<16xf32>
      %add3A_288 = arith.constant 18 : i32
      %add3A_289 = vector.broadcast %add3A_288 : i32 to vector<16xi32>
      %add3A_290 = arith.addi %mul3A_130, %add3A_289 : vector<16xi32>
      %gather3A_291 = arith.constant 0 : i32
      %gather3A_292 = arith.constant 0 : i32
      %gather3A_293 = tpu.memref_slice %arg9[%gather3A_291, %gather3A_292] : memref<4x832xf32, #tpu.memory_space<vmem>> -> memref<1x832xf32, #tpu.memory_space<vmem>>
      %gather3A_294 = tpu.memref_squeeze %gather3A_293 : memref<1x832xf32, #tpu.memory_space<vmem>> -> memref<832xf32, #tpu.memory_space<vmem>>
      %gather3A_295 = tpu.vector_load_idx %gather3A_294[%add3A_290] : memref<832xf32, #tpu.memory_space<vmem>>[vector<16xi32>], vector<16xf32>,
      %add3A_296 = arith.addf %add3A_287, %gather3A_295 : vector<16xf32>
      %add3A_297 = arith.constant 19 : i32
      %add3A_298 = vector.broadcast %add3A_297 : i32 to vector<16xi32>
      %add3A_299 = arith.addi %mul3A_130, %add3A_298 : vector<16xi32>
      %gather3A_300 = arith.constant 0 : i32
      %gather3A_301 = arith.constant 0 : i32
      %gather3A_302 = tpu.memref_slice %arg9[%gather3A_300, %gather3A_301] : memref<4x832xf32, #tpu.memory_space<vmem>> -> memref<1x832xf32, #tpu.memory_space<vmem>>
      %gather3A_303 = tpu.memref_squeeze %gather3A_302 : memref<1x832xf32, #tpu.memory_space<vmem>> -> memref<832xf32, #tpu.memory_space<vmem>>
      %gather3A_304 = tpu.vector_load_idx %gather3A_303[%add3A_299] : memref<832xf32, #tpu.memory_space<vmem>>[vector<16xi32>], vector<16xf32>,
      %add3A_305 = arith.addf %add3A_296, %gather3A_304 : vector<16xf32>
      %add3A_306 = arith.constant 20 : i32
      %add3A_307 = vector.broadcast %add3A_306 : i32 to vector<16xi32>
      %add3A_308 = arith.addi %mul3A_130, %add3A_307 : vector<16xi32>
      %gather3A_309 = arith.constant 0 : i32
      %gather3A_310 = arith.constant 0 : i32
      %gather3A_311 = tpu.memref_slice %arg9[%gather3A_309, %gather3A_310] : memref<4x832xf32, #tpu.memory_space<vmem>> -> memref<1x832xf32, #tpu.memory_space<vmem>>
      %gather3A_312 = tpu.memref_squeeze %gather3A_311 : memref<1x832xf32, #tpu.memory_space<vmem>> -> memref<832xf32, #tpu.memory_space<vmem>>
      %gather3A_313 = tpu.vector_load_idx %gather3A_312[%add3A_308] : memref<832xf32, #tpu.memory_space<vmem>>[vector<16xi32>], vector<16xf32>,
      %add3A_314 = arith.addf %add3A_305, %gather3A_313 : vector<16xf32>
      %add3A_315 = arith.constant 21 : i32
      %add3A_316 = vector.broadcast %add3A_315 : i32 to vector<16xi32>
      %add3A_317 = arith.addi %mul3A_130, %add3A_316 : vector<16xi32>
      %gather3A_318 = arith.constant 0 : i32
      %gather3A_319 = arith.constant 0 : i32
      %gather3A_320 = tpu.memref_slice %arg9[%gather3A_318, %gather3A_319] : memref<4x832xf32, #tpu.memory_space<vmem>> -> memref<1x832xf32, #tpu.memory_space<vmem>>
      %gather3A_321 = tpu.memref_squeeze %gather3A_320 : memref<1x832xf32, #tpu.memory_space<vmem>> -> memref<832xf32, #tpu.memory_space<vmem>>
      %gather3A_322 = tpu.vector_load_idx %gather3A_321[%add3A_317] : memref<832xf32, #tpu.memory_space<vmem>>[vector<16xi32>], vector<16xf32>,
      %add3A_323 = arith.addf %add3A_314, %gather3A_322 : vector<16xf32>
      %add3A_324 = arith.constant 22 : i32
      %add3A_325 = vector.broadcast %add3A_324 : i32 to vector<16xi32>
      %add3A_326 = arith.addi %mul3A_130, %add3A_325 : vector<16xi32>
      %gather3A_327 = arith.constant 0 : i32
      %gather3A_328 = arith.constant 0 : i32
      %gather3A_329 = tpu.memref_slice %arg9[%gather3A_327, %gather3A_328] : memref<4x832xf32, #tpu.memory_space<vmem>> -> memref<1x832xf32, #tpu.memory_space<vmem>>
      %gather3A_330 = tpu.memref_squeeze %gather3A_329 : memref<1x832xf32, #tpu.memory_space<vmem>> -> memref<832xf32, #tpu.memory_space<vmem>>
      %gather3A_331 = tpu.vector_load_idx %gather3A_330[%add3A_326] : memref<832xf32, #tpu.memory_space<vmem>>[vector<16xi32>], vector<16xf32>,
      %add3A_332 = arith.addf %add3A_323, %gather3A_331 : vector<16xf32>
      %add3A_333 = arith.constant 23 : i32
      %add3A_334 = vector.broadcast %add3A_333 : i32 to vector<16xi32>
      %add3A_335 = arith.addi %mul3A_130, %add3A_334 : vector<16xi32>
      %gather3A_336 = arith.constant 0 : i32
      %gather3A_337 = arith.constant 0 : i32
      %gather3A_338 = tpu.memref_slice %arg9[%gather3A_336, %gather3A_337] : memref<4x832xf32, #tpu.memory_space<vmem>> -> memref<1x832xf32, #tpu.memory_space<vmem>>
      %gather3A_339 = tpu.memref_squeeze %gather3A_338 : memref<1x832xf32, #tpu.memory_space<vmem>> -> memref<832xf32, #tpu.memory_space<vmem>>
      %gather3A_340 = tpu.vector_load_idx %gather3A_339[%add3A_335] : memref<832xf32, #tpu.memory_space<vmem>>[vector<16xi32>], vector<16xf32>,
      %add3A_341 = arith.addf %add3A_332, %gather3A_340 : vector<16xf32>
      %add3A_342 = arith.constant 24 : i32
      %add3A_343 = vector.broadcast %add3A_342 : i32 to vector<16xi32>
      %add3A_344 = arith.addi %mul3A_130, %add3A_343 : vector<16xi32>
      %gather3A_345 = arith.constant 0 : i32
      %gather3A_346 = arith.constant 0 : i32
      %gather3A_347 = tpu.memref_slice %arg9[%gather3A_345, %gather3A_346] : memref<4x832xf32, #tpu.memory_space<vmem>> -> memref<1x832xf32, #tpu.memory_space<vmem>>
      %gather3A_348 = tpu.memref_squeeze %gather3A_347 : memref<1x832xf32, #tpu.memory_space<vmem>> -> memref<832xf32, #tpu.memory_space<vmem>>
      %gather3A_349 = tpu.vector_load_idx %gather3A_348[%add3A_344] : memref<832xf32, #tpu.memory_space<vmem>>[vector<16xi32>], vector<16xf32>,
      %add3A_350 = arith.addf %add3A_341, %gather3A_349 : vector<16xf32>
      %add3A_351 = arith.constant 25 : i32
      %add3A_352 = vector.broadcast %add3A_351 : i32 to vector<16xi32>
      %add3A_353 = arith.addi %mul3A_130, %add3A_352 : vector<16xi32>
      %gather3A_354 = arith.constant 0 : i32
      %gather3A_355 = arith.constant 0 : i32
      %gather3A_356 = tpu.memref_slice %arg9[%gather3A_354, %gather3A_355] : memref<4x832xf32, #tpu.memory_space<vmem>> -> memref<1x832xf32, #tpu.memory_space<vmem>>
      %gather3A_357 = tpu.memref_squeeze %gather3A_356 : memref<1x832xf32, #tpu.memory_space<vmem>> -> memref<832xf32, #tpu.memory_space<vmem>>
      %gather3A_358 = tpu.vector_load_idx %gather3A_357[%add3A_353] : memref<832xf32, #tpu.memory_space<vmem>>[vector<16xi32>], vector<16xf32>,
      %add3A_359 = arith.addf %add3A_350, %gather3A_358 : vector<16xf32>
      %mul3A_360 = arith.constant 32 : i32
      %mul3A_361 = arith.muli %add3A_99, %mul3A_360 : i32
      %add3A_362 = arith.constant 0 : i32
      %add3A_363 = arith.addi %mul3A_361, %add3A_362 : i32
      %swap3A = arith.index_cast %add3A_363 : i32 to index
      %swap3A_364 = tpu.vector_load %arg11[%swap3A] {strides = array<i32>} : memref<512xf32, #tpu.memory_space<vmem>>, vector<16xf32>,
      tpu.vector_store %arg11[%swap3A], %add3A_359 {strides = array<i32>} : memref<512xf32, #tpu.memory_space<vmem>>, vector<16xf32>,
      %add3A_365 = arith.constant 16 : i32
      %add3A_366 = vector.broadcast %add3A_365 : i32 to vector<16xi32>
      %add3A_367 = arith.addi %add3A_366, %iota3A : vector<16xi32>
      %mul3A_368 = arith.constant 26 : i32
      %mul3A_369 = vector.broadcast %mul3A_368 : i32 to vector<16xi32>
      %mul3A_370 = arith.muli %add3A_367, %mul3A_369 : vector<16xi32>
      %gather3A_371 = arith.constant 0 : i32
      %gather3A_372 = arith.constant 0 : i32
      %gather3A_373 = tpu.memref_slice %arg9[%gather3A_371, %gather3A_372] : memref<4x832xf32, #tpu.memory_space<vmem>> -> memref<1x832xf32, #tpu.memory_space<vmem>>
      %gather3A_374 = tpu.memref_squeeze %gather3A_373 : memref<1x832xf32, #tpu.memory_space<vmem>> -> memref<832xf32, #tpu.memory_space<vmem>>
      %gather3A_375 = tpu.vector_load_idx %gather3A_374[%mul3A_370] : memref<832xf32, #tpu.memory_space<vmem>>[vector<16xi32>], vector<16xf32>,
      %add3A_376 = arith.constant 1 : i32
      %add3A_377 = vector.broadcast %add3A_376 : i32 to vector<16xi32>
      %add3A_378 = arith.addi %mul3A_370, %add3A_377 : vector<16xi32>
      %gather3A_379 = arith.constant 0 : i32
      %gather3A_380 = arith.constant 0 : i32
      %gather3A_381 = tpu.memref_slice %arg9[%gather3A_379, %gather3A_380] : memref<4x832xf32, #tpu.memory_space<vmem>> -> memref<1x832xf32, #tpu.memory_space<vmem>>
      %gather3A_382 = tpu.memref_squeeze %gather3A_381 : memref<1x832xf32, #tpu.memory_space<vmem>> -> memref<832xf32, #tpu.memory_space<vmem>>
      %gather3A_383 = tpu.vector_load_idx %gather3A_382[%add3A_378] : memref<832xf32, #tpu.memory_space<vmem>>[vector<16xi32>], vector<16xf32>,
      %add3A_384 = arith.addf %gather3A_375, %gather3A_383 : vector<16xf32>
      %add3A_385 = arith.constant 2 : i32
      %add3A_386 = vector.broadcast %add3A_385 : i32 to vector<16xi32>
      %add3A_387 = arith.addi %mul3A_370, %add3A_386 : vector<16xi32>
      %gather3A_388 = arith.constant 0 : i32
      %gather3A_389 = arith.constant 0 : i32
      %gather3A_390 = tpu.memref_slice %arg9[%gather3A_388, %gather3A_389] : memref<4x832xf32, #tpu.memory_space<vmem>> -> memref<1x832xf32, #tpu.memory_space<vmem>>
      %gather3A_391 = tpu.memref_squeeze %gather3A_390 : memref<1x832xf32, #tpu.memory_space<vmem>> -> memref<832xf32, #tpu.memory_space<vmem>>
      %gather3A_392 = tpu.vector_load_idx %gather3A_391[%add3A_387] : memref<832xf32, #tpu.memory_space<vmem>>[vector<16xi32>], vector<16xf32>,
      %add3A_393 = arith.addf %add3A_384, %gather3A_392 : vector<16xf32>
      %add3A_394 = arith.constant 3 : i32
      %add3A_395 = vector.broadcast %add3A_394 : i32 to vector<16xi32>
      %add3A_396 = arith.addi %mul3A_370, %add3A_395 : vector<16xi32>
      %gather3A_397 = arith.constant 0 : i32
      %gather3A_398 = arith.constant 0 : i32
      %gather3A_399 = tpu.memref_slice %arg9[%gather3A_397, %gather3A_398] : memref<4x832xf32, #tpu.memory_space<vmem>> -> memref<1x832xf32, #tpu.memory_space<vmem>>
      %gather3A_400 = tpu.memref_squeeze %gather3A_399 : memref<1x832xf32, #tpu.memory_space<vmem>> -> memref<832xf32, #tpu.memory_space<vmem>>
      %gather3A_401 = tpu.vector_load_idx %gather3A_400[%add3A_396] : memref<832xf32, #tpu.memory_space<vmem>>[vector<16xi32>], vector<16xf32>,
      %add3A_402 = arith.addf %add3A_393, %gather3A_401 : vector<16xf32>
      %add3A_403 = arith.constant 4 : i32
      %add3A_404 = vector.broadcast %add3A_403 : i32 to vector<16xi32>
      %add3A_405 = arith.addi %mul3A_370, %add3A_404 : vector<16xi32>
      %gather3A_406 = arith.constant 0 : i32
      %gather3A_407 = arith.constant 0 : i32
      %gather3A_408 = tpu.memref_slice %arg9[%gather3A_406, %gather3A_407] : memref<4x832xf32, #tpu.memory_space<vmem>> -> memref<1x832xf32, #tpu.memory_space<vmem>>
      %gather3A_409 = tpu.memref_squeeze %gather3A_408 : memref<1x832xf32, #tpu.memory_space<vmem>> -> memref<832xf32, #tpu.memory_space<vmem>>
      %gather3A_410 = tpu.vector_load_idx %gather3A_409[%add3A_405] : memref<832xf32, #tpu.memory_space<vmem>>[vector<16xi32>], vector<16xf32>,
      %add3A_411 = arith.addf %add3A_402, %gather3A_410 : vector<16xf32>
      %add3A_412 = arith.constant 5 : i32
      %add3A_413 = vector.broadcast %add3A_412 : i32 to vector<16xi32>
      %add3A_414 = arith.addi %mul3A_370, %add3A_413 : vector<16xi32>
      %gather3A_415 = arith.constant 0 : i32
      %gather3A_416 = arith.constant 0 : i32
      %gather3A_417 = tpu.memref_slice %arg9[%gather3A_415, %gather3A_416] : memref<4x832xf32, #tpu.memory_space<vmem>> -> memref<1x832xf32, #tpu.memory_space<vmem>>
      %gather3A_418 = tpu.memref_squeeze %gather3A_417 : memref<1x832xf32, #tpu.memory_space<vmem>> -> memref<832xf32, #tpu.memory_space<vmem>>
      %gather3A_419 = tpu.vector_load_idx %gather3A_418[%add3A_414] : memref<832xf32, #tpu.memory_space<vmem>>[vector<16xi32>], vector<16xf32>,
      %add3A_420 = arith.addf %add3A_411, %gather3A_419 : vector<16xf32>
      %add3A_421 = arith.constant 6 : i32
      %add3A_422 = vector.broadcast %add3A_421 : i32 to vector<16xi32>
      %add3A_423 = arith.addi %mul3A_370, %add3A_422 : vector<16xi32>
      %gather3A_424 = arith.constant 0 : i32
      %gather3A_425 = arith.constant 0 : i32
      %gather3A_426 = tpu.memref_slice %arg9[%gather3A_424, %gather3A_425] : memref<4x832xf32, #tpu.memory_space<vmem>> -> memref<1x832xf32, #tpu.memory_space<vmem>>
      %gather3A_427 = tpu.memref_squeeze %gather3A_426 : memref<1x832xf32, #tpu.memory_space<vmem>> -> memref<832xf32, #tpu.memory_space<vmem>>
      %gather3A_428 = tpu.vector_load_idx %gather3A_427[%add3A_423] : memref<832xf32, #tpu.memory_space<vmem>>[vector<16xi32>], vector<16xf32>,
      %add3A_429 = arith.addf %add3A_420, %gather3A_428 : vector<16xf32>
      %add3A_430 = arith.constant 7 : i32
      %add3A_431 = vector.broadcast %add3A_430 : i32 to vector<16xi32>
      %add3A_432 = arith.addi %mul3A_370, %add3A_431 : vector<16xi32>
      %gather3A_433 = arith.constant 0 : i32
      %gather3A_434 = arith.constant 0 : i32
      %gather3A_435 = tpu.memref_slice %arg9[%gather3A_433, %gather3A_434] : memref<4x832xf32, #tpu.memory_space<vmem>> -> memref<1x832xf32, #tpu.memory_space<vmem>>
      %gather3A_436 = tpu.memref_squeeze %gather3A_435 : memref<1x832xf32, #tpu.memory_space<vmem>> -> memref<832xf32, #tpu.memory_space<vmem>>
      %gather3A_437 = tpu.vector_load_idx %gather3A_436[%add3A_432] : memref<832xf32, #tpu.memory_space<vmem>>[vector<16xi32>], vector<16xf32>,
      %add3A_438 = arith.addf %add3A_429, %gather3A_437 : vector<16xf32>
      %add3A_439 = arith.constant 8 : i32
      %add3A_440 = vector.broadcast %add3A_439 : i32 to vector<16xi32>
      %add3A_441 = arith.addi %mul3A_370, %add3A_440 : vector<16xi32>
      %gather3A_442 = arith.constant 0 : i32
      %gather3A_443 = arith.constant 0 : i32
      %gather3A_444 = tpu.memref_slice %arg9[%gather3A_442, %gather3A_443] : memref<4x832xf32, #tpu.memory_space<vmem>> -> memref<1x832xf32, #tpu.memory_space<vmem>>
      %gather3A_445 = tpu.memref_squeeze %gather3A_444 : memref<1x832xf32, #tpu.memory_space<vmem>> -> memref<832xf32, #tpu.memory_space<vmem>>
      %gather3A_446 = tpu.vector_load_idx %gather3A_445[%add3A_441] : memref<832xf32, #tpu.memory_space<vmem>>[vector<16xi32>], vector<16xf32>,
      %add3A_447 = arith.addf %add3A_438, %gather3A_446 : vector<16xf32>
      %add3A_448 = arith.constant 9 : i32
      %add3A_449 = vector.broadcast %add3A_448 : i32 to vector<16xi32>
      %add3A_450 = arith.addi %mul3A_370, %add3A_449 : vector<16xi32>
      %gather3A_451 = arith.constant 0 : i32
      %gather3A_452 = arith.constant 0 : i32
      %gather3A_453 = tpu.memref_slice %arg9[%gather3A_451, %gather3A_452] : memref<4x832xf32, #tpu.memory_space<vmem>> -> memref<1x832xf32, #tpu.memory_space<vmem>>
      %gather3A_454 = tpu.memref_squeeze %gather3A_453 : memref<1x832xf32, #tpu.memory_space<vmem>> -> memref<832xf32, #tpu.memory_space<vmem>>
      %gather3A_455 = tpu.vector_load_idx %gather3A_454[%add3A_450] : memref<832xf32, #tpu.memory_space<vmem>>[vector<16xi32>], vector<16xf32>,
      %add3A_456 = arith.addf %add3A_447, %gather3A_455 : vector<16xf32>
      %add3A_457 = arith.constant 10 : i32
      %add3A_458 = vector.broadcast %add3A_457 : i32 to vector<16xi32>
      %add3A_459 = arith.addi %mul3A_370, %add3A_458 : vector<16xi32>
      %gather3A_460 = arith.constant 0 : i32
      %gather3A_461 = arith.constant 0 : i32
      %gather3A_462 = tpu.memref_slice %arg9[%gather3A_460, %gather3A_461] : memref<4x832xf32, #tpu.memory_space<vmem>> -> memref<1x832xf32, #tpu.memory_space<vmem>>
      %gather3A_463 = tpu.memref_squeeze %gather3A_462 : memref<1x832xf32, #tpu.memory_space<vmem>> -> memref<832xf32, #tpu.memory_space<vmem>>
      %gather3A_464 = tpu.vector_load_idx %gather3A_463[%add3A_459] : memref<832xf32, #tpu.memory_space<vmem>>[vector<16xi32>], vector<16xf32>,
      %add3A_465 = arith.addf %add3A_456, %gather3A_464 : vector<16xf32>
      %add3A_466 = arith.constant 11 : i32
      %add3A_467 = vector.broadcast %add3A_466 : i32 to vector<16xi32>
      %add3A_468 = arith.addi %mul3A_370, %add3A_467 : vector<16xi32>
      %gather3A_469 = arith.constant 0 : i32
      %gather3A_470 = arith.constant 0 : i32
      %gather3A_471 = tpu.memref_slice %arg9[%gather3A_469, %gather3A_470] : memref<4x832xf32, #tpu.memory_space<vmem>> -> memref<1x832xf32, #tpu.memory_space<vmem>>
      %gather3A_472 = tpu.memref_squeeze %gather3A_471 : memref<1x832xf32, #tpu.memory_space<vmem>> -> memref<832xf32, #tpu.memory_space<vmem>>
      %gather3A_473 = tpu.vector_load_idx %gather3A_472[%add3A_468] : memref<832xf32, #tpu.memory_space<vmem>>[vector<16xi32>], vector<16xf32>,
      %add3A_474 = arith.addf %add3A_465, %gather3A_473 : vector<16xf32>
      %add3A_475 = arith.constant 12 : i32
      %add3A_476 = vector.broadcast %add3A_475 : i32 to vector<16xi32>
      %add3A_477 = arith.addi %mul3A_370, %add3A_476 : vector<16xi32>
      %gather3A_478 = arith.constant 0 : i32
      %gather3A_479 = arith.constant 0 : i32
      %gather3A_480 = tpu.memref_slice %arg9[%gather3A_478, %gather3A_479] : memref<4x832xf32, #tpu.memory_space<vmem>> -> memref<1x832xf32, #tpu.memory_space<vmem>>
      %gather3A_481 = tpu.memref_squeeze %gather3A_480 : memref<1x832xf32, #tpu.memory_space<vmem>> -> memref<832xf32, #tpu.memory_space<vmem>>
      %gather3A_482 = tpu.vector_load_idx %gather3A_481[%add3A_477] : memref<832xf32, #tpu.memory_space<vmem>>[vector<16xi32>], vector<16xf32>,
      %add3A_483 = arith.addf %add3A_474, %gather3A_482 : vector<16xf32>
      %add3A_484 = arith.constant 13 : i32
      %add3A_485 = vector.broadcast %add3A_484 : i32 to vector<16xi32>
      %add3A_486 = arith.addi %mul3A_370, %add3A_485 : vector<16xi32>
      %gather3A_487 = arith.constant 0 : i32
      %gather3A_488 = arith.constant 0 : i32
      %gather3A_489 = tpu.memref_slice %arg9[%gather3A_487, %gather3A_488] : memref<4x832xf32, #tpu.memory_space<vmem>> -> memref<1x832xf32, #tpu.memory_space<vmem>>
      %gather3A_490 = tpu.memref_squeeze %gather3A_489 : memref<1x832xf32, #tpu.memory_space<vmem>> -> memref<832xf32, #tpu.memory_space<vmem>>
      %gather3A_491 = tpu.vector_load_idx %gather3A_490[%add3A_486] : memref<832xf32, #tpu.memory_space<vmem>>[vector<16xi32>], vector<16xf32>,
      %add3A_492 = arith.addf %add3A_483, %gather3A_491 : vector<16xf32>
      %add3A_493 = arith.constant 14 : i32
      %add3A_494 = vector.broadcast %add3A_493 : i32 to vector<16xi32>
      %add3A_495 = arith.addi %mul3A_370, %add3A_494 : vector<16xi32>
      %gather3A_496 = arith.constant 0 : i32
      %gather3A_497 = arith.constant 0 : i32
      %gather3A_498 = tpu.memref_slice %arg9[%gather3A_496, %gather3A_497] : memref<4x832xf32, #tpu.memory_space<vmem>> -> memref<1x832xf32, #tpu.memory_space<vmem>>
      %gather3A_499 = tpu.memref_squeeze %gather3A_498 : memref<1x832xf32, #tpu.memory_space<vmem>> -> memref<832xf32, #tpu.memory_space<vmem>>
      %gather3A_500 = tpu.vector_load_idx %gather3A_499[%add3A_495] : memref<832xf32, #tpu.memory_space<vmem>>[vector<16xi32>], vector<16xf32>,
      %add3A_501 = arith.addf %add3A_492, %gather3A_500 : vector<16xf32>
      %add3A_502 = arith.constant 15 : i32
      %add3A_503 = vector.broadcast %add3A_502 : i32 to vector<16xi32>
      %add3A_504 = arith.addi %mul3A_370, %add3A_503 : vector<16xi32>
      %gather3A_505 = arith.constant 0 : i32
      %gather3A_506 = arith.constant 0 : i32
      %gather3A_507 = tpu.memref_slice %arg9[%gather3A_505, %gather3A_506] : memref<4x832xf32, #tpu.memory_space<vmem>> -> memref<1x832xf32, #tpu.memory_space<vmem>>
      %gather3A_508 = tpu.memref_squeeze %gather3A_507 : memref<1x832xf32, #tpu.memory_space<vmem>> -> memref<832xf32, #tpu.memory_space<vmem>>
      %gather3A_509 = tpu.vector_load_idx %gather3A_508[%add3A_504] : memref<832xf32, #tpu.memory_space<vmem>>[vector<16xi32>], vector<16xf32>,
      %add3A_510 = arith.addf %add3A_501, %gather3A_509 : vector<16xf32>
      %add3A_511 = arith.constant 16 : i32
      %add3A_512 = vector.broadcast %add3A_511 : i32 to vector<16xi32>
      %add3A_513 = arith.addi %mul3A_370, %add3A_512 : vector<16xi32>
      %gather3A_514 = arith.constant 0 : i32
      %gather3A_515 = arith.constant 0 : i32
      %gather3A_516 = tpu.memref_slice %arg9[%gather3A_514, %gather3A_515] : memref<4x832xf32, #tpu.memory_space<vmem>> -> memref<1x832xf32, #tpu.memory_space<vmem>>
      %gather3A_517 = tpu.memref_squeeze %gather3A_516 : memref<1x832xf32, #tpu.memory_space<vmem>> -> memref<832xf32, #tpu.memory_space<vmem>>
      %gather3A_518 = tpu.vector_load_idx %gather3A_517[%add3A_513] : memref<832xf32, #tpu.memory_space<vmem>>[vector<16xi32>], vector<16xf32>,
      %add3A_519 = arith.addf %add3A_510, %gather3A_518 : vector<16xf32>
      %add3A_520 = arith.constant 17 : i32
      %add3A_521 = vector.broadcast %add3A_520 : i32 to vector<16xi32>
      %add3A_522 = arith.addi %mul3A_370, %add3A_521 : vector<16xi32>
      %gather3A_523 = arith.constant 0 : i32
      %gather3A_524 = arith.constant 0 : i32
      %gather3A_525 = tpu.memref_slice %arg9[%gather3A_523, %gather3A_524] : memref<4x832xf32, #tpu.memory_space<vmem>> -> memref<1x832xf32, #tpu.memory_space<vmem>>
      %gather3A_526 = tpu.memref_squeeze %gather3A_525 : memref<1x832xf32, #tpu.memory_space<vmem>> -> memref<832xf32, #tpu.memory_space<vmem>>
      %gather3A_527 = tpu.vector_load_idx %gather3A_526[%add3A_522] : memref<832xf32, #tpu.memory_space<vmem>>[vector<16xi32>], vector<16xf32>,
      %add3A_528 = arith.addf %add3A_519, %gather3A_527 : vector<16xf32>
      %add3A_529 = arith.constant 18 : i32
      %add3A_530 = vector.broadcast %add3A_529 : i32 to vector<16xi32>
      %add3A_531 = arith.addi %mul3A_370, %add3A_530 : vector<16xi32>
      %gather3A_532 = arith.constant 0 : i32
      %gather3A_533 = arith.constant 0 : i32
      %gather3A_534 = tpu.memref_slice %arg9[%gather3A_532, %gather3A_533] : memref<4x832xf32, #tpu.memory_space<vmem>> -> memref<1x832xf32, #tpu.memory_space<vmem>>
      %gather3A_535 = tpu.memref_squeeze %gather3A_534 : memref<1x832xf32, #tpu.memory_space<vmem>> -> memref<832xf32, #tpu.memory_space<vmem>>
      %gather3A_536 = tpu.vector_load_idx %gather3A_535[%add3A_531] : memref<832xf32, #tpu.memory_space<vmem>>[vector<16xi32>], vector<16xf32>,
      %add3A_537 = arith.addf %add3A_528, %gather3A_536 : vector<16xf32>
      %add3A_538 = arith.constant 19 : i32
      %add3A_539 = vector.broadcast %add3A_538 : i32 to vector<16xi32>
      %add3A_540 = arith.addi %mul3A_370, %add3A_539 : vector<16xi32>
      %gather3A_541 = arith.constant 0 : i32
      %gather3A_542 = arith.constant 0 : i32
      %gather3A_543 = tpu.memref_slice %arg9[%gather3A_541, %gather3A_542] : memref<4x832xf32, #tpu.memory_space<vmem>> -> memref<1x832xf32, #tpu.memory_space<vmem>>
      %gather3A_544 = tpu.memref_squeeze %gather3A_543 : memref<1x832xf32, #tpu.memory_space<vmem>> -> memref<832xf32, #tpu.memory_space<vmem>>
      %gather3A_545 = tpu.vector_load_idx %gather3A_544[%add3A_540] : memref<832xf32, #tpu.memory_space<vmem>>[vector<16xi32>], vector<16xf32>,
      %add3A_546 = arith.addf %add3A_537, %gather3A_545 : vector<16xf32>
      %add3A_547 = arith.constant 20 : i32
      %add3A_548 = vector.broadcast %add3A_547 : i32 to vector<16xi32>
      %add3A_549 = arith.addi %mul3A_370, %add3A_548 : vector<16xi32>
      %gather3A_550 = arith.constant 0 : i32
      %gather3A_551 = arith.constant 0 : i32
      %gather3A_552 = tpu.memref_slice %arg9[%gather3A_550, %gather3A_551] : memref<4x832xf32, #tpu.memory_space<vmem>> -> memref<1x832xf32, #tpu.memory_space<vmem>>
      %gather3A_553 = tpu.memref_squeeze %gather3A_552 : memref<1x832xf32, #tpu.memory_space<vmem>> -> memref<832xf32, #tpu.memory_space<vmem>>
      %gather3A_554 = tpu.vector_load_idx %gather3A_553[%add3A_549] : memref<832xf32, #tpu.memory_space<vmem>>[vector<16xi32>], vector<16xf32>,
      %add3A_555 = arith.addf %add3A_546, %gather3A_554 : vector<16xf32>
      %add3A_556 = arith.constant 21 : i32
      %add3A_557 = vector.broadcast %add3A_556 : i32 to vector<16xi32>
      %add3A_558 = arith.addi %mul3A_370, %add3A_557 : vector<16xi32>
      %gather3A_559 = arith.constant 0 : i32
      %gather3A_560 = arith.constant 0 : i32
      %gather3A_561 = tpu.memref_slice %arg9[%gather3A_559, %gather3A_560] : memref<4x832xf32, #tpu.memory_space<vmem>> -> memref<1x832xf32, #tpu.memory_space<vmem>>
      %gather3A_562 = tpu.memref_squeeze %gather3A_561 : memref<1x832xf32, #tpu.memory_space<vmem>> -> memref<832xf32, #tpu.memory_space<vmem>>
      %gather3A_563 = tpu.vector_load_idx %gather3A_562[%add3A_558] : memref<832xf32, #tpu.memory_space<vmem>>[vector<16xi32>], vector<16xf32>,
      %add3A_564 = arith.addf %add3A_555, %gather3A_563 : vector<16xf32>
      %add3A_565 = arith.constant 22 : i32
      %add3A_566 = vector.broadcast %add3A_565 : i32 to vector<16xi32>
      %add3A_567 = arith.addi %mul3A_370, %add3A_566 : vector<16xi32>
      %gather3A_568 = arith.constant 0 : i32
      %gather3A_569 = arith.constant 0 : i32
      %gather3A_570 = tpu.memref_slice %arg9[%gather3A_568, %gather3A_569] : memref<4x832xf32, #tpu.memory_space<vmem>> -> memref<1x832xf32, #tpu.memory_space<vmem>>
      %gather3A_571 = tpu.memref_squeeze %gather3A_570 : memref<1x832xf32, #tpu.memory_space<vmem>> -> memref<832xf32, #tpu.memory_space<vmem>>
      %gather3A_572 = tpu.vector_load_idx %gather3A_571[%add3A_567] : memref<832xf32, #tpu.memory_space<vmem>>[vector<16xi32>], vector<16xf32>,
      %add3A_573 = arith.addf %add3A_564, %gather3A_572 : vector<16xf32>
      %add3A_574 = arith.constant 23 : i32
      %add3A_575 = vector.broadcast %add3A_574 : i32 to vector<16xi32>
      %add3A_576 = arith.addi %mul3A_370, %add3A_575 : vector<16xi32>
      %gather3A_577 = arith.constant 0 : i32
      %gather3A_578 = arith.constant 0 : i32
      %gather3A_579 = tpu.memref_slice %arg9[%gather3A_577, %gather3A_578] : memref<4x832xf32, #tpu.memory_space<vmem>> -> memref<1x832xf32, #tpu.memory_space<vmem>>
      %gather3A_580 = tpu.memref_squeeze %gather3A_579 : memref<1x832xf32, #tpu.memory_space<vmem>> -> memref<832xf32, #tpu.memory_space<vmem>>
      %gather3A_581 = tpu.vector_load_idx %gather3A_580[%add3A_576] : memref<832xf32, #tpu.memory_space<vmem>>[vector<16xi32>], vector<16xf32>,
      %add3A_582 = arith.addf %add3A_573, %gather3A_581 : vector<16xf32>
      %add3A_583 = arith.constant 24 : i32
      %add3A_584 = vector.broadcast %add3A_583 : i32 to vector<16xi32>
      %add3A_585 = arith.addi %mul3A_370, %add3A_584 : vector<16xi32>
      %gather3A_586 = arith.constant 0 : i32
      %gather3A_587 = arith.constant 0 : i32
      %gather3A_588 = tpu.memref_slice %arg9[%gather3A_586, %gather3A_587] : memref<4x832xf32, #tpu.memory_space<vmem>> -> memref<1x832xf32, #tpu.memory_space<vmem>>
      %gather3A_589 = tpu.memref_squeeze %gather3A_588 : memref<1x832xf32, #tpu.memory_space<vmem>> -> memref<832xf32, #tpu.memory_space<vmem>>
      %gather3A_590 = tpu.vector_load_idx %gather3A_589[%add3A_585] : memref<832xf32, #tpu.memory_space<vmem>>[vector<16xi32>], vector<16xf32>,
      %add3A_591 = arith.addf %add3A_582, %gather3A_590 : vector<16xf32>
      %add3A_592 = arith.constant 25 : i32
      %add3A_593 = vector.broadcast %add3A_592 : i32 to vector<16xi32>
      %add3A_594 = arith.addi %mul3A_370, %add3A_593 : vector<16xi32>
      %gather3A_595 = arith.constant 0 : i32
      %gather3A_596 = arith.constant 0 : i32
      %gather3A_597 = tpu.memref_slice %arg9[%gather3A_595, %gather3A_596] : memref<4x832xf32, #tpu.memory_space<vmem>> -> memref<1x832xf32, #tpu.memory_space<vmem>>
      %gather3A_598 = tpu.memref_squeeze %gather3A_597 : memref<1x832xf32, #tpu.memory_space<vmem>> -> memref<832xf32, #tpu.memory_space<vmem>>
      %gather3A_599 = tpu.vector_load_idx %gather3A_598[%add3A_594] : memref<832xf32, #tpu.memory_space<vmem>>[vector<16xi32>], vector<16xf32>,
      %add3A_600 = arith.addf %add3A_591, %gather3A_599 : vector<16xf32>
      %mul3A_601 = arith.constant 32 : i32
      %mul3A_602 = arith.muli %add3A_99, %mul3A_601 : i32
      %add3A_603 = arith.constant 16 : i32
      %add3A_604 = arith.addi %mul3A_602, %add3A_603 : i32
      %swap3A_605 = arith.index_cast %add3A_604 : i32 to index
      %swap3A_606 = tpu.vector_load %arg11[%swap3A_605] {strides = array<i32>} : memref<512xf32, #tpu.memory_space<vmem>>, vector<16xf32>,
      tpu.vector_store %arg11[%swap3A_605], %add3A_600 {strides = array<i32>} : memref<512xf32, #tpu.memory_space<vmem>>, vector<16xf32>,
      %parallel_loop3A = arith.constant 0 : i32
      %parallel_loop3A_607 = arith.constant 32 : i32
      %parallel_loop3A_608 = arith.constant 1 : i32
      scf.for %parallel_loop3A_2183 = %parallel_loop3A to %parallel_loop3A_607 step %parallel_loop3A_608  : i32 {
        %parallel_loop3A_2184 = arith.constant 26 : i32
        %parallel_loop3A_2185 = arith.muli %parallel_loop3A_2183, %parallel_loop3A_2184 : i32
        %parallel_loop3A_2186 = arith.constant 0 : i32
        %parallel_loop3A_2187 = arith.index_cast %parallel_loop3A_2186 : i32 to index
        %parallel_loop3A_2188 = arith.index_cast %parallel_loop3A_2185 : i32 to index
        %parallel_loop3A_2189 = arith.constant 0 : index
        %parallel_loop3A_2190 = tpu.vector_load %arg8[%parallel_loop3A_2187, %parallel_loop3A_2188, %parallel_loop3A_2189] {strides = array<i32>} : memref<4x832x16xf32, #tpu.memory_space<vmem>>, vector<16xf32>,
        %parallel_loop3A_2191 = arith.mulf %parallel_loop3A_2190, %parallel_loop3A_2190 : vector<16xf32>
        %parallel_loop3A_2192 = arith.constant 1 : i32
        %parallel_loop3A_2193 = arith.addi %parallel_loop3A_2185, %parallel_loop3A_2192 : i32
        %parallel_loop3A_2194 = arith.constant 0 : i32
        %parallel_loop3A_2195 = arith.index_cast %parallel_loop3A_2194 : i32 to index
        %parallel_loop3A_2196 = arith.index_cast %parallel_loop3A_2193 : i32 to index
        %parallel_loop3A_2197 = arith.constant 0 : index
        %parallel_loop3A_2198 = tpu.vector_load %arg8[%parallel_loop3A_2195, %parallel_loop3A_2196, %parallel_loop3A_2197] {strides = array<i32>} : memref<4x832x16xf32, #tpu.memory_space<vmem>>, vector<16xf32>,
        %parallel_loop3A_2199 = arith.addf %parallel_loop3A_2190, %parallel_loop3A_2198 : vector<16xf32>
        %parallel_loop3A_2200 = arith.mulf %parallel_loop3A_2198, %parallel_loop3A_2198 : vector<16xf32>
        %parallel_loop3A_2201 = arith.addf %parallel_loop3A_2191, %parallel_loop3A_2200 : vector<16xf32>
        %parallel_loop3A_2202 = arith.constant 2 : i32
        %parallel_loop3A_2203 = arith.addi %parallel_loop3A_2185, %parallel_loop3A_2202 : i32
        %parallel_loop3A_2204 = arith.constant 0 : i32
        %parallel_loop3A_2205 = arith.index_cast %parallel_loop3A_2204 : i32 to index
        %parallel_loop3A_2206 = arith.index_cast %parallel_loop3A_2203 : i32 to index
        %parallel_loop3A_2207 = arith.constant 0 : index
        %parallel_loop3A_2208 = tpu.vector_load %arg8[%parallel_loop3A_2205, %parallel_loop3A_2206, %parallel_loop3A_2207] {strides = array<i32>} : memref<4x832x16xf32, #tpu.memory_space<vmem>>, vector<16xf32>,
        %parallel_loop3A_2209 = arith.addf %parallel_loop3A_2199, %parallel_loop3A_2208 : vector<16xf32>
        %parallel_loop3A_2210 = arith.mulf %parallel_loop3A_2208, %parallel_loop3A_2208 : vector<16xf32>
        %parallel_loop3A_2211 = arith.addf %parallel_loop3A_2201, %parallel_loop3A_2210 : vector<16xf32>
        %parallel_loop3A_2212 = arith.constant 3 : i32
        %parallel_loop3A_2213 = arith.addi %parallel_loop3A_2185, %parallel_loop3A_2212 : i32
        %parallel_loop3A_2214 = arith.constant 0 : i32
        %parallel_loop3A_2215 = arith.index_cast %parallel_loop3A_2214 : i32 to index
        %parallel_loop3A_2216 = arith.index_cast %parallel_loop3A_2213 : i32 to index
        %parallel_loop3A_2217 = arith.constant 0 : index
        %parallel_loop3A_2218 = tpu.vector_load %arg8[%parallel_loop3A_2215, %parallel_loop3A_2216, %parallel_loop3A_2217] {strides = array<i32>} : memref<4x832x16xf32, #tpu.memory_space<vmem>>, vector<16xf32>,
        %parallel_loop3A_2219 = arith.addf %parallel_loop3A_2209, %parallel_loop3A_2218 : vector<16xf32>
        %parallel_loop3A_2220 = arith.mulf %parallel_loop3A_2218, %parallel_loop3A_2218 : vector<16xf32>
        %parallel_loop3A_2221 = arith.addf %parallel_loop3A_2211, %parallel_loop3A_2220 : vector<16xf32>
        %parallel_loop3A_2222 = arith.constant 4 : i32
        %parallel_loop3A_2223 = arith.addi %parallel_loop3A_2185, %parallel_loop3A_2222 : i32
        %parallel_loop3A_2224 = arith.constant 0 : i32
        %parallel_loop3A_2225 = arith.index_cast %parallel_loop3A_2224 : i32 to index
        %parallel_loop3A_2226 = arith.index_cast %parallel_loop3A_2223 : i32 to index
        %parallel_loop3A_2227 = arith.constant 0 : index
        %parallel_loop3A_2228 = tpu.vector_load %arg8[%parallel_loop3A_2225, %parallel_loop3A_2226, %parallel_loop3A_2227] {strides = array<i32>} : memref<4x832x16xf32, #tpu.memory_space<vmem>>, vector<16xf32>,
        %parallel_loop3A_2229 = arith.addf %parallel_loop3A_2219, %parallel_loop3A_2228 : vector<16xf32>
        %parallel_loop3A_2230 = arith.mulf %parallel_loop3A_2228, %parallel_loop3A_2228 : vector<16xf32>
        %parallel_loop3A_2231 = arith.addf %parallel_loop3A_2221, %parallel_loop3A_2230 : vector<16xf32>
        %parallel_loop3A_2232 = arith.constant 5 : i32
        %parallel_loop3A_2233 = arith.addi %parallel_loop3A_2185, %parallel_loop3A_2232 : i32
        %parallel_loop3A_2234 = arith.constant 0 : i32
        %parallel_loop3A_2235 = arith.index_cast %parallel_loop3A_2234 : i32 to index
        %parallel_loop3A_2236 = arith.index_cast %parallel_loop3A_2233 : i32 to index
        %parallel_loop3A_2237 = arith.constant 0 : index
        %parallel_loop3A_2238 = tpu.vector_load %arg8[%parallel_loop3A_2235, %parallel_loop3A_2236, %parallel_loop3A_2237] {strides = array<i32>} : memref<4x832x16xf32, #tpu.memory_space<vmem>>, vector<16xf32>,
        %parallel_loop3A_2239 = arith.addf %parallel_loop3A_2229, %parallel_loop3A_2238 : vector<16xf32>
        %parallel_loop3A_2240 = arith.mulf %parallel_loop3A_2238, %parallel_loop3A_2238 : vector<16xf32>
        %parallel_loop3A_2241 = arith.addf %parallel_loop3A_2231, %parallel_loop3A_2240 : vector<16xf32>
        %parallel_loop3A_2242 = arith.constant 6 : i32
        %parallel_loop3A_2243 = arith.addi %parallel_loop3A_2185, %parallel_loop3A_2242 : i32
        %parallel_loop3A_2244 = arith.constant 0 : i32
        %parallel_loop3A_2245 = arith.index_cast %parallel_loop3A_2244 : i32 to index
        %parallel_loop3A_2246 = arith.index_cast %parallel_loop3A_2243 : i32 to index
        %parallel_loop3A_2247 = arith.constant 0 : index
        %parallel_loop3A_2248 = tpu.vector_load %arg8[%parallel_loop3A_2245, %parallel_loop3A_2246, %parallel_loop3A_2247] {strides = array<i32>} : memref<4x832x16xf32, #tpu.memory_space<vmem>>, vector<16xf32>,
        %parallel_loop3A_2249 = arith.addf %parallel_loop3A_2239, %parallel_loop3A_2248 : vector<16xf32>
        %parallel_loop3A_2250 = arith.mulf %parallel_loop3A_2248, %parallel_loop3A_2248 : vector<16xf32>
        %parallel_loop3A_2251 = arith.addf %parallel_loop3A_2241, %parallel_loop3A_2250 : vector<16xf32>
        %parallel_loop3A_2252 = arith.constant 7 : i32
        %parallel_loop3A_2253 = arith.addi %parallel_loop3A_2185, %parallel_loop3A_2252 : i32
        %parallel_loop3A_2254 = arith.constant 0 : i32
        %parallel_loop3A_2255 = arith.index_cast %parallel_loop3A_2254 : i32 to index
        %parallel_loop3A_2256 = arith.index_cast %parallel_loop3A_2253 : i32 to index
        %parallel_loop3A_2257 = arith.constant 0 : index
        %parallel_loop3A_2258 = tpu.vector_load %arg8[%parallel_loop3A_2255, %parallel_loop3A_2256, %parallel_loop3A_2257] {strides = array<i32>} : memref<4x832x16xf32, #tpu.memory_space<vmem>>, vector<16xf32>,
        %parallel_loop3A_2259 = arith.addf %parallel_loop3A_2249, %parallel_loop3A_2258 : vector<16xf32>
        %parallel_loop3A_2260 = arith.mulf %parallel_loop3A_2258, %parallel_loop3A_2258 : vector<16xf32>
        %parallel_loop3A_2261 = arith.addf %parallel_loop3A_2251, %parallel_loop3A_2260 : vector<16xf32>
        %parallel_loop3A_2262 = arith.constant 8 : i32
        %parallel_loop3A_2263 = arith.addi %parallel_loop3A_2185, %parallel_loop3A_2262 : i32
        %parallel_loop3A_2264 = arith.constant 0 : i32
        %parallel_loop3A_2265 = arith.index_cast %parallel_loop3A_2264 : i32 to index
        %parallel_loop3A_2266 = arith.index_cast %parallel_loop3A_2263 : i32 to index
        %parallel_loop3A_2267 = arith.constant 0 : index
        %parallel_loop3A_2268 = tpu.vector_load %arg8[%parallel_loop3A_2265, %parallel_loop3A_2266, %parallel_loop3A_2267] {strides = array<i32>} : memref<4x832x16xf32, #tpu.memory_space<vmem>>, vector<16xf32>,
        %parallel_loop3A_2269 = arith.addf %parallel_loop3A_2259, %parallel_loop3A_2268 : vector<16xf32>
        %parallel_loop3A_2270 = arith.mulf %parallel_loop3A_2268, %parallel_loop3A_2268 : vector<16xf32>
        %parallel_loop3A_2271 = arith.addf %parallel_loop3A_2261, %parallel_loop3A_2270 : vector<16xf32>
        %parallel_loop3A_2272 = arith.constant 9 : i32
        %parallel_loop3A_2273 = arith.addi %parallel_loop3A_2185, %parallel_loop3A_2272 : i32
        %parallel_loop3A_2274 = arith.constant 0 : i32
        %parallel_loop3A_2275 = arith.index_cast %parallel_loop3A_2274 : i32 to index
        %parallel_loop3A_2276 = arith.index_cast %parallel_loop3A_2273 : i32 to index
        %parallel_loop3A_2277 = arith.constant 0 : index
        %parallel_loop3A_2278 = tpu.vector_load %arg8[%parallel_loop3A_2275, %parallel_loop3A_2276, %parallel_loop3A_2277] {strides = array<i32>} : memref<4x832x16xf32, #tpu.memory_space<vmem>>, vector<16xf32>,
        %parallel_loop3A_2279 = arith.addf %parallel_loop3A_2269, %parallel_loop3A_2278 : vector<16xf32>
        %parallel_loop3A_2280 = arith.mulf %parallel_loop3A_2278, %parallel_loop3A_2278 : vector<16xf32>
        %parallel_loop3A_2281 = arith.addf %parallel_loop3A_2271, %parallel_loop3A_2280 : vector<16xf32>
        %parallel_loop3A_2282 = arith.constant 10 : i32
        %parallel_loop3A_2283 = arith.addi %parallel_loop3A_2185, %parallel_loop3A_2282 : i32
        %parallel_loop3A_2284 = arith.constant 0 : i32
        %parallel_loop3A_2285 = arith.index_cast %parallel_loop3A_2284 : i32 to index
        %parallel_loop3A_2286 = arith.index_cast %parallel_loop3A_2283 : i32 to index
        %parallel_loop3A_2287 = arith.constant 0 : index
        %parallel_loop3A_2288 = tpu.vector_load %arg8[%parallel_loop3A_2285, %parallel_loop3A_2286, %parallel_loop3A_2287] {strides = array<i32>} : memref<4x832x16xf32, #tpu.memory_space<vmem>>, vector<16xf32>,
        %parallel_loop3A_2289 = arith.addf %parallel_loop3A_2279, %parallel_loop3A_2288 : vector<16xf32>
        %parallel_loop3A_2290 = arith.mulf %parallel_loop3A_2288, %parallel_loop3A_2288 : vector<16xf32>
        %parallel_loop3A_2291 = arith.addf %parallel_loop3A_2281, %parallel_loop3A_2290 : vector<16xf32>
        %parallel_loop3A_2292 = arith.constant 11 : i32
        %parallel_loop3A_2293 = arith.addi %parallel_loop3A_2185, %parallel_loop3A_2292 : i32
        %parallel_loop3A_2294 = arith.constant 0 : i32
        %parallel_loop3A_2295 = arith.index_cast %parallel_loop3A_2294 : i32 to index
        %parallel_loop3A_2296 = arith.index_cast %parallel_loop3A_2293 : i32 to index
        %parallel_loop3A_2297 = arith.constant 0 : index
        %parallel_loop3A_2298 = tpu.vector_load %arg8[%parallel_loop3A_2295, %parallel_loop3A_2296, %parallel_loop3A_2297] {strides = array<i32>} : memref<4x832x16xf32, #tpu.memory_space<vmem>>, vector<16xf32>,
        %parallel_loop3A_2299 = arith.addf %parallel_loop3A_2289, %parallel_loop3A_2298 : vector<16xf32>
        %parallel_loop3A_2300 = arith.mulf %parallel_loop3A_2298, %parallel_loop3A_2298 : vector<16xf32>
        %parallel_loop3A_2301 = arith.addf %parallel_loop3A_2291, %parallel_loop3A_2300 : vector<16xf32>
        %parallel_loop3A_2302 = arith.constant 12 : i32
        %parallel_loop3A_2303 = arith.addi %parallel_loop3A_2185, %parallel_loop3A_2302 : i32
        %parallel_loop3A_2304 = arith.constant 0 : i32
        %parallel_loop3A_2305 = arith.index_cast %parallel_loop3A_2304 : i32 to index
        %parallel_loop3A_2306 = arith.index_cast %parallel_loop3A_2303 : i32 to index
        %parallel_loop3A_2307 = arith.constant 0 : index
        %parallel_loop3A_2308 = tpu.vector_load %arg8[%parallel_loop3A_2305, %parallel_loop3A_2306, %parallel_loop3A_2307] {strides = array<i32>} : memref<4x832x16xf32, #tpu.memory_space<vmem>>, vector<16xf32>,
        %parallel_loop3A_2309 = arith.addf %parallel_loop3A_2299, %parallel_loop3A_2308 : vector<16xf32>
        %parallel_loop3A_2310 = arith.mulf %parallel_loop3A_2308, %parallel_loop3A_2308 : vector<16xf32>
        %parallel_loop3A_2311 = arith.addf %parallel_loop3A_2301, %parallel_loop3A_2310 : vector<16xf32>
        %parallel_loop3A_2312 = arith.constant 13 : i32
        %parallel_loop3A_2313 = arith.addi %parallel_loop3A_2185, %parallel_loop3A_2312 : i32
        %parallel_loop3A_2314 = arith.constant 0 : i32
        %parallel_loop3A_2315 = arith.index_cast %parallel_loop3A_2314 : i32 to index
        %parallel_loop3A_2316 = arith.index_cast %parallel_loop3A_2313 : i32 to index
        %parallel_loop3A_2317 = arith.constant 0 : index
        %parallel_loop3A_2318 = tpu.vector_load %arg8[%parallel_loop3A_2315, %parallel_loop3A_2316, %parallel_loop3A_2317] {strides = array<i32>} : memref<4x832x16xf32, #tpu.memory_space<vmem>>, vector<16xf32>,
        %parallel_loop3A_2319 = arith.addf %parallel_loop3A_2309, %parallel_loop3A_2318 : vector<16xf32>
        %parallel_loop3A_2320 = arith.mulf %parallel_loop3A_2318, %parallel_loop3A_2318 : vector<16xf32>
        %parallel_loop3A_2321 = arith.addf %parallel_loop3A_2311, %parallel_loop3A_2320 : vector<16xf32>
        %parallel_loop3A_2322 = arith.constant 14 : i32
        %parallel_loop3A_2323 = arith.addi %parallel_loop3A_2185, %parallel_loop3A_2322 : i32
        %parallel_loop3A_2324 = arith.constant 0 : i32
        %parallel_loop3A_2325 = arith.index_cast %parallel_loop3A_2324 : i32 to index
        %parallel_loop3A_2326 = arith.index_cast %parallel_loop3A_2323 : i32 to index
        %parallel_loop3A_2327 = arith.constant 0 : index
        %parallel_loop3A_2328 = tpu.vector_load %arg8[%parallel_loop3A_2325, %parallel_loop3A_2326, %parallel_loop3A_2327] {strides = array<i32>} : memref<4x832x16xf32, #tpu.memory_space<vmem>>, vector<16xf32>,
        %parallel_loop3A_2329 = arith.addf %parallel_loop3A_2319, %parallel_loop3A_2328 : vector<16xf32>
        %parallel_loop3A_2330 = arith.mulf %parallel_loop3A_2328, %parallel_loop3A_2328 : vector<16xf32>
        %parallel_loop3A_2331 = arith.addf %parallel_loop3A_2321, %parallel_loop3A_2330 : vector<16xf32>
        %parallel_loop3A_2332 = arith.constant 15 : i32
        %parallel_loop3A_2333 = arith.addi %parallel_loop3A_2185, %parallel_loop3A_2332 : i32
        %parallel_loop3A_2334 = arith.constant 0 : i32
        %parallel_loop3A_2335 = arith.index_cast %parallel_loop3A_2334 : i32 to index
        %parallel_loop3A_2336 = arith.index_cast %parallel_loop3A_2333 : i32 to index
        %parallel_loop3A_2337 = arith.constant 0 : index
        %parallel_loop3A_2338 = tpu.vector_load %arg8[%parallel_loop3A_2335, %parallel_loop3A_2336, %parallel_loop3A_2337] {strides = array<i32>} : memref<4x832x16xf32, #tpu.memory_space<vmem>>, vector<16xf32>,
        %parallel_loop3A_2339 = arith.addf %parallel_loop3A_2329, %parallel_loop3A_2338 : vector<16xf32>
        %parallel_loop3A_2340 = arith.mulf %parallel_loop3A_2338, %parallel_loop3A_2338 : vector<16xf32>
        %parallel_loop3A_2341 = arith.addf %parallel_loop3A_2331, %parallel_loop3A_2340 : vector<16xf32>
        %parallel_loop3A_2342 = arith.constant 16 : i32
        %parallel_loop3A_2343 = arith.addi %parallel_loop3A_2185, %parallel_loop3A_2342 : i32
        %parallel_loop3A_2344 = arith.constant 0 : i32
        %parallel_loop3A_2345 = arith.index_cast %parallel_loop3A_2344 : i32 to index
        %parallel_loop3A_2346 = arith.index_cast %parallel_loop3A_2343 : i32 to index
        %parallel_loop3A_2347 = arith.constant 0 : index
        %parallel_loop3A_2348 = tpu.vector_load %arg8[%parallel_loop3A_2345, %parallel_loop3A_2346, %parallel_loop3A_2347] {strides = array<i32>} : memref<4x832x16xf32, #tpu.memory_space<vmem>>, vector<16xf32>,
        %parallel_loop3A_2349 = arith.addf %parallel_loop3A_2339, %parallel_loop3A_2348 : vector<16xf32>
        %parallel_loop3A_2350 = arith.mulf %parallel_loop3A_2348, %parallel_loop3A_2348 : vector<16xf32>
        %parallel_loop3A_2351 = arith.addf %parallel_loop3A_2341, %parallel_loop3A_2350 : vector<16xf32>
        %parallel_loop3A_2352 = arith.constant 17 : i32
        %parallel_loop3A_2353 = arith.addi %parallel_loop3A_2185, %parallel_loop3A_2352 : i32
        %parallel_loop3A_2354 = arith.constant 0 : i32
        %parallel_loop3A_2355 = arith.index_cast %parallel_loop3A_2354 : i32 to index
        %parallel_loop3A_2356 = arith.index_cast %parallel_loop3A_2353 : i32 to index
        %parallel_loop3A_2357 = arith.constant 0 : index
        %parallel_loop3A_2358 = tpu.vector_load %arg8[%parallel_loop3A_2355, %parallel_loop3A_2356, %parallel_loop3A_2357] {strides = array<i32>} : memref<4x832x16xf32, #tpu.memory_space<vmem>>, vector<16xf32>,
        %parallel_loop3A_2359 = arith.addf %parallel_loop3A_2349, %parallel_loop3A_2358 : vector<16xf32>
        %parallel_loop3A_2360 = arith.mulf %parallel_loop3A_2358, %parallel_loop3A_2358 : vector<16xf32>
        %parallel_loop3A_2361 = arith.addf %parallel_loop3A_2351, %parallel_loop3A_2360 : vector<16xf32>
        %parallel_loop3A_2362 = arith.constant 18 : i32
        %parallel_loop3A_2363 = arith.addi %parallel_loop3A_2185, %parallel_loop3A_2362 : i32
        %parallel_loop3A_2364 = arith.constant 0 : i32
        %parallel_loop3A_2365 = arith.index_cast %parallel_loop3A_2364 : i32 to index
        %parallel_loop3A_2366 = arith.index_cast %parallel_loop3A_2363 : i32 to index
        %parallel_loop3A_2367 = arith.constant 0 : index
        %parallel_loop3A_2368 = tpu.vector_load %arg8[%parallel_loop3A_2365, %parallel_loop3A_2366, %parallel_loop3A_2367] {strides = array<i32>} : memref<4x832x16xf32, #tpu.memory_space<vmem>>, vector<16xf32>,
        %parallel_loop3A_2369 = arith.addf %parallel_loop3A_2359, %parallel_loop3A_2368 : vector<16xf32>
        %parallel_loop3A_2370 = arith.mulf %parallel_loop3A_2368, %parallel_loop3A_2368 : vector<16xf32>
        %parallel_loop3A_2371 = arith.addf %parallel_loop3A_2361, %parallel_loop3A_2370 : vector<16xf32>
        %parallel_loop3A_2372 = arith.constant 19 : i32
        %parallel_loop3A_2373 = arith.addi %parallel_loop3A_2185, %parallel_loop3A_2372 : i32
        %parallel_loop3A_2374 = arith.constant 0 : i32
        %parallel_loop3A_2375 = arith.index_cast %parallel_loop3A_2374 : i32 to index
        %parallel_loop3A_2376 = arith.index_cast %parallel_loop3A_2373 : i32 to index
        %parallel_loop3A_2377 = arith.constant 0 : index
        %parallel_loop3A_2378 = tpu.vector_load %arg8[%parallel_loop3A_2375, %parallel_loop3A_2376, %parallel_loop3A_2377] {strides = array<i32>} : memref<4x832x16xf32, #tpu.memory_space<vmem>>, vector<16xf32>,
        %parallel_loop3A_2379 = arith.addf %parallel_loop3A_2369, %parallel_loop3A_2378 : vector<16xf32>
        %parallel_loop3A_2380 = arith.mulf %parallel_loop3A_2378, %parallel_loop3A_2378 : vector<16xf32>
        %parallel_loop3A_2381 = arith.addf %parallel_loop3A_2371, %parallel_loop3A_2380 : vector<16xf32>
        %parallel_loop3A_2382 = arith.constant 20 : i32
        %parallel_loop3A_2383 = arith.addi %parallel_loop3A_2185, %parallel_loop3A_2382 : i32
        %parallel_loop3A_2384 = arith.constant 0 : i32
        %parallel_loop3A_2385 = arith.index_cast %parallel_loop3A_2384 : i32 to index
        %parallel_loop3A_2386 = arith.index_cast %parallel_loop3A_2383 : i32 to index
        %parallel_loop3A_2387 = arith.constant 0 : index
        %parallel_loop3A_2388 = tpu.vector_load %arg8[%parallel_loop3A_2385, %parallel_loop3A_2386, %parallel_loop3A_2387] {strides = array<i32>} : memref<4x832x16xf32, #tpu.memory_space<vmem>>, vector<16xf32>,
        %parallel_loop3A_2389 = arith.addf %parallel_loop3A_2379, %parallel_loop3A_2388 : vector<16xf32>
        %parallel_loop3A_2390 = arith.mulf %parallel_loop3A_2388, %parallel_loop3A_2388 : vector<16xf32>
        %parallel_loop3A_2391 = arith.addf %parallel_loop3A_2381, %parallel_loop3A_2390 : vector<16xf32>
        %parallel_loop3A_2392 = arith.constant 21 : i32
        %parallel_loop3A_2393 = arith.addi %parallel_loop3A_2185, %parallel_loop3A_2392 : i32
        %parallel_loop3A_2394 = arith.constant 0 : i32
        %parallel_loop3A_2395 = arith.index_cast %parallel_loop3A_2394 : i32 to index
        %parallel_loop3A_2396 = arith.index_cast %parallel_loop3A_2393 : i32 to index
        %parallel_loop3A_2397 = arith.constant 0 : index
        %parallel_loop3A_2398 = tpu.vector_load %arg8[%parallel_loop3A_2395, %parallel_loop3A_2396, %parallel_loop3A_2397] {strides = array<i32>} : memref<4x832x16xf32, #tpu.memory_space<vmem>>, vector<16xf32>,
        %parallel_loop3A_2399 = arith.addf %parallel_loop3A_2389, %parallel_loop3A_2398 : vector<16xf32>
        %parallel_loop3A_2400 = arith.mulf %parallel_loop3A_2398, %parallel_loop3A_2398 : vector<16xf32>
        %parallel_loop3A_2401 = arith.addf %parallel_loop3A_2391, %parallel_loop3A_2400 : vector<16xf32>
        %parallel_loop3A_2402 = arith.constant 22 : i32
        %parallel_loop3A_2403 = arith.addi %parallel_loop3A_2185, %parallel_loop3A_2402 : i32
        %parallel_loop3A_2404 = arith.constant 0 : i32
        %parallel_loop3A_2405 = arith.index_cast %parallel_loop3A_2404 : i32 to index
        %parallel_loop3A_2406 = arith.index_cast %parallel_loop3A_2403 : i32 to index
        %parallel_loop3A_2407 = arith.constant 0 : index
        %parallel_loop3A_2408 = tpu.vector_load %arg8[%parallel_loop3A_2405, %parallel_loop3A_2406, %parallel_loop3A_2407] {strides = array<i32>} : memref<4x832x16xf32, #tpu.memory_space<vmem>>, vector<16xf32>,
        %parallel_loop3A_2409 = arith.addf %parallel_loop3A_2399, %parallel_loop3A_2408 : vector<16xf32>
        %parallel_loop3A_2410 = arith.mulf %parallel_loop3A_2408, %parallel_loop3A_2408 : vector<16xf32>
        %parallel_loop3A_2411 = arith.addf %parallel_loop3A_2401, %parallel_loop3A_2410 : vector<16xf32>
        %parallel_loop3A_2412 = arith.constant 23 : i32
        %parallel_loop3A_2413 = arith.addi %parallel_loop3A_2185, %parallel_loop3A_2412 : i32
        %parallel_loop3A_2414 = arith.constant 0 : i32
        %parallel_loop3A_2415 = arith.index_cast %parallel_loop3A_2414 : i32 to index
        %parallel_loop3A_2416 = arith.index_cast %parallel_loop3A_2413 : i32 to index
        %parallel_loop3A_2417 = arith.constant 0 : index
        %parallel_loop3A_2418 = tpu.vector_load %arg8[%parallel_loop3A_2415, %parallel_loop3A_2416, %parallel_loop3A_2417] {strides = array<i32>} : memref<4x832x16xf32, #tpu.memory_space<vmem>>, vector<16xf32>,
        %parallel_loop3A_2419 = arith.addf %parallel_loop3A_2409, %parallel_loop3A_2418 : vector<16xf32>
        %parallel_loop3A_2420 = arith.mulf %parallel_loop3A_2418, %parallel_loop3A_2418 : vector<16xf32>
        %parallel_loop3A_2421 = arith.addf %parallel_loop3A_2411, %parallel_loop3A_2420 : vector<16xf32>
        %parallel_loop3A_2422 = arith.constant 24 : i32
        %parallel_loop3A_2423 = arith.addi %parallel_loop3A_2185, %parallel_loop3A_2422 : i32
        %parallel_loop3A_2424 = arith.constant 0 : i32
        %parallel_loop3A_2425 = arith.index_cast %parallel_loop3A_2424 : i32 to index
        %parallel_loop3A_2426 = arith.index_cast %parallel_loop3A_2423 : i32 to index
        %parallel_loop3A_2427 = arith.constant 0 : index
        %parallel_loop3A_2428 = tpu.vector_load %arg8[%parallel_loop3A_2425, %parallel_loop3A_2426, %parallel_loop3A_2427] {strides = array<i32>} : memref<4x832x16xf32, #tpu.memory_space<vmem>>, vector<16xf32>,
        %parallel_loop3A_2429 = arith.addf %parallel_loop3A_2419, %parallel_loop3A_2428 : vector<16xf32>
        %parallel_loop3A_2430 = arith.mulf %parallel_loop3A_2428, %parallel_loop3A_2428 : vector<16xf32>
        %parallel_loop3A_2431 = arith.addf %parallel_loop3A_2421, %parallel_loop3A_2430 : vector<16xf32>
        %parallel_loop3A_2432 = arith.constant 25 : i32
        %parallel_loop3A_2433 = arith.addi %parallel_loop3A_2185, %parallel_loop3A_2432 : i32
        %parallel_loop3A_2434 = arith.constant 0 : i32
        %parallel_loop3A_2435 = arith.index_cast %parallel_loop3A_2434 : i32 to index
        %parallel_loop3A_2436 = arith.index_cast %parallel_loop3A_2433 : i32 to index
        %parallel_loop3A_2437 = arith.constant 0 : index
        %parallel_loop3A_2438 = tpu.vector_load %arg8[%parallel_loop3A_2435, %parallel_loop3A_2436, %parallel_loop3A_2437] {strides = array<i32>} : memref<4x832x16xf32, #tpu.memory_space<vmem>>, vector<16xf32>,
        %parallel_loop3A_2439 = arith.addf %parallel_loop3A_2429, %parallel_loop3A_2438 : vector<16xf32>
        %parallel_loop3A_2440 = arith.mulf %parallel_loop3A_2438, %parallel_loop3A_2438 : vector<16xf32>
        %parallel_loop3A_2441 = arith.addf %parallel_loop3A_2431, %parallel_loop3A_2440 : vector<16xf32>
        %parallel_loop3A_2442 = arith.mulf %parallel_loop3A_2439, %parallel_loop3A_2439 : vector<16xf32>
        %parallel_loop3A_2443 = arith.subf %parallel_loop3A_2442, %parallel_loop3A_2441 : vector<16xf32>
        %parallel_loop3A_2444 = arith.constant 32 : i32
        %parallel_loop3A_2445 = arith.muli %add3A_99, %parallel_loop3A_2444 : i32
        %parallel_loop3A_2446 = arith.addi %parallel_loop3A_2445, %parallel_loop3A_2183 : i32
        %parallel_loop3A_2447 = arith.index_cast %parallel_loop3A_2446 : i32 to index
        %parallel_loop3A_2448 = arith.constant 0 : index
        %parallel_loop3A_2449 = tpu.vector_load %arg10[%parallel_loop3A_2447, %parallel_loop3A_2448] {strides = array<i32>} : memref<512x16xf32, #tpu.memory_space<vmem>>, vector<16xf32>,
        tpu.vector_store %arg10[%parallel_loop3A_2447, %parallel_loop3A_2448], %parallel_loop3A_2443 {strides = array<i32>} : memref<512x16xf32, #tpu.memory_space<vmem>>, vector<16xf32>,
      } {sc.loop_unroll_factor = 4 : i64, sc.parallel_access}
      %add3A_609 = arith.constant 4 : i32
      %add3A_610 = arith.addi %add3A_99, %add3A_609 : i32
      %lt3A = arith.constant 16 : i32
      %lt3A_611 = arith.cmpi slt, %add3A_610, %lt3A : i32
      %convert_element_type3A = arith.extui %lt3A_611 : i1 to i32
      %cond3A = arith.constant 0 : i32
      %cond3A_612 = arith.cmpi ne, %convert_element_type3A, %cond3A : i32
      scf.if %cond3A_612 {
        %add3A_2183 = arith.constant 4 : i32
        %add3A_2184 = arith.addi %add3A_99, %add3A_2183 : i32
        %dma_start3A_2185 = arith.constant 0 : i32
        %dma_start3A_2186 = arith.constant 0 : i32
        %dma_start3A_2187 = arith.constant 0 : i32
        %dma_start3A_2188 = tpu.memref_slice %arg8[%dma_start3A_2185, %dma_start3A_2186, %dma_start3A_2187] : memref<4x832x16xf32, #tpu.memory_space<vmem>> -> memref<1x832x16xf32, #tpu.memory_space<vmem>>
        %dma_start3A_2189 = tpu.memref_squeeze %dma_start3A_2188 : memref<1x832x16xf32, #tpu.memory_space<vmem>> -> memref<832x16xf32, #tpu.memory_space<vmem>>
        %dma_start3A_2190 = arith.constant 0 : i32
        %dma_start3A_2191 = tpu.memref_slice %arg7[%add3A_2184, %dma_start3A_2190] : memref<16x832xi32, #tpu.memory_space<vmem>> -> memref<1x832xi32, #tpu.memory_space<vmem>>
        %dma_start3A_2192 = tpu.memref_squeeze %dma_start3A_2191 : memref<1x832xi32, #tpu.memory_space<vmem>> -> memref<832xi32, #tpu.memory_space<vmem>>
        %dma_start3A_2193 = arith.constant 0 : i32
        %dma_start3A_2194 = arith.constant 0 : i32
        %dma_start3A_2195 = tpu.memref_slice %arg3[%dma_start3A_2193, %dma_start3A_2194] : memref<2600000x16xf32, #tpu.memory_space<hbm>> -> memref<2600000x16xf32, #tpu.memory_space<hbm>>
        tpu.enqueue_indirect_dma source(%dma_start3A_2195 : memref<2600000x16xf32, #tpu.memory_space<hbm>>) target(%dma_start3A_2189 : memref<832x16xf32, #tpu.memory_space<vmem>>) offsets(%dma_start3A_2192 : memref<832xi32, #tpu.memory_space<vmem>>) semaphore(%arg12 : memref<!tpu.dma_semaphore, #tpu.memory_space<semaphore_mem>>)
        %dma_start3A_2196 = arith.constant 0 : i32
        %dma_start3A_2197 = arith.constant 0 : i32
        %dma_start3A_2198 = tpu.memref_slice %arg9[%dma_start3A_2196, %dma_start3A_2197] : memref<4x832xf32, #tpu.memory_space<vmem>> -> memref<1x832xf32, #tpu.memory_space<vmem>>
        %dma_start3A_2199 = tpu.memref_squeeze %dma_start3A_2198 : memref<1x832xf32, #tpu.memory_space<vmem>> -> memref<832xf32, #tpu.memory_space<vmem>>
        %dma_start3A_2200 = arith.constant 0 : i32
        %dma_start3A_2201 = tpu.memref_slice %arg7[%add3A_2184, %dma_start3A_2200] : memref<16x832xi32, #tpu.memory_space<vmem>> -> memref<1x832xi32, #tpu.memory_space<vmem>>
        %dma_start3A_2202 = tpu.memref_squeeze %dma_start3A_2201 : memref<1x832xi32, #tpu.memory_space<vmem>> -> memref<832xi32, #tpu.memory_space<vmem>>
        %dma_start3A_2203 = arith.constant 0 : i32
        %dma_start3A_2204 = tpu.memref_slice %arg4[%dma_start3A_2203] : memref<2600000xf32, #tpu.memory_space<hbm>> -> memref<2600000xf32, #tpu.memory_space<hbm>>
        tpu.enqueue_indirect_dma source(%dma_start3A_2204 : memref<2600000xf32, #tpu.memory_space<hbm>>) target(%dma_start3A_2199 : memref<832xf32, #tpu.memory_space<vmem>>) offsets(%dma_start3A_2202 : memref<832xi32, #tpu.memory_space<vmem>>) semaphore(%arg12 : memref<!tpu.dma_semaphore, #tpu.memory_space<semaphore_mem>>)
      } else {
      }
      %add3A_613 = arith.constant 1 : i32
      %add3A_614 = arith.addi %mul3A_97, %add3A_613 : i32
      %dma_wait3A_615 = arith.constant 1 : i32
      %dma_wait3A_616 = arith.constant 0 : i32
      %dma_wait3A_617 = arith.constant 0 : i32
      %dma_wait3A_618 = tpu.memref_slice %arg8[%dma_wait3A_615, %dma_wait3A_616, %dma_wait3A_617] : memref<4x832x16xf32, #tpu.memory_space<vmem>> -> memref<1x832x16xf32, #tpu.memory_space<vmem>>
      %dma_wait3A_619 = tpu.memref_squeeze %dma_wait3A_618 : memref<1x832x16xf32, #tpu.memory_space<vmem>> -> memref<832x16xf32, #tpu.memory_space<vmem>>
      %dma_wait3A_620 = arith.constant 0 : i32
      %dma_wait3A_621 = arith.constant 0 : i32
      %dma_wait3A_622 = tpu.memref_slice %arg3[%dma_wait3A_620, %dma_wait3A_621] : memref<2600000x16xf32, #tpu.memory_space<hbm>> -> memref<832x16xf32, #tpu.memory_space<hbm>>
      %dma_wait3A_623 = arith.constant 0 : i32
      %dma_wait3A_624 = arith.constant 0 : i32
      %dma_wait3A_625 = tpu.memref_slice %arg8[%dma_wait3A_615, %dma_wait3A_623, %dma_wait3A_624] : memref<4x832x16xf32, #tpu.memory_space<vmem>> -> memref<1x832x16xf32, #tpu.memory_space<vmem>>
      %dma_wait3A_626 = tpu.memref_squeeze %dma_wait3A_625 : memref<1x832x16xf32, #tpu.memory_space<vmem>> -> memref<832x16xf32, #tpu.memory_space<vmem>>
      %dma_wait3A_627 = arith.constant 0 : i32
      %dma_wait3A_628 = arith.constant 0 : i32
      %dma_wait3A_629 = tpu.memref_slice %arg3[%dma_wait3A_627, %dma_wait3A_628] : memref<2600000x16xf32, #tpu.memory_space<hbm>> -> memref<832x16xf32, #tpu.memory_space<hbm>>
      tpu.wait_dma2 semaphore(%arg13 : memref<!tpu.dma_semaphore, #tpu.memory_space<semaphore_mem>>) src(%dma_wait3A_629 : memref<832x16xf32, #tpu.memory_space<hbm>>) dst(%dma_wait3A_626 : memref<832x16xf32, #tpu.memory_space<vmem>>)
      %dma_wait3A_630 = arith.constant 1 : i32
      %dma_wait3A_631 = arith.constant 0 : i32
      %dma_wait3A_632 = tpu.memref_slice %arg9[%dma_wait3A_630, %dma_wait3A_631] : memref<4x832xf32, #tpu.memory_space<vmem>> -> memref<1x832xf32, #tpu.memory_space<vmem>>
      %dma_wait3A_633 = tpu.memref_squeeze %dma_wait3A_632 : memref<1x832xf32, #tpu.memory_space<vmem>> -> memref<832xf32, #tpu.memory_space<vmem>>
      %dma_wait3A_634 = arith.constant 0 : i32
      %dma_wait3A_635 = tpu.memref_slice %arg4[%dma_wait3A_634] : memref<2600000xf32, #tpu.memory_space<hbm>> -> memref<832xf32, #tpu.memory_space<hbm>>
      %dma_wait3A_636 = arith.constant 0 : i32
      %dma_wait3A_637 = tpu.memref_slice %arg9[%dma_wait3A_630, %dma_wait3A_636] : memref<4x832xf32, #tpu.memory_space<vmem>> -> memref<1x832xf32, #tpu.memory_space<vmem>>
      %dma_wait3A_638 = tpu.memref_squeeze %dma_wait3A_637 : memref<1x832xf32, #tpu.memory_space<vmem>> -> memref<832xf32, #tpu.memory_space<vmem>>
      %dma_wait3A_639 = arith.constant 0 : i32
      %dma_wait3A_640 = tpu.memref_slice %arg4[%dma_wait3A_639] : memref<2600000xf32, #tpu.memory_space<hbm>> -> memref<832xf32, #tpu.memory_space<hbm>>
      tpu.wait_dma2 semaphore(%arg13 : memref<!tpu.dma_semaphore, #tpu.memory_space<semaphore_mem>>) src(%dma_wait3A_640 : memref<832xf32, #tpu.memory_space<hbm>>) dst(%dma_wait3A_638 : memref<832xf32, #tpu.memory_space<vmem>>)
      %iota3A_641 = tpu.iota {dimensions = array<i32: 0>} : vector<16xi32>
      %add3A_642 = arith.constant 0 : i32
      %add3A_643 = vector.broadcast %add3A_642 : i32 to vector<16xi32>
      %add3A_644 = arith.addi %add3A_643, %iota3A_641 : vector<16xi32>
      %mul3A_645 = arith.constant 26 : i32
      %mul3A_646 = vector.broadcast %mul3A_645 : i32 to vector<16xi32>
      %mul3A_647 = arith.muli %add3A_644, %mul3A_646 : vector<16xi32>
      %gather3A_648 = arith.constant 1 : i32
      %gather3A_649 = arith.constant 0 : i32
      %gather3A_650 = tpu.memref_slice %arg9[%gather3A_648, %gather3A_649] : memref<4x832xf32, #tpu.memory_space<vmem>> -> memref<1x832xf32, #tpu.memory_space<vmem>>
      %gather3A_651 = tpu.memref_squeeze %gather3A_650 : memref<1x832xf32, #tpu.memory_space<vmem>> -> memref<832xf32, #tpu.memory_space<vmem>>
      %gather3A_652 = tpu.vector_load_idx %gather3A_651[%mul3A_647] : memref<832xf32, #tpu.memory_space<vmem>>[vector<16xi32>], vector<16xf32>,
      %add3A_653 = arith.constant 1 : i32
      %add3A_654 = vector.broadcast %add3A_653 : i32 to vector<16xi32>
      %add3A_655 = arith.addi %mul3A_647, %add3A_654 : vector<16xi32>
      %gather3A_656 = arith.constant 1 : i32
      %gather3A_657 = arith.constant 0 : i32
      %gather3A_658 = tpu.memref_slice %arg9[%gather3A_656, %gather3A_657] : memref<4x832xf32, #tpu.memory_space<vmem>> -> memref<1x832xf32, #tpu.memory_space<vmem>>
      %gather3A_659 = tpu.memref_squeeze %gather3A_658 : memref<1x832xf32, #tpu.memory_space<vmem>> -> memref<832xf32, #tpu.memory_space<vmem>>
      %gather3A_660 = tpu.vector_load_idx %gather3A_659[%add3A_655] : memref<832xf32, #tpu.memory_space<vmem>>[vector<16xi32>], vector<16xf32>,
      %add3A_661 = arith.addf %gather3A_652, %gather3A_660 : vector<16xf32>
      %add3A_662 = arith.constant 2 : i32
      %add3A_663 = vector.broadcast %add3A_662 : i32 to vector<16xi32>
      %add3A_664 = arith.addi %mul3A_647, %add3A_663 : vector<16xi32>
      %gather3A_665 = arith.constant 1 : i32
      %gather3A_666 = arith.constant 0 : i32
      %gather3A_667 = tpu.memref_slice %arg9[%gather3A_665, %gather3A_666] : memref<4x832xf32, #tpu.memory_space<vmem>> -> memref<1x832xf32, #tpu.memory_space<vmem>>
      %gather3A_668 = tpu.memref_squeeze %gather3A_667 : memref<1x832xf32, #tpu.memory_space<vmem>> -> memref<832xf32, #tpu.memory_space<vmem>>
      %gather3A_669 = tpu.vector_load_idx %gather3A_668[%add3A_664] : memref<832xf32, #tpu.memory_space<vmem>>[vector<16xi32>], vector<16xf32>,
      %add3A_670 = arith.addf %add3A_661, %gather3A_669 : vector<16xf32>
      %add3A_671 = arith.constant 3 : i32
      %add3A_672 = vector.broadcast %add3A_671 : i32 to vector<16xi32>
      %add3A_673 = arith.addi %mul3A_647, %add3A_672 : vector<16xi32>
      %gather3A_674 = arith.constant 1 : i32
      %gather3A_675 = arith.constant 0 : i32
      %gather3A_676 = tpu.memref_slice %arg9[%gather3A_674, %gather3A_675] : memref<4x832xf32, #tpu.memory_space<vmem>> -> memref<1x832xf32, #tpu.memory_space<vmem>>
      %gather3A_677 = tpu.memref_squeeze %gather3A_676 : memref<1x832xf32, #tpu.memory_space<vmem>> -> memref<832xf32, #tpu.memory_space<vmem>>
      %gather3A_678 = tpu.vector_load_idx %gather3A_677[%add3A_673] : memref<832xf32, #tpu.memory_space<vmem>>[vector<16xi32>], vector<16xf32>,
      %add3A_679 = arith.addf %add3A_670, %gather3A_678 : vector<16xf32>
      %add3A_680 = arith.constant 4 : i32
      %add3A_681 = vector.broadcast %add3A_680 : i32 to vector<16xi32>
      %add3A_682 = arith.addi %mul3A_647, %add3A_681 : vector<16xi32>
      %gather3A_683 = arith.constant 1 : i32
      %gather3A_684 = arith.constant 0 : i32
      %gather3A_685 = tpu.memref_slice %arg9[%gather3A_683, %gather3A_684] : memref<4x832xf32, #tpu.memory_space<vmem>> -> memref<1x832xf32, #tpu.memory_space<vmem>>
      %gather3A_686 = tpu.memref_squeeze %gather3A_685 : memref<1x832xf32, #tpu.memory_space<vmem>> -> memref<832xf32, #tpu.memory_space<vmem>>
      %gather3A_687 = tpu.vector_load_idx %gather3A_686[%add3A_682] : memref<832xf32, #tpu.memory_space<vmem>>[vector<16xi32>], vector<16xf32>,
      %add3A_688 = arith.addf %add3A_679, %gather3A_687 : vector<16xf32>
      %add3A_689 = arith.constant 5 : i32
      %add3A_690 = vector.broadcast %add3A_689 : i32 to vector<16xi32>
      %add3A_691 = arith.addi %mul3A_647, %add3A_690 : vector<16xi32>
      %gather3A_692 = arith.constant 1 : i32
      %gather3A_693 = arith.constant 0 : i32
      %gather3A_694 = tpu.memref_slice %arg9[%gather3A_692, %gather3A_693] : memref<4x832xf32, #tpu.memory_space<vmem>> -> memref<1x832xf32, #tpu.memory_space<vmem>>
      %gather3A_695 = tpu.memref_squeeze %gather3A_694 : memref<1x832xf32, #tpu.memory_space<vmem>> -> memref<832xf32, #tpu.memory_space<vmem>>
      %gather3A_696 = tpu.vector_load_idx %gather3A_695[%add3A_691] : memref<832xf32, #tpu.memory_space<vmem>>[vector<16xi32>], vector<16xf32>,
      %add3A_697 = arith.addf %add3A_688, %gather3A_696 : vector<16xf32>
      %add3A_698 = arith.constant 6 : i32
      %add3A_699 = vector.broadcast %add3A_698 : i32 to vector<16xi32>
      %add3A_700 = arith.addi %mul3A_647, %add3A_699 : vector<16xi32>
      %gather3A_701 = arith.constant 1 : i32
      %gather3A_702 = arith.constant 0 : i32
      %gather3A_703 = tpu.memref_slice %arg9[%gather3A_701, %gather3A_702] : memref<4x832xf32, #tpu.memory_space<vmem>> -> memref<1x832xf32, #tpu.memory_space<vmem>>
      %gather3A_704 = tpu.memref_squeeze %gather3A_703 : memref<1x832xf32, #tpu.memory_space<vmem>> -> memref<832xf32, #tpu.memory_space<vmem>>
      %gather3A_705 = tpu.vector_load_idx %gather3A_704[%add3A_700] : memref<832xf32, #tpu.memory_space<vmem>>[vector<16xi32>], vector<16xf32>,
      %add3A_706 = arith.addf %add3A_697, %gather3A_705 : vector<16xf32>
      %add3A_707 = arith.constant 7 : i32
      %add3A_708 = vector.broadcast %add3A_707 : i32 to vector<16xi32>
      %add3A_709 = arith.addi %mul3A_647, %add3A_708 : vector<16xi32>
      %gather3A_710 = arith.constant 1 : i32
      %gather3A_711 = arith.constant 0 : i32
      %gather3A_712 = tpu.memref_slice %arg9[%gather3A_710, %gather3A_711] : memref<4x832xf32, #tpu.memory_space<vmem>> -> memref<1x832xf32, #tpu.memory_space<vmem>>
      %gather3A_713 = tpu.memref_squeeze %gather3A_712 : memref<1x832xf32, #tpu.memory_space<vmem>> -> memref<832xf32, #tpu.memory_space<vmem>>
      %gather3A_714 = tpu.vector_load_idx %gather3A_713[%add3A_709] : memref<832xf32, #tpu.memory_space<vmem>>[vector<16xi32>], vector<16xf32>,
      %add3A_715 = arith.addf %add3A_706, %gather3A_714 : vector<16xf32>
      %add3A_716 = arith.constant 8 : i32
      %add3A_717 = vector.broadcast %add3A_716 : i32 to vector<16xi32>
      %add3A_718 = arith.addi %mul3A_647, %add3A_717 : vector<16xi32>
      %gather3A_719 = arith.constant 1 : i32
      %gather3A_720 = arith.constant 0 : i32
      %gather3A_721 = tpu.memref_slice %arg9[%gather3A_719, %gather3A_720] : memref<4x832xf32, #tpu.memory_space<vmem>> -> memref<1x832xf32, #tpu.memory_space<vmem>>
      %gather3A_722 = tpu.memref_squeeze %gather3A_721 : memref<1x832xf32, #tpu.memory_space<vmem>> -> memref<832xf32, #tpu.memory_space<vmem>>
      %gather3A_723 = tpu.vector_load_idx %gather3A_722[%add3A_718] : memref<832xf32, #tpu.memory_space<vmem>>[vector<16xi32>], vector<16xf32>,
      %add3A_724 = arith.addf %add3A_715, %gather3A_723 : vector<16xf32>
      %add3A_725 = arith.constant 9 : i32
      %add3A_726 = vector.broadcast %add3A_725 : i32 to vector<16xi32>
      %add3A_727 = arith.addi %mul3A_647, %add3A_726 : vector<16xi32>
      %gather3A_728 = arith.constant 1 : i32
      %gather3A_729 = arith.constant 0 : i32
      %gather3A_730 = tpu.memref_slice %arg9[%gather3A_728, %gather3A_729] : memref<4x832xf32, #tpu.memory_space<vmem>> -> memref<1x832xf32, #tpu.memory_space<vmem>>
      %gather3A_731 = tpu.memref_squeeze %gather3A_730 : memref<1x832xf32, #tpu.memory_space<vmem>> -> memref<832xf32, #tpu.memory_space<vmem>>
      %gather3A_732 = tpu.vector_load_idx %gather3A_731[%add3A_727] : memref<832xf32, #tpu.memory_space<vmem>>[vector<16xi32>], vector<16xf32>,
      %add3A_733 = arith.addf %add3A_724, %gather3A_732 : vector<16xf32>
      %add3A_734 = arith.constant 10 : i32
      %add3A_735 = vector.broadcast %add3A_734 : i32 to vector<16xi32>
      %add3A_736 = arith.addi %mul3A_647, %add3A_735 : vector<16xi32>
      %gather3A_737 = arith.constant 1 : i32
      %gather3A_738 = arith.constant 0 : i32
      %gather3A_739 = tpu.memref_slice %arg9[%gather3A_737, %gather3A_738] : memref<4x832xf32, #tpu.memory_space<vmem>> -> memref<1x832xf32, #tpu.memory_space<vmem>>
      %gather3A_740 = tpu.memref_squeeze %gather3A_739 : memref<1x832xf32, #tpu.memory_space<vmem>> -> memref<832xf32, #tpu.memory_space<vmem>>
      %gather3A_741 = tpu.vector_load_idx %gather3A_740[%add3A_736] : memref<832xf32, #tpu.memory_space<vmem>>[vector<16xi32>], vector<16xf32>,
      %add3A_742 = arith.addf %add3A_733, %gather3A_741 : vector<16xf32>
      %add3A_743 = arith.constant 11 : i32
      %add3A_744 = vector.broadcast %add3A_743 : i32 to vector<16xi32>
      %add3A_745 = arith.addi %mul3A_647, %add3A_744 : vector<16xi32>
      %gather3A_746 = arith.constant 1 : i32
      %gather3A_747 = arith.constant 0 : i32
      %gather3A_748 = tpu.memref_slice %arg9[%gather3A_746, %gather3A_747] : memref<4x832xf32, #tpu.memory_space<vmem>> -> memref<1x832xf32, #tpu.memory_space<vmem>>
      %gather3A_749 = tpu.memref_squeeze %gather3A_748 : memref<1x832xf32, #tpu.memory_space<vmem>> -> memref<832xf32, #tpu.memory_space<vmem>>
      %gather3A_750 = tpu.vector_load_idx %gather3A_749[%add3A_745] : memref<832xf32, #tpu.memory_space<vmem>>[vector<16xi32>], vector<16xf32>,
      %add3A_751 = arith.addf %add3A_742, %gather3A_750 : vector<16xf32>
      %add3A_752 = arith.constant 12 : i32
      %add3A_753 = vector.broadcast %add3A_752 : i32 to vector<16xi32>
      %add3A_754 = arith.addi %mul3A_647, %add3A_753 : vector<16xi32>
      %gather3A_755 = arith.constant 1 : i32
      %gather3A_756 = arith.constant 0 : i32
      %gather3A_757 = tpu.memref_slice %arg9[%gather3A_755, %gather3A_756] : memref<4x832xf32, #tpu.memory_space<vmem>> -> memref<1x832xf32, #tpu.memory_space<vmem>>
      %gather3A_758 = tpu.memref_squeeze %gather3A_757 : memref<1x832xf32, #tpu.memory_space<vmem>> -> memref<832xf32, #tpu.memory_space<vmem>>
      %gather3A_759 = tpu.vector_load_idx %gather3A_758[%add3A_754] : memref<832xf32, #tpu.memory_space<vmem>>[vector<16xi32>], vector<16xf32>,
      %add3A_760 = arith.addf %add3A_751, %gather3A_759 : vector<16xf32>
      %add3A_761 = arith.constant 13 : i32
      %add3A_762 = vector.broadcast %add3A_761 : i32 to vector<16xi32>
      %add3A_763 = arith.addi %mul3A_647, %add3A_762 : vector<16xi32>
      %gather3A_764 = arith.constant 1 : i32
      %gather3A_765 = arith.constant 0 : i32
      %gather3A_766 = tpu.memref_slice %arg9[%gather3A_764, %gather3A_765] : memref<4x832xf32, #tpu.memory_space<vmem>> -> memref<1x832xf32, #tpu.memory_space<vmem>>
      %gather3A_767 = tpu.memref_squeeze %gather3A_766 : memref<1x832xf32, #tpu.memory_space<vmem>> -> memref<832xf32, #tpu.memory_space<vmem>>
      %gather3A_768 = tpu.vector_load_idx %gather3A_767[%add3A_763] : memref<832xf32, #tpu.memory_space<vmem>>[vector<16xi32>], vector<16xf32>,
      %add3A_769 = arith.addf %add3A_760, %gather3A_768 : vector<16xf32>
      %add3A_770 = arith.constant 14 : i32
      %add3A_771 = vector.broadcast %add3A_770 : i32 to vector<16xi32>
      %add3A_772 = arith.addi %mul3A_647, %add3A_771 : vector<16xi32>
      %gather3A_773 = arith.constant 1 : i32
      %gather3A_774 = arith.constant 0 : i32
      %gather3A_775 = tpu.memref_slice %arg9[%gather3A_773, %gather3A_774] : memref<4x832xf32, #tpu.memory_space<vmem>> -> memref<1x832xf32, #tpu.memory_space<vmem>>
      %gather3A_776 = tpu.memref_squeeze %gather3A_775 : memref<1x832xf32, #tpu.memory_space<vmem>> -> memref<832xf32, #tpu.memory_space<vmem>>
      %gather3A_777 = tpu.vector_load_idx %gather3A_776[%add3A_772] : memref<832xf32, #tpu.memory_space<vmem>>[vector<16xi32>], vector<16xf32>,
      %add3A_778 = arith.addf %add3A_769, %gather3A_777 : vector<16xf32>
      %add3A_779 = arith.constant 15 : i32
      %add3A_780 = vector.broadcast %add3A_779 : i32 to vector<16xi32>
      %add3A_781 = arith.addi %mul3A_647, %add3A_780 : vector<16xi32>
      %gather3A_782 = arith.constant 1 : i32
      %gather3A_783 = arith.constant 0 : i32
      %gather3A_784 = tpu.memref_slice %arg9[%gather3A_782, %gather3A_783] : memref<4x832xf32, #tpu.memory_space<vmem>> -> memref<1x832xf32, #tpu.memory_space<vmem>>
      %gather3A_785 = tpu.memref_squeeze %gather3A_784 : memref<1x832xf32, #tpu.memory_space<vmem>> -> memref<832xf32, #tpu.memory_space<vmem>>
      %gather3A_786 = tpu.vector_load_idx %gather3A_785[%add3A_781] : memref<832xf32, #tpu.memory_space<vmem>>[vector<16xi32>], vector<16xf32>,
      %add3A_787 = arith.addf %add3A_778, %gather3A_786 : vector<16xf32>
      %add3A_788 = arith.constant 16 : i32
      %add3A_789 = vector.broadcast %add3A_788 : i32 to vector<16xi32>
      %add3A_790 = arith.addi %mul3A_647, %add3A_789 : vector<16xi32>
      %gather3A_791 = arith.constant 1 : i32
      %gather3A_792 = arith.constant 0 : i32
      %gather3A_793 = tpu.memref_slice %arg9[%gather3A_791, %gather3A_792] : memref<4x832xf32, #tpu.memory_space<vmem>> -> memref<1x832xf32, #tpu.memory_space<vmem>>
      %gather3A_794 = tpu.memref_squeeze %gather3A_793 : memref<1x832xf32, #tpu.memory_space<vmem>> -> memref<832xf32, #tpu.memory_space<vmem>>
      %gather3A_795 = tpu.vector_load_idx %gather3A_794[%add3A_790] : memref<832xf32, #tpu.memory_space<vmem>>[vector<16xi32>], vector<16xf32>,
      %add3A_796 = arith.addf %add3A_787, %gather3A_795 : vector<16xf32>
      %add3A_797 = arith.constant 17 : i32
      %add3A_798 = vector.broadcast %add3A_797 : i32 to vector<16xi32>
      %add3A_799 = arith.addi %mul3A_647, %add3A_798 : vector<16xi32>
      %gather3A_800 = arith.constant 1 : i32
      %gather3A_801 = arith.constant 0 : i32
      %gather3A_802 = tpu.memref_slice %arg9[%gather3A_800, %gather3A_801] : memref<4x832xf32, #tpu.memory_space<vmem>> -> memref<1x832xf32, #tpu.memory_space<vmem>>
      %gather3A_803 = tpu.memref_squeeze %gather3A_802 : memref<1x832xf32, #tpu.memory_space<vmem>> -> memref<832xf32, #tpu.memory_space<vmem>>
      %gather3A_804 = tpu.vector_load_idx %gather3A_803[%add3A_799] : memref<832xf32, #tpu.memory_space<vmem>>[vector<16xi32>], vector<16xf32>,
      %add3A_805 = arith.addf %add3A_796, %gather3A_804 : vector<16xf32>
      %add3A_806 = arith.constant 18 : i32
      %add3A_807 = vector.broadcast %add3A_806 : i32 to vector<16xi32>
      %add3A_808 = arith.addi %mul3A_647, %add3A_807 : vector<16xi32>
      %gather3A_809 = arith.constant 1 : i32
      %gather3A_810 = arith.constant 0 : i32
      %gather3A_811 = tpu.memref_slice %arg9[%gather3A_809, %gather3A_810] : memref<4x832xf32, #tpu.memory_space<vmem>> -> memref<1x832xf32, #tpu.memory_space<vmem>>
      %gather3A_812 = tpu.memref_squeeze %gather3A_811 : memref<1x832xf32, #tpu.memory_space<vmem>> -> memref<832xf32, #tpu.memory_space<vmem>>
      %gather3A_813 = tpu.vector_load_idx %gather3A_812[%add3A_808] : memref<832xf32, #tpu.memory_space<vmem>>[vector<16xi32>], vector<16xf32>,
      %add3A_814 = arith.addf %add3A_805, %gather3A_813 : vector<16xf32>
      %add3A_815 = arith.constant 19 : i32
      %add3A_816 = vector.broadcast %add3A_815 : i32 to vector<16xi32>
      %add3A_817 = arith.addi %mul3A_647, %add3A_816 : vector<16xi32>
      %gather3A_818 = arith.constant 1 : i32
      %gather3A_819 = arith.constant 0 : i32
      %gather3A_820 = tpu.memref_slice %arg9[%gather3A_818, %gather3A_819] : memref<4x832xf32, #tpu.memory_space<vmem>> -> memref<1x832xf32, #tpu.memory_space<vmem>>
      %gather3A_821 = tpu.memref_squeeze %gather3A_820 : memref<1x832xf32, #tpu.memory_space<vmem>> -> memref<832xf32, #tpu.memory_space<vmem>>
      %gather3A_822 = tpu.vector_load_idx %gather3A_821[%add3A_817] : memref<832xf32, #tpu.memory_space<vmem>>[vector<16xi32>], vector<16xf32>,
      %add3A_823 = arith.addf %add3A_814, %gather3A_822 : vector<16xf32>
      %add3A_824 = arith.constant 20 : i32
      %add3A_825 = vector.broadcast %add3A_824 : i32 to vector<16xi32>
      %add3A_826 = arith.addi %mul3A_647, %add3A_825 : vector<16xi32>
      %gather3A_827 = arith.constant 1 : i32
      %gather3A_828 = arith.constant 0 : i32
      %gather3A_829 = tpu.memref_slice %arg9[%gather3A_827, %gather3A_828] : memref<4x832xf32, #tpu.memory_space<vmem>> -> memref<1x832xf32, #tpu.memory_space<vmem>>
      %gather3A_830 = tpu.memref_squeeze %gather3A_829 : memref<1x832xf32, #tpu.memory_space<vmem>> -> memref<832xf32, #tpu.memory_space<vmem>>
      %gather3A_831 = tpu.vector_load_idx %gather3A_830[%add3A_826] : memref<832xf32, #tpu.memory_space<vmem>>[vector<16xi32>], vector<16xf32>,
      %add3A_832 = arith.addf %add3A_823, %gather3A_831 : vector<16xf32>
      %add3A_833 = arith.constant 21 : i32
      %add3A_834 = vector.broadcast %add3A_833 : i32 to vector<16xi32>
      %add3A_835 = arith.addi %mul3A_647, %add3A_834 : vector<16xi32>
      %gather3A_836 = arith.constant 1 : i32
      %gather3A_837 = arith.constant 0 : i32
      %gather3A_838 = tpu.memref_slice %arg9[%gather3A_836, %gather3A_837] : memref<4x832xf32, #tpu.memory_space<vmem>> -> memref<1x832xf32, #tpu.memory_space<vmem>>
      %gather3A_839 = tpu.memref_squeeze %gather3A_838 : memref<1x832xf32, #tpu.memory_space<vmem>> -> memref<832xf32, #tpu.memory_space<vmem>>
      %gather3A_840 = tpu.vector_load_idx %gather3A_839[%add3A_835] : memref<832xf32, #tpu.memory_space<vmem>>[vector<16xi32>], vector<16xf32>,
      %add3A_841 = arith.addf %add3A_832, %gather3A_840 : vector<16xf32>
      %add3A_842 = arith.constant 22 : i32
      %add3A_843 = vector.broadcast %add3A_842 : i32 to vector<16xi32>
      %add3A_844 = arith.addi %mul3A_647, %add3A_843 : vector<16xi32>
      %gather3A_845 = arith.constant 1 : i32
      %gather3A_846 = arith.constant 0 : i32
      %gather3A_847 = tpu.memref_slice %arg9[%gather3A_845, %gather3A_846] : memref<4x832xf32, #tpu.memory_space<vmem>> -> memref<1x832xf32, #tpu.memory_space<vmem>>
      %gather3A_848 = tpu.memref_squeeze %gather3A_847 : memref<1x832xf32, #tpu.memory_space<vmem>> -> memref<832xf32, #tpu.memory_space<vmem>>
      %gather3A_849 = tpu.vector_load_idx %gather3A_848[%add3A_844] : memref<832xf32, #tpu.memory_space<vmem>>[vector<16xi32>], vector<16xf32>,
      %add3A_850 = arith.addf %add3A_841, %gather3A_849 : vector<16xf32>
      %add3A_851 = arith.constant 23 : i32
      %add3A_852 = vector.broadcast %add3A_851 : i32 to vector<16xi32>
      %add3A_853 = arith.addi %mul3A_647, %add3A_852 : vector<16xi32>
      %gather3A_854 = arith.constant 1 : i32
      %gather3A_855 = arith.constant 0 : i32
      %gather3A_856 = tpu.memref_slice %arg9[%gather3A_854, %gather3A_855] : memref<4x832xf32, #tpu.memory_space<vmem>> -> memref<1x832xf32, #tpu.memory_space<vmem>>
      %gather3A_857 = tpu.memref_squeeze %gather3A_856 : memref<1x832xf32, #tpu.memory_space<vmem>> -> memref<832xf32, #tpu.memory_space<vmem>>
      %gather3A_858 = tpu.vector_load_idx %gather3A_857[%add3A_853] : memref<832xf32, #tpu.memory_space<vmem>>[vector<16xi32>], vector<16xf32>,
      %add3A_859 = arith.addf %add3A_850, %gather3A_858 : vector<16xf32>
      %add3A_860 = arith.constant 24 : i32
      %add3A_861 = vector.broadcast %add3A_860 : i32 to vector<16xi32>
      %add3A_862 = arith.addi %mul3A_647, %add3A_861 : vector<16xi32>
      %gather3A_863 = arith.constant 1 : i32
      %gather3A_864 = arith.constant 0 : i32
      %gather3A_865 = tpu.memref_slice %arg9[%gather3A_863, %gather3A_864] : memref<4x832xf32, #tpu.memory_space<vmem>> -> memref<1x832xf32, #tpu.memory_space<vmem>>
      %gather3A_866 = tpu.memref_squeeze %gather3A_865 : memref<1x832xf32, #tpu.memory_space<vmem>> -> memref<832xf32, #tpu.memory_space<vmem>>
      %gather3A_867 = tpu.vector_load_idx %gather3A_866[%add3A_862] : memref<832xf32, #tpu.memory_space<vmem>>[vector<16xi32>], vector<16xf32>,
      %add3A_868 = arith.addf %add3A_859, %gather3A_867 : vector<16xf32>
      %add3A_869 = arith.constant 25 : i32
      %add3A_870 = vector.broadcast %add3A_869 : i32 to vector<16xi32>
      %add3A_871 = arith.addi %mul3A_647, %add3A_870 : vector<16xi32>
      %gather3A_872 = arith.constant 1 : i32
      %gather3A_873 = arith.constant 0 : i32
      %gather3A_874 = tpu.memref_slice %arg9[%gather3A_872, %gather3A_873] : memref<4x832xf32, #tpu.memory_space<vmem>> -> memref<1x832xf32, #tpu.memory_space<vmem>>
      %gather3A_875 = tpu.memref_squeeze %gather3A_874 : memref<1x832xf32, #tpu.memory_space<vmem>> -> memref<832xf32, #tpu.memory_space<vmem>>
      %gather3A_876 = tpu.vector_load_idx %gather3A_875[%add3A_871] : memref<832xf32, #tpu.memory_space<vmem>>[vector<16xi32>], vector<16xf32>,
      %add3A_877 = arith.addf %add3A_868, %gather3A_876 : vector<16xf32>
      %mul3A_878 = arith.constant 32 : i32
      %mul3A_879 = arith.muli %add3A_614, %mul3A_878 : i32
      %add3A_880 = arith.constant 0 : i32
      %add3A_881 = arith.addi %mul3A_879, %add3A_880 : i32
      %swap3A_882 = arith.index_cast %add3A_881 : i32 to index
      %swap3A_883 = tpu.vector_load %arg11[%swap3A_882] {strides = array<i32>} : memref<512xf32, #tpu.memory_space<vmem>>, vector<16xf32>,
      tpu.vector_store %arg11[%swap3A_882], %add3A_877 {strides = array<i32>} : memref<512xf32, #tpu.memory_space<vmem>>, vector<16xf32>,
      %add3A_884 = arith.constant 16 : i32
      %add3A_885 = vector.broadcast %add3A_884 : i32 to vector<16xi32>
      %add3A_886 = arith.addi %add3A_885, %iota3A_641 : vector<16xi32>
      %mul3A_887 = arith.constant 26 : i32
      %mul3A_888 = vector.broadcast %mul3A_887 : i32 to vector<16xi32>
      %mul3A_889 = arith.muli %add3A_886, %mul3A_888 : vector<16xi32>
      %gather3A_890 = arith.constant 1 : i32
      %gather3A_891 = arith.constant 0 : i32
      %gather3A_892 = tpu.memref_slice %arg9[%gather3A_890, %gather3A_891] : memref<4x832xf32, #tpu.memory_space<vmem>> -> memref<1x832xf32, #tpu.memory_space<vmem>>
      %gather3A_893 = tpu.memref_squeeze %gather3A_892 : memref<1x832xf32, #tpu.memory_space<vmem>> -> memref<832xf32, #tpu.memory_space<vmem>>
      %gather3A_894 = tpu.vector_load_idx %gather3A_893[%mul3A_889] : memref<832xf32, #tpu.memory_space<vmem>>[vector<16xi32>], vector<16xf32>,
      %add3A_895 = arith.constant 1 : i32
      %add3A_896 = vector.broadcast %add3A_895 : i32 to vector<16xi32>
      %add3A_897 = arith.addi %mul3A_889, %add3A_896 : vector<16xi32>
      %gather3A_898 = arith.constant 1 : i32
      %gather3A_899 = arith.constant 0 : i32
      %gather3A_900 = tpu.memref_slice %arg9[%gather3A_898, %gather3A_899] : memref<4x832xf32, #tpu.memory_space<vmem>> -> memref<1x832xf32, #tpu.memory_space<vmem>>
      %gather3A_901 = tpu.memref_squeeze %gather3A_900 : memref<1x832xf32, #tpu.memory_space<vmem>> -> memref<832xf32, #tpu.memory_space<vmem>>
      %gather3A_902 = tpu.vector_load_idx %gather3A_901[%add3A_897] : memref<832xf32, #tpu.memory_space<vmem>>[vector<16xi32>], vector<16xf32>,
      %add3A_903 = arith.addf %gather3A_894, %gather3A_902 : vector<16xf32>
      %add3A_904 = arith.constant 2 : i32
      %add3A_905 = vector.broadcast %add3A_904 : i32 to vector<16xi32>
      %add3A_906 = arith.addi %mul3A_889, %add3A_905 : vector<16xi32>
      %gather3A_907 = arith.constant 1 : i32
      %gather3A_908 = arith.constant 0 : i32
      %gather3A_909 = tpu.memref_slice %arg9[%gather3A_907, %gather3A_908] : memref<4x832xf32, #tpu.memory_space<vmem>> -> memref<1x832xf32, #tpu.memory_space<vmem>>
      %gather3A_910 = tpu.memref_squeeze %gather3A_909 : memref<1x832xf32, #tpu.memory_space<vmem>> -> memref<832xf32, #tpu.memory_space<vmem>>
      %gather3A_911 = tpu.vector_load_idx %gather3A_910[%add3A_906] : memref<832xf32, #tpu.memory_space<vmem>>[vector<16xi32>], vector<16xf32>,
      %add3A_912 = arith.addf %add3A_903, %gather3A_911 : vector<16xf32>
      %add3A_913 = arith.constant 3 : i32
      %add3A_914 = vector.broadcast %add3A_913 : i32 to vector<16xi32>
      %add3A_915 = arith.addi %mul3A_889, %add3A_914 : vector<16xi32>
      %gather3A_916 = arith.constant 1 : i32
      %gather3A_917 = arith.constant 0 : i32
      %gather3A_918 = tpu.memref_slice %arg9[%gather3A_916, %gather3A_917] : memref<4x832xf32, #tpu.memory_space<vmem>> -> memref<1x832xf32, #tpu.memory_space<vmem>>
      %gather3A_919 = tpu.memref_squeeze %gather3A_918 : memref<1x832xf32, #tpu.memory_space<vmem>> -> memref<832xf32, #tpu.memory_space<vmem>>
      %gather3A_920 = tpu.vector_load_idx %gather3A_919[%add3A_915] : memref<832xf32, #tpu.memory_space<vmem>>[vector<16xi32>], vector<16xf32>,
      %add3A_921 = arith.addf %add3A_912, %gather3A_920 : vector<16xf32>
      %add3A_922 = arith.constant 4 : i32
      %add3A_923 = vector.broadcast %add3A_922 : i32 to vector<16xi32>
      %add3A_924 = arith.addi %mul3A_889, %add3A_923 : vector<16xi32>
      %gather3A_925 = arith.constant 1 : i32
      %gather3A_926 = arith.constant 0 : i32
      %gather3A_927 = tpu.memref_slice %arg9[%gather3A_925, %gather3A_926] : memref<4x832xf32, #tpu.memory_space<vmem>> -> memref<1x832xf32, #tpu.memory_space<vmem>>
      %gather3A_928 = tpu.memref_squeeze %gather3A_927 : memref<1x832xf32, #tpu.memory_space<vmem>> -> memref<832xf32, #tpu.memory_space<vmem>>
      %gather3A_929 = tpu.vector_load_idx %gather3A_928[%add3A_924] : memref<832xf32, #tpu.memory_space<vmem>>[vector<16xi32>], vector<16xf32>,
      %add3A_930 = arith.addf %add3A_921, %gather3A_929 : vector<16xf32>
      %add3A_931 = arith.constant 5 : i32
      %add3A_932 = vector.broadcast %add3A_931 : i32 to vector<16xi32>
      %add3A_933 = arith.addi %mul3A_889, %add3A_932 : vector<16xi32>
      %gather3A_934 = arith.constant 1 : i32
      %gather3A_935 = arith.constant 0 : i32
      %gather3A_936 = tpu.memref_slice %arg9[%gather3A_934, %gather3A_935] : memref<4x832xf32, #tpu.memory_space<vmem>> -> memref<1x832xf32, #tpu.memory_space<vmem>>
      %gather3A_937 = tpu.memref_squeeze %gather3A_936 : memref<1x832xf32, #tpu.memory_space<vmem>> -> memref<832xf32, #tpu.memory_space<vmem>>
      %gather3A_938 = tpu.vector_load_idx %gather3A_937[%add3A_933] : memref<832xf32, #tpu.memory_space<vmem>>[vector<16xi32>], vector<16xf32>,
      %add3A_939 = arith.addf %add3A_930, %gather3A_938 : vector<16xf32>
      %add3A_940 = arith.constant 6 : i32
      %add3A_941 = vector.broadcast %add3A_940 : i32 to vector<16xi32>
      %add3A_942 = arith.addi %mul3A_889, %add3A_941 : vector<16xi32>
      %gather3A_943 = arith.constant 1 : i32
      %gather3A_944 = arith.constant 0 : i32
      %gather3A_945 = tpu.memref_slice %arg9[%gather3A_943, %gather3A_944] : memref<4x832xf32, #tpu.memory_space<vmem>> -> memref<1x832xf32, #tpu.memory_space<vmem>>
      %gather3A_946 = tpu.memref_squeeze %gather3A_945 : memref<1x832xf32, #tpu.memory_space<vmem>> -> memref<832xf32, #tpu.memory_space<vmem>>
      %gather3A_947 = tpu.vector_load_idx %gather3A_946[%add3A_942] : memref<832xf32, #tpu.memory_space<vmem>>[vector<16xi32>], vector<16xf32>,
      %add3A_948 = arith.addf %add3A_939, %gather3A_947 : vector<16xf32>
      %add3A_949 = arith.constant 7 : i32
      %add3A_950 = vector.broadcast %add3A_949 : i32 to vector<16xi32>
      %add3A_951 = arith.addi %mul3A_889, %add3A_950 : vector<16xi32>
      %gather3A_952 = arith.constant 1 : i32
      %gather3A_953 = arith.constant 0 : i32
      %gather3A_954 = tpu.memref_slice %arg9[%gather3A_952, %gather3A_953] : memref<4x832xf32, #tpu.memory_space<vmem>> -> memref<1x832xf32, #tpu.memory_space<vmem>>
      %gather3A_955 = tpu.memref_squeeze %gather3A_954 : memref<1x832xf32, #tpu.memory_space<vmem>> -> memref<832xf32, #tpu.memory_space<vmem>>
      %gather3A_956 = tpu.vector_load_idx %gather3A_955[%add3A_951] : memref<832xf32, #tpu.memory_space<vmem>>[vector<16xi32>], vector<16xf32>,
      %add3A_957 = arith.addf %add3A_948, %gather3A_956 : vector<16xf32>
      %add3A_958 = arith.constant 8 : i32
      %add3A_959 = vector.broadcast %add3A_958 : i32 to vector<16xi32>
      %add3A_960 = arith.addi %mul3A_889, %add3A_959 : vector<16xi32>
      %gather3A_961 = arith.constant 1 : i32
      %gather3A_962 = arith.constant 0 : i32
      %gather3A_963 = tpu.memref_slice %arg9[%gather3A_961, %gather3A_962] : memref<4x832xf32, #tpu.memory_space<vmem>> -> memref<1x832xf32, #tpu.memory_space<vmem>>
      %gather3A_964 = tpu.memref_squeeze %gather3A_963 : memref<1x832xf32, #tpu.memory_space<vmem>> -> memref<832xf32, #tpu.memory_space<vmem>>
      %gather3A_965 = tpu.vector_load_idx %gather3A_964[%add3A_960] : memref<832xf32, #tpu.memory_space<vmem>>[vector<16xi32>], vector<16xf32>,
      %add3A_966 = arith.addf %add3A_957, %gather3A_965 : vector<16xf32>
      %add3A_967 = arith.constant 9 : i32
      %add3A_968 = vector.broadcast %add3A_967 : i32 to vector<16xi32>
      %add3A_969 = arith.addi %mul3A_889, %add3A_968 : vector<16xi32>
      %gather3A_970 = arith.constant 1 : i32
      %gather3A_971 = arith.constant 0 : i32
      %gather3A_972 = tpu.memref_slice %arg9[%gather3A_970, %gather3A_971] : memref<4x832xf32, #tpu.memory_space<vmem>> -> memref<1x832xf32, #tpu.memory_space<vmem>>
      %gather3A_973 = tpu.memref_squeeze %gather3A_972 : memref<1x832xf32, #tpu.memory_space<vmem>> -> memref<832xf32, #tpu.memory_space<vmem>>
      %gather3A_974 = tpu.vector_load_idx %gather3A_973[%add3A_969] : memref<832xf32, #tpu.memory_space<vmem>>[vector<16xi32>], vector<16xf32>,
      %add3A_975 = arith.addf %add3A_966, %gather3A_974 : vector<16xf32>
      %add3A_976 = arith.constant 10 : i32
      %add3A_977 = vector.broadcast %add3A_976 : i32 to vector<16xi32>
      %add3A_978 = arith.addi %mul3A_889, %add3A_977 : vector<16xi32>
      %gather3A_979 = arith.constant 1 : i32
      %gather3A_980 = arith.constant 0 : i32
      %gather3A_981 = tpu.memref_slice %arg9[%gather3A_979, %gather3A_980] : memref<4x832xf32, #tpu.memory_space<vmem>> -> memref<1x832xf32, #tpu.memory_space<vmem>>
      %gather3A_982 = tpu.memref_squeeze %gather3A_981 : memref<1x832xf32, #tpu.memory_space<vmem>> -> memref<832xf32, #tpu.memory_space<vmem>>
      %gather3A_983 = tpu.vector_load_idx %gather3A_982[%add3A_978] : memref<832xf32, #tpu.memory_space<vmem>>[vector<16xi32>], vector<16xf32>,
      %add3A_984 = arith.addf %add3A_975, %gather3A_983 : vector<16xf32>
      %add3A_985 = arith.constant 11 : i32
      %add3A_986 = vector.broadcast %add3A_985 : i32 to vector<16xi32>
      %add3A_987 = arith.addi %mul3A_889, %add3A_986 : vector<16xi32>
      %gather3A_988 = arith.constant 1 : i32
      %gather3A_989 = arith.constant 0 : i32
      %gather3A_990 = tpu.memref_slice %arg9[%gather3A_988, %gather3A_989] : memref<4x832xf32, #tpu.memory_space<vmem>> -> memref<1x832xf32, #tpu.memory_space<vmem>>
      %gather3A_991 = tpu.memref_squeeze %gather3A_990 : memref<1x832xf32, #tpu.memory_space<vmem>> -> memref<832xf32, #tpu.memory_space<vmem>>
      %gather3A_992 = tpu.vector_load_idx %gather3A_991[%add3A_987] : memref<832xf32, #tpu.memory_space<vmem>>[vector<16xi32>], vector<16xf32>,
      %add3A_993 = arith.addf %add3A_984, %gather3A_992 : vector<16xf32>
      %add3A_994 = arith.constant 12 : i32
      %add3A_995 = vector.broadcast %add3A_994 : i32 to vector<16xi32>
      %add3A_996 = arith.addi %mul3A_889, %add3A_995 : vector<16xi32>
      %gather3A_997 = arith.constant 1 : i32
      %gather3A_998 = arith.constant 0 : i32
      %gather3A_999 = tpu.memref_slice %arg9[%gather3A_997, %gather3A_998] : memref<4x832xf32, #tpu.memory_space<vmem>> -> memref<1x832xf32, #tpu.memory_space<vmem>>
      %gather3A_1000 = tpu.memref_squeeze %gather3A_999 : memref<1x832xf32, #tpu.memory_space<vmem>> -> memref<832xf32, #tpu.memory_space<vmem>>
      %gather3A_1001 = tpu.vector_load_idx %gather3A_1000[%add3A_996] : memref<832xf32, #tpu.memory_space<vmem>>[vector<16xi32>], vector<16xf32>,
      %add3A_1002 = arith.addf %add3A_993, %gather3A_1001 : vector<16xf32>
      %add3A_1003 = arith.constant 13 : i32
      %add3A_1004 = vector.broadcast %add3A_1003 : i32 to vector<16xi32>
      %add3A_1005 = arith.addi %mul3A_889, %add3A_1004 : vector<16xi32>
      %gather3A_1006 = arith.constant 1 : i32
      %gather3A_1007 = arith.constant 0 : i32
      %gather3A_1008 = tpu.memref_slice %arg9[%gather3A_1006, %gather3A_1007] : memref<4x832xf32, #tpu.memory_space<vmem>> -> memref<1x832xf32, #tpu.memory_space<vmem>>
      %gather3A_1009 = tpu.memref_squeeze %gather3A_1008 : memref<1x832xf32, #tpu.memory_space<vmem>> -> memref<832xf32, #tpu.memory_space<vmem>>
      %gather3A_1010 = tpu.vector_load_idx %gather3A_1009[%add3A_1005] : memref<832xf32, #tpu.memory_space<vmem>>[vector<16xi32>], vector<16xf32>,
      %add3A_1011 = arith.addf %add3A_1002, %gather3A_1010 : vector<16xf32>
      %add3A_1012 = arith.constant 14 : i32
      %add3A_1013 = vector.broadcast %add3A_1012 : i32 to vector<16xi32>
      %add3A_1014 = arith.addi %mul3A_889, %add3A_1013 : vector<16xi32>
      %gather3A_1015 = arith.constant 1 : i32
      %gather3A_1016 = arith.constant 0 : i32
      %gather3A_1017 = tpu.memref_slice %arg9[%gather3A_1015, %gather3A_1016] : memref<4x832xf32, #tpu.memory_space<vmem>> -> memref<1x832xf32, #tpu.memory_space<vmem>>
      %gather3A_1018 = tpu.memref_squeeze %gather3A_1017 : memref<1x832xf32, #tpu.memory_space<vmem>> -> memref<832xf32, #tpu.memory_space<vmem>>
      %gather3A_1019 = tpu.vector_load_idx %gather3A_1018[%add3A_1014] : memref<832xf32, #tpu.memory_space<vmem>>[vector<16xi32>], vector<16xf32>,
      %add3A_1020 = arith.addf %add3A_1011, %gather3A_1019 : vector<16xf32>
      %add3A_1021 = arith.constant 15 : i32
      %add3A_1022 = vector.broadcast %add3A_1021 : i32 to vector<16xi32>
      %add3A_1023 = arith.addi %mul3A_889, %add3A_1022 : vector<16xi32>
      %gather3A_1024 = arith.constant 1 : i32
      %gather3A_1025 = arith.constant 0 : i32
      %gather3A_1026 = tpu.memref_slice %arg9[%gather3A_1024, %gather3A_1025] : memref<4x832xf32, #tpu.memory_space<vmem>> -> memref<1x832xf32, #tpu.memory_space<vmem>>
      %gather3A_1027 = tpu.memref_squeeze %gather3A_1026 : memref<1x832xf32, #tpu.memory_space<vmem>> -> memref<832xf32, #tpu.memory_space<vmem>>
      %gather3A_1028 = tpu.vector_load_idx %gather3A_1027[%add3A_1023] : memref<832xf32, #tpu.memory_space<vmem>>[vector<16xi32>], vector<16xf32>,
      %add3A_1029 = arith.addf %add3A_1020, %gather3A_1028 : vector<16xf32>
      %add3A_1030 = arith.constant 16 : i32
      %add3A_1031 = vector.broadcast %add3A_1030 : i32 to vector<16xi32>
      %add3A_1032 = arith.addi %mul3A_889, %add3A_1031 : vector<16xi32>
      %gather3A_1033 = arith.constant 1 : i32
      %gather3A_1034 = arith.constant 0 : i32
      %gather3A_1035 = tpu.memref_slice %arg9[%gather3A_1033, %gather3A_1034] : memref<4x832xf32, #tpu.memory_space<vmem>> -> memref<1x832xf32, #tpu.memory_space<vmem>>
      %gather3A_1036 = tpu.memref_squeeze %gather3A_1035 : memref<1x832xf32, #tpu.memory_space<vmem>> -> memref<832xf32, #tpu.memory_space<vmem>>
      %gather3A_1037 = tpu.vector_load_idx %gather3A_1036[%add3A_1032] : memref<832xf32, #tpu.memory_space<vmem>>[vector<16xi32>], vector<16xf32>,
      %add3A_1038 = arith.addf %add3A_1029, %gather3A_1037 : vector<16xf32>
      %add3A_1039 = arith.constant 17 : i32
      %add3A_1040 = vector.broadcast %add3A_1039 : i32 to vector<16xi32>
      %add3A_1041 = arith.addi %mul3A_889, %add3A_1040 : vector<16xi32>
      %gather3A_1042 = arith.constant 1 : i32
      %gather3A_1043 = arith.constant 0 : i32
      %gather3A_1044 = tpu.memref_slice %arg9[%gather3A_1042, %gather3A_1043] : memref<4x832xf32, #tpu.memory_space<vmem>> -> memref<1x832xf32, #tpu.memory_space<vmem>>
      %gather3A_1045 = tpu.memref_squeeze %gather3A_1044 : memref<1x832xf32, #tpu.memory_space<vmem>> -> memref<832xf32, #tpu.memory_space<vmem>>
      %gather3A_1046 = tpu.vector_load_idx %gather3A_1045[%add3A_1041] : memref<832xf32, #tpu.memory_space<vmem>>[vector<16xi32>], vector<16xf32>,
      %add3A_1047 = arith.addf %add3A_1038, %gather3A_1046 : vector<16xf32>
      %add3A_1048 = arith.constant 18 : i32
      %add3A_1049 = vector.broadcast %add3A_1048 : i32 to vector<16xi32>
      %add3A_1050 = arith.addi %mul3A_889, %add3A_1049 : vector<16xi32>
      %gather3A_1051 = arith.constant 1 : i32
      %gather3A_1052 = arith.constant 0 : i32
      %gather3A_1053 = tpu.memref_slice %arg9[%gather3A_1051, %gather3A_1052] : memref<4x832xf32, #tpu.memory_space<vmem>> -> memref<1x832xf32, #tpu.memory_space<vmem>>
      %gather3A_1054 = tpu.memref_squeeze %gather3A_1053 : memref<1x832xf32, #tpu.memory_space<vmem>> -> memref<832xf32, #tpu.memory_space<vmem>>
      %gather3A_1055 = tpu.vector_load_idx %gather3A_1054[%add3A_1050] : memref<832xf32, #tpu.memory_space<vmem>>[vector<16xi32>], vector<16xf32>,
      %add3A_1056 = arith.addf %add3A_1047, %gather3A_1055 : vector<16xf32>
      %add3A_1057 = arith.constant 19 : i32
      %add3A_1058 = vector.broadcast %add3A_1057 : i32 to vector<16xi32>
      %add3A_1059 = arith.addi %mul3A_889, %add3A_1058 : vector<16xi32>
      %gather3A_1060 = arith.constant 1 : i32
      %gather3A_1061 = arith.constant 0 : i32
      %gather3A_1062 = tpu.memref_slice %arg9[%gather3A_1060, %gather3A_1061] : memref<4x832xf32, #tpu.memory_space<vmem>> -> memref<1x832xf32, #tpu.memory_space<vmem>>
      %gather3A_1063 = tpu.memref_squeeze %gather3A_1062 : memref<1x832xf32, #tpu.memory_space<vmem>> -> memref<832xf32, #tpu.memory_space<vmem>>
      %gather3A_1064 = tpu.vector_load_idx %gather3A_1063[%add3A_1059] : memref<832xf32, #tpu.memory_space<vmem>>[vector<16xi32>], vector<16xf32>,
      %add3A_1065 = arith.addf %add3A_1056, %gather3A_1064 : vector<16xf32>
      %add3A_1066 = arith.constant 20 : i32
      %add3A_1067 = vector.broadcast %add3A_1066 : i32 to vector<16xi32>
      %add3A_1068 = arith.addi %mul3A_889, %add3A_1067 : vector<16xi32>
      %gather3A_1069 = arith.constant 1 : i32
      %gather3A_1070 = arith.constant 0 : i32
      %gather3A_1071 = tpu.memref_slice %arg9[%gather3A_1069, %gather3A_1070] : memref<4x832xf32, #tpu.memory_space<vmem>> -> memref<1x832xf32, #tpu.memory_space<vmem>>
      %gather3A_1072 = tpu.memref_squeeze %gather3A_1071 : memref<1x832xf32, #tpu.memory_space<vmem>> -> memref<832xf32, #tpu.memory_space<vmem>>
      %gather3A_1073 = tpu.vector_load_idx %gather3A_1072[%add3A_1068] : memref<832xf32, #tpu.memory_space<vmem>>[vector<16xi32>], vector<16xf32>,
      %add3A_1074 = arith.addf %add3A_1065, %gather3A_1073 : vector<16xf32>
      %add3A_1075 = arith.constant 21 : i32
      %add3A_1076 = vector.broadcast %add3A_1075 : i32 to vector<16xi32>
      %add3A_1077 = arith.addi %mul3A_889, %add3A_1076 : vector<16xi32>
      %gather3A_1078 = arith.constant 1 : i32
      %gather3A_1079 = arith.constant 0 : i32
      %gather3A_1080 = tpu.memref_slice %arg9[%gather3A_1078, %gather3A_1079] : memref<4x832xf32, #tpu.memory_space<vmem>> -> memref<1x832xf32, #tpu.memory_space<vmem>>
      %gather3A_1081 = tpu.memref_squeeze %gather3A_1080 : memref<1x832xf32, #tpu.memory_space<vmem>> -> memref<832xf32, #tpu.memory_space<vmem>>
      %gather3A_1082 = tpu.vector_load_idx %gather3A_1081[%add3A_1077] : memref<832xf32, #tpu.memory_space<vmem>>[vector<16xi32>], vector<16xf32>,
      %add3A_1083 = arith.addf %add3A_1074, %gather3A_1082 : vector<16xf32>
      %add3A_1084 = arith.constant 22 : i32
      %add3A_1085 = vector.broadcast %add3A_1084 : i32 to vector<16xi32>
      %add3A_1086 = arith.addi %mul3A_889, %add3A_1085 : vector<16xi32>
      %gather3A_1087 = arith.constant 1 : i32
      %gather3A_1088 = arith.constant 0 : i32
      %gather3A_1089 = tpu.memref_slice %arg9[%gather3A_1087, %gather3A_1088] : memref<4x832xf32, #tpu.memory_space<vmem>> -> memref<1x832xf32, #tpu.memory_space<vmem>>
      %gather3A_1090 = tpu.memref_squeeze %gather3A_1089 : memref<1x832xf32, #tpu.memory_space<vmem>> -> memref<832xf32, #tpu.memory_space<vmem>>
      %gather3A_1091 = tpu.vector_load_idx %gather3A_1090[%add3A_1086] : memref<832xf32, #tpu.memory_space<vmem>>[vector<16xi32>], vector<16xf32>,
      %add3A_1092 = arith.addf %add3A_1083, %gather3A_1091 : vector<16xf32>
      %add3A_1093 = arith.constant 23 : i32
      %add3A_1094 = vector.broadcast %add3A_1093 : i32 to vector<16xi32>
      %add3A_1095 = arith.addi %mul3A_889, %add3A_1094 : vector<16xi32>
      %gather3A_1096 = arith.constant 1 : i32
      %gather3A_1097 = arith.constant 0 : i32
      %gather3A_1098 = tpu.memref_slice %arg9[%gather3A_1096, %gather3A_1097] : memref<4x832xf32, #tpu.memory_space<vmem>> -> memref<1x832xf32, #tpu.memory_space<vmem>>
      %gather3A_1099 = tpu.memref_squeeze %gather3A_1098 : memref<1x832xf32, #tpu.memory_space<vmem>> -> memref<832xf32, #tpu.memory_space<vmem>>
      %gather3A_1100 = tpu.vector_load_idx %gather3A_1099[%add3A_1095] : memref<832xf32, #tpu.memory_space<vmem>>[vector<16xi32>], vector<16xf32>,
      %add3A_1101 = arith.addf %add3A_1092, %gather3A_1100 : vector<16xf32>
      %add3A_1102 = arith.constant 24 : i32
      %add3A_1103 = vector.broadcast %add3A_1102 : i32 to vector<16xi32>
      %add3A_1104 = arith.addi %mul3A_889, %add3A_1103 : vector<16xi32>
      %gather3A_1105 = arith.constant 1 : i32
      %gather3A_1106 = arith.constant 0 : i32
      %gather3A_1107 = tpu.memref_slice %arg9[%gather3A_1105, %gather3A_1106] : memref<4x832xf32, #tpu.memory_space<vmem>> -> memref<1x832xf32, #tpu.memory_space<vmem>>
      %gather3A_1108 = tpu.memref_squeeze %gather3A_1107 : memref<1x832xf32, #tpu.memory_space<vmem>> -> memref<832xf32, #tpu.memory_space<vmem>>
      %gather3A_1109 = tpu.vector_load_idx %gather3A_1108[%add3A_1104] : memref<832xf32, #tpu.memory_space<vmem>>[vector<16xi32>], vector<16xf32>,
      %add3A_1110 = arith.addf %add3A_1101, %gather3A_1109 : vector<16xf32>
      %add3A_1111 = arith.constant 25 : i32
      %add3A_1112 = vector.broadcast %add3A_1111 : i32 to vector<16xi32>
      %add3A_1113 = arith.addi %mul3A_889, %add3A_1112 : vector<16xi32>
      %gather3A_1114 = arith.constant 1 : i32
      %gather3A_1115 = arith.constant 0 : i32
      %gather3A_1116 = tpu.memref_slice %arg9[%gather3A_1114, %gather3A_1115] : memref<4x832xf32, #tpu.memory_space<vmem>> -> memref<1x832xf32, #tpu.memory_space<vmem>>
      %gather3A_1117 = tpu.memref_squeeze %gather3A_1116 : memref<1x832xf32, #tpu.memory_space<vmem>> -> memref<832xf32, #tpu.memory_space<vmem>>
      %gather3A_1118 = tpu.vector_load_idx %gather3A_1117[%add3A_1113] : memref<832xf32, #tpu.memory_space<vmem>>[vector<16xi32>], vector<16xf32>,
      %add3A_1119 = arith.addf %add3A_1110, %gather3A_1118 : vector<16xf32>
      %mul3A_1120 = arith.constant 32 : i32
      %mul3A_1121 = arith.muli %add3A_614, %mul3A_1120 : i32
      %add3A_1122 = arith.constant 16 : i32
      %add3A_1123 = arith.addi %mul3A_1121, %add3A_1122 : i32
      %swap3A_1124 = arith.index_cast %add3A_1123 : i32 to index
      %swap3A_1125 = tpu.vector_load %arg11[%swap3A_1124] {strides = array<i32>} : memref<512xf32, #tpu.memory_space<vmem>>, vector<16xf32>,
      tpu.vector_store %arg11[%swap3A_1124], %add3A_1119 {strides = array<i32>} : memref<512xf32, #tpu.memory_space<vmem>>, vector<16xf32>,
      %parallel_loop3A_1126 = arith.constant 0 : i32
      %parallel_loop3A_1127 = arith.constant 32 : i32
      %parallel_loop3A_1128 = arith.constant 1 : i32
      scf.for %parallel_loop3A_2183 = %parallel_loop3A_1126 to %parallel_loop3A_1127 step %parallel_loop3A_1128  : i32 {
        %parallel_loop3A_2184 = arith.constant 26 : i32
        %parallel_loop3A_2185 = arith.muli %parallel_loop3A_2183, %parallel_loop3A_2184 : i32
        %parallel_loop3A_2186 = arith.constant 1 : i32
        %parallel_loop3A_2187 = arith.index_cast %parallel_loop3A_2186 : i32 to index
        %parallel_loop3A_2188 = arith.index_cast %parallel_loop3A_2185 : i32 to index
        %parallel_loop3A_2189 = arith.constant 0 : index
        %parallel_loop3A_2190 = tpu.vector_load %arg8[%parallel_loop3A_2187, %parallel_loop3A_2188, %parallel_loop3A_2189] {strides = array<i32>} : memref<4x832x16xf32, #tpu.memory_space<vmem>>, vector<16xf32>,
        %parallel_loop3A_2191 = arith.mulf %parallel_loop3A_2190, %parallel_loop3A_2190 : vector<16xf32>
        %parallel_loop3A_2192 = arith.constant 1 : i32
        %parallel_loop3A_2193 = arith.addi %parallel_loop3A_2185, %parallel_loop3A_2192 : i32
        %parallel_loop3A_2194 = arith.constant 1 : i32
        %parallel_loop3A_2195 = arith.index_cast %parallel_loop3A_2194 : i32 to index
        %parallel_loop3A_2196 = arith.index_cast %parallel_loop3A_2193 : i32 to index
        %parallel_loop3A_2197 = arith.constant 0 : index
        %parallel_loop3A_2198 = tpu.vector_load %arg8[%parallel_loop3A_2195, %parallel_loop3A_2196, %parallel_loop3A_2197] {strides = array<i32>} : memref<4x832x16xf32, #tpu.memory_space<vmem>>, vector<16xf32>,
        %parallel_loop3A_2199 = arith.addf %parallel_loop3A_2190, %parallel_loop3A_2198 : vector<16xf32>
        %parallel_loop3A_2200 = arith.mulf %parallel_loop3A_2198, %parallel_loop3A_2198 : vector<16xf32>
        %parallel_loop3A_2201 = arith.addf %parallel_loop3A_2191, %parallel_loop3A_2200 : vector<16xf32>
        %parallel_loop3A_2202 = arith.constant 2 : i32
        %parallel_loop3A_2203 = arith.addi %parallel_loop3A_2185, %parallel_loop3A_2202 : i32
        %parallel_loop3A_2204 = arith.constant 1 : i32
        %parallel_loop3A_2205 = arith.index_cast %parallel_loop3A_2204 : i32 to index
        %parallel_loop3A_2206 = arith.index_cast %parallel_loop3A_2203 : i32 to index
        %parallel_loop3A_2207 = arith.constant 0 : index
        %parallel_loop3A_2208 = tpu.vector_load %arg8[%parallel_loop3A_2205, %parallel_loop3A_2206, %parallel_loop3A_2207] {strides = array<i32>} : memref<4x832x16xf32, #tpu.memory_space<vmem>>, vector<16xf32>,
        %parallel_loop3A_2209 = arith.addf %parallel_loop3A_2199, %parallel_loop3A_2208 : vector<16xf32>
        %parallel_loop3A_2210 = arith.mulf %parallel_loop3A_2208, %parallel_loop3A_2208 : vector<16xf32>
        %parallel_loop3A_2211 = arith.addf %parallel_loop3A_2201, %parallel_loop3A_2210 : vector<16xf32>
        %parallel_loop3A_2212 = arith.constant 3 : i32
        %parallel_loop3A_2213 = arith.addi %parallel_loop3A_2185, %parallel_loop3A_2212 : i32
        %parallel_loop3A_2214 = arith.constant 1 : i32
        %parallel_loop3A_2215 = arith.index_cast %parallel_loop3A_2214 : i32 to index
        %parallel_loop3A_2216 = arith.index_cast %parallel_loop3A_2213 : i32 to index
        %parallel_loop3A_2217 = arith.constant 0 : index
        %parallel_loop3A_2218 = tpu.vector_load %arg8[%parallel_loop3A_2215, %parallel_loop3A_2216, %parallel_loop3A_2217] {strides = array<i32>} : memref<4x832x16xf32, #tpu.memory_space<vmem>>, vector<16xf32>,
        %parallel_loop3A_2219 = arith.addf %parallel_loop3A_2209, %parallel_loop3A_2218 : vector<16xf32>
        %parallel_loop3A_2220 = arith.mulf %parallel_loop3A_2218, %parallel_loop3A_2218 : vector<16xf32>
        %parallel_loop3A_2221 = arith.addf %parallel_loop3A_2211, %parallel_loop3A_2220 : vector<16xf32>
        %parallel_loop3A_2222 = arith.constant 4 : i32
        %parallel_loop3A_2223 = arith.addi %parallel_loop3A_2185, %parallel_loop3A_2222 : i32
        %parallel_loop3A_2224 = arith.constant 1 : i32
        %parallel_loop3A_2225 = arith.index_cast %parallel_loop3A_2224 : i32 to index
        %parallel_loop3A_2226 = arith.index_cast %parallel_loop3A_2223 : i32 to index
        %parallel_loop3A_2227 = arith.constant 0 : index
        %parallel_loop3A_2228 = tpu.vector_load %arg8[%parallel_loop3A_2225, %parallel_loop3A_2226, %parallel_loop3A_2227] {strides = array<i32>} : memref<4x832x16xf32, #tpu.memory_space<vmem>>, vector<16xf32>,
        %parallel_loop3A_2229 = arith.addf %parallel_loop3A_2219, %parallel_loop3A_2228 : vector<16xf32>
        %parallel_loop3A_2230 = arith.mulf %parallel_loop3A_2228, %parallel_loop3A_2228 : vector<16xf32>
        %parallel_loop3A_2231 = arith.addf %parallel_loop3A_2221, %parallel_loop3A_2230 : vector<16xf32>
        %parallel_loop3A_2232 = arith.constant 5 : i32
        %parallel_loop3A_2233 = arith.addi %parallel_loop3A_2185, %parallel_loop3A_2232 : i32
        %parallel_loop3A_2234 = arith.constant 1 : i32
        %parallel_loop3A_2235 = arith.index_cast %parallel_loop3A_2234 : i32 to index
        %parallel_loop3A_2236 = arith.index_cast %parallel_loop3A_2233 : i32 to index
        %parallel_loop3A_2237 = arith.constant 0 : index
        %parallel_loop3A_2238 = tpu.vector_load %arg8[%parallel_loop3A_2235, %parallel_loop3A_2236, %parallel_loop3A_2237] {strides = array<i32>} : memref<4x832x16xf32, #tpu.memory_space<vmem>>, vector<16xf32>,
        %parallel_loop3A_2239 = arith.addf %parallel_loop3A_2229, %parallel_loop3A_2238 : vector<16xf32>
        %parallel_loop3A_2240 = arith.mulf %parallel_loop3A_2238, %parallel_loop3A_2238 : vector<16xf32>
        %parallel_loop3A_2241 = arith.addf %parallel_loop3A_2231, %parallel_loop3A_2240 : vector<16xf32>
        %parallel_loop3A_2242 = arith.constant 6 : i32
        %parallel_loop3A_2243 = arith.addi %parallel_loop3A_2185, %parallel_loop3A_2242 : i32
        %parallel_loop3A_2244 = arith.constant 1 : i32
        %parallel_loop3A_2245 = arith.index_cast %parallel_loop3A_2244 : i32 to index
        %parallel_loop3A_2246 = arith.index_cast %parallel_loop3A_2243 : i32 to index
        %parallel_loop3A_2247 = arith.constant 0 : index
        %parallel_loop3A_2248 = tpu.vector_load %arg8[%parallel_loop3A_2245, %parallel_loop3A_2246, %parallel_loop3A_2247] {strides = array<i32>} : memref<4x832x16xf32, #tpu.memory_space<vmem>>, vector<16xf32>,
        %parallel_loop3A_2249 = arith.addf %parallel_loop3A_2239, %parallel_loop3A_2248 : vector<16xf32>
        %parallel_loop3A_2250 = arith.mulf %parallel_loop3A_2248, %parallel_loop3A_2248 : vector<16xf32>
        %parallel_loop3A_2251 = arith.addf %parallel_loop3A_2241, %parallel_loop3A_2250 : vector<16xf32>
        %parallel_loop3A_2252 = arith.constant 7 : i32
        %parallel_loop3A_2253 = arith.addi %parallel_loop3A_2185, %parallel_loop3A_2252 : i32
        %parallel_loop3A_2254 = arith.constant 1 : i32
        %parallel_loop3A_2255 = arith.index_cast %parallel_loop3A_2254 : i32 to index
        %parallel_loop3A_2256 = arith.index_cast %parallel_loop3A_2253 : i32 to index
        %parallel_loop3A_2257 = arith.constant 0 : index
        %parallel_loop3A_2258 = tpu.vector_load %arg8[%parallel_loop3A_2255, %parallel_loop3A_2256, %parallel_loop3A_2257] {strides = array<i32>} : memref<4x832x16xf32, #tpu.memory_space<vmem>>, vector<16xf32>,
        %parallel_loop3A_2259 = arith.addf %parallel_loop3A_2249, %parallel_loop3A_2258 : vector<16xf32>
        %parallel_loop3A_2260 = arith.mulf %parallel_loop3A_2258, %parallel_loop3A_2258 : vector<16xf32>
        %parallel_loop3A_2261 = arith.addf %parallel_loop3A_2251, %parallel_loop3A_2260 : vector<16xf32>
        %parallel_loop3A_2262 = arith.constant 8 : i32
        %parallel_loop3A_2263 = arith.addi %parallel_loop3A_2185, %parallel_loop3A_2262 : i32
        %parallel_loop3A_2264 = arith.constant 1 : i32
        %parallel_loop3A_2265 = arith.index_cast %parallel_loop3A_2264 : i32 to index
        %parallel_loop3A_2266 = arith.index_cast %parallel_loop3A_2263 : i32 to index
        %parallel_loop3A_2267 = arith.constant 0 : index
        %parallel_loop3A_2268 = tpu.vector_load %arg8[%parallel_loop3A_2265, %parallel_loop3A_2266, %parallel_loop3A_2267] {strides = array<i32>} : memref<4x832x16xf32, #tpu.memory_space<vmem>>, vector<16xf32>,
        %parallel_loop3A_2269 = arith.addf %parallel_loop3A_2259, %parallel_loop3A_2268 : vector<16xf32>
        %parallel_loop3A_2270 = arith.mulf %parallel_loop3A_2268, %parallel_loop3A_2268 : vector<16xf32>
        %parallel_loop3A_2271 = arith.addf %parallel_loop3A_2261, %parallel_loop3A_2270 : vector<16xf32>
        %parallel_loop3A_2272 = arith.constant 9 : i32
        %parallel_loop3A_2273 = arith.addi %parallel_loop3A_2185, %parallel_loop3A_2272 : i32
        %parallel_loop3A_2274 = arith.constant 1 : i32
        %parallel_loop3A_2275 = arith.index_cast %parallel_loop3A_2274 : i32 to index
        %parallel_loop3A_2276 = arith.index_cast %parallel_loop3A_2273 : i32 to index
        %parallel_loop3A_2277 = arith.constant 0 : index
        %parallel_loop3A_2278 = tpu.vector_load %arg8[%parallel_loop3A_2275, %parallel_loop3A_2276, %parallel_loop3A_2277] {strides = array<i32>} : memref<4x832x16xf32, #tpu.memory_space<vmem>>, vector<16xf32>,
        %parallel_loop3A_2279 = arith.addf %parallel_loop3A_2269, %parallel_loop3A_2278 : vector<16xf32>
        %parallel_loop3A_2280 = arith.mulf %parallel_loop3A_2278, %parallel_loop3A_2278 : vector<16xf32>
        %parallel_loop3A_2281 = arith.addf %parallel_loop3A_2271, %parallel_loop3A_2280 : vector<16xf32>
        %parallel_loop3A_2282 = arith.constant 10 : i32
        %parallel_loop3A_2283 = arith.addi %parallel_loop3A_2185, %parallel_loop3A_2282 : i32
        %parallel_loop3A_2284 = arith.constant 1 : i32
        %parallel_loop3A_2285 = arith.index_cast %parallel_loop3A_2284 : i32 to index
        %parallel_loop3A_2286 = arith.index_cast %parallel_loop3A_2283 : i32 to index
        %parallel_loop3A_2287 = arith.constant 0 : index
        %parallel_loop3A_2288 = tpu.vector_load %arg8[%parallel_loop3A_2285, %parallel_loop3A_2286, %parallel_loop3A_2287] {strides = array<i32>} : memref<4x832x16xf32, #tpu.memory_space<vmem>>, vector<16xf32>,
        %parallel_loop3A_2289 = arith.addf %parallel_loop3A_2279, %parallel_loop3A_2288 : vector<16xf32>
        %parallel_loop3A_2290 = arith.mulf %parallel_loop3A_2288, %parallel_loop3A_2288 : vector<16xf32>
        %parallel_loop3A_2291 = arith.addf %parallel_loop3A_2281, %parallel_loop3A_2290 : vector<16xf32>
        %parallel_loop3A_2292 = arith.constant 11 : i32
        %parallel_loop3A_2293 = arith.addi %parallel_loop3A_2185, %parallel_loop3A_2292 : i32
        %parallel_loop3A_2294 = arith.constant 1 : i32
        %parallel_loop3A_2295 = arith.index_cast %parallel_loop3A_2294 : i32 to index
        %parallel_loop3A_2296 = arith.index_cast %parallel_loop3A_2293 : i32 to index
        %parallel_loop3A_2297 = arith.constant 0 : index
        %parallel_loop3A_2298 = tpu.vector_load %arg8[%parallel_loop3A_2295, %parallel_loop3A_2296, %parallel_loop3A_2297] {strides = array<i32>} : memref<4x832x16xf32, #tpu.memory_space<vmem>>, vector<16xf32>,
        %parallel_loop3A_2299 = arith.addf %parallel_loop3A_2289, %parallel_loop3A_2298 : vector<16xf32>
        %parallel_loop3A_2300 = arith.mulf %parallel_loop3A_2298, %parallel_loop3A_2298 : vector<16xf32>
        %parallel_loop3A_2301 = arith.addf %parallel_loop3A_2291, %parallel_loop3A_2300 : vector<16xf32>
        %parallel_loop3A_2302 = arith.constant 12 : i32
        %parallel_loop3A_2303 = arith.addi %parallel_loop3A_2185, %parallel_loop3A_2302 : i32
        %parallel_loop3A_2304 = arith.constant 1 : i32
        %parallel_loop3A_2305 = arith.index_cast %parallel_loop3A_2304 : i32 to index
        %parallel_loop3A_2306 = arith.index_cast %parallel_loop3A_2303 : i32 to index
        %parallel_loop3A_2307 = arith.constant 0 : index
        %parallel_loop3A_2308 = tpu.vector_load %arg8[%parallel_loop3A_2305, %parallel_loop3A_2306, %parallel_loop3A_2307] {strides = array<i32>} : memref<4x832x16xf32, #tpu.memory_space<vmem>>, vector<16xf32>,
        %parallel_loop3A_2309 = arith.addf %parallel_loop3A_2299, %parallel_loop3A_2308 : vector<16xf32>
        %parallel_loop3A_2310 = arith.mulf %parallel_loop3A_2308, %parallel_loop3A_2308 : vector<16xf32>
        %parallel_loop3A_2311 = arith.addf %parallel_loop3A_2301, %parallel_loop3A_2310 : vector<16xf32>
        %parallel_loop3A_2312 = arith.constant 13 : i32
        %parallel_loop3A_2313 = arith.addi %parallel_loop3A_2185, %parallel_loop3A_2312 : i32
        %parallel_loop3A_2314 = arith.constant 1 : i32
        %parallel_loop3A_2315 = arith.index_cast %parallel_loop3A_2314 : i32 to index
        %parallel_loop3A_2316 = arith.index_cast %parallel_loop3A_2313 : i32 to index
        %parallel_loop3A_2317 = arith.constant 0 : index
        %parallel_loop3A_2318 = tpu.vector_load %arg8[%parallel_loop3A_2315, %parallel_loop3A_2316, %parallel_loop3A_2317] {strides = array<i32>} : memref<4x832x16xf32, #tpu.memory_space<vmem>>, vector<16xf32>,
        %parallel_loop3A_2319 = arith.addf %parallel_loop3A_2309, %parallel_loop3A_2318 : vector<16xf32>
        %parallel_loop3A_2320 = arith.mulf %parallel_loop3A_2318, %parallel_loop3A_2318 : vector<16xf32>
        %parallel_loop3A_2321 = arith.addf %parallel_loop3A_2311, %parallel_loop3A_2320 : vector<16xf32>
        %parallel_loop3A_2322 = arith.constant 14 : i32
        %parallel_loop3A_2323 = arith.addi %parallel_loop3A_2185, %parallel_loop3A_2322 : i32
        %parallel_loop3A_2324 = arith.constant 1 : i32
        %parallel_loop3A_2325 = arith.index_cast %parallel_loop3A_2324 : i32 to index
        %parallel_loop3A_2326 = arith.index_cast %parallel_loop3A_2323 : i32 to index
        %parallel_loop3A_2327 = arith.constant 0 : index
        %parallel_loop3A_2328 = tpu.vector_load %arg8[%parallel_loop3A_2325, %parallel_loop3A_2326, %parallel_loop3A_2327] {strides = array<i32>} : memref<4x832x16xf32, #tpu.memory_space<vmem>>, vector<16xf32>,
        %parallel_loop3A_2329 = arith.addf %parallel_loop3A_2319, %parallel_loop3A_2328 : vector<16xf32>
        %parallel_loop3A_2330 = arith.mulf %parallel_loop3A_2328, %parallel_loop3A_2328 : vector<16xf32>
        %parallel_loop3A_2331 = arith.addf %parallel_loop3A_2321, %parallel_loop3A_2330 : vector<16xf32>
        %parallel_loop3A_2332 = arith.constant 15 : i32
        %parallel_loop3A_2333 = arith.addi %parallel_loop3A_2185, %parallel_loop3A_2332 : i32
        %parallel_loop3A_2334 = arith.constant 1 : i32
        %parallel_loop3A_2335 = arith.index_cast %parallel_loop3A_2334 : i32 to index
        %parallel_loop3A_2336 = arith.index_cast %parallel_loop3A_2333 : i32 to index
        %parallel_loop3A_2337 = arith.constant 0 : index
        %parallel_loop3A_2338 = tpu.vector_load %arg8[%parallel_loop3A_2335, %parallel_loop3A_2336, %parallel_loop3A_2337] {strides = array<i32>} : memref<4x832x16xf32, #tpu.memory_space<vmem>>, vector<16xf32>,
        %parallel_loop3A_2339 = arith.addf %parallel_loop3A_2329, %parallel_loop3A_2338 : vector<16xf32>
        %parallel_loop3A_2340 = arith.mulf %parallel_loop3A_2338, %parallel_loop3A_2338 : vector<16xf32>
        %parallel_loop3A_2341 = arith.addf %parallel_loop3A_2331, %parallel_loop3A_2340 : vector<16xf32>
        %parallel_loop3A_2342 = arith.constant 16 : i32
        %parallel_loop3A_2343 = arith.addi %parallel_loop3A_2185, %parallel_loop3A_2342 : i32
        %parallel_loop3A_2344 = arith.constant 1 : i32
        %parallel_loop3A_2345 = arith.index_cast %parallel_loop3A_2344 : i32 to index
        %parallel_loop3A_2346 = arith.index_cast %parallel_loop3A_2343 : i32 to index
        %parallel_loop3A_2347 = arith.constant 0 : index
        %parallel_loop3A_2348 = tpu.vector_load %arg8[%parallel_loop3A_2345, %parallel_loop3A_2346, %parallel_loop3A_2347] {strides = array<i32>} : memref<4x832x16xf32, #tpu.memory_space<vmem>>, vector<16xf32>,
        %parallel_loop3A_2349 = arith.addf %parallel_loop3A_2339, %parallel_loop3A_2348 : vector<16xf32>
        %parallel_loop3A_2350 = arith.mulf %parallel_loop3A_2348, %parallel_loop3A_2348 : vector<16xf32>
        %parallel_loop3A_2351 = arith.addf %parallel_loop3A_2341, %parallel_loop3A_2350 : vector<16xf32>
        %parallel_loop3A_2352 = arith.constant 17 : i32
        %parallel_loop3A_2353 = arith.addi %parallel_loop3A_2185, %parallel_loop3A_2352 : i32
        %parallel_loop3A_2354 = arith.constant 1 : i32
        %parallel_loop3A_2355 = arith.index_cast %parallel_loop3A_2354 : i32 to index
        %parallel_loop3A_2356 = arith.index_cast %parallel_loop3A_2353 : i32 to index
        %parallel_loop3A_2357 = arith.constant 0 : index
        %parallel_loop3A_2358 = tpu.vector_load %arg8[%parallel_loop3A_2355, %parallel_loop3A_2356, %parallel_loop3A_2357] {strides = array<i32>} : memref<4x832x16xf32, #tpu.memory_space<vmem>>, vector<16xf32>,
        %parallel_loop3A_2359 = arith.addf %parallel_loop3A_2349, %parallel_loop3A_2358 : vector<16xf32>
        %parallel_loop3A_2360 = arith.mulf %parallel_loop3A_2358, %parallel_loop3A_2358 : vector<16xf32>
        %parallel_loop3A_2361 = arith.addf %parallel_loop3A_2351, %parallel_loop3A_2360 : vector<16xf32>
        %parallel_loop3A_2362 = arith.constant 18 : i32
        %parallel_loop3A_2363 = arith.addi %parallel_loop3A_2185, %parallel_loop3A_2362 : i32
        %parallel_loop3A_2364 = arith.constant 1 : i32
        %parallel_loop3A_2365 = arith.index_cast %parallel_loop3A_2364 : i32 to index
        %parallel_loop3A_2366 = arith.index_cast %parallel_loop3A_2363 : i32 to index
        %parallel_loop3A_2367 = arith.constant 0 : index
        %parallel_loop3A_2368 = tpu.vector_load %arg8[%parallel_loop3A_2365, %parallel_loop3A_2366, %parallel_loop3A_2367] {strides = array<i32>} : memref<4x832x16xf32, #tpu.memory_space<vmem>>, vector<16xf32>,
        %parallel_loop3A_2369 = arith.addf %parallel_loop3A_2359, %parallel_loop3A_2368 : vector<16xf32>
        %parallel_loop3A_2370 = arith.mulf %parallel_loop3A_2368, %parallel_loop3A_2368 : vector<16xf32>
        %parallel_loop3A_2371 = arith.addf %parallel_loop3A_2361, %parallel_loop3A_2370 : vector<16xf32>
        %parallel_loop3A_2372 = arith.constant 19 : i32
        %parallel_loop3A_2373 = arith.addi %parallel_loop3A_2185, %parallel_loop3A_2372 : i32
        %parallel_loop3A_2374 = arith.constant 1 : i32
        %parallel_loop3A_2375 = arith.index_cast %parallel_loop3A_2374 : i32 to index
        %parallel_loop3A_2376 = arith.index_cast %parallel_loop3A_2373 : i32 to index
        %parallel_loop3A_2377 = arith.constant 0 : index
        %parallel_loop3A_2378 = tpu.vector_load %arg8[%parallel_loop3A_2375, %parallel_loop3A_2376, %parallel_loop3A_2377] {strides = array<i32>} : memref<4x832x16xf32, #tpu.memory_space<vmem>>, vector<16xf32>,
        %parallel_loop3A_2379 = arith.addf %parallel_loop3A_2369, %parallel_loop3A_2378 : vector<16xf32>
        %parallel_loop3A_2380 = arith.mulf %parallel_loop3A_2378, %parallel_loop3A_2378 : vector<16xf32>
        %parallel_loop3A_2381 = arith.addf %parallel_loop3A_2371, %parallel_loop3A_2380 : vector<16xf32>
        %parallel_loop3A_2382 = arith.constant 20 : i32
        %parallel_loop3A_2383 = arith.addi %parallel_loop3A_2185, %parallel_loop3A_2382 : i32
        %parallel_loop3A_2384 = arith.constant 1 : i32
        %parallel_loop3A_2385 = arith.index_cast %parallel_loop3A_2384 : i32 to index
        %parallel_loop3A_2386 = arith.index_cast %parallel_loop3A_2383 : i32 to index
        %parallel_loop3A_2387 = arith.constant 0 : index
        %parallel_loop3A_2388 = tpu.vector_load %arg8[%parallel_loop3A_2385, %parallel_loop3A_2386, %parallel_loop3A_2387] {strides = array<i32>} : memref<4x832x16xf32, #tpu.memory_space<vmem>>, vector<16xf32>,
        %parallel_loop3A_2389 = arith.addf %parallel_loop3A_2379, %parallel_loop3A_2388 : vector<16xf32>
        %parallel_loop3A_2390 = arith.mulf %parallel_loop3A_2388, %parallel_loop3A_2388 : vector<16xf32>
        %parallel_loop3A_2391 = arith.addf %parallel_loop3A_2381, %parallel_loop3A_2390 : vector<16xf32>
        %parallel_loop3A_2392 = arith.constant 21 : i32
        %parallel_loop3A_2393 = arith.addi %parallel_loop3A_2185, %parallel_loop3A_2392 : i32
        %parallel_loop3A_2394 = arith.constant 1 : i32
        %parallel_loop3A_2395 = arith.index_cast %parallel_loop3A_2394 : i32 to index
        %parallel_loop3A_2396 = arith.index_cast %parallel_loop3A_2393 : i32 to index
        %parallel_loop3A_2397 = arith.constant 0 : index
        %parallel_loop3A_2398 = tpu.vector_load %arg8[%parallel_loop3A_2395, %parallel_loop3A_2396, %parallel_loop3A_2397] {strides = array<i32>} : memref<4x832x16xf32, #tpu.memory_space<vmem>>, vector<16xf32>,
        %parallel_loop3A_2399 = arith.addf %parallel_loop3A_2389, %parallel_loop3A_2398 : vector<16xf32>
        %parallel_loop3A_2400 = arith.mulf %parallel_loop3A_2398, %parallel_loop3A_2398 : vector<16xf32>
        %parallel_loop3A_2401 = arith.addf %parallel_loop3A_2391, %parallel_loop3A_2400 : vector<16xf32>
        %parallel_loop3A_2402 = arith.constant 22 : i32
        %parallel_loop3A_2403 = arith.addi %parallel_loop3A_2185, %parallel_loop3A_2402 : i32
        %parallel_loop3A_2404 = arith.constant 1 : i32
        %parallel_loop3A_2405 = arith.index_cast %parallel_loop3A_2404 : i32 to index
        %parallel_loop3A_2406 = arith.index_cast %parallel_loop3A_2403 : i32 to index
        %parallel_loop3A_2407 = arith.constant 0 : index
        %parallel_loop3A_2408 = tpu.vector_load %arg8[%parallel_loop3A_2405, %parallel_loop3A_2406, %parallel_loop3A_2407] {strides = array<i32>} : memref<4x832x16xf32, #tpu.memory_space<vmem>>, vector<16xf32>,
        %parallel_loop3A_2409 = arith.addf %parallel_loop3A_2399, %parallel_loop3A_2408 : vector<16xf32>
        %parallel_loop3A_2410 = arith.mulf %parallel_loop3A_2408, %parallel_loop3A_2408 : vector<16xf32>
        %parallel_loop3A_2411 = arith.addf %parallel_loop3A_2401, %parallel_loop3A_2410 : vector<16xf32>
        %parallel_loop3A_2412 = arith.constant 23 : i32
        %parallel_loop3A_2413 = arith.addi %parallel_loop3A_2185, %parallel_loop3A_2412 : i32
        %parallel_loop3A_2414 = arith.constant 1 : i32
        %parallel_loop3A_2415 = arith.index_cast %parallel_loop3A_2414 : i32 to index
        %parallel_loop3A_2416 = arith.index_cast %parallel_loop3A_2413 : i32 to index
        %parallel_loop3A_2417 = arith.constant 0 : index
        %parallel_loop3A_2418 = tpu.vector_load %arg8[%parallel_loop3A_2415, %parallel_loop3A_2416, %parallel_loop3A_2417] {strides = array<i32>} : memref<4x832x16xf32, #tpu.memory_space<vmem>>, vector<16xf32>,
        %parallel_loop3A_2419 = arith.addf %parallel_loop3A_2409, %parallel_loop3A_2418 : vector<16xf32>
        %parallel_loop3A_2420 = arith.mulf %parallel_loop3A_2418, %parallel_loop3A_2418 : vector<16xf32>
        %parallel_loop3A_2421 = arith.addf %parallel_loop3A_2411, %parallel_loop3A_2420 : vector<16xf32>
        %parallel_loop3A_2422 = arith.constant 24 : i32
        %parallel_loop3A_2423 = arith.addi %parallel_loop3A_2185, %parallel_loop3A_2422 : i32
        %parallel_loop3A_2424 = arith.constant 1 : i32
        %parallel_loop3A_2425 = arith.index_cast %parallel_loop3A_2424 : i32 to index
        %parallel_loop3A_2426 = arith.index_cast %parallel_loop3A_2423 : i32 to index
        %parallel_loop3A_2427 = arith.constant 0 : index
        %parallel_loop3A_2428 = tpu.vector_load %arg8[%parallel_loop3A_2425, %parallel_loop3A_2426, %parallel_loop3A_2427] {strides = array<i32>} : memref<4x832x16xf32, #tpu.memory_space<vmem>>, vector<16xf32>,
        %parallel_loop3A_2429 = arith.addf %parallel_loop3A_2419, %parallel_loop3A_2428 : vector<16xf32>
        %parallel_loop3A_2430 = arith.mulf %parallel_loop3A_2428, %parallel_loop3A_2428 : vector<16xf32>
        %parallel_loop3A_2431 = arith.addf %parallel_loop3A_2421, %parallel_loop3A_2430 : vector<16xf32>
        %parallel_loop3A_2432 = arith.constant 25 : i32
        %parallel_loop3A_2433 = arith.addi %parallel_loop3A_2185, %parallel_loop3A_2432 : i32
        %parallel_loop3A_2434 = arith.constant 1 : i32
        %parallel_loop3A_2435 = arith.index_cast %parallel_loop3A_2434 : i32 to index
        %parallel_loop3A_2436 = arith.index_cast %parallel_loop3A_2433 : i32 to index
        %parallel_loop3A_2437 = arith.constant 0 : index
        %parallel_loop3A_2438 = tpu.vector_load %arg8[%parallel_loop3A_2435, %parallel_loop3A_2436, %parallel_loop3A_2437] {strides = array<i32>} : memref<4x832x16xf32, #tpu.memory_space<vmem>>, vector<16xf32>,
        %parallel_loop3A_2439 = arith.addf %parallel_loop3A_2429, %parallel_loop3A_2438 : vector<16xf32>
        %parallel_loop3A_2440 = arith.mulf %parallel_loop3A_2438, %parallel_loop3A_2438 : vector<16xf32>
        %parallel_loop3A_2441 = arith.addf %parallel_loop3A_2431, %parallel_loop3A_2440 : vector<16xf32>
        %parallel_loop3A_2442 = arith.mulf %parallel_loop3A_2439, %parallel_loop3A_2439 : vector<16xf32>
        %parallel_loop3A_2443 = arith.subf %parallel_loop3A_2442, %parallel_loop3A_2441 : vector<16xf32>
        %parallel_loop3A_2444 = arith.constant 32 : i32
        %parallel_loop3A_2445 = arith.muli %add3A_614, %parallel_loop3A_2444 : i32
        %parallel_loop3A_2446 = arith.addi %parallel_loop3A_2445, %parallel_loop3A_2183 : i32
        %parallel_loop3A_2447 = arith.index_cast %parallel_loop3A_2446 : i32 to index
        %parallel_loop3A_2448 = arith.constant 0 : index
        %parallel_loop3A_2449 = tpu.vector_load %arg10[%parallel_loop3A_2447, %parallel_loop3A_2448] {strides = array<i32>} : memref<512x16xf32, #tpu.memory_space<vmem>>, vector<16xf32>,
        tpu.vector_store %arg10[%parallel_loop3A_2447, %parallel_loop3A_2448], %parallel_loop3A_2443 {strides = array<i32>} : memref<512x16xf32, #tpu.memory_space<vmem>>, vector<16xf32>,
      } {sc.loop_unroll_factor = 4 : i64, sc.parallel_access}
      %add3A_1129 = arith.constant 4 : i32
      %add3A_1130 = arith.addi %add3A_614, %add3A_1129 : i32
      %lt3A_1131 = arith.constant 16 : i32
      %lt3A_1132 = arith.cmpi slt, %add3A_1130, %lt3A_1131 : i32
      %convert_element_type3A_1133 = arith.extui %lt3A_1132 : i1 to i32
      %cond3A_1134 = arith.constant 0 : i32
      %cond3A_1135 = arith.cmpi ne, %convert_element_type3A_1133, %cond3A_1134 : i32
      scf.if %cond3A_1135 {
        %add3A_2183 = arith.constant 4 : i32
        %add3A_2184 = arith.addi %add3A_614, %add3A_2183 : i32
        %dma_start3A_2185 = arith.constant 1 : i32
        %dma_start3A_2186 = arith.constant 0 : i32
        %dma_start3A_2187 = arith.constant 0 : i32
        %dma_start3A_2188 = tpu.memref_slice %arg8[%dma_start3A_2185, %dma_start3A_2186, %dma_start3A_2187] : memref<4x832x16xf32, #tpu.memory_space<vmem>> -> memref<1x832x16xf32, #tpu.memory_space<vmem>>
        %dma_start3A_2189 = tpu.memref_squeeze %dma_start3A_2188 : memref<1x832x16xf32, #tpu.memory_space<vmem>> -> memref<832x16xf32, #tpu.memory_space<vmem>>
        %dma_start3A_2190 = arith.constant 0 : i32
        %dma_start3A_2191 = tpu.memref_slice %arg7[%add3A_2184, %dma_start3A_2190] : memref<16x832xi32, #tpu.memory_space<vmem>> -> memref<1x832xi32, #tpu.memory_space<vmem>>
        %dma_start3A_2192 = tpu.memref_squeeze %dma_start3A_2191 : memref<1x832xi32, #tpu.memory_space<vmem>> -> memref<832xi32, #tpu.memory_space<vmem>>
        %dma_start3A_2193 = arith.constant 0 : i32
        %dma_start3A_2194 = arith.constant 0 : i32
        %dma_start3A_2195 = tpu.memref_slice %arg3[%dma_start3A_2193, %dma_start3A_2194] : memref<2600000x16xf32, #tpu.memory_space<hbm>> -> memref<2600000x16xf32, #tpu.memory_space<hbm>>
        tpu.enqueue_indirect_dma source(%dma_start3A_2195 : memref<2600000x16xf32, #tpu.memory_space<hbm>>) target(%dma_start3A_2189 : memref<832x16xf32, #tpu.memory_space<vmem>>) offsets(%dma_start3A_2192 : memref<832xi32, #tpu.memory_space<vmem>>) semaphore(%arg13 : memref<!tpu.dma_semaphore, #tpu.memory_space<semaphore_mem>>)
        %dma_start3A_2196 = arith.constant 1 : i32
        %dma_start3A_2197 = arith.constant 0 : i32
        %dma_start3A_2198 = tpu.memref_slice %arg9[%dma_start3A_2196, %dma_start3A_2197] : memref<4x832xf32, #tpu.memory_space<vmem>> -> memref<1x832xf32, #tpu.memory_space<vmem>>
        %dma_start3A_2199 = tpu.memref_squeeze %dma_start3A_2198 : memref<1x832xf32, #tpu.memory_space<vmem>> -> memref<832xf32, #tpu.memory_space<vmem>>
        %dma_start3A_2200 = arith.constant 0 : i32
        %dma_start3A_2201 = tpu.memref_slice %arg7[%add3A_2184, %dma_start3A_2200] : memref<16x832xi32, #tpu.memory_space<vmem>> -> memref<1x832xi32, #tpu.memory_space<vmem>>
        %dma_start3A_2202 = tpu.memref_squeeze %dma_start3A_2201 : memref<1x832xi32, #tpu.memory_space<vmem>> -> memref<832xi32, #tpu.memory_space<vmem>>
        %dma_start3A_2203 = arith.constant 0 : i32
        %dma_start3A_2204 = tpu.memref_slice %arg4[%dma_start3A_2203] : memref<2600000xf32, #tpu.memory_space<hbm>> -> memref<2600000xf32, #tpu.memory_space<hbm>>
        tpu.enqueue_indirect_dma source(%dma_start3A_2204 : memref<2600000xf32, #tpu.memory_space<hbm>>) target(%dma_start3A_2199 : memref<832xf32, #tpu.memory_space<vmem>>) offsets(%dma_start3A_2202 : memref<832xi32, #tpu.memory_space<vmem>>) semaphore(%arg13 : memref<!tpu.dma_semaphore, #tpu.memory_space<semaphore_mem>>)
      } else {
      }
      %add3A_1136 = arith.constant 2 : i32
      %add3A_1137 = arith.addi %mul3A_97, %add3A_1136 : i32
      %dma_wait3A_1138 = arith.constant 2 : i32
      %dma_wait3A_1139 = arith.constant 0 : i32
      %dma_wait3A_1140 = arith.constant 0 : i32
      %dma_wait3A_1141 = tpu.memref_slice %arg8[%dma_wait3A_1138, %dma_wait3A_1139, %dma_wait3A_1140] : memref<4x832x16xf32, #tpu.memory_space<vmem>> -> memref<1x832x16xf32, #tpu.memory_space<vmem>>
      %dma_wait3A_1142 = tpu.memref_squeeze %dma_wait3A_1141 : memref<1x832x16xf32, #tpu.memory_space<vmem>> -> memref<832x16xf32, #tpu.memory_space<vmem>>
      %dma_wait3A_1143 = arith.constant 0 : i32
      %dma_wait3A_1144 = arith.constant 0 : i32
      %dma_wait3A_1145 = tpu.memref_slice %arg3[%dma_wait3A_1143, %dma_wait3A_1144] : memref<2600000x16xf32, #tpu.memory_space<hbm>> -> memref<832x16xf32, #tpu.memory_space<hbm>>
      %dma_wait3A_1146 = arith.constant 0 : i32
      %dma_wait3A_1147 = arith.constant 0 : i32
      %dma_wait3A_1148 = tpu.memref_slice %arg8[%dma_wait3A_1138, %dma_wait3A_1146, %dma_wait3A_1147] : memref<4x832x16xf32, #tpu.memory_space<vmem>> -> memref<1x832x16xf32, #tpu.memory_space<vmem>>
      %dma_wait3A_1149 = tpu.memref_squeeze %dma_wait3A_1148 : memref<1x832x16xf32, #tpu.memory_space<vmem>> -> memref<832x16xf32, #tpu.memory_space<vmem>>
      %dma_wait3A_1150 = arith.constant 0 : i32
      %dma_wait3A_1151 = arith.constant 0 : i32
      %dma_wait3A_1152 = tpu.memref_slice %arg3[%dma_wait3A_1150, %dma_wait3A_1151] : memref<2600000x16xf32, #tpu.memory_space<hbm>> -> memref<832x16xf32, #tpu.memory_space<hbm>>
      tpu.wait_dma2 semaphore(%arg14 : memref<!tpu.dma_semaphore, #tpu.memory_space<semaphore_mem>>) src(%dma_wait3A_1152 : memref<832x16xf32, #tpu.memory_space<hbm>>) dst(%dma_wait3A_1149 : memref<832x16xf32, #tpu.memory_space<vmem>>)
      %dma_wait3A_1153 = arith.constant 2 : i32
      %dma_wait3A_1154 = arith.constant 0 : i32
      %dma_wait3A_1155 = tpu.memref_slice %arg9[%dma_wait3A_1153, %dma_wait3A_1154] : memref<4x832xf32, #tpu.memory_space<vmem>> -> memref<1x832xf32, #tpu.memory_space<vmem>>
      %dma_wait3A_1156 = tpu.memref_squeeze %dma_wait3A_1155 : memref<1x832xf32, #tpu.memory_space<vmem>> -> memref<832xf32, #tpu.memory_space<vmem>>
      %dma_wait3A_1157 = arith.constant 0 : i32
      %dma_wait3A_1158 = tpu.memref_slice %arg4[%dma_wait3A_1157] : memref<2600000xf32, #tpu.memory_space<hbm>> -> memref<832xf32, #tpu.memory_space<hbm>>
      %dma_wait3A_1159 = arith.constant 0 : i32
      %dma_wait3A_1160 = tpu.memref_slice %arg9[%dma_wait3A_1153, %dma_wait3A_1159] : memref<4x832xf32, #tpu.memory_space<vmem>> -> memref<1x832xf32, #tpu.memory_space<vmem>>
      %dma_wait3A_1161 = tpu.memref_squeeze %dma_wait3A_1160 : memref<1x832xf32, #tpu.memory_space<vmem>> -> memref<832xf32, #tpu.memory_space<vmem>>
      %dma_wait3A_1162 = arith.constant 0 : i32
      %dma_wait3A_1163 = tpu.memref_slice %arg4[%dma_wait3A_1162] : memref<2600000xf32, #tpu.memory_space<hbm>> -> memref<832xf32, #tpu.memory_space<hbm>>
      tpu.wait_dma2 semaphore(%arg14 : memref<!tpu.dma_semaphore, #tpu.memory_space<semaphore_mem>>) src(%dma_wait3A_1163 : memref<832xf32, #tpu.memory_space<hbm>>) dst(%dma_wait3A_1161 : memref<832xf32, #tpu.memory_space<vmem>>)
      %iota3A_1164 = tpu.iota {dimensions = array<i32: 0>} : vector<16xi32>
      %add3A_1165 = arith.constant 0 : i32
      %add3A_1166 = vector.broadcast %add3A_1165 : i32 to vector<16xi32>
      %add3A_1167 = arith.addi %add3A_1166, %iota3A_1164 : vector<16xi32>
      %mul3A_1168 = arith.constant 26 : i32
      %mul3A_1169 = vector.broadcast %mul3A_1168 : i32 to vector<16xi32>
      %mul3A_1170 = arith.muli %add3A_1167, %mul3A_1169 : vector<16xi32>
      %gather3A_1171 = arith.constant 2 : i32
      %gather3A_1172 = arith.constant 0 : i32
      %gather3A_1173 = tpu.memref_slice %arg9[%gather3A_1171, %gather3A_1172] : memref<4x832xf32, #tpu.memory_space<vmem>> -> memref<1x832xf32, #tpu.memory_space<vmem>>
      %gather3A_1174 = tpu.memref_squeeze %gather3A_1173 : memref<1x832xf32, #tpu.memory_space<vmem>> -> memref<832xf32, #tpu.memory_space<vmem>>
      %gather3A_1175 = tpu.vector_load_idx %gather3A_1174[%mul3A_1170] : memref<832xf32, #tpu.memory_space<vmem>>[vector<16xi32>], vector<16xf32>,
      %add3A_1176 = arith.constant 1 : i32
      %add3A_1177 = vector.broadcast %add3A_1176 : i32 to vector<16xi32>
      %add3A_1178 = arith.addi %mul3A_1170, %add3A_1177 : vector<16xi32>
      %gather3A_1179 = arith.constant 2 : i32
      %gather3A_1180 = arith.constant 0 : i32
      %gather3A_1181 = tpu.memref_slice %arg9[%gather3A_1179, %gather3A_1180] : memref<4x832xf32, #tpu.memory_space<vmem>> -> memref<1x832xf32, #tpu.memory_space<vmem>>
      %gather3A_1182 = tpu.memref_squeeze %gather3A_1181 : memref<1x832xf32, #tpu.memory_space<vmem>> -> memref<832xf32, #tpu.memory_space<vmem>>
      %gather3A_1183 = tpu.vector_load_idx %gather3A_1182[%add3A_1178] : memref<832xf32, #tpu.memory_space<vmem>>[vector<16xi32>], vector<16xf32>,
      %add3A_1184 = arith.addf %gather3A_1175, %gather3A_1183 : vector<16xf32>
      %add3A_1185 = arith.constant 2 : i32
      %add3A_1186 = vector.broadcast %add3A_1185 : i32 to vector<16xi32>
      %add3A_1187 = arith.addi %mul3A_1170, %add3A_1186 : vector<16xi32>
      %gather3A_1188 = arith.constant 2 : i32
      %gather3A_1189 = arith.constant 0 : i32
      %gather3A_1190 = tpu.memref_slice %arg9[%gather3A_1188, %gather3A_1189] : memref<4x832xf32, #tpu.memory_space<vmem>> -> memref<1x832xf32, #tpu.memory_space<vmem>>
      %gather3A_1191 = tpu.memref_squeeze %gather3A_1190 : memref<1x832xf32, #tpu.memory_space<vmem>> -> memref<832xf32, #tpu.memory_space<vmem>>
      %gather3A_1192 = tpu.vector_load_idx %gather3A_1191[%add3A_1187] : memref<832xf32, #tpu.memory_space<vmem>>[vector<16xi32>], vector<16xf32>,
      %add3A_1193 = arith.addf %add3A_1184, %gather3A_1192 : vector<16xf32>
      %add3A_1194 = arith.constant 3 : i32
      %add3A_1195 = vector.broadcast %add3A_1194 : i32 to vector<16xi32>
      %add3A_1196 = arith.addi %mul3A_1170, %add3A_1195 : vector<16xi32>
      %gather3A_1197 = arith.constant 2 : i32
      %gather3A_1198 = arith.constant 0 : i32
      %gather3A_1199 = tpu.memref_slice %arg9[%gather3A_1197, %gather3A_1198] : memref<4x832xf32, #tpu.memory_space<vmem>> -> memref<1x832xf32, #tpu.memory_space<vmem>>
      %gather3A_1200 = tpu.memref_squeeze %gather3A_1199 : memref<1x832xf32, #tpu.memory_space<vmem>> -> memref<832xf32, #tpu.memory_space<vmem>>
      %gather3A_1201 = tpu.vector_load_idx %gather3A_1200[%add3A_1196] : memref<832xf32, #tpu.memory_space<vmem>>[vector<16xi32>], vector<16xf32>,
      %add3A_1202 = arith.addf %add3A_1193, %gather3A_1201 : vector<16xf32>
      %add3A_1203 = arith.constant 4 : i32
      %add3A_1204 = vector.broadcast %add3A_1203 : i32 to vector<16xi32>
      %add3A_1205 = arith.addi %mul3A_1170, %add3A_1204 : vector<16xi32>
      %gather3A_1206 = arith.constant 2 : i32
      %gather3A_1207 = arith.constant 0 : i32
      %gather3A_1208 = tpu.memref_slice %arg9[%gather3A_1206, %gather3A_1207] : memref<4x832xf32, #tpu.memory_space<vmem>> -> memref<1x832xf32, #tpu.memory_space<vmem>>
      %gather3A_1209 = tpu.memref_squeeze %gather3A_1208 : memref<1x832xf32, #tpu.memory_space<vmem>> -> memref<832xf32, #tpu.memory_space<vmem>>
      %gather3A_1210 = tpu.vector_load_idx %gather3A_1209[%add3A_1205] : memref<832xf32, #tpu.memory_space<vmem>>[vector<16xi32>], vector<16xf32>,
      %add3A_1211 = arith.addf %add3A_1202, %gather3A_1210 : vector<16xf32>
      %add3A_1212 = arith.constant 5 : i32
      %add3A_1213 = vector.broadcast %add3A_1212 : i32 to vector<16xi32>
      %add3A_1214 = arith.addi %mul3A_1170, %add3A_1213 : vector<16xi32>
      %gather3A_1215 = arith.constant 2 : i32
      %gather3A_1216 = arith.constant 0 : i32
      %gather3A_1217 = tpu.memref_slice %arg9[%gather3A_1215, %gather3A_1216] : memref<4x832xf32, #tpu.memory_space<vmem>> -> memref<1x832xf32, #tpu.memory_space<vmem>>
      %gather3A_1218 = tpu.memref_squeeze %gather3A_1217 : memref<1x832xf32, #tpu.memory_space<vmem>> -> memref<832xf32, #tpu.memory_space<vmem>>
      %gather3A_1219 = tpu.vector_load_idx %gather3A_1218[%add3A_1214] : memref<832xf32, #tpu.memory_space<vmem>>[vector<16xi32>], vector<16xf32>,
      %add3A_1220 = arith.addf %add3A_1211, %gather3A_1219 : vector<16xf32>
      %add3A_1221 = arith.constant 6 : i32
      %add3A_1222 = vector.broadcast %add3A_1221 : i32 to vector<16xi32>
      %add3A_1223 = arith.addi %mul3A_1170, %add3A_1222 : vector<16xi32>
      %gather3A_1224 = arith.constant 2 : i32
      %gather3A_1225 = arith.constant 0 : i32
      %gather3A_1226 = tpu.memref_slice %arg9[%gather3A_1224, %gather3A_1225] : memref<4x832xf32, #tpu.memory_space<vmem>> -> memref<1x832xf32, #tpu.memory_space<vmem>>
      %gather3A_1227 = tpu.memref_squeeze %gather3A_1226 : memref<1x832xf32, #tpu.memory_space<vmem>> -> memref<832xf32, #tpu.memory_space<vmem>>
      %gather3A_1228 = tpu.vector_load_idx %gather3A_1227[%add3A_1223] : memref<832xf32, #tpu.memory_space<vmem>>[vector<16xi32>], vector<16xf32>,
      %add3A_1229 = arith.addf %add3A_1220, %gather3A_1228 : vector<16xf32>
      %add3A_1230 = arith.constant 7 : i32
      %add3A_1231 = vector.broadcast %add3A_1230 : i32 to vector<16xi32>
      %add3A_1232 = arith.addi %mul3A_1170, %add3A_1231 : vector<16xi32>
      %gather3A_1233 = arith.constant 2 : i32
      %gather3A_1234 = arith.constant 0 : i32
      %gather3A_1235 = tpu.memref_slice %arg9[%gather3A_1233, %gather3A_1234] : memref<4x832xf32, #tpu.memory_space<vmem>> -> memref<1x832xf32, #tpu.memory_space<vmem>>
      %gather3A_1236 = tpu.memref_squeeze %gather3A_1235 : memref<1x832xf32, #tpu.memory_space<vmem>> -> memref<832xf32, #tpu.memory_space<vmem>>
      %gather3A_1237 = tpu.vector_load_idx %gather3A_1236[%add3A_1232] : memref<832xf32, #tpu.memory_space<vmem>>[vector<16xi32>], vector<16xf32>,
      %add3A_1238 = arith.addf %add3A_1229, %gather3A_1237 : vector<16xf32>
      %add3A_1239 = arith.constant 8 : i32
      %add3A_1240 = vector.broadcast %add3A_1239 : i32 to vector<16xi32>
      %add3A_1241 = arith.addi %mul3A_1170, %add3A_1240 : vector<16xi32>
      %gather3A_1242 = arith.constant 2 : i32
      %gather3A_1243 = arith.constant 0 : i32
      %gather3A_1244 = tpu.memref_slice %arg9[%gather3A_1242, %gather3A_1243] : memref<4x832xf32, #tpu.memory_space<vmem>> -> memref<1x832xf32, #tpu.memory_space<vmem>>
      %gather3A_1245 = tpu.memref_squeeze %gather3A_1244 : memref<1x832xf32, #tpu.memory_space<vmem>> -> memref<832xf32, #tpu.memory_space<vmem>>
      %gather3A_1246 = tpu.vector_load_idx %gather3A_1245[%add3A_1241] : memref<832xf32, #tpu.memory_space<vmem>>[vector<16xi32>], vector<16xf32>,
      %add3A_1247 = arith.addf %add3A_1238, %gather3A_1246 : vector<16xf32>
      %add3A_1248 = arith.constant 9 : i32
      %add3A_1249 = vector.broadcast %add3A_1248 : i32 to vector<16xi32>
      %add3A_1250 = arith.addi %mul3A_1170, %add3A_1249 : vector<16xi32>
      %gather3A_1251 = arith.constant 2 : i32
      %gather3A_1252 = arith.constant 0 : i32
      %gather3A_1253 = tpu.memref_slice %arg9[%gather3A_1251, %gather3A_1252] : memref<4x832xf32, #tpu.memory_space<vmem>> -> memref<1x832xf32, #tpu.memory_space<vmem>>
      %gather3A_1254 = tpu.memref_squeeze %gather3A_1253 : memref<1x832xf32, #tpu.memory_space<vmem>> -> memref<832xf32, #tpu.memory_space<vmem>>
      %gather3A_1255 = tpu.vector_load_idx %gather3A_1254[%add3A_1250] : memref<832xf32, #tpu.memory_space<vmem>>[vector<16xi32>], vector<16xf32>,
      %add3A_1256 = arith.addf %add3A_1247, %gather3A_1255 : vector<16xf32>
      %add3A_1257 = arith.constant 10 : i32
      %add3A_1258 = vector.broadcast %add3A_1257 : i32 to vector<16xi32>
      %add3A_1259 = arith.addi %mul3A_1170, %add3A_1258 : vector<16xi32>
      %gather3A_1260 = arith.constant 2 : i32
      %gather3A_1261 = arith.constant 0 : i32
      %gather3A_1262 = tpu.memref_slice %arg9[%gather3A_1260, %gather3A_1261] : memref<4x832xf32, #tpu.memory_space<vmem>> -> memref<1x832xf32, #tpu.memory_space<vmem>>
      %gather3A_1263 = tpu.memref_squeeze %gather3A_1262 : memref<1x832xf32, #tpu.memory_space<vmem>> -> memref<832xf32, #tpu.memory_space<vmem>>
      %gather3A_1264 = tpu.vector_load_idx %gather3A_1263[%add3A_1259] : memref<832xf32, #tpu.memory_space<vmem>>[vector<16xi32>], vector<16xf32>,
      %add3A_1265 = arith.addf %add3A_1256, %gather3A_1264 : vector<16xf32>
      %add3A_1266 = arith.constant 11 : i32
      %add3A_1267 = vector.broadcast %add3A_1266 : i32 to vector<16xi32>
      %add3A_1268 = arith.addi %mul3A_1170, %add3A_1267 : vector<16xi32>
      %gather3A_1269 = arith.constant 2 : i32
      %gather3A_1270 = arith.constant 0 : i32
      %gather3A_1271 = tpu.memref_slice %arg9[%gather3A_1269, %gather3A_1270] : memref<4x832xf32, #tpu.memory_space<vmem>> -> memref<1x832xf32, #tpu.memory_space<vmem>>
      %gather3A_1272 = tpu.memref_squeeze %gather3A_1271 : memref<1x832xf32, #tpu.memory_space<vmem>> -> memref<832xf32, #tpu.memory_space<vmem>>
      %gather3A_1273 = tpu.vector_load_idx %gather3A_1272[%add3A_1268] : memref<832xf32, #tpu.memory_space<vmem>>[vector<16xi32>], vector<16xf32>,
      %add3A_1274 = arith.addf %add3A_1265, %gather3A_1273 : vector<16xf32>
      %add3A_1275 = arith.constant 12 : i32
      %add3A_1276 = vector.broadcast %add3A_1275 : i32 to vector<16xi32>
      %add3A_1277 = arith.addi %mul3A_1170, %add3A_1276 : vector<16xi32>
      %gather3A_1278 = arith.constant 2 : i32
      %gather3A_1279 = arith.constant 0 : i32
      %gather3A_1280 = tpu.memref_slice %arg9[%gather3A_1278, %gather3A_1279] : memref<4x832xf32, #tpu.memory_space<vmem>> -> memref<1x832xf32, #tpu.memory_space<vmem>>
      %gather3A_1281 = tpu.memref_squeeze %gather3A_1280 : memref<1x832xf32, #tpu.memory_space<vmem>> -> memref<832xf32, #tpu.memory_space<vmem>>
      %gather3A_1282 = tpu.vector_load_idx %gather3A_1281[%add3A_1277] : memref<832xf32, #tpu.memory_space<vmem>>[vector<16xi32>], vector<16xf32>,
      %add3A_1283 = arith.addf %add3A_1274, %gather3A_1282 : vector<16xf32>
      %add3A_1284 = arith.constant 13 : i32
      %add3A_1285 = vector.broadcast %add3A_1284 : i32 to vector<16xi32>
      %add3A_1286 = arith.addi %mul3A_1170, %add3A_1285 : vector<16xi32>
      %gather3A_1287 = arith.constant 2 : i32
      %gather3A_1288 = arith.constant 0 : i32
      %gather3A_1289 = tpu.memref_slice %arg9[%gather3A_1287, %gather3A_1288] : memref<4x832xf32, #tpu.memory_space<vmem>> -> memref<1x832xf32, #tpu.memory_space<vmem>>
      %gather3A_1290 = tpu.memref_squeeze %gather3A_1289 : memref<1x832xf32, #tpu.memory_space<vmem>> -> memref<832xf32, #tpu.memory_space<vmem>>
      %gather3A_1291 = tpu.vector_load_idx %gather3A_1290[%add3A_1286] : memref<832xf32, #tpu.memory_space<vmem>>[vector<16xi32>], vector<16xf32>,
      %add3A_1292 = arith.addf %add3A_1283, %gather3A_1291 : vector<16xf32>
      %add3A_1293 = arith.constant 14 : i32
      %add3A_1294 = vector.broadcast %add3A_1293 : i32 to vector<16xi32>
      %add3A_1295 = arith.addi %mul3A_1170, %add3A_1294 : vector<16xi32>
      %gather3A_1296 = arith.constant 2 : i32
      %gather3A_1297 = arith.constant 0 : i32
      %gather3A_1298 = tpu.memref_slice %arg9[%gather3A_1296, %gather3A_1297] : memref<4x832xf32, #tpu.memory_space<vmem>> -> memref<1x832xf32, #tpu.memory_space<vmem>>
      %gather3A_1299 = tpu.memref_squeeze %gather3A_1298 : memref<1x832xf32, #tpu.memory_space<vmem>> -> memref<832xf32, #tpu.memory_space<vmem>>
      %gather3A_1300 = tpu.vector_load_idx %gather3A_1299[%add3A_1295] : memref<832xf32, #tpu.memory_space<vmem>>[vector<16xi32>], vector<16xf32>,
      %add3A_1301 = arith.addf %add3A_1292, %gather3A_1300 : vector<16xf32>
      %add3A_1302 = arith.constant 15 : i32
      %add3A_1303 = vector.broadcast %add3A_1302 : i32 to vector<16xi32>
      %add3A_1304 = arith.addi %mul3A_1170, %add3A_1303 : vector<16xi32>
      %gather3A_1305 = arith.constant 2 : i32
      %gather3A_1306 = arith.constant 0 : i32
      %gather3A_1307 = tpu.memref_slice %arg9[%gather3A_1305, %gather3A_1306] : memref<4x832xf32, #tpu.memory_space<vmem>> -> memref<1x832xf32, #tpu.memory_space<vmem>>
      %gather3A_1308 = tpu.memref_squeeze %gather3A_1307 : memref<1x832xf32, #tpu.memory_space<vmem>> -> memref<832xf32, #tpu.memory_space<vmem>>
      %gather3A_1309 = tpu.vector_load_idx %gather3A_1308[%add3A_1304] : memref<832xf32, #tpu.memory_space<vmem>>[vector<16xi32>], vector<16xf32>,
      %add3A_1310 = arith.addf %add3A_1301, %gather3A_1309 : vector<16xf32>
      %add3A_1311 = arith.constant 16 : i32
      %add3A_1312 = vector.broadcast %add3A_1311 : i32 to vector<16xi32>
      %add3A_1313 = arith.addi %mul3A_1170, %add3A_1312 : vector<16xi32>
      %gather3A_1314 = arith.constant 2 : i32
      %gather3A_1315 = arith.constant 0 : i32
      %gather3A_1316 = tpu.memref_slice %arg9[%gather3A_1314, %gather3A_1315] : memref<4x832xf32, #tpu.memory_space<vmem>> -> memref<1x832xf32, #tpu.memory_space<vmem>>
      %gather3A_1317 = tpu.memref_squeeze %gather3A_1316 : memref<1x832xf32, #tpu.memory_space<vmem>> -> memref<832xf32, #tpu.memory_space<vmem>>
      %gather3A_1318 = tpu.vector_load_idx %gather3A_1317[%add3A_1313] : memref<832xf32, #tpu.memory_space<vmem>>[vector<16xi32>], vector<16xf32>,
      %add3A_1319 = arith.addf %add3A_1310, %gather3A_1318 : vector<16xf32>
      %add3A_1320 = arith.constant 17 : i32
      %add3A_1321 = vector.broadcast %add3A_1320 : i32 to vector<16xi32>
      %add3A_1322 = arith.addi %mul3A_1170, %add3A_1321 : vector<16xi32>
      %gather3A_1323 = arith.constant 2 : i32
      %gather3A_1324 = arith.constant 0 : i32
      %gather3A_1325 = tpu.memref_slice %arg9[%gather3A_1323, %gather3A_1324] : memref<4x832xf32, #tpu.memory_space<vmem>> -> memref<1x832xf32, #tpu.memory_space<vmem>>
      %gather3A_1326 = tpu.memref_squeeze %gather3A_1325 : memref<1x832xf32, #tpu.memory_space<vmem>> -> memref<832xf32, #tpu.memory_space<vmem>>
      %gather3A_1327 = tpu.vector_load_idx %gather3A_1326[%add3A_1322] : memref<832xf32, #tpu.memory_space<vmem>>[vector<16xi32>], vector<16xf32>,
      %add3A_1328 = arith.addf %add3A_1319, %gather3A_1327 : vector<16xf32>
      %add3A_1329 = arith.constant 18 : i32
      %add3A_1330 = vector.broadcast %add3A_1329 : i32 to vector<16xi32>
      %add3A_1331 = arith.addi %mul3A_1170, %add3A_1330 : vector<16xi32>
      %gather3A_1332 = arith.constant 2 : i32
      %gather3A_1333 = arith.constant 0 : i32
      %gather3A_1334 = tpu.memref_slice %arg9[%gather3A_1332, %gather3A_1333] : memref<4x832xf32, #tpu.memory_space<vmem>> -> memref<1x832xf32, #tpu.memory_space<vmem>>
      %gather3A_1335 = tpu.memref_squeeze %gather3A_1334 : memref<1x832xf32, #tpu.memory_space<vmem>> -> memref<832xf32, #tpu.memory_space<vmem>>
      %gather3A_1336 = tpu.vector_load_idx %gather3A_1335[%add3A_1331] : memref<832xf32, #tpu.memory_space<vmem>>[vector<16xi32>], vector<16xf32>,
      %add3A_1337 = arith.addf %add3A_1328, %gather3A_1336 : vector<16xf32>
      %add3A_1338 = arith.constant 19 : i32
      %add3A_1339 = vector.broadcast %add3A_1338 : i32 to vector<16xi32>
      %add3A_1340 = arith.addi %mul3A_1170, %add3A_1339 : vector<16xi32>
      %gather3A_1341 = arith.constant 2 : i32
      %gather3A_1342 = arith.constant 0 : i32
      %gather3A_1343 = tpu.memref_slice %arg9[%gather3A_1341, %gather3A_1342] : memref<4x832xf32, #tpu.memory_space<vmem>> -> memref<1x832xf32, #tpu.memory_space<vmem>>
      %gather3A_1344 = tpu.memref_squeeze %gather3A_1343 : memref<1x832xf32, #tpu.memory_space<vmem>> -> memref<832xf32, #tpu.memory_space<vmem>>
      %gather3A_1345 = tpu.vector_load_idx %gather3A_1344[%add3A_1340] : memref<832xf32, #tpu.memory_space<vmem>>[vector<16xi32>], vector<16xf32>,
      %add3A_1346 = arith.addf %add3A_1337, %gather3A_1345 : vector<16xf32>
      %add3A_1347 = arith.constant 20 : i32
      %add3A_1348 = vector.broadcast %add3A_1347 : i32 to vector<16xi32>
      %add3A_1349 = arith.addi %mul3A_1170, %add3A_1348 : vector<16xi32>
      %gather3A_1350 = arith.constant 2 : i32
      %gather3A_1351 = arith.constant 0 : i32
      %gather3A_1352 = tpu.memref_slice %arg9[%gather3A_1350, %gather3A_1351] : memref<4x832xf32, #tpu.memory_space<vmem>> -> memref<1x832xf32, #tpu.memory_space<vmem>>
      %gather3A_1353 = tpu.memref_squeeze %gather3A_1352 : memref<1x832xf32, #tpu.memory_space<vmem>> -> memref<832xf32, #tpu.memory_space<vmem>>
      %gather3A_1354 = tpu.vector_load_idx %gather3A_1353[%add3A_1349] : memref<832xf32, #tpu.memory_space<vmem>>[vector<16xi32>], vector<16xf32>,
      %add3A_1355 = arith.addf %add3A_1346, %gather3A_1354 : vector<16xf32>
      %add3A_1356 = arith.constant 21 : i32
      %add3A_1357 = vector.broadcast %add3A_1356 : i32 to vector<16xi32>
      %add3A_1358 = arith.addi %mul3A_1170, %add3A_1357 : vector<16xi32>
      %gather3A_1359 = arith.constant 2 : i32
      %gather3A_1360 = arith.constant 0 : i32
      %gather3A_1361 = tpu.memref_slice %arg9[%gather3A_1359, %gather3A_1360] : memref<4x832xf32, #tpu.memory_space<vmem>> -> memref<1x832xf32, #tpu.memory_space<vmem>>
      %gather3A_1362 = tpu.memref_squeeze %gather3A_1361 : memref<1x832xf32, #tpu.memory_space<vmem>> -> memref<832xf32, #tpu.memory_space<vmem>>
      %gather3A_1363 = tpu.vector_load_idx %gather3A_1362[%add3A_1358] : memref<832xf32, #tpu.memory_space<vmem>>[vector<16xi32>], vector<16xf32>,
      %add3A_1364 = arith.addf %add3A_1355, %gather3A_1363 : vector<16xf32>
      %add3A_1365 = arith.constant 22 : i32
      %add3A_1366 = vector.broadcast %add3A_1365 : i32 to vector<16xi32>
      %add3A_1367 = arith.addi %mul3A_1170, %add3A_1366 : vector<16xi32>
      %gather3A_1368 = arith.constant 2 : i32
      %gather3A_1369 = arith.constant 0 : i32
      %gather3A_1370 = tpu.memref_slice %arg9[%gather3A_1368, %gather3A_1369] : memref<4x832xf32, #tpu.memory_space<vmem>> -> memref<1x832xf32, #tpu.memory_space<vmem>>
      %gather3A_1371 = tpu.memref_squeeze %gather3A_1370 : memref<1x832xf32, #tpu.memory_space<vmem>> -> memref<832xf32, #tpu.memory_space<vmem>>
      %gather3A_1372 = tpu.vector_load_idx %gather3A_1371[%add3A_1367] : memref<832xf32, #tpu.memory_space<vmem>>[vector<16xi32>], vector<16xf32>,
      %add3A_1373 = arith.addf %add3A_1364, %gather3A_1372 : vector<16xf32>
      %add3A_1374 = arith.constant 23 : i32
      %add3A_1375 = vector.broadcast %add3A_1374 : i32 to vector<16xi32>
      %add3A_1376 = arith.addi %mul3A_1170, %add3A_1375 : vector<16xi32>
      %gather3A_1377 = arith.constant 2 : i32
      %gather3A_1378 = arith.constant 0 : i32
      %gather3A_1379 = tpu.memref_slice %arg9[%gather3A_1377, %gather3A_1378] : memref<4x832xf32, #tpu.memory_space<vmem>> -> memref<1x832xf32, #tpu.memory_space<vmem>>
      %gather3A_1380 = tpu.memref_squeeze %gather3A_1379 : memref<1x832xf32, #tpu.memory_space<vmem>> -> memref<832xf32, #tpu.memory_space<vmem>>
      %gather3A_1381 = tpu.vector_load_idx %gather3A_1380[%add3A_1376] : memref<832xf32, #tpu.memory_space<vmem>>[vector<16xi32>], vector<16xf32>,
      %add3A_1382 = arith.addf %add3A_1373, %gather3A_1381 : vector<16xf32>
      %add3A_1383 = arith.constant 24 : i32
      %add3A_1384 = vector.broadcast %add3A_1383 : i32 to vector<16xi32>
      %add3A_1385 = arith.addi %mul3A_1170, %add3A_1384 : vector<16xi32>
      %gather3A_1386 = arith.constant 2 : i32
      %gather3A_1387 = arith.constant 0 : i32
      %gather3A_1388 = tpu.memref_slice %arg9[%gather3A_1386, %gather3A_1387] : memref<4x832xf32, #tpu.memory_space<vmem>> -> memref<1x832xf32, #tpu.memory_space<vmem>>
      %gather3A_1389 = tpu.memref_squeeze %gather3A_1388 : memref<1x832xf32, #tpu.memory_space<vmem>> -> memref<832xf32, #tpu.memory_space<vmem>>
      %gather3A_1390 = tpu.vector_load_idx %gather3A_1389[%add3A_1385] : memref<832xf32, #tpu.memory_space<vmem>>[vector<16xi32>], vector<16xf32>,
      %add3A_1391 = arith.addf %add3A_1382, %gather3A_1390 : vector<16xf32>
      %add3A_1392 = arith.constant 25 : i32
      %add3A_1393 = vector.broadcast %add3A_1392 : i32 to vector<16xi32>
      %add3A_1394 = arith.addi %mul3A_1170, %add3A_1393 : vector<16xi32>
      %gather3A_1395 = arith.constant 2 : i32
      %gather3A_1396 = arith.constant 0 : i32
      %gather3A_1397 = tpu.memref_slice %arg9[%gather3A_1395, %gather3A_1396] : memref<4x832xf32, #tpu.memory_space<vmem>> -> memref<1x832xf32, #tpu.memory_space<vmem>>
      %gather3A_1398 = tpu.memref_squeeze %gather3A_1397 : memref<1x832xf32, #tpu.memory_space<vmem>> -> memref<832xf32, #tpu.memory_space<vmem>>
      %gather3A_1399 = tpu.vector_load_idx %gather3A_1398[%add3A_1394] : memref<832xf32, #tpu.memory_space<vmem>>[vector<16xi32>], vector<16xf32>,
      %add3A_1400 = arith.addf %add3A_1391, %gather3A_1399 : vector<16xf32>
      %mul3A_1401 = arith.constant 32 : i32
      %mul3A_1402 = arith.muli %add3A_1137, %mul3A_1401 : i32
      %add3A_1403 = arith.constant 0 : i32
      %add3A_1404 = arith.addi %mul3A_1402, %add3A_1403 : i32
      %swap3A_1405 = arith.index_cast %add3A_1404 : i32 to index
      %swap3A_1406 = tpu.vector_load %arg11[%swap3A_1405] {strides = array<i32>} : memref<512xf32, #tpu.memory_space<vmem>>, vector<16xf32>,
      tpu.vector_store %arg11[%swap3A_1405], %add3A_1400 {strides = array<i32>} : memref<512xf32, #tpu.memory_space<vmem>>, vector<16xf32>,
      %add3A_1407 = arith.constant 16 : i32
      %add3A_1408 = vector.broadcast %add3A_1407 : i32 to vector<16xi32>
      %add3A_1409 = arith.addi %add3A_1408, %iota3A_1164 : vector<16xi32>
      %mul3A_1410 = arith.constant 26 : i32
      %mul3A_1411 = vector.broadcast %mul3A_1410 : i32 to vector<16xi32>
      %mul3A_1412 = arith.muli %add3A_1409, %mul3A_1411 : vector<16xi32>
      %gather3A_1413 = arith.constant 2 : i32
      %gather3A_1414 = arith.constant 0 : i32
      %gather3A_1415 = tpu.memref_slice %arg9[%gather3A_1413, %gather3A_1414] : memref<4x832xf32, #tpu.memory_space<vmem>> -> memref<1x832xf32, #tpu.memory_space<vmem>>
      %gather3A_1416 = tpu.memref_squeeze %gather3A_1415 : memref<1x832xf32, #tpu.memory_space<vmem>> -> memref<832xf32, #tpu.memory_space<vmem>>
      %gather3A_1417 = tpu.vector_load_idx %gather3A_1416[%mul3A_1412] : memref<832xf32, #tpu.memory_space<vmem>>[vector<16xi32>], vector<16xf32>,
      %add3A_1418 = arith.constant 1 : i32
      %add3A_1419 = vector.broadcast %add3A_1418 : i32 to vector<16xi32>
      %add3A_1420 = arith.addi %mul3A_1412, %add3A_1419 : vector<16xi32>
      %gather3A_1421 = arith.constant 2 : i32
      %gather3A_1422 = arith.constant 0 : i32
      %gather3A_1423 = tpu.memref_slice %arg9[%gather3A_1421, %gather3A_1422] : memref<4x832xf32, #tpu.memory_space<vmem>> -> memref<1x832xf32, #tpu.memory_space<vmem>>
      %gather3A_1424 = tpu.memref_squeeze %gather3A_1423 : memref<1x832xf32, #tpu.memory_space<vmem>> -> memref<832xf32, #tpu.memory_space<vmem>>
      %gather3A_1425 = tpu.vector_load_idx %gather3A_1424[%add3A_1420] : memref<832xf32, #tpu.memory_space<vmem>>[vector<16xi32>], vector<16xf32>,
      %add3A_1426 = arith.addf %gather3A_1417, %gather3A_1425 : vector<16xf32>
      %add3A_1427 = arith.constant 2 : i32
      %add3A_1428 = vector.broadcast %add3A_1427 : i32 to vector<16xi32>
      %add3A_1429 = arith.addi %mul3A_1412, %add3A_1428 : vector<16xi32>
      %gather3A_1430 = arith.constant 2 : i32
      %gather3A_1431 = arith.constant 0 : i32
      %gather3A_1432 = tpu.memref_slice %arg9[%gather3A_1430, %gather3A_1431] : memref<4x832xf32, #tpu.memory_space<vmem>> -> memref<1x832xf32, #tpu.memory_space<vmem>>
      %gather3A_1433 = tpu.memref_squeeze %gather3A_1432 : memref<1x832xf32, #tpu.memory_space<vmem>> -> memref<832xf32, #tpu.memory_space<vmem>>
      %gather3A_1434 = tpu.vector_load_idx %gather3A_1433[%add3A_1429] : memref<832xf32, #tpu.memory_space<vmem>>[vector<16xi32>], vector<16xf32>,
      %add3A_1435 = arith.addf %add3A_1426, %gather3A_1434 : vector<16xf32>
      %add3A_1436 = arith.constant 3 : i32
      %add3A_1437 = vector.broadcast %add3A_1436 : i32 to vector<16xi32>
      %add3A_1438 = arith.addi %mul3A_1412, %add3A_1437 : vector<16xi32>
      %gather3A_1439 = arith.constant 2 : i32
      %gather3A_1440 = arith.constant 0 : i32
      %gather3A_1441 = tpu.memref_slice %arg9[%gather3A_1439, %gather3A_1440] : memref<4x832xf32, #tpu.memory_space<vmem>> -> memref<1x832xf32, #tpu.memory_space<vmem>>
      %gather3A_1442 = tpu.memref_squeeze %gather3A_1441 : memref<1x832xf32, #tpu.memory_space<vmem>> -> memref<832xf32, #tpu.memory_space<vmem>>
      %gather3A_1443 = tpu.vector_load_idx %gather3A_1442[%add3A_1438] : memref<832xf32, #tpu.memory_space<vmem>>[vector<16xi32>], vector<16xf32>,
      %add3A_1444 = arith.addf %add3A_1435, %gather3A_1443 : vector<16xf32>
      %add3A_1445 = arith.constant 4 : i32
      %add3A_1446 = vector.broadcast %add3A_1445 : i32 to vector<16xi32>
      %add3A_1447 = arith.addi %mul3A_1412, %add3A_1446 : vector<16xi32>
      %gather3A_1448 = arith.constant 2 : i32
      %gather3A_1449 = arith.constant 0 : i32
      %gather3A_1450 = tpu.memref_slice %arg9[%gather3A_1448, %gather3A_1449] : memref<4x832xf32, #tpu.memory_space<vmem>> -> memref<1x832xf32, #tpu.memory_space<vmem>>
      %gather3A_1451 = tpu.memref_squeeze %gather3A_1450 : memref<1x832xf32, #tpu.memory_space<vmem>> -> memref<832xf32, #tpu.memory_space<vmem>>
      %gather3A_1452 = tpu.vector_load_idx %gather3A_1451[%add3A_1447] : memref<832xf32, #tpu.memory_space<vmem>>[vector<16xi32>], vector<16xf32>,
      %add3A_1453 = arith.addf %add3A_1444, %gather3A_1452 : vector<16xf32>
      %add3A_1454 = arith.constant 5 : i32
      %add3A_1455 = vector.broadcast %add3A_1454 : i32 to vector<16xi32>
      %add3A_1456 = arith.addi %mul3A_1412, %add3A_1455 : vector<16xi32>
      %gather3A_1457 = arith.constant 2 : i32
      %gather3A_1458 = arith.constant 0 : i32
      %gather3A_1459 = tpu.memref_slice %arg9[%gather3A_1457, %gather3A_1458] : memref<4x832xf32, #tpu.memory_space<vmem>> -> memref<1x832xf32, #tpu.memory_space<vmem>>
      %gather3A_1460 = tpu.memref_squeeze %gather3A_1459 : memref<1x832xf32, #tpu.memory_space<vmem>> -> memref<832xf32, #tpu.memory_space<vmem>>
      %gather3A_1461 = tpu.vector_load_idx %gather3A_1460[%add3A_1456] : memref<832xf32, #tpu.memory_space<vmem>>[vector<16xi32>], vector<16xf32>,
      %add3A_1462 = arith.addf %add3A_1453, %gather3A_1461 : vector<16xf32>
      %add3A_1463 = arith.constant 6 : i32
      %add3A_1464 = vector.broadcast %add3A_1463 : i32 to vector<16xi32>
      %add3A_1465 = arith.addi %mul3A_1412, %add3A_1464 : vector<16xi32>
      %gather3A_1466 = arith.constant 2 : i32
      %gather3A_1467 = arith.constant 0 : i32
      %gather3A_1468 = tpu.memref_slice %arg9[%gather3A_1466, %gather3A_1467] : memref<4x832xf32, #tpu.memory_space<vmem>> -> memref<1x832xf32, #tpu.memory_space<vmem>>
      %gather3A_1469 = tpu.memref_squeeze %gather3A_1468 : memref<1x832xf32, #tpu.memory_space<vmem>> -> memref<832xf32, #tpu.memory_space<vmem>>
      %gather3A_1470 = tpu.vector_load_idx %gather3A_1469[%add3A_1465] : memref<832xf32, #tpu.memory_space<vmem>>[vector<16xi32>], vector<16xf32>,
      %add3A_1471 = arith.addf %add3A_1462, %gather3A_1470 : vector<16xf32>
      %add3A_1472 = arith.constant 7 : i32
      %add3A_1473 = vector.broadcast %add3A_1472 : i32 to vector<16xi32>
      %add3A_1474 = arith.addi %mul3A_1412, %add3A_1473 : vector<16xi32>
      %gather3A_1475 = arith.constant 2 : i32
      %gather3A_1476 = arith.constant 0 : i32
      %gather3A_1477 = tpu.memref_slice %arg9[%gather3A_1475, %gather3A_1476] : memref<4x832xf32, #tpu.memory_space<vmem>> -> memref<1x832xf32, #tpu.memory_space<vmem>>
      %gather3A_1478 = tpu.memref_squeeze %gather3A_1477 : memref<1x832xf32, #tpu.memory_space<vmem>> -> memref<832xf32, #tpu.memory_space<vmem>>
      %gather3A_1479 = tpu.vector_load_idx %gather3A_1478[%add3A_1474] : memref<832xf32, #tpu.memory_space<vmem>>[vector<16xi32>], vector<16xf32>,
      %add3A_1480 = arith.addf %add3A_1471, %gather3A_1479 : vector<16xf32>
      %add3A_1481 = arith.constant 8 : i32
      %add3A_1482 = vector.broadcast %add3A_1481 : i32 to vector<16xi32>
      %add3A_1483 = arith.addi %mul3A_1412, %add3A_1482 : vector<16xi32>
      %gather3A_1484 = arith.constant 2 : i32
      %gather3A_1485 = arith.constant 0 : i32
      %gather3A_1486 = tpu.memref_slice %arg9[%gather3A_1484, %gather3A_1485] : memref<4x832xf32, #tpu.memory_space<vmem>> -> memref<1x832xf32, #tpu.memory_space<vmem>>
      %gather3A_1487 = tpu.memref_squeeze %gather3A_1486 : memref<1x832xf32, #tpu.memory_space<vmem>> -> memref<832xf32, #tpu.memory_space<vmem>>
      %gather3A_1488 = tpu.vector_load_idx %gather3A_1487[%add3A_1483] : memref<832xf32, #tpu.memory_space<vmem>>[vector<16xi32>], vector<16xf32>,
      %add3A_1489 = arith.addf %add3A_1480, %gather3A_1488 : vector<16xf32>
      %add3A_1490 = arith.constant 9 : i32
      %add3A_1491 = vector.broadcast %add3A_1490 : i32 to vector<16xi32>
      %add3A_1492 = arith.addi %mul3A_1412, %add3A_1491 : vector<16xi32>
      %gather3A_1493 = arith.constant 2 : i32
      %gather3A_1494 = arith.constant 0 : i32
      %gather3A_1495 = tpu.memref_slice %arg9[%gather3A_1493, %gather3A_1494] : memref<4x832xf32, #tpu.memory_space<vmem>> -> memref<1x832xf32, #tpu.memory_space<vmem>>
      %gather3A_1496 = tpu.memref_squeeze %gather3A_1495 : memref<1x832xf32, #tpu.memory_space<vmem>> -> memref<832xf32, #tpu.memory_space<vmem>>
      %gather3A_1497 = tpu.vector_load_idx %gather3A_1496[%add3A_1492] : memref<832xf32, #tpu.memory_space<vmem>>[vector<16xi32>], vector<16xf32>,
      %add3A_1498 = arith.addf %add3A_1489, %gather3A_1497 : vector<16xf32>
      %add3A_1499 = arith.constant 10 : i32
      %add3A_1500 = vector.broadcast %add3A_1499 : i32 to vector<16xi32>
      %add3A_1501 = arith.addi %mul3A_1412, %add3A_1500 : vector<16xi32>
      %gather3A_1502 = arith.constant 2 : i32
      %gather3A_1503 = arith.constant 0 : i32
      %gather3A_1504 = tpu.memref_slice %arg9[%gather3A_1502, %gather3A_1503] : memref<4x832xf32, #tpu.memory_space<vmem>> -> memref<1x832xf32, #tpu.memory_space<vmem>>
      %gather3A_1505 = tpu.memref_squeeze %gather3A_1504 : memref<1x832xf32, #tpu.memory_space<vmem>> -> memref<832xf32, #tpu.memory_space<vmem>>
      %gather3A_1506 = tpu.vector_load_idx %gather3A_1505[%add3A_1501] : memref<832xf32, #tpu.memory_space<vmem>>[vector<16xi32>], vector<16xf32>,
      %add3A_1507 = arith.addf %add3A_1498, %gather3A_1506 : vector<16xf32>
      %add3A_1508 = arith.constant 11 : i32
      %add3A_1509 = vector.broadcast %add3A_1508 : i32 to vector<16xi32>
      %add3A_1510 = arith.addi %mul3A_1412, %add3A_1509 : vector<16xi32>
      %gather3A_1511 = arith.constant 2 : i32
      %gather3A_1512 = arith.constant 0 : i32
      %gather3A_1513 = tpu.memref_slice %arg9[%gather3A_1511, %gather3A_1512] : memref<4x832xf32, #tpu.memory_space<vmem>> -> memref<1x832xf32, #tpu.memory_space<vmem>>
      %gather3A_1514 = tpu.memref_squeeze %gather3A_1513 : memref<1x832xf32, #tpu.memory_space<vmem>> -> memref<832xf32, #tpu.memory_space<vmem>>
      %gather3A_1515 = tpu.vector_load_idx %gather3A_1514[%add3A_1510] : memref<832xf32, #tpu.memory_space<vmem>>[vector<16xi32>], vector<16xf32>,
      %add3A_1516 = arith.addf %add3A_1507, %gather3A_1515 : vector<16xf32>
      %add3A_1517 = arith.constant 12 : i32
      %add3A_1518 = vector.broadcast %add3A_1517 : i32 to vector<16xi32>
      %add3A_1519 = arith.addi %mul3A_1412, %add3A_1518 : vector<16xi32>
      %gather3A_1520 = arith.constant 2 : i32
      %gather3A_1521 = arith.constant 0 : i32
      %gather3A_1522 = tpu.memref_slice %arg9[%gather3A_1520, %gather3A_1521] : memref<4x832xf32, #tpu.memory_space<vmem>> -> memref<1x832xf32, #tpu.memory_space<vmem>>
      %gather3A_1523 = tpu.memref_squeeze %gather3A_1522 : memref<1x832xf32, #tpu.memory_space<vmem>> -> memref<832xf32, #tpu.memory_space<vmem>>
      %gather3A_1524 = tpu.vector_load_idx %gather3A_1523[%add3A_1519] : memref<832xf32, #tpu.memory_space<vmem>>[vector<16xi32>], vector<16xf32>,
      %add3A_1525 = arith.addf %add3A_1516, %gather3A_1524 : vector<16xf32>
      %add3A_1526 = arith.constant 13 : i32
      %add3A_1527 = vector.broadcast %add3A_1526 : i32 to vector<16xi32>
      %add3A_1528 = arith.addi %mul3A_1412, %add3A_1527 : vector<16xi32>
      %gather3A_1529 = arith.constant 2 : i32
      %gather3A_1530 = arith.constant 0 : i32
      %gather3A_1531 = tpu.memref_slice %arg9[%gather3A_1529, %gather3A_1530] : memref<4x832xf32, #tpu.memory_space<vmem>> -> memref<1x832xf32, #tpu.memory_space<vmem>>
      %gather3A_1532 = tpu.memref_squeeze %gather3A_1531 : memref<1x832xf32, #tpu.memory_space<vmem>> -> memref<832xf32, #tpu.memory_space<vmem>>
      %gather3A_1533 = tpu.vector_load_idx %gather3A_1532[%add3A_1528] : memref<832xf32, #tpu.memory_space<vmem>>[vector<16xi32>], vector<16xf32>,
      %add3A_1534 = arith.addf %add3A_1525, %gather3A_1533 : vector<16xf32>
      %add3A_1535 = arith.constant 14 : i32
      %add3A_1536 = vector.broadcast %add3A_1535 : i32 to vector<16xi32>
      %add3A_1537 = arith.addi %mul3A_1412, %add3A_1536 : vector<16xi32>
      %gather3A_1538 = arith.constant 2 : i32
      %gather3A_1539 = arith.constant 0 : i32
      %gather3A_1540 = tpu.memref_slice %arg9[%gather3A_1538, %gather3A_1539] : memref<4x832xf32, #tpu.memory_space<vmem>> -> memref<1x832xf32, #tpu.memory_space<vmem>>
      %gather3A_1541 = tpu.memref_squeeze %gather3A_1540 : memref<1x832xf32, #tpu.memory_space<vmem>> -> memref<832xf32, #tpu.memory_space<vmem>>
      %gather3A_1542 = tpu.vector_load_idx %gather3A_1541[%add3A_1537] : memref<832xf32, #tpu.memory_space<vmem>>[vector<16xi32>], vector<16xf32>,
      %add3A_1543 = arith.addf %add3A_1534, %gather3A_1542 : vector<16xf32>
      %add3A_1544 = arith.constant 15 : i32
      %add3A_1545 = vector.broadcast %add3A_1544 : i32 to vector<16xi32>
      %add3A_1546 = arith.addi %mul3A_1412, %add3A_1545 : vector<16xi32>
      %gather3A_1547 = arith.constant 2 : i32
      %gather3A_1548 = arith.constant 0 : i32
      %gather3A_1549 = tpu.memref_slice %arg9[%gather3A_1547, %gather3A_1548] : memref<4x832xf32, #tpu.memory_space<vmem>> -> memref<1x832xf32, #tpu.memory_space<vmem>>
      %gather3A_1550 = tpu.memref_squeeze %gather3A_1549 : memref<1x832xf32, #tpu.memory_space<vmem>> -> memref<832xf32, #tpu.memory_space<vmem>>
      %gather3A_1551 = tpu.vector_load_idx %gather3A_1550[%add3A_1546] : memref<832xf32, #tpu.memory_space<vmem>>[vector<16xi32>], vector<16xf32>,
      %add3A_1552 = arith.addf %add3A_1543, %gather3A_1551 : vector<16xf32>
      %add3A_1553 = arith.constant 16 : i32
      %add3A_1554 = vector.broadcast %add3A_1553 : i32 to vector<16xi32>
      %add3A_1555 = arith.addi %mul3A_1412, %add3A_1554 : vector<16xi32>
      %gather3A_1556 = arith.constant 2 : i32
      %gather3A_1557 = arith.constant 0 : i32
      %gather3A_1558 = tpu.memref_slice %arg9[%gather3A_1556, %gather3A_1557] : memref<4x832xf32, #tpu.memory_space<vmem>> -> memref<1x832xf32, #tpu.memory_space<vmem>>
      %gather3A_1559 = tpu.memref_squeeze %gather3A_1558 : memref<1x832xf32, #tpu.memory_space<vmem>> -> memref<832xf32, #tpu.memory_space<vmem>>
      %gather3A_1560 = tpu.vector_load_idx %gather3A_1559[%add3A_1555] : memref<832xf32, #tpu.memory_space<vmem>>[vector<16xi32>], vector<16xf32>,
      %add3A_1561 = arith.addf %add3A_1552, %gather3A_1560 : vector<16xf32>
      %add3A_1562 = arith.constant 17 : i32
      %add3A_1563 = vector.broadcast %add3A_1562 : i32 to vector<16xi32>
      %add3A_1564 = arith.addi %mul3A_1412, %add3A_1563 : vector<16xi32>
      %gather3A_1565 = arith.constant 2 : i32
      %gather3A_1566 = arith.constant 0 : i32
      %gather3A_1567 = tpu.memref_slice %arg9[%gather3A_1565, %gather3A_1566] : memref<4x832xf32, #tpu.memory_space<vmem>> -> memref<1x832xf32, #tpu.memory_space<vmem>>
      %gather3A_1568 = tpu.memref_squeeze %gather3A_1567 : memref<1x832xf32, #tpu.memory_space<vmem>> -> memref<832xf32, #tpu.memory_space<vmem>>
      %gather3A_1569 = tpu.vector_load_idx %gather3A_1568[%add3A_1564] : memref<832xf32, #tpu.memory_space<vmem>>[vector<16xi32>], vector<16xf32>,
      %add3A_1570 = arith.addf %add3A_1561, %gather3A_1569 : vector<16xf32>
      %add3A_1571 = arith.constant 18 : i32
      %add3A_1572 = vector.broadcast %add3A_1571 : i32 to vector<16xi32>
      %add3A_1573 = arith.addi %mul3A_1412, %add3A_1572 : vector<16xi32>
      %gather3A_1574 = arith.constant 2 : i32
      %gather3A_1575 = arith.constant 0 : i32
      %gather3A_1576 = tpu.memref_slice %arg9[%gather3A_1574, %gather3A_1575] : memref<4x832xf32, #tpu.memory_space<vmem>> -> memref<1x832xf32, #tpu.memory_space<vmem>>
      %gather3A_1577 = tpu.memref_squeeze %gather3A_1576 : memref<1x832xf32, #tpu.memory_space<vmem>> -> memref<832xf32, #tpu.memory_space<vmem>>
      %gather3A_1578 = tpu.vector_load_idx %gather3A_1577[%add3A_1573] : memref<832xf32, #tpu.memory_space<vmem>>[vector<16xi32>], vector<16xf32>,
      %add3A_1579 = arith.addf %add3A_1570, %gather3A_1578 : vector<16xf32>
      %add3A_1580 = arith.constant 19 : i32
      %add3A_1581 = vector.broadcast %add3A_1580 : i32 to vector<16xi32>
      %add3A_1582 = arith.addi %mul3A_1412, %add3A_1581 : vector<16xi32>
      %gather3A_1583 = arith.constant 2 : i32
      %gather3A_1584 = arith.constant 0 : i32
      %gather3A_1585 = tpu.memref_slice %arg9[%gather3A_1583, %gather3A_1584] : memref<4x832xf32, #tpu.memory_space<vmem>> -> memref<1x832xf32, #tpu.memory_space<vmem>>
      %gather3A_1586 = tpu.memref_squeeze %gather3A_1585 : memref<1x832xf32, #tpu.memory_space<vmem>> -> memref<832xf32, #tpu.memory_space<vmem>>
      %gather3A_1587 = tpu.vector_load_idx %gather3A_1586[%add3A_1582] : memref<832xf32, #tpu.memory_space<vmem>>[vector<16xi32>], vector<16xf32>,
      %add3A_1588 = arith.addf %add3A_1579, %gather3A_1587 : vector<16xf32>
      %add3A_1589 = arith.constant 20 : i32
      %add3A_1590 = vector.broadcast %add3A_1589 : i32 to vector<16xi32>
      %add3A_1591 = arith.addi %mul3A_1412, %add3A_1590 : vector<16xi32>
      %gather3A_1592 = arith.constant 2 : i32
      %gather3A_1593 = arith.constant 0 : i32
      %gather3A_1594 = tpu.memref_slice %arg9[%gather3A_1592, %gather3A_1593] : memref<4x832xf32, #tpu.memory_space<vmem>> -> memref<1x832xf32, #tpu.memory_space<vmem>>
      %gather3A_1595 = tpu.memref_squeeze %gather3A_1594 : memref<1x832xf32, #tpu.memory_space<vmem>> -> memref<832xf32, #tpu.memory_space<vmem>>
      %gather3A_1596 = tpu.vector_load_idx %gather3A_1595[%add3A_1591] : memref<832xf32, #tpu.memory_space<vmem>>[vector<16xi32>], vector<16xf32>,
      %add3A_1597 = arith.addf %add3A_1588, %gather3A_1596 : vector<16xf32>
      %add3A_1598 = arith.constant 21 : i32
      %add3A_1599 = vector.broadcast %add3A_1598 : i32 to vector<16xi32>
      %add3A_1600 = arith.addi %mul3A_1412, %add3A_1599 : vector<16xi32>
      %gather3A_1601 = arith.constant 2 : i32
      %gather3A_1602 = arith.constant 0 : i32
      %gather3A_1603 = tpu.memref_slice %arg9[%gather3A_1601, %gather3A_1602] : memref<4x832xf32, #tpu.memory_space<vmem>> -> memref<1x832xf32, #tpu.memory_space<vmem>>
      %gather3A_1604 = tpu.memref_squeeze %gather3A_1603 : memref<1x832xf32, #tpu.memory_space<vmem>> -> memref<832xf32, #tpu.memory_space<vmem>>
      %gather3A_1605 = tpu.vector_load_idx %gather3A_1604[%add3A_1600] : memref<832xf32, #tpu.memory_space<vmem>>[vector<16xi32>], vector<16xf32>,
      %add3A_1606 = arith.addf %add3A_1597, %gather3A_1605 : vector<16xf32>
      %add3A_1607 = arith.constant 22 : i32
      %add3A_1608 = vector.broadcast %add3A_1607 : i32 to vector<16xi32>
      %add3A_1609 = arith.addi %mul3A_1412, %add3A_1608 : vector<16xi32>
      %gather3A_1610 = arith.constant 2 : i32
      %gather3A_1611 = arith.constant 0 : i32
      %gather3A_1612 = tpu.memref_slice %arg9[%gather3A_1610, %gather3A_1611] : memref<4x832xf32, #tpu.memory_space<vmem>> -> memref<1x832xf32, #tpu.memory_space<vmem>>
      %gather3A_1613 = tpu.memref_squeeze %gather3A_1612 : memref<1x832xf32, #tpu.memory_space<vmem>> -> memref<832xf32, #tpu.memory_space<vmem>>
      %gather3A_1614 = tpu.vector_load_idx %gather3A_1613[%add3A_1609] : memref<832xf32, #tpu.memory_space<vmem>>[vector<16xi32>], vector<16xf32>,
      %add3A_1615 = arith.addf %add3A_1606, %gather3A_1614 : vector<16xf32>
      %add3A_1616 = arith.constant 23 : i32
      %add3A_1617 = vector.broadcast %add3A_1616 : i32 to vector<16xi32>
      %add3A_1618 = arith.addi %mul3A_1412, %add3A_1617 : vector<16xi32>
      %gather3A_1619 = arith.constant 2 : i32
      %gather3A_1620 = arith.constant 0 : i32
      %gather3A_1621 = tpu.memref_slice %arg9[%gather3A_1619, %gather3A_1620] : memref<4x832xf32, #tpu.memory_space<vmem>> -> memref<1x832xf32, #tpu.memory_space<vmem>>
      %gather3A_1622 = tpu.memref_squeeze %gather3A_1621 : memref<1x832xf32, #tpu.memory_space<vmem>> -> memref<832xf32, #tpu.memory_space<vmem>>
      %gather3A_1623 = tpu.vector_load_idx %gather3A_1622[%add3A_1618] : memref<832xf32, #tpu.memory_space<vmem>>[vector<16xi32>], vector<16xf32>,
      %add3A_1624 = arith.addf %add3A_1615, %gather3A_1623 : vector<16xf32>
      %add3A_1625 = arith.constant 24 : i32
      %add3A_1626 = vector.broadcast %add3A_1625 : i32 to vector<16xi32>
      %add3A_1627 = arith.addi %mul3A_1412, %add3A_1626 : vector<16xi32>
      %gather3A_1628 = arith.constant 2 : i32
      %gather3A_1629 = arith.constant 0 : i32
      %gather3A_1630 = tpu.memref_slice %arg9[%gather3A_1628, %gather3A_1629] : memref<4x832xf32, #tpu.memory_space<vmem>> -> memref<1x832xf32, #tpu.memory_space<vmem>>
      %gather3A_1631 = tpu.memref_squeeze %gather3A_1630 : memref<1x832xf32, #tpu.memory_space<vmem>> -> memref<832xf32, #tpu.memory_space<vmem>>
      %gather3A_1632 = tpu.vector_load_idx %gather3A_1631[%add3A_1627] : memref<832xf32, #tpu.memory_space<vmem>>[vector<16xi32>], vector<16xf32>,
      %add3A_1633 = arith.addf %add3A_1624, %gather3A_1632 : vector<16xf32>
      %add3A_1634 = arith.constant 25 : i32
      %add3A_1635 = vector.broadcast %add3A_1634 : i32 to vector<16xi32>
      %add3A_1636 = arith.addi %mul3A_1412, %add3A_1635 : vector<16xi32>
      %gather3A_1637 = arith.constant 2 : i32
      %gather3A_1638 = arith.constant 0 : i32
      %gather3A_1639 = tpu.memref_slice %arg9[%gather3A_1637, %gather3A_1638] : memref<4x832xf32, #tpu.memory_space<vmem>> -> memref<1x832xf32, #tpu.memory_space<vmem>>
      %gather3A_1640 = tpu.memref_squeeze %gather3A_1639 : memref<1x832xf32, #tpu.memory_space<vmem>> -> memref<832xf32, #tpu.memory_space<vmem>>
      %gather3A_1641 = tpu.vector_load_idx %gather3A_1640[%add3A_1636] : memref<832xf32, #tpu.memory_space<vmem>>[vector<16xi32>], vector<16xf32>,
      %add3A_1642 = arith.addf %add3A_1633, %gather3A_1641 : vector<16xf32>
      %mul3A_1643 = arith.constant 32 : i32
      %mul3A_1644 = arith.muli %add3A_1137, %mul3A_1643 : i32
      %add3A_1645 = arith.constant 16 : i32
      %add3A_1646 = arith.addi %mul3A_1644, %add3A_1645 : i32
      %swap3A_1647 = arith.index_cast %add3A_1646 : i32 to index
      %swap3A_1648 = tpu.vector_load %arg11[%swap3A_1647] {strides = array<i32>} : memref<512xf32, #tpu.memory_space<vmem>>, vector<16xf32>,
      tpu.vector_store %arg11[%swap3A_1647], %add3A_1642 {strides = array<i32>} : memref<512xf32, #tpu.memory_space<vmem>>, vector<16xf32>,
      %parallel_loop3A_1649 = arith.constant 0 : i32
      %parallel_loop3A_1650 = arith.constant 32 : i32
      %parallel_loop3A_1651 = arith.constant 1 : i32
      scf.for %parallel_loop3A_2183 = %parallel_loop3A_1649 to %parallel_loop3A_1650 step %parallel_loop3A_1651  : i32 {
        %parallel_loop3A_2184 = arith.constant 26 : i32
        %parallel_loop3A_2185 = arith.muli %parallel_loop3A_2183, %parallel_loop3A_2184 : i32
        %parallel_loop3A_2186 = arith.constant 2 : i32
        %parallel_loop3A_2187 = arith.index_cast %parallel_loop3A_2186 : i32 to index
        %parallel_loop3A_2188 = arith.index_cast %parallel_loop3A_2185 : i32 to index
        %parallel_loop3A_2189 = arith.constant 0 : index
        %parallel_loop3A_2190 = tpu.vector_load %arg8[%parallel_loop3A_2187, %parallel_loop3A_2188, %parallel_loop3A_2189] {strides = array<i32>} : memref<4x832x16xf32, #tpu.memory_space<vmem>>, vector<16xf32>,
        %parallel_loop3A_2191 = arith.mulf %parallel_loop3A_2190, %parallel_loop3A_2190 : vector<16xf32>
        %parallel_loop3A_2192 = arith.constant 1 : i32
        %parallel_loop3A_2193 = arith.addi %parallel_loop3A_2185, %parallel_loop3A_2192 : i32
        %parallel_loop3A_2194 = arith.constant 2 : i32
        %parallel_loop3A_2195 = arith.index_cast %parallel_loop3A_2194 : i32 to index
        %parallel_loop3A_2196 = arith.index_cast %parallel_loop3A_2193 : i32 to index
        %parallel_loop3A_2197 = arith.constant 0 : index
        %parallel_loop3A_2198 = tpu.vector_load %arg8[%parallel_loop3A_2195, %parallel_loop3A_2196, %parallel_loop3A_2197] {strides = array<i32>} : memref<4x832x16xf32, #tpu.memory_space<vmem>>, vector<16xf32>,
        %parallel_loop3A_2199 = arith.addf %parallel_loop3A_2190, %parallel_loop3A_2198 : vector<16xf32>
        %parallel_loop3A_2200 = arith.mulf %parallel_loop3A_2198, %parallel_loop3A_2198 : vector<16xf32>
        %parallel_loop3A_2201 = arith.addf %parallel_loop3A_2191, %parallel_loop3A_2200 : vector<16xf32>
        %parallel_loop3A_2202 = arith.constant 2 : i32
        %parallel_loop3A_2203 = arith.addi %parallel_loop3A_2185, %parallel_loop3A_2202 : i32
        %parallel_loop3A_2204 = arith.constant 2 : i32
        %parallel_loop3A_2205 = arith.index_cast %parallel_loop3A_2204 : i32 to index
        %parallel_loop3A_2206 = arith.index_cast %parallel_loop3A_2203 : i32 to index
        %parallel_loop3A_2207 = arith.constant 0 : index
        %parallel_loop3A_2208 = tpu.vector_load %arg8[%parallel_loop3A_2205, %parallel_loop3A_2206, %parallel_loop3A_2207] {strides = array<i32>} : memref<4x832x16xf32, #tpu.memory_space<vmem>>, vector<16xf32>,
        %parallel_loop3A_2209 = arith.addf %parallel_loop3A_2199, %parallel_loop3A_2208 : vector<16xf32>
        %parallel_loop3A_2210 = arith.mulf %parallel_loop3A_2208, %parallel_loop3A_2208 : vector<16xf32>
        %parallel_loop3A_2211 = arith.addf %parallel_loop3A_2201, %parallel_loop3A_2210 : vector<16xf32>
        %parallel_loop3A_2212 = arith.constant 3 : i32
        %parallel_loop3A_2213 = arith.addi %parallel_loop3A_2185, %parallel_loop3A_2212 : i32
        %parallel_loop3A_2214 = arith.constant 2 : i32
        %parallel_loop3A_2215 = arith.index_cast %parallel_loop3A_2214 : i32 to index
        %parallel_loop3A_2216 = arith.index_cast %parallel_loop3A_2213 : i32 to index
        %parallel_loop3A_2217 = arith.constant 0 : index
        %parallel_loop3A_2218 = tpu.vector_load %arg8[%parallel_loop3A_2215, %parallel_loop3A_2216, %parallel_loop3A_2217] {strides = array<i32>} : memref<4x832x16xf32, #tpu.memory_space<vmem>>, vector<16xf32>,
        %parallel_loop3A_2219 = arith.addf %parallel_loop3A_2209, %parallel_loop3A_2218 : vector<16xf32>
        %parallel_loop3A_2220 = arith.mulf %parallel_loop3A_2218, %parallel_loop3A_2218 : vector<16xf32>
        %parallel_loop3A_2221 = arith.addf %parallel_loop3A_2211, %parallel_loop3A_2220 : vector<16xf32>
        %parallel_loop3A_2222 = arith.constant 4 : i32
        %parallel_loop3A_2223 = arith.addi %parallel_loop3A_2185, %parallel_loop3A_2222 : i32
        %parallel_loop3A_2224 = arith.constant 2 : i32
        %parallel_loop3A_2225 = arith.index_cast %parallel_loop3A_2224 : i32 to index
        %parallel_loop3A_2226 = arith.index_cast %parallel_loop3A_2223 : i32 to index
        %parallel_loop3A_2227 = arith.constant 0 : index
        %parallel_loop3A_2228 = tpu.vector_load %arg8[%parallel_loop3A_2225, %parallel_loop3A_2226, %parallel_loop3A_2227] {strides = array<i32>} : memref<4x832x16xf32, #tpu.memory_space<vmem>>, vector<16xf32>,
        %parallel_loop3A_2229 = arith.addf %parallel_loop3A_2219, %parallel_loop3A_2228 : vector<16xf32>
        %parallel_loop3A_2230 = arith.mulf %parallel_loop3A_2228, %parallel_loop3A_2228 : vector<16xf32>
        %parallel_loop3A_2231 = arith.addf %parallel_loop3A_2221, %parallel_loop3A_2230 : vector<16xf32>
        %parallel_loop3A_2232 = arith.constant 5 : i32
        %parallel_loop3A_2233 = arith.addi %parallel_loop3A_2185, %parallel_loop3A_2232 : i32
        %parallel_loop3A_2234 = arith.constant 2 : i32
        %parallel_loop3A_2235 = arith.index_cast %parallel_loop3A_2234 : i32 to index
        %parallel_loop3A_2236 = arith.index_cast %parallel_loop3A_2233 : i32 to index
        %parallel_loop3A_2237 = arith.constant 0 : index
        %parallel_loop3A_2238 = tpu.vector_load %arg8[%parallel_loop3A_2235, %parallel_loop3A_2236, %parallel_loop3A_2237] {strides = array<i32>} : memref<4x832x16xf32, #tpu.memory_space<vmem>>, vector<16xf32>,
        %parallel_loop3A_2239 = arith.addf %parallel_loop3A_2229, %parallel_loop3A_2238 : vector<16xf32>
        %parallel_loop3A_2240 = arith.mulf %parallel_loop3A_2238, %parallel_loop3A_2238 : vector<16xf32>
        %parallel_loop3A_2241 = arith.addf %parallel_loop3A_2231, %parallel_loop3A_2240 : vector<16xf32>
        %parallel_loop3A_2242 = arith.constant 6 : i32
        %parallel_loop3A_2243 = arith.addi %parallel_loop3A_2185, %parallel_loop3A_2242 : i32
        %parallel_loop3A_2244 = arith.constant 2 : i32
        %parallel_loop3A_2245 = arith.index_cast %parallel_loop3A_2244 : i32 to index
        %parallel_loop3A_2246 = arith.index_cast %parallel_loop3A_2243 : i32 to index
        %parallel_loop3A_2247 = arith.constant 0 : index
        %parallel_loop3A_2248 = tpu.vector_load %arg8[%parallel_loop3A_2245, %parallel_loop3A_2246, %parallel_loop3A_2247] {strides = array<i32>} : memref<4x832x16xf32, #tpu.memory_space<vmem>>, vector<16xf32>,
        %parallel_loop3A_2249 = arith.addf %parallel_loop3A_2239, %parallel_loop3A_2248 : vector<16xf32>
        %parallel_loop3A_2250 = arith.mulf %parallel_loop3A_2248, %parallel_loop3A_2248 : vector<16xf32>
        %parallel_loop3A_2251 = arith.addf %parallel_loop3A_2241, %parallel_loop3A_2250 : vector<16xf32>
        %parallel_loop3A_2252 = arith.constant 7 : i32
        %parallel_loop3A_2253 = arith.addi %parallel_loop3A_2185, %parallel_loop3A_2252 : i32
        %parallel_loop3A_2254 = arith.constant 2 : i32
        %parallel_loop3A_2255 = arith.index_cast %parallel_loop3A_2254 : i32 to index
        %parallel_loop3A_2256 = arith.index_cast %parallel_loop3A_2253 : i32 to index
        %parallel_loop3A_2257 = arith.constant 0 : index
        %parallel_loop3A_2258 = tpu.vector_load %arg8[%parallel_loop3A_2255, %parallel_loop3A_2256, %parallel_loop3A_2257] {strides = array<i32>} : memref<4x832x16xf32, #tpu.memory_space<vmem>>, vector<16xf32>,
        %parallel_loop3A_2259 = arith.addf %parallel_loop3A_2249, %parallel_loop3A_2258 : vector<16xf32>
        %parallel_loop3A_2260 = arith.mulf %parallel_loop3A_2258, %parallel_loop3A_2258 : vector<16xf32>
        %parallel_loop3A_2261 = arith.addf %parallel_loop3A_2251, %parallel_loop3A_2260 : vector<16xf32>
        %parallel_loop3A_2262 = arith.constant 8 : i32
        %parallel_loop3A_2263 = arith.addi %parallel_loop3A_2185, %parallel_loop3A_2262 : i32
        %parallel_loop3A_2264 = arith.constant 2 : i32
        %parallel_loop3A_2265 = arith.index_cast %parallel_loop3A_2264 : i32 to index
        %parallel_loop3A_2266 = arith.index_cast %parallel_loop3A_2263 : i32 to index
        %parallel_loop3A_2267 = arith.constant 0 : index
        %parallel_loop3A_2268 = tpu.vector_load %arg8[%parallel_loop3A_2265, %parallel_loop3A_2266, %parallel_loop3A_2267] {strides = array<i32>} : memref<4x832x16xf32, #tpu.memory_space<vmem>>, vector<16xf32>,
        %parallel_loop3A_2269 = arith.addf %parallel_loop3A_2259, %parallel_loop3A_2268 : vector<16xf32>
        %parallel_loop3A_2270 = arith.mulf %parallel_loop3A_2268, %parallel_loop3A_2268 : vector<16xf32>
        %parallel_loop3A_2271 = arith.addf %parallel_loop3A_2261, %parallel_loop3A_2270 : vector<16xf32>
        %parallel_loop3A_2272 = arith.constant 9 : i32
        %parallel_loop3A_2273 = arith.addi %parallel_loop3A_2185, %parallel_loop3A_2272 : i32
        %parallel_loop3A_2274 = arith.constant 2 : i32
        %parallel_loop3A_2275 = arith.index_cast %parallel_loop3A_2274 : i32 to index
        %parallel_loop3A_2276 = arith.index_cast %parallel_loop3A_2273 : i32 to index
        %parallel_loop3A_2277 = arith.constant 0 : index
        %parallel_loop3A_2278 = tpu.vector_load %arg8[%parallel_loop3A_2275, %parallel_loop3A_2276, %parallel_loop3A_2277] {strides = array<i32>} : memref<4x832x16xf32, #tpu.memory_space<vmem>>, vector<16xf32>,
        %parallel_loop3A_2279 = arith.addf %parallel_loop3A_2269, %parallel_loop3A_2278 : vector<16xf32>
        %parallel_loop3A_2280 = arith.mulf %parallel_loop3A_2278, %parallel_loop3A_2278 : vector<16xf32>
        %parallel_loop3A_2281 = arith.addf %parallel_loop3A_2271, %parallel_loop3A_2280 : vector<16xf32>
        %parallel_loop3A_2282 = arith.constant 10 : i32
        %parallel_loop3A_2283 = arith.addi %parallel_loop3A_2185, %parallel_loop3A_2282 : i32
        %parallel_loop3A_2284 = arith.constant 2 : i32
        %parallel_loop3A_2285 = arith.index_cast %parallel_loop3A_2284 : i32 to index
        %parallel_loop3A_2286 = arith.index_cast %parallel_loop3A_2283 : i32 to index
        %parallel_loop3A_2287 = arith.constant 0 : index
        %parallel_loop3A_2288 = tpu.vector_load %arg8[%parallel_loop3A_2285, %parallel_loop3A_2286, %parallel_loop3A_2287] {strides = array<i32>} : memref<4x832x16xf32, #tpu.memory_space<vmem>>, vector<16xf32>,
        %parallel_loop3A_2289 = arith.addf %parallel_loop3A_2279, %parallel_loop3A_2288 : vector<16xf32>
        %parallel_loop3A_2290 = arith.mulf %parallel_loop3A_2288, %parallel_loop3A_2288 : vector<16xf32>
        %parallel_loop3A_2291 = arith.addf %parallel_loop3A_2281, %parallel_loop3A_2290 : vector<16xf32>
        %parallel_loop3A_2292 = arith.constant 11 : i32
        %parallel_loop3A_2293 = arith.addi %parallel_loop3A_2185, %parallel_loop3A_2292 : i32
        %parallel_loop3A_2294 = arith.constant 2 : i32
        %parallel_loop3A_2295 = arith.index_cast %parallel_loop3A_2294 : i32 to index
        %parallel_loop3A_2296 = arith.index_cast %parallel_loop3A_2293 : i32 to index
        %parallel_loop3A_2297 = arith.constant 0 : index
        %parallel_loop3A_2298 = tpu.vector_load %arg8[%parallel_loop3A_2295, %parallel_loop3A_2296, %parallel_loop3A_2297] {strides = array<i32>} : memref<4x832x16xf32, #tpu.memory_space<vmem>>, vector<16xf32>,
        %parallel_loop3A_2299 = arith.addf %parallel_loop3A_2289, %parallel_loop3A_2298 : vector<16xf32>
        %parallel_loop3A_2300 = arith.mulf %parallel_loop3A_2298, %parallel_loop3A_2298 : vector<16xf32>
        %parallel_loop3A_2301 = arith.addf %parallel_loop3A_2291, %parallel_loop3A_2300 : vector<16xf32>
        %parallel_loop3A_2302 = arith.constant 12 : i32
        %parallel_loop3A_2303 = arith.addi %parallel_loop3A_2185, %parallel_loop3A_2302 : i32
        %parallel_loop3A_2304 = arith.constant 2 : i32
        %parallel_loop3A_2305 = arith.index_cast %parallel_loop3A_2304 : i32 to index
        %parallel_loop3A_2306 = arith.index_cast %parallel_loop3A_2303 : i32 to index
        %parallel_loop3A_2307 = arith.constant 0 : index
        %parallel_loop3A_2308 = tpu.vector_load %arg8[%parallel_loop3A_2305, %parallel_loop3A_2306, %parallel_loop3A_2307] {strides = array<i32>} : memref<4x832x16xf32, #tpu.memory_space<vmem>>, vector<16xf32>,
        %parallel_loop3A_2309 = arith.addf %parallel_loop3A_2299, %parallel_loop3A_2308 : vector<16xf32>
        %parallel_loop3A_2310 = arith.mulf %parallel_loop3A_2308, %parallel_loop3A_2308 : vector<16xf32>
        %parallel_loop3A_2311 = arith.addf %parallel_loop3A_2301, %parallel_loop3A_2310 : vector<16xf32>
        %parallel_loop3A_2312 = arith.constant 13 : i32
        %parallel_loop3A_2313 = arith.addi %parallel_loop3A_2185, %parallel_loop3A_2312 : i32
        %parallel_loop3A_2314 = arith.constant 2 : i32
        %parallel_loop3A_2315 = arith.index_cast %parallel_loop3A_2314 : i32 to index
        %parallel_loop3A_2316 = arith.index_cast %parallel_loop3A_2313 : i32 to index
        %parallel_loop3A_2317 = arith.constant 0 : index
        %parallel_loop3A_2318 = tpu.vector_load %arg8[%parallel_loop3A_2315, %parallel_loop3A_2316, %parallel_loop3A_2317] {strides = array<i32>} : memref<4x832x16xf32, #tpu.memory_space<vmem>>, vector<16xf32>,
        %parallel_loop3A_2319 = arith.addf %parallel_loop3A_2309, %parallel_loop3A_2318 : vector<16xf32>
        %parallel_loop3A_2320 = arith.mulf %parallel_loop3A_2318, %parallel_loop3A_2318 : vector<16xf32>
        %parallel_loop3A_2321 = arith.addf %parallel_loop3A_2311, %parallel_loop3A_2320 : vector<16xf32>
        %parallel_loop3A_2322 = arith.constant 14 : i32
        %parallel_loop3A_2323 = arith.addi %parallel_loop3A_2185, %parallel_loop3A_2322 : i32
        %parallel_loop3A_2324 = arith.constant 2 : i32
        %parallel_loop3A_2325 = arith.index_cast %parallel_loop3A_2324 : i32 to index
        %parallel_loop3A_2326 = arith.index_cast %parallel_loop3A_2323 : i32 to index
        %parallel_loop3A_2327 = arith.constant 0 : index
        %parallel_loop3A_2328 = tpu.vector_load %arg8[%parallel_loop3A_2325, %parallel_loop3A_2326, %parallel_loop3A_2327] {strides = array<i32>} : memref<4x832x16xf32, #tpu.memory_space<vmem>>, vector<16xf32>,
        %parallel_loop3A_2329 = arith.addf %parallel_loop3A_2319, %parallel_loop3A_2328 : vector<16xf32>
        %parallel_loop3A_2330 = arith.mulf %parallel_loop3A_2328, %parallel_loop3A_2328 : vector<16xf32>
        %parallel_loop3A_2331 = arith.addf %parallel_loop3A_2321, %parallel_loop3A_2330 : vector<16xf32>
        %parallel_loop3A_2332 = arith.constant 15 : i32
        %parallel_loop3A_2333 = arith.addi %parallel_loop3A_2185, %parallel_loop3A_2332 : i32
        %parallel_loop3A_2334 = arith.constant 2 : i32
        %parallel_loop3A_2335 = arith.index_cast %parallel_loop3A_2334 : i32 to index
        %parallel_loop3A_2336 = arith.index_cast %parallel_loop3A_2333 : i32 to index
        %parallel_loop3A_2337 = arith.constant 0 : index
        %parallel_loop3A_2338 = tpu.vector_load %arg8[%parallel_loop3A_2335, %parallel_loop3A_2336, %parallel_loop3A_2337] {strides = array<i32>} : memref<4x832x16xf32, #tpu.memory_space<vmem>>, vector<16xf32>,
        %parallel_loop3A_2339 = arith.addf %parallel_loop3A_2329, %parallel_loop3A_2338 : vector<16xf32>
        %parallel_loop3A_2340 = arith.mulf %parallel_loop3A_2338, %parallel_loop3A_2338 : vector<16xf32>
        %parallel_loop3A_2341 = arith.addf %parallel_loop3A_2331, %parallel_loop3A_2340 : vector<16xf32>
        %parallel_loop3A_2342 = arith.constant 16 : i32
        %parallel_loop3A_2343 = arith.addi %parallel_loop3A_2185, %parallel_loop3A_2342 : i32
        %parallel_loop3A_2344 = arith.constant 2 : i32
        %parallel_loop3A_2345 = arith.index_cast %parallel_loop3A_2344 : i32 to index
        %parallel_loop3A_2346 = arith.index_cast %parallel_loop3A_2343 : i32 to index
        %parallel_loop3A_2347 = arith.constant 0 : index
        %parallel_loop3A_2348 = tpu.vector_load %arg8[%parallel_loop3A_2345, %parallel_loop3A_2346, %parallel_loop3A_2347] {strides = array<i32>} : memref<4x832x16xf32, #tpu.memory_space<vmem>>, vector<16xf32>,
        %parallel_loop3A_2349 = arith.addf %parallel_loop3A_2339, %parallel_loop3A_2348 : vector<16xf32>
        %parallel_loop3A_2350 = arith.mulf %parallel_loop3A_2348, %parallel_loop3A_2348 : vector<16xf32>
        %parallel_loop3A_2351 = arith.addf %parallel_loop3A_2341, %parallel_loop3A_2350 : vector<16xf32>
        %parallel_loop3A_2352 = arith.constant 17 : i32
        %parallel_loop3A_2353 = arith.addi %parallel_loop3A_2185, %parallel_loop3A_2352 : i32
        %parallel_loop3A_2354 = arith.constant 2 : i32
        %parallel_loop3A_2355 = arith.index_cast %parallel_loop3A_2354 : i32 to index
        %parallel_loop3A_2356 = arith.index_cast %parallel_loop3A_2353 : i32 to index
        %parallel_loop3A_2357 = arith.constant 0 : index
        %parallel_loop3A_2358 = tpu.vector_load %arg8[%parallel_loop3A_2355, %parallel_loop3A_2356, %parallel_loop3A_2357] {strides = array<i32>} : memref<4x832x16xf32, #tpu.memory_space<vmem>>, vector<16xf32>,
        %parallel_loop3A_2359 = arith.addf %parallel_loop3A_2349, %parallel_loop3A_2358 : vector<16xf32>
        %parallel_loop3A_2360 = arith.mulf %parallel_loop3A_2358, %parallel_loop3A_2358 : vector<16xf32>
        %parallel_loop3A_2361 = arith.addf %parallel_loop3A_2351, %parallel_loop3A_2360 : vector<16xf32>
        %parallel_loop3A_2362 = arith.constant 18 : i32
        %parallel_loop3A_2363 = arith.addi %parallel_loop3A_2185, %parallel_loop3A_2362 : i32
        %parallel_loop3A_2364 = arith.constant 2 : i32
        %parallel_loop3A_2365 = arith.index_cast %parallel_loop3A_2364 : i32 to index
        %parallel_loop3A_2366 = arith.index_cast %parallel_loop3A_2363 : i32 to index
        %parallel_loop3A_2367 = arith.constant 0 : index
        %parallel_loop3A_2368 = tpu.vector_load %arg8[%parallel_loop3A_2365, %parallel_loop3A_2366, %parallel_loop3A_2367] {strides = array<i32>} : memref<4x832x16xf32, #tpu.memory_space<vmem>>, vector<16xf32>,
        %parallel_loop3A_2369 = arith.addf %parallel_loop3A_2359, %parallel_loop3A_2368 : vector<16xf32>
        %parallel_loop3A_2370 = arith.mulf %parallel_loop3A_2368, %parallel_loop3A_2368 : vector<16xf32>
        %parallel_loop3A_2371 = arith.addf %parallel_loop3A_2361, %parallel_loop3A_2370 : vector<16xf32>
        %parallel_loop3A_2372 = arith.constant 19 : i32
        %parallel_loop3A_2373 = arith.addi %parallel_loop3A_2185, %parallel_loop3A_2372 : i32
        %parallel_loop3A_2374 = arith.constant 2 : i32
        %parallel_loop3A_2375 = arith.index_cast %parallel_loop3A_2374 : i32 to index
        %parallel_loop3A_2376 = arith.index_cast %parallel_loop3A_2373 : i32 to index
        %parallel_loop3A_2377 = arith.constant 0 : index
        %parallel_loop3A_2378 = tpu.vector_load %arg8[%parallel_loop3A_2375, %parallel_loop3A_2376, %parallel_loop3A_2377] {strides = array<i32>} : memref<4x832x16xf32, #tpu.memory_space<vmem>>, vector<16xf32>,
        %parallel_loop3A_2379 = arith.addf %parallel_loop3A_2369, %parallel_loop3A_2378 : vector<16xf32>
        %parallel_loop3A_2380 = arith.mulf %parallel_loop3A_2378, %parallel_loop3A_2378 : vector<16xf32>
        %parallel_loop3A_2381 = arith.addf %parallel_loop3A_2371, %parallel_loop3A_2380 : vector<16xf32>
        %parallel_loop3A_2382 = arith.constant 20 : i32
        %parallel_loop3A_2383 = arith.addi %parallel_loop3A_2185, %parallel_loop3A_2382 : i32
        %parallel_loop3A_2384 = arith.constant 2 : i32
        %parallel_loop3A_2385 = arith.index_cast %parallel_loop3A_2384 : i32 to index
        %parallel_loop3A_2386 = arith.index_cast %parallel_loop3A_2383 : i32 to index
        %parallel_loop3A_2387 = arith.constant 0 : index
        %parallel_loop3A_2388 = tpu.vector_load %arg8[%parallel_loop3A_2385, %parallel_loop3A_2386, %parallel_loop3A_2387] {strides = array<i32>} : memref<4x832x16xf32, #tpu.memory_space<vmem>>, vector<16xf32>,
        %parallel_loop3A_2389 = arith.addf %parallel_loop3A_2379, %parallel_loop3A_2388 : vector<16xf32>
        %parallel_loop3A_2390 = arith.mulf %parallel_loop3A_2388, %parallel_loop3A_2388 : vector<16xf32>
        %parallel_loop3A_2391 = arith.addf %parallel_loop3A_2381, %parallel_loop3A_2390 : vector<16xf32>
        %parallel_loop3A_2392 = arith.constant 21 : i32
        %parallel_loop3A_2393 = arith.addi %parallel_loop3A_2185, %parallel_loop3A_2392 : i32
        %parallel_loop3A_2394 = arith.constant 2 : i32
        %parallel_loop3A_2395 = arith.index_cast %parallel_loop3A_2394 : i32 to index
        %parallel_loop3A_2396 = arith.index_cast %parallel_loop3A_2393 : i32 to index
        %parallel_loop3A_2397 = arith.constant 0 : index
        %parallel_loop3A_2398 = tpu.vector_load %arg8[%parallel_loop3A_2395, %parallel_loop3A_2396, %parallel_loop3A_2397] {strides = array<i32>} : memref<4x832x16xf32, #tpu.memory_space<vmem>>, vector<16xf32>,
        %parallel_loop3A_2399 = arith.addf %parallel_loop3A_2389, %parallel_loop3A_2398 : vector<16xf32>
        %parallel_loop3A_2400 = arith.mulf %parallel_loop3A_2398, %parallel_loop3A_2398 : vector<16xf32>
        %parallel_loop3A_2401 = arith.addf %parallel_loop3A_2391, %parallel_loop3A_2400 : vector<16xf32>
        %parallel_loop3A_2402 = arith.constant 22 : i32
        %parallel_loop3A_2403 = arith.addi %parallel_loop3A_2185, %parallel_loop3A_2402 : i32
        %parallel_loop3A_2404 = arith.constant 2 : i32
        %parallel_loop3A_2405 = arith.index_cast %parallel_loop3A_2404 : i32 to index
        %parallel_loop3A_2406 = arith.index_cast %parallel_loop3A_2403 : i32 to index
        %parallel_loop3A_2407 = arith.constant 0 : index
        %parallel_loop3A_2408 = tpu.vector_load %arg8[%parallel_loop3A_2405, %parallel_loop3A_2406, %parallel_loop3A_2407] {strides = array<i32>} : memref<4x832x16xf32, #tpu.memory_space<vmem>>, vector<16xf32>,
        %parallel_loop3A_2409 = arith.addf %parallel_loop3A_2399, %parallel_loop3A_2408 : vector<16xf32>
        %parallel_loop3A_2410 = arith.mulf %parallel_loop3A_2408, %parallel_loop3A_2408 : vector<16xf32>
        %parallel_loop3A_2411 = arith.addf %parallel_loop3A_2401, %parallel_loop3A_2410 : vector<16xf32>
        %parallel_loop3A_2412 = arith.constant 23 : i32
        %parallel_loop3A_2413 = arith.addi %parallel_loop3A_2185, %parallel_loop3A_2412 : i32
        %parallel_loop3A_2414 = arith.constant 2 : i32
        %parallel_loop3A_2415 = arith.index_cast %parallel_loop3A_2414 : i32 to index
        %parallel_loop3A_2416 = arith.index_cast %parallel_loop3A_2413 : i32 to index
        %parallel_loop3A_2417 = arith.constant 0 : index
        %parallel_loop3A_2418 = tpu.vector_load %arg8[%parallel_loop3A_2415, %parallel_loop3A_2416, %parallel_loop3A_2417] {strides = array<i32>} : memref<4x832x16xf32, #tpu.memory_space<vmem>>, vector<16xf32>,
        %parallel_loop3A_2419 = arith.addf %parallel_loop3A_2409, %parallel_loop3A_2418 : vector<16xf32>
        %parallel_loop3A_2420 = arith.mulf %parallel_loop3A_2418, %parallel_loop3A_2418 : vector<16xf32>
        %parallel_loop3A_2421 = arith.addf %parallel_loop3A_2411, %parallel_loop3A_2420 : vector<16xf32>
        %parallel_loop3A_2422 = arith.constant 24 : i32
        %parallel_loop3A_2423 = arith.addi %parallel_loop3A_2185, %parallel_loop3A_2422 : i32
        %parallel_loop3A_2424 = arith.constant 2 : i32
        %parallel_loop3A_2425 = arith.index_cast %parallel_loop3A_2424 : i32 to index
        %parallel_loop3A_2426 = arith.index_cast %parallel_loop3A_2423 : i32 to index
        %parallel_loop3A_2427 = arith.constant 0 : index
        %parallel_loop3A_2428 = tpu.vector_load %arg8[%parallel_loop3A_2425, %parallel_loop3A_2426, %parallel_loop3A_2427] {strides = array<i32>} : memref<4x832x16xf32, #tpu.memory_space<vmem>>, vector<16xf32>,
        %parallel_loop3A_2429 = arith.addf %parallel_loop3A_2419, %parallel_loop3A_2428 : vector<16xf32>
        %parallel_loop3A_2430 = arith.mulf %parallel_loop3A_2428, %parallel_loop3A_2428 : vector<16xf32>
        %parallel_loop3A_2431 = arith.addf %parallel_loop3A_2421, %parallel_loop3A_2430 : vector<16xf32>
        %parallel_loop3A_2432 = arith.constant 25 : i32
        %parallel_loop3A_2433 = arith.addi %parallel_loop3A_2185, %parallel_loop3A_2432 : i32
        %parallel_loop3A_2434 = arith.constant 2 : i32
        %parallel_loop3A_2435 = arith.index_cast %parallel_loop3A_2434 : i32 to index
        %parallel_loop3A_2436 = arith.index_cast %parallel_loop3A_2433 : i32 to index
        %parallel_loop3A_2437 = arith.constant 0 : index
        %parallel_loop3A_2438 = tpu.vector_load %arg8[%parallel_loop3A_2435, %parallel_loop3A_2436, %parallel_loop3A_2437] {strides = array<i32>} : memref<4x832x16xf32, #tpu.memory_space<vmem>>, vector<16xf32>,
        %parallel_loop3A_2439 = arith.addf %parallel_loop3A_2429, %parallel_loop3A_2438 : vector<16xf32>
        %parallel_loop3A_2440 = arith.mulf %parallel_loop3A_2438, %parallel_loop3A_2438 : vector<16xf32>
        %parallel_loop3A_2441 = arith.addf %parallel_loop3A_2431, %parallel_loop3A_2440 : vector<16xf32>
        %parallel_loop3A_2442 = arith.mulf %parallel_loop3A_2439, %parallel_loop3A_2439 : vector<16xf32>
        %parallel_loop3A_2443 = arith.subf %parallel_loop3A_2442, %parallel_loop3A_2441 : vector<16xf32>
        %parallel_loop3A_2444 = arith.constant 32 : i32
        %parallel_loop3A_2445 = arith.muli %add3A_1137, %parallel_loop3A_2444 : i32
        %parallel_loop3A_2446 = arith.addi %parallel_loop3A_2445, %parallel_loop3A_2183 : i32
        %parallel_loop3A_2447 = arith.index_cast %parallel_loop3A_2446 : i32 to index
        %parallel_loop3A_2448 = arith.constant 0 : index
        %parallel_loop3A_2449 = tpu.vector_load %arg10[%parallel_loop3A_2447, %parallel_loop3A_2448] {strides = array<i32>} : memref<512x16xf32, #tpu.memory_space<vmem>>, vector<16xf32>,
        tpu.vector_store %arg10[%parallel_loop3A_2447, %parallel_loop3A_2448], %parallel_loop3A_2443 {strides = array<i32>} : memref<512x16xf32, #tpu.memory_space<vmem>>, vector<16xf32>,
      } {sc.loop_unroll_factor = 4 : i64, sc.parallel_access}
      %add3A_1652 = arith.constant 4 : i32
      %add3A_1653 = arith.addi %add3A_1137, %add3A_1652 : i32
      %lt3A_1654 = arith.constant 16 : i32
      %lt3A_1655 = arith.cmpi slt, %add3A_1653, %lt3A_1654 : i32
      %convert_element_type3A_1656 = arith.extui %lt3A_1655 : i1 to i32
      %cond3A_1657 = arith.constant 0 : i32
      %cond3A_1658 = arith.cmpi ne, %convert_element_type3A_1656, %cond3A_1657 : i32
      scf.if %cond3A_1658 {
        %add3A_2183 = arith.constant 4 : i32
        %add3A_2184 = arith.addi %add3A_1137, %add3A_2183 : i32
        %dma_start3A_2185 = arith.constant 2 : i32
        %dma_start3A_2186 = arith.constant 0 : i32
        %dma_start3A_2187 = arith.constant 0 : i32
        %dma_start3A_2188 = tpu.memref_slice %arg8[%dma_start3A_2185, %dma_start3A_2186, %dma_start3A_2187] : memref<4x832x16xf32, #tpu.memory_space<vmem>> -> memref<1x832x16xf32, #tpu.memory_space<vmem>>
        %dma_start3A_2189 = tpu.memref_squeeze %dma_start3A_2188 : memref<1x832x16xf32, #tpu.memory_space<vmem>> -> memref<832x16xf32, #tpu.memory_space<vmem>>
        %dma_start3A_2190 = arith.constant 0 : i32
        %dma_start3A_2191 = tpu.memref_slice %arg7[%add3A_2184, %dma_start3A_2190] : memref<16x832xi32, #tpu.memory_space<vmem>> -> memref<1x832xi32, #tpu.memory_space<vmem>>
        %dma_start3A_2192 = tpu.memref_squeeze %dma_start3A_2191 : memref<1x832xi32, #tpu.memory_space<vmem>> -> memref<832xi32, #tpu.memory_space<vmem>>
        %dma_start3A_2193 = arith.constant 0 : i32
        %dma_start3A_2194 = arith.constant 0 : i32
        %dma_start3A_2195 = tpu.memref_slice %arg3[%dma_start3A_2193, %dma_start3A_2194] : memref<2600000x16xf32, #tpu.memory_space<hbm>> -> memref<2600000x16xf32, #tpu.memory_space<hbm>>
        tpu.enqueue_indirect_dma source(%dma_start3A_2195 : memref<2600000x16xf32, #tpu.memory_space<hbm>>) target(%dma_start3A_2189 : memref<832x16xf32, #tpu.memory_space<vmem>>) offsets(%dma_start3A_2192 : memref<832xi32, #tpu.memory_space<vmem>>) semaphore(%arg14 : memref<!tpu.dma_semaphore, #tpu.memory_space<semaphore_mem>>)
        %dma_start3A_2196 = arith.constant 2 : i32
        %dma_start3A_2197 = arith.constant 0 : i32
        %dma_start3A_2198 = tpu.memref_slice %arg9[%dma_start3A_2196, %dma_start3A_2197] : memref<4x832xf32, #tpu.memory_space<vmem>> -> memref<1x832xf32, #tpu.memory_space<vmem>>
        %dma_start3A_2199 = tpu.memref_squeeze %dma_start3A_2198 : memref<1x832xf32, #tpu.memory_space<vmem>> -> memref<832xf32, #tpu.memory_space<vmem>>
        %dma_start3A_2200 = arith.constant 0 : i32
        %dma_start3A_2201 = tpu.memref_slice %arg7[%add3A_2184, %dma_start3A_2200] : memref<16x832xi32, #tpu.memory_space<vmem>> -> memref<1x832xi32, #tpu.memory_space<vmem>>
        %dma_start3A_2202 = tpu.memref_squeeze %dma_start3A_2201 : memref<1x832xi32, #tpu.memory_space<vmem>> -> memref<832xi32, #tpu.memory_space<vmem>>
        %dma_start3A_2203 = arith.constant 0 : i32
        %dma_start3A_2204 = tpu.memref_slice %arg4[%dma_start3A_2203] : memref<2600000xf32, #tpu.memory_space<hbm>> -> memref<2600000xf32, #tpu.memory_space<hbm>>
        tpu.enqueue_indirect_dma source(%dma_start3A_2204 : memref<2600000xf32, #tpu.memory_space<hbm>>) target(%dma_start3A_2199 : memref<832xf32, #tpu.memory_space<vmem>>) offsets(%dma_start3A_2202 : memref<832xi32, #tpu.memory_space<vmem>>) semaphore(%arg14 : memref<!tpu.dma_semaphore, #tpu.memory_space<semaphore_mem>>)
      } else {
      }
      %add3A_1659 = arith.constant 3 : i32
      %add3A_1660 = arith.addi %mul3A_97, %add3A_1659 : i32
      %dma_wait3A_1661 = arith.constant 3 : i32
      %dma_wait3A_1662 = arith.constant 0 : i32
      %dma_wait3A_1663 = arith.constant 0 : i32
      %dma_wait3A_1664 = tpu.memref_slice %arg8[%dma_wait3A_1661, %dma_wait3A_1662, %dma_wait3A_1663] : memref<4x832x16xf32, #tpu.memory_space<vmem>> -> memref<1x832x16xf32, #tpu.memory_space<vmem>>
      %dma_wait3A_1665 = tpu.memref_squeeze %dma_wait3A_1664 : memref<1x832x16xf32, #tpu.memory_space<vmem>> -> memref<832x16xf32, #tpu.memory_space<vmem>>
      %dma_wait3A_1666 = arith.constant 0 : i32
      %dma_wait3A_1667 = arith.constant 0 : i32
      %dma_wait3A_1668 = tpu.memref_slice %arg3[%dma_wait3A_1666, %dma_wait3A_1667] : memref<2600000x16xf32, #tpu.memory_space<hbm>> -> memref<832x16xf32, #tpu.memory_space<hbm>>
      %dma_wait3A_1669 = arith.constant 0 : i32
      %dma_wait3A_1670 = arith.constant 0 : i32
      %dma_wait3A_1671 = tpu.memref_slice %arg8[%dma_wait3A_1661, %dma_wait3A_1669, %dma_wait3A_1670] : memref<4x832x16xf32, #tpu.memory_space<vmem>> -> memref<1x832x16xf32, #tpu.memory_space<vmem>>
      %dma_wait3A_1672 = tpu.memref_squeeze %dma_wait3A_1671 : memref<1x832x16xf32, #tpu.memory_space<vmem>> -> memref<832x16xf32, #tpu.memory_space<vmem>>
      %dma_wait3A_1673 = arith.constant 0 : i32
      %dma_wait3A_1674 = arith.constant 0 : i32
      %dma_wait3A_1675 = tpu.memref_slice %arg3[%dma_wait3A_1673, %dma_wait3A_1674] : memref<2600000x16xf32, #tpu.memory_space<hbm>> -> memref<832x16xf32, #tpu.memory_space<hbm>>
      tpu.wait_dma2 semaphore(%arg15 : memref<!tpu.dma_semaphore, #tpu.memory_space<semaphore_mem>>) src(%dma_wait3A_1675 : memref<832x16xf32, #tpu.memory_space<hbm>>) dst(%dma_wait3A_1672 : memref<832x16xf32, #tpu.memory_space<vmem>>)
      %dma_wait3A_1676 = arith.constant 3 : i32
      %dma_wait3A_1677 = arith.constant 0 : i32
      %dma_wait3A_1678 = tpu.memref_slice %arg9[%dma_wait3A_1676, %dma_wait3A_1677] : memref<4x832xf32, #tpu.memory_space<vmem>> -> memref<1x832xf32, #tpu.memory_space<vmem>>
      %dma_wait3A_1679 = tpu.memref_squeeze %dma_wait3A_1678 : memref<1x832xf32, #tpu.memory_space<vmem>> -> memref<832xf32, #tpu.memory_space<vmem>>
      %dma_wait3A_1680 = arith.constant 0 : i32
      %dma_wait3A_1681 = tpu.memref_slice %arg4[%dma_wait3A_1680] : memref<2600000xf32, #tpu.memory_space<hbm>> -> memref<832xf32, #tpu.memory_space<hbm>>
      %dma_wait3A_1682 = arith.constant 0 : i32
      %dma_wait3A_1683 = tpu.memref_slice %arg9[%dma_wait3A_1676, %dma_wait3A_1682] : memref<4x832xf32, #tpu.memory_space<vmem>> -> memref<1x832xf32, #tpu.memory_space<vmem>>
      %dma_wait3A_1684 = tpu.memref_squeeze %dma_wait3A_1683 : memref<1x832xf32, #tpu.memory_space<vmem>> -> memref<832xf32, #tpu.memory_space<vmem>>
      %dma_wait3A_1685 = arith.constant 0 : i32
      %dma_wait3A_1686 = tpu.memref_slice %arg4[%dma_wait3A_1685] : memref<2600000xf32, #tpu.memory_space<hbm>> -> memref<832xf32, #tpu.memory_space<hbm>>
      tpu.wait_dma2 semaphore(%arg15 : memref<!tpu.dma_semaphore, #tpu.memory_space<semaphore_mem>>) src(%dma_wait3A_1686 : memref<832xf32, #tpu.memory_space<hbm>>) dst(%dma_wait3A_1684 : memref<832xf32, #tpu.memory_space<vmem>>)
      %iota3A_1687 = tpu.iota {dimensions = array<i32: 0>} : vector<16xi32>
      %add3A_1688 = arith.constant 0 : i32
      %add3A_1689 = vector.broadcast %add3A_1688 : i32 to vector<16xi32>
      %add3A_1690 = arith.addi %add3A_1689, %iota3A_1687 : vector<16xi32>
      %mul3A_1691 = arith.constant 26 : i32
      %mul3A_1692 = vector.broadcast %mul3A_1691 : i32 to vector<16xi32>
      %mul3A_1693 = arith.muli %add3A_1690, %mul3A_1692 : vector<16xi32>
      %gather3A_1694 = arith.constant 3 : i32
      %gather3A_1695 = arith.constant 0 : i32
      %gather3A_1696 = tpu.memref_slice %arg9[%gather3A_1694, %gather3A_1695] : memref<4x832xf32, #tpu.memory_space<vmem>> -> memref<1x832xf32, #tpu.memory_space<vmem>>
      %gather3A_1697 = tpu.memref_squeeze %gather3A_1696 : memref<1x832xf32, #tpu.memory_space<vmem>> -> memref<832xf32, #tpu.memory_space<vmem>>
      %gather3A_1698 = tpu.vector_load_idx %gather3A_1697[%mul3A_1693] : memref<832xf32, #tpu.memory_space<vmem>>[vector<16xi32>], vector<16xf32>,
      %add3A_1699 = arith.constant 1 : i32
      %add3A_1700 = vector.broadcast %add3A_1699 : i32 to vector<16xi32>
      %add3A_1701 = arith.addi %mul3A_1693, %add3A_1700 : vector<16xi32>
      %gather3A_1702 = arith.constant 3 : i32
      %gather3A_1703 = arith.constant 0 : i32
      %gather3A_1704 = tpu.memref_slice %arg9[%gather3A_1702, %gather3A_1703] : memref<4x832xf32, #tpu.memory_space<vmem>> -> memref<1x832xf32, #tpu.memory_space<vmem>>
      %gather3A_1705 = tpu.memref_squeeze %gather3A_1704 : memref<1x832xf32, #tpu.memory_space<vmem>> -> memref<832xf32, #tpu.memory_space<vmem>>
      %gather3A_1706 = tpu.vector_load_idx %gather3A_1705[%add3A_1701] : memref<832xf32, #tpu.memory_space<vmem>>[vector<16xi32>], vector<16xf32>,
      %add3A_1707 = arith.addf %gather3A_1698, %gather3A_1706 : vector<16xf32>
      %add3A_1708 = arith.constant 2 : i32
      %add3A_1709 = vector.broadcast %add3A_1708 : i32 to vector<16xi32>
      %add3A_1710 = arith.addi %mul3A_1693, %add3A_1709 : vector<16xi32>
      %gather3A_1711 = arith.constant 3 : i32
      %gather3A_1712 = arith.constant 0 : i32
      %gather3A_1713 = tpu.memref_slice %arg9[%gather3A_1711, %gather3A_1712] : memref<4x832xf32, #tpu.memory_space<vmem>> -> memref<1x832xf32, #tpu.memory_space<vmem>>
      %gather3A_1714 = tpu.memref_squeeze %gather3A_1713 : memref<1x832xf32, #tpu.memory_space<vmem>> -> memref<832xf32, #tpu.memory_space<vmem>>
      %gather3A_1715 = tpu.vector_load_idx %gather3A_1714[%add3A_1710] : memref<832xf32, #tpu.memory_space<vmem>>[vector<16xi32>], vector<16xf32>,
      %add3A_1716 = arith.addf %add3A_1707, %gather3A_1715 : vector<16xf32>
      %add3A_1717 = arith.constant 3 : i32
      %add3A_1718 = vector.broadcast %add3A_1717 : i32 to vector<16xi32>
      %add3A_1719 = arith.addi %mul3A_1693, %add3A_1718 : vector<16xi32>
      %gather3A_1720 = arith.constant 3 : i32
      %gather3A_1721 = arith.constant 0 : i32
      %gather3A_1722 = tpu.memref_slice %arg9[%gather3A_1720, %gather3A_1721] : memref<4x832xf32, #tpu.memory_space<vmem>> -> memref<1x832xf32, #tpu.memory_space<vmem>>
      %gather3A_1723 = tpu.memref_squeeze %gather3A_1722 : memref<1x832xf32, #tpu.memory_space<vmem>> -> memref<832xf32, #tpu.memory_space<vmem>>
      %gather3A_1724 = tpu.vector_load_idx %gather3A_1723[%add3A_1719] : memref<832xf32, #tpu.memory_space<vmem>>[vector<16xi32>], vector<16xf32>,
      %add3A_1725 = arith.addf %add3A_1716, %gather3A_1724 : vector<16xf32>
      %add3A_1726 = arith.constant 4 : i32
      %add3A_1727 = vector.broadcast %add3A_1726 : i32 to vector<16xi32>
      %add3A_1728 = arith.addi %mul3A_1693, %add3A_1727 : vector<16xi32>
      %gather3A_1729 = arith.constant 3 : i32
      %gather3A_1730 = arith.constant 0 : i32
      %gather3A_1731 = tpu.memref_slice %arg9[%gather3A_1729, %gather3A_1730] : memref<4x832xf32, #tpu.memory_space<vmem>> -> memref<1x832xf32, #tpu.memory_space<vmem>>
      %gather3A_1732 = tpu.memref_squeeze %gather3A_1731 : memref<1x832xf32, #tpu.memory_space<vmem>> -> memref<832xf32, #tpu.memory_space<vmem>>
      %gather3A_1733 = tpu.vector_load_idx %gather3A_1732[%add3A_1728] : memref<832xf32, #tpu.memory_space<vmem>>[vector<16xi32>], vector<16xf32>,
      %add3A_1734 = arith.addf %add3A_1725, %gather3A_1733 : vector<16xf32>
      %add3A_1735 = arith.constant 5 : i32
      %add3A_1736 = vector.broadcast %add3A_1735 : i32 to vector<16xi32>
      %add3A_1737 = arith.addi %mul3A_1693, %add3A_1736 : vector<16xi32>
      %gather3A_1738 = arith.constant 3 : i32
      %gather3A_1739 = arith.constant 0 : i32
      %gather3A_1740 = tpu.memref_slice %arg9[%gather3A_1738, %gather3A_1739] : memref<4x832xf32, #tpu.memory_space<vmem>> -> memref<1x832xf32, #tpu.memory_space<vmem>>
      %gather3A_1741 = tpu.memref_squeeze %gather3A_1740 : memref<1x832xf32, #tpu.memory_space<vmem>> -> memref<832xf32, #tpu.memory_space<vmem>>
      %gather3A_1742 = tpu.vector_load_idx %gather3A_1741[%add3A_1737] : memref<832xf32, #tpu.memory_space<vmem>>[vector<16xi32>], vector<16xf32>,
      %add3A_1743 = arith.addf %add3A_1734, %gather3A_1742 : vector<16xf32>
      %add3A_1744 = arith.constant 6 : i32
      %add3A_1745 = vector.broadcast %add3A_1744 : i32 to vector<16xi32>
      %add3A_1746 = arith.addi %mul3A_1693, %add3A_1745 : vector<16xi32>
      %gather3A_1747 = arith.constant 3 : i32
      %gather3A_1748 = arith.constant 0 : i32
      %gather3A_1749 = tpu.memref_slice %arg9[%gather3A_1747, %gather3A_1748] : memref<4x832xf32, #tpu.memory_space<vmem>> -> memref<1x832xf32, #tpu.memory_space<vmem>>
      %gather3A_1750 = tpu.memref_squeeze %gather3A_1749 : memref<1x832xf32, #tpu.memory_space<vmem>> -> memref<832xf32, #tpu.memory_space<vmem>>
      %gather3A_1751 = tpu.vector_load_idx %gather3A_1750[%add3A_1746] : memref<832xf32, #tpu.memory_space<vmem>>[vector<16xi32>], vector<16xf32>,
      %add3A_1752 = arith.addf %add3A_1743, %gather3A_1751 : vector<16xf32>
      %add3A_1753 = arith.constant 7 : i32
      %add3A_1754 = vector.broadcast %add3A_1753 : i32 to vector<16xi32>
      %add3A_1755 = arith.addi %mul3A_1693, %add3A_1754 : vector<16xi32>
      %gather3A_1756 = arith.constant 3 : i32
      %gather3A_1757 = arith.constant 0 : i32
      %gather3A_1758 = tpu.memref_slice %arg9[%gather3A_1756, %gather3A_1757] : memref<4x832xf32, #tpu.memory_space<vmem>> -> memref<1x832xf32, #tpu.memory_space<vmem>>
      %gather3A_1759 = tpu.memref_squeeze %gather3A_1758 : memref<1x832xf32, #tpu.memory_space<vmem>> -> memref<832xf32, #tpu.memory_space<vmem>>
      %gather3A_1760 = tpu.vector_load_idx %gather3A_1759[%add3A_1755] : memref<832xf32, #tpu.memory_space<vmem>>[vector<16xi32>], vector<16xf32>,
      %add3A_1761 = arith.addf %add3A_1752, %gather3A_1760 : vector<16xf32>
      %add3A_1762 = arith.constant 8 : i32
      %add3A_1763 = vector.broadcast %add3A_1762 : i32 to vector<16xi32>
      %add3A_1764 = arith.addi %mul3A_1693, %add3A_1763 : vector<16xi32>
      %gather3A_1765 = arith.constant 3 : i32
      %gather3A_1766 = arith.constant 0 : i32
      %gather3A_1767 = tpu.memref_slice %arg9[%gather3A_1765, %gather3A_1766] : memref<4x832xf32, #tpu.memory_space<vmem>> -> memref<1x832xf32, #tpu.memory_space<vmem>>
      %gather3A_1768 = tpu.memref_squeeze %gather3A_1767 : memref<1x832xf32, #tpu.memory_space<vmem>> -> memref<832xf32, #tpu.memory_space<vmem>>
      %gather3A_1769 = tpu.vector_load_idx %gather3A_1768[%add3A_1764] : memref<832xf32, #tpu.memory_space<vmem>>[vector<16xi32>], vector<16xf32>,
      %add3A_1770 = arith.addf %add3A_1761, %gather3A_1769 : vector<16xf32>
      %add3A_1771 = arith.constant 9 : i32
      %add3A_1772 = vector.broadcast %add3A_1771 : i32 to vector<16xi32>
      %add3A_1773 = arith.addi %mul3A_1693, %add3A_1772 : vector<16xi32>
      %gather3A_1774 = arith.constant 3 : i32
      %gather3A_1775 = arith.constant 0 : i32
      %gather3A_1776 = tpu.memref_slice %arg9[%gather3A_1774, %gather3A_1775] : memref<4x832xf32, #tpu.memory_space<vmem>> -> memref<1x832xf32, #tpu.memory_space<vmem>>
      %gather3A_1777 = tpu.memref_squeeze %gather3A_1776 : memref<1x832xf32, #tpu.memory_space<vmem>> -> memref<832xf32, #tpu.memory_space<vmem>>
      %gather3A_1778 = tpu.vector_load_idx %gather3A_1777[%add3A_1773] : memref<832xf32, #tpu.memory_space<vmem>>[vector<16xi32>], vector<16xf32>,
      %add3A_1779 = arith.addf %add3A_1770, %gather3A_1778 : vector<16xf32>
      %add3A_1780 = arith.constant 10 : i32
      %add3A_1781 = vector.broadcast %add3A_1780 : i32 to vector<16xi32>
      %add3A_1782 = arith.addi %mul3A_1693, %add3A_1781 : vector<16xi32>
      %gather3A_1783 = arith.constant 3 : i32
      %gather3A_1784 = arith.constant 0 : i32
      %gather3A_1785 = tpu.memref_slice %arg9[%gather3A_1783, %gather3A_1784] : memref<4x832xf32, #tpu.memory_space<vmem>> -> memref<1x832xf32, #tpu.memory_space<vmem>>
      %gather3A_1786 = tpu.memref_squeeze %gather3A_1785 : memref<1x832xf32, #tpu.memory_space<vmem>> -> memref<832xf32, #tpu.memory_space<vmem>>
      %gather3A_1787 = tpu.vector_load_idx %gather3A_1786[%add3A_1782] : memref<832xf32, #tpu.memory_space<vmem>>[vector<16xi32>], vector<16xf32>,
      %add3A_1788 = arith.addf %add3A_1779, %gather3A_1787 : vector<16xf32>
      %add3A_1789 = arith.constant 11 : i32
      %add3A_1790 = vector.broadcast %add3A_1789 : i32 to vector<16xi32>
      %add3A_1791 = arith.addi %mul3A_1693, %add3A_1790 : vector<16xi32>
      %gather3A_1792 = arith.constant 3 : i32
      %gather3A_1793 = arith.constant 0 : i32
      %gather3A_1794 = tpu.memref_slice %arg9[%gather3A_1792, %gather3A_1793] : memref<4x832xf32, #tpu.memory_space<vmem>> -> memref<1x832xf32, #tpu.memory_space<vmem>>
      %gather3A_1795 = tpu.memref_squeeze %gather3A_1794 : memref<1x832xf32, #tpu.memory_space<vmem>> -> memref<832xf32, #tpu.memory_space<vmem>>
      %gather3A_1796 = tpu.vector_load_idx %gather3A_1795[%add3A_1791] : memref<832xf32, #tpu.memory_space<vmem>>[vector<16xi32>], vector<16xf32>,
      %add3A_1797 = arith.addf %add3A_1788, %gather3A_1796 : vector<16xf32>
      %add3A_1798 = arith.constant 12 : i32
      %add3A_1799 = vector.broadcast %add3A_1798 : i32 to vector<16xi32>
      %add3A_1800 = arith.addi %mul3A_1693, %add3A_1799 : vector<16xi32>
      %gather3A_1801 = arith.constant 3 : i32
      %gather3A_1802 = arith.constant 0 : i32
      %gather3A_1803 = tpu.memref_slice %arg9[%gather3A_1801, %gather3A_1802] : memref<4x832xf32, #tpu.memory_space<vmem>> -> memref<1x832xf32, #tpu.memory_space<vmem>>
      %gather3A_1804 = tpu.memref_squeeze %gather3A_1803 : memref<1x832xf32, #tpu.memory_space<vmem>> -> memref<832xf32, #tpu.memory_space<vmem>>
      %gather3A_1805 = tpu.vector_load_idx %gather3A_1804[%add3A_1800] : memref<832xf32, #tpu.memory_space<vmem>>[vector<16xi32>], vector<16xf32>,
      %add3A_1806 = arith.addf %add3A_1797, %gather3A_1805 : vector<16xf32>
      %add3A_1807 = arith.constant 13 : i32
      %add3A_1808 = vector.broadcast %add3A_1807 : i32 to vector<16xi32>
      %add3A_1809 = arith.addi %mul3A_1693, %add3A_1808 : vector<16xi32>
      %gather3A_1810 = arith.constant 3 : i32
      %gather3A_1811 = arith.constant 0 : i32
      %gather3A_1812 = tpu.memref_slice %arg9[%gather3A_1810, %gather3A_1811] : memref<4x832xf32, #tpu.memory_space<vmem>> -> memref<1x832xf32, #tpu.memory_space<vmem>>
      %gather3A_1813 = tpu.memref_squeeze %gather3A_1812 : memref<1x832xf32, #tpu.memory_space<vmem>> -> memref<832xf32, #tpu.memory_space<vmem>>
      %gather3A_1814 = tpu.vector_load_idx %gather3A_1813[%add3A_1809] : memref<832xf32, #tpu.memory_space<vmem>>[vector<16xi32>], vector<16xf32>,
      %add3A_1815 = arith.addf %add3A_1806, %gather3A_1814 : vector<16xf32>
      %add3A_1816 = arith.constant 14 : i32
      %add3A_1817 = vector.broadcast %add3A_1816 : i32 to vector<16xi32>
      %add3A_1818 = arith.addi %mul3A_1693, %add3A_1817 : vector<16xi32>
      %gather3A_1819 = arith.constant 3 : i32
      %gather3A_1820 = arith.constant 0 : i32
      %gather3A_1821 = tpu.memref_slice %arg9[%gather3A_1819, %gather3A_1820] : memref<4x832xf32, #tpu.memory_space<vmem>> -> memref<1x832xf32, #tpu.memory_space<vmem>>
      %gather3A_1822 = tpu.memref_squeeze %gather3A_1821 : memref<1x832xf32, #tpu.memory_space<vmem>> -> memref<832xf32, #tpu.memory_space<vmem>>
      %gather3A_1823 = tpu.vector_load_idx %gather3A_1822[%add3A_1818] : memref<832xf32, #tpu.memory_space<vmem>>[vector<16xi32>], vector<16xf32>,
      %add3A_1824 = arith.addf %add3A_1815, %gather3A_1823 : vector<16xf32>
      %add3A_1825 = arith.constant 15 : i32
      %add3A_1826 = vector.broadcast %add3A_1825 : i32 to vector<16xi32>
      %add3A_1827 = arith.addi %mul3A_1693, %add3A_1826 : vector<16xi32>
      %gather3A_1828 = arith.constant 3 : i32
      %gather3A_1829 = arith.constant 0 : i32
      %gather3A_1830 = tpu.memref_slice %arg9[%gather3A_1828, %gather3A_1829] : memref<4x832xf32, #tpu.memory_space<vmem>> -> memref<1x832xf32, #tpu.memory_space<vmem>>
      %gather3A_1831 = tpu.memref_squeeze %gather3A_1830 : memref<1x832xf32, #tpu.memory_space<vmem>> -> memref<832xf32, #tpu.memory_space<vmem>>
      %gather3A_1832 = tpu.vector_load_idx %gather3A_1831[%add3A_1827] : memref<832xf32, #tpu.memory_space<vmem>>[vector<16xi32>], vector<16xf32>,
      %add3A_1833 = arith.addf %add3A_1824, %gather3A_1832 : vector<16xf32>
      %add3A_1834 = arith.constant 16 : i32
      %add3A_1835 = vector.broadcast %add3A_1834 : i32 to vector<16xi32>
      %add3A_1836 = arith.addi %mul3A_1693, %add3A_1835 : vector<16xi32>
      %gather3A_1837 = arith.constant 3 : i32
      %gather3A_1838 = arith.constant 0 : i32
      %gather3A_1839 = tpu.memref_slice %arg9[%gather3A_1837, %gather3A_1838] : memref<4x832xf32, #tpu.memory_space<vmem>> -> memref<1x832xf32, #tpu.memory_space<vmem>>
      %gather3A_1840 = tpu.memref_squeeze %gather3A_1839 : memref<1x832xf32, #tpu.memory_space<vmem>> -> memref<832xf32, #tpu.memory_space<vmem>>
      %gather3A_1841 = tpu.vector_load_idx %gather3A_1840[%add3A_1836] : memref<832xf32, #tpu.memory_space<vmem>>[vector<16xi32>], vector<16xf32>,
      %add3A_1842 = arith.addf %add3A_1833, %gather3A_1841 : vector<16xf32>
      %add3A_1843 = arith.constant 17 : i32
      %add3A_1844 = vector.broadcast %add3A_1843 : i32 to vector<16xi32>
      %add3A_1845 = arith.addi %mul3A_1693, %add3A_1844 : vector<16xi32>
      %gather3A_1846 = arith.constant 3 : i32
      %gather3A_1847 = arith.constant 0 : i32
      %gather3A_1848 = tpu.memref_slice %arg9[%gather3A_1846, %gather3A_1847] : memref<4x832xf32, #tpu.memory_space<vmem>> -> memref<1x832xf32, #tpu.memory_space<vmem>>
      %gather3A_1849 = tpu.memref_squeeze %gather3A_1848 : memref<1x832xf32, #tpu.memory_space<vmem>> -> memref<832xf32, #tpu.memory_space<vmem>>
      %gather3A_1850 = tpu.vector_load_idx %gather3A_1849[%add3A_1845] : memref<832xf32, #tpu.memory_space<vmem>>[vector<16xi32>], vector<16xf32>,
      %add3A_1851 = arith.addf %add3A_1842, %gather3A_1850 : vector<16xf32>
      %add3A_1852 = arith.constant 18 : i32
      %add3A_1853 = vector.broadcast %add3A_1852 : i32 to vector<16xi32>
      %add3A_1854 = arith.addi %mul3A_1693, %add3A_1853 : vector<16xi32>
      %gather3A_1855 = arith.constant 3 : i32
      %gather3A_1856 = arith.constant 0 : i32
      %gather3A_1857 = tpu.memref_slice %arg9[%gather3A_1855, %gather3A_1856] : memref<4x832xf32, #tpu.memory_space<vmem>> -> memref<1x832xf32, #tpu.memory_space<vmem>>
      %gather3A_1858 = tpu.memref_squeeze %gather3A_1857 : memref<1x832xf32, #tpu.memory_space<vmem>> -> memref<832xf32, #tpu.memory_space<vmem>>
      %gather3A_1859 = tpu.vector_load_idx %gather3A_1858[%add3A_1854] : memref<832xf32, #tpu.memory_space<vmem>>[vector<16xi32>], vector<16xf32>,
      %add3A_1860 = arith.addf %add3A_1851, %gather3A_1859 : vector<16xf32>
      %add3A_1861 = arith.constant 19 : i32
      %add3A_1862 = vector.broadcast %add3A_1861 : i32 to vector<16xi32>
      %add3A_1863 = arith.addi %mul3A_1693, %add3A_1862 : vector<16xi32>
      %gather3A_1864 = arith.constant 3 : i32
      %gather3A_1865 = arith.constant 0 : i32
      %gather3A_1866 = tpu.memref_slice %arg9[%gather3A_1864, %gather3A_1865] : memref<4x832xf32, #tpu.memory_space<vmem>> -> memref<1x832xf32, #tpu.memory_space<vmem>>
      %gather3A_1867 = tpu.memref_squeeze %gather3A_1866 : memref<1x832xf32, #tpu.memory_space<vmem>> -> memref<832xf32, #tpu.memory_space<vmem>>
      %gather3A_1868 = tpu.vector_load_idx %gather3A_1867[%add3A_1863] : memref<832xf32, #tpu.memory_space<vmem>>[vector<16xi32>], vector<16xf32>,
      %add3A_1869 = arith.addf %add3A_1860, %gather3A_1868 : vector<16xf32>
      %add3A_1870 = arith.constant 20 : i32
      %add3A_1871 = vector.broadcast %add3A_1870 : i32 to vector<16xi32>
      %add3A_1872 = arith.addi %mul3A_1693, %add3A_1871 : vector<16xi32>
      %gather3A_1873 = arith.constant 3 : i32
      %gather3A_1874 = arith.constant 0 : i32
      %gather3A_1875 = tpu.memref_slice %arg9[%gather3A_1873, %gather3A_1874] : memref<4x832xf32, #tpu.memory_space<vmem>> -> memref<1x832xf32, #tpu.memory_space<vmem>>
      %gather3A_1876 = tpu.memref_squeeze %gather3A_1875 : memref<1x832xf32, #tpu.memory_space<vmem>> -> memref<832xf32, #tpu.memory_space<vmem>>
      %gather3A_1877 = tpu.vector_load_idx %gather3A_1876[%add3A_1872] : memref<832xf32, #tpu.memory_space<vmem>>[vector<16xi32>], vector<16xf32>,
      %add3A_1878 = arith.addf %add3A_1869, %gather3A_1877 : vector<16xf32>
      %add3A_1879 = arith.constant 21 : i32
      %add3A_1880 = vector.broadcast %add3A_1879 : i32 to vector<16xi32>
      %add3A_1881 = arith.addi %mul3A_1693, %add3A_1880 : vector<16xi32>
      %gather3A_1882 = arith.constant 3 : i32
      %gather3A_1883 = arith.constant 0 : i32
      %gather3A_1884 = tpu.memref_slice %arg9[%gather3A_1882, %gather3A_1883] : memref<4x832xf32, #tpu.memory_space<vmem>> -> memref<1x832xf32, #tpu.memory_space<vmem>>
      %gather3A_1885 = tpu.memref_squeeze %gather3A_1884 : memref<1x832xf32, #tpu.memory_space<vmem>> -> memref<832xf32, #tpu.memory_space<vmem>>
      %gather3A_1886 = tpu.vector_load_idx %gather3A_1885[%add3A_1881] : memref<832xf32, #tpu.memory_space<vmem>>[vector<16xi32>], vector<16xf32>,
      %add3A_1887 = arith.addf %add3A_1878, %gather3A_1886 : vector<16xf32>
      %add3A_1888 = arith.constant 22 : i32
      %add3A_1889 = vector.broadcast %add3A_1888 : i32 to vector<16xi32>
      %add3A_1890 = arith.addi %mul3A_1693, %add3A_1889 : vector<16xi32>
      %gather3A_1891 = arith.constant 3 : i32
      %gather3A_1892 = arith.constant 0 : i32
      %gather3A_1893 = tpu.memref_slice %arg9[%gather3A_1891, %gather3A_1892] : memref<4x832xf32, #tpu.memory_space<vmem>> -> memref<1x832xf32, #tpu.memory_space<vmem>>
      %gather3A_1894 = tpu.memref_squeeze %gather3A_1893 : memref<1x832xf32, #tpu.memory_space<vmem>> -> memref<832xf32, #tpu.memory_space<vmem>>
      %gather3A_1895 = tpu.vector_load_idx %gather3A_1894[%add3A_1890] : memref<832xf32, #tpu.memory_space<vmem>>[vector<16xi32>], vector<16xf32>,
      %add3A_1896 = arith.addf %add3A_1887, %gather3A_1895 : vector<16xf32>
      %add3A_1897 = arith.constant 23 : i32
      %add3A_1898 = vector.broadcast %add3A_1897 : i32 to vector<16xi32>
      %add3A_1899 = arith.addi %mul3A_1693, %add3A_1898 : vector<16xi32>
      %gather3A_1900 = arith.constant 3 : i32
      %gather3A_1901 = arith.constant 0 : i32
      %gather3A_1902 = tpu.memref_slice %arg9[%gather3A_1900, %gather3A_1901] : memref<4x832xf32, #tpu.memory_space<vmem>> -> memref<1x832xf32, #tpu.memory_space<vmem>>
      %gather3A_1903 = tpu.memref_squeeze %gather3A_1902 : memref<1x832xf32, #tpu.memory_space<vmem>> -> memref<832xf32, #tpu.memory_space<vmem>>
      %gather3A_1904 = tpu.vector_load_idx %gather3A_1903[%add3A_1899] : memref<832xf32, #tpu.memory_space<vmem>>[vector<16xi32>], vector<16xf32>,
      %add3A_1905 = arith.addf %add3A_1896, %gather3A_1904 : vector<16xf32>
      %add3A_1906 = arith.constant 24 : i32
      %add3A_1907 = vector.broadcast %add3A_1906 : i32 to vector<16xi32>
      %add3A_1908 = arith.addi %mul3A_1693, %add3A_1907 : vector<16xi32>
      %gather3A_1909 = arith.constant 3 : i32
      %gather3A_1910 = arith.constant 0 : i32
      %gather3A_1911 = tpu.memref_slice %arg9[%gather3A_1909, %gather3A_1910] : memref<4x832xf32, #tpu.memory_space<vmem>> -> memref<1x832xf32, #tpu.memory_space<vmem>>
      %gather3A_1912 = tpu.memref_squeeze %gather3A_1911 : memref<1x832xf32, #tpu.memory_space<vmem>> -> memref<832xf32, #tpu.memory_space<vmem>>
      %gather3A_1913 = tpu.vector_load_idx %gather3A_1912[%add3A_1908] : memref<832xf32, #tpu.memory_space<vmem>>[vector<16xi32>], vector<16xf32>,
      %add3A_1914 = arith.addf %add3A_1905, %gather3A_1913 : vector<16xf32>
      %add3A_1915 = arith.constant 25 : i32
      %add3A_1916 = vector.broadcast %add3A_1915 : i32 to vector<16xi32>
      %add3A_1917 = arith.addi %mul3A_1693, %add3A_1916 : vector<16xi32>
      %gather3A_1918 = arith.constant 3 : i32
      %gather3A_1919 = arith.constant 0 : i32
      %gather3A_1920 = tpu.memref_slice %arg9[%gather3A_1918, %gather3A_1919] : memref<4x832xf32, #tpu.memory_space<vmem>> -> memref<1x832xf32, #tpu.memory_space<vmem>>
      %gather3A_1921 = tpu.memref_squeeze %gather3A_1920 : memref<1x832xf32, #tpu.memory_space<vmem>> -> memref<832xf32, #tpu.memory_space<vmem>>
      %gather3A_1922 = tpu.vector_load_idx %gather3A_1921[%add3A_1917] : memref<832xf32, #tpu.memory_space<vmem>>[vector<16xi32>], vector<16xf32>,
      %add3A_1923 = arith.addf %add3A_1914, %gather3A_1922 : vector<16xf32>
      %mul3A_1924 = arith.constant 32 : i32
      %mul3A_1925 = arith.muli %add3A_1660, %mul3A_1924 : i32
      %add3A_1926 = arith.constant 0 : i32
      %add3A_1927 = arith.addi %mul3A_1925, %add3A_1926 : i32
      %swap3A_1928 = arith.index_cast %add3A_1927 : i32 to index
      %swap3A_1929 = tpu.vector_load %arg11[%swap3A_1928] {strides = array<i32>} : memref<512xf32, #tpu.memory_space<vmem>>, vector<16xf32>,
      tpu.vector_store %arg11[%swap3A_1928], %add3A_1923 {strides = array<i32>} : memref<512xf32, #tpu.memory_space<vmem>>, vector<16xf32>,
      %add3A_1930 = arith.constant 16 : i32
      %add3A_1931 = vector.broadcast %add3A_1930 : i32 to vector<16xi32>
      %add3A_1932 = arith.addi %add3A_1931, %iota3A_1687 : vector<16xi32>
      %mul3A_1933 = arith.constant 26 : i32
      %mul3A_1934 = vector.broadcast %mul3A_1933 : i32 to vector<16xi32>
      %mul3A_1935 = arith.muli %add3A_1932, %mul3A_1934 : vector<16xi32>
      %gather3A_1936 = arith.constant 3 : i32
      %gather3A_1937 = arith.constant 0 : i32
      %gather3A_1938 = tpu.memref_slice %arg9[%gather3A_1936, %gather3A_1937] : memref<4x832xf32, #tpu.memory_space<vmem>> -> memref<1x832xf32, #tpu.memory_space<vmem>>
      %gather3A_1939 = tpu.memref_squeeze %gather3A_1938 : memref<1x832xf32, #tpu.memory_space<vmem>> -> memref<832xf32, #tpu.memory_space<vmem>>
      %gather3A_1940 = tpu.vector_load_idx %gather3A_1939[%mul3A_1935] : memref<832xf32, #tpu.memory_space<vmem>>[vector<16xi32>], vector<16xf32>,
      %add3A_1941 = arith.constant 1 : i32
      %add3A_1942 = vector.broadcast %add3A_1941 : i32 to vector<16xi32>
      %add3A_1943 = arith.addi %mul3A_1935, %add3A_1942 : vector<16xi32>
      %gather3A_1944 = arith.constant 3 : i32
      %gather3A_1945 = arith.constant 0 : i32
      %gather3A_1946 = tpu.memref_slice %arg9[%gather3A_1944, %gather3A_1945] : memref<4x832xf32, #tpu.memory_space<vmem>> -> memref<1x832xf32, #tpu.memory_space<vmem>>
      %gather3A_1947 = tpu.memref_squeeze %gather3A_1946 : memref<1x832xf32, #tpu.memory_space<vmem>> -> memref<832xf32, #tpu.memory_space<vmem>>
      %gather3A_1948 = tpu.vector_load_idx %gather3A_1947[%add3A_1943] : memref<832xf32, #tpu.memory_space<vmem>>[vector<16xi32>], vector<16xf32>,
      %add3A_1949 = arith.addf %gather3A_1940, %gather3A_1948 : vector<16xf32>
      %add3A_1950 = arith.constant 2 : i32
      %add3A_1951 = vector.broadcast %add3A_1950 : i32 to vector<16xi32>
      %add3A_1952 = arith.addi %mul3A_1935, %add3A_1951 : vector<16xi32>
      %gather3A_1953 = arith.constant 3 : i32
      %gather3A_1954 = arith.constant 0 : i32
      %gather3A_1955 = tpu.memref_slice %arg9[%gather3A_1953, %gather3A_1954] : memref<4x832xf32, #tpu.memory_space<vmem>> -> memref<1x832xf32, #tpu.memory_space<vmem>>
      %gather3A_1956 = tpu.memref_squeeze %gather3A_1955 : memref<1x832xf32, #tpu.memory_space<vmem>> -> memref<832xf32, #tpu.memory_space<vmem>>
      %gather3A_1957 = tpu.vector_load_idx %gather3A_1956[%add3A_1952] : memref<832xf32, #tpu.memory_space<vmem>>[vector<16xi32>], vector<16xf32>,
      %add3A_1958 = arith.addf %add3A_1949, %gather3A_1957 : vector<16xf32>
      %add3A_1959 = arith.constant 3 : i32
      %add3A_1960 = vector.broadcast %add3A_1959 : i32 to vector<16xi32>
      %add3A_1961 = arith.addi %mul3A_1935, %add3A_1960 : vector<16xi32>
      %gather3A_1962 = arith.constant 3 : i32
      %gather3A_1963 = arith.constant 0 : i32
      %gather3A_1964 = tpu.memref_slice %arg9[%gather3A_1962, %gather3A_1963] : memref<4x832xf32, #tpu.memory_space<vmem>> -> memref<1x832xf32, #tpu.memory_space<vmem>>
      %gather3A_1965 = tpu.memref_squeeze %gather3A_1964 : memref<1x832xf32, #tpu.memory_space<vmem>> -> memref<832xf32, #tpu.memory_space<vmem>>
      %gather3A_1966 = tpu.vector_load_idx %gather3A_1965[%add3A_1961] : memref<832xf32, #tpu.memory_space<vmem>>[vector<16xi32>], vector<16xf32>,
      %add3A_1967 = arith.addf %add3A_1958, %gather3A_1966 : vector<16xf32>
      %add3A_1968 = arith.constant 4 : i32
      %add3A_1969 = vector.broadcast %add3A_1968 : i32 to vector<16xi32>
      %add3A_1970 = arith.addi %mul3A_1935, %add3A_1969 : vector<16xi32>
      %gather3A_1971 = arith.constant 3 : i32
      %gather3A_1972 = arith.constant 0 : i32
      %gather3A_1973 = tpu.memref_slice %arg9[%gather3A_1971, %gather3A_1972] : memref<4x832xf32, #tpu.memory_space<vmem>> -> memref<1x832xf32, #tpu.memory_space<vmem>>
      %gather3A_1974 = tpu.memref_squeeze %gather3A_1973 : memref<1x832xf32, #tpu.memory_space<vmem>> -> memref<832xf32, #tpu.memory_space<vmem>>
      %gather3A_1975 = tpu.vector_load_idx %gather3A_1974[%add3A_1970] : memref<832xf32, #tpu.memory_space<vmem>>[vector<16xi32>], vector<16xf32>,
      %add3A_1976 = arith.addf %add3A_1967, %gather3A_1975 : vector<16xf32>
      %add3A_1977 = arith.constant 5 : i32
      %add3A_1978 = vector.broadcast %add3A_1977 : i32 to vector<16xi32>
      %add3A_1979 = arith.addi %mul3A_1935, %add3A_1978 : vector<16xi32>
      %gather3A_1980 = arith.constant 3 : i32
      %gather3A_1981 = arith.constant 0 : i32
      %gather3A_1982 = tpu.memref_slice %arg9[%gather3A_1980, %gather3A_1981] : memref<4x832xf32, #tpu.memory_space<vmem>> -> memref<1x832xf32, #tpu.memory_space<vmem>>
      %gather3A_1983 = tpu.memref_squeeze %gather3A_1982 : memref<1x832xf32, #tpu.memory_space<vmem>> -> memref<832xf32, #tpu.memory_space<vmem>>
      %gather3A_1984 = tpu.vector_load_idx %gather3A_1983[%add3A_1979] : memref<832xf32, #tpu.memory_space<vmem>>[vector<16xi32>], vector<16xf32>,
      %add3A_1985 = arith.addf %add3A_1976, %gather3A_1984 : vector<16xf32>
      %add3A_1986 = arith.constant 6 : i32
      %add3A_1987 = vector.broadcast %add3A_1986 : i32 to vector<16xi32>
      %add3A_1988 = arith.addi %mul3A_1935, %add3A_1987 : vector<16xi32>
      %gather3A_1989 = arith.constant 3 : i32
      %gather3A_1990 = arith.constant 0 : i32
      %gather3A_1991 = tpu.memref_slice %arg9[%gather3A_1989, %gather3A_1990] : memref<4x832xf32, #tpu.memory_space<vmem>> -> memref<1x832xf32, #tpu.memory_space<vmem>>
      %gather3A_1992 = tpu.memref_squeeze %gather3A_1991 : memref<1x832xf32, #tpu.memory_space<vmem>> -> memref<832xf32, #tpu.memory_space<vmem>>
      %gather3A_1993 = tpu.vector_load_idx %gather3A_1992[%add3A_1988] : memref<832xf32, #tpu.memory_space<vmem>>[vector<16xi32>], vector<16xf32>,
      %add3A_1994 = arith.addf %add3A_1985, %gather3A_1993 : vector<16xf32>
      %add3A_1995 = arith.constant 7 : i32
      %add3A_1996 = vector.broadcast %add3A_1995 : i32 to vector<16xi32>
      %add3A_1997 = arith.addi %mul3A_1935, %add3A_1996 : vector<16xi32>
      %gather3A_1998 = arith.constant 3 : i32
      %gather3A_1999 = arith.constant 0 : i32
      %gather3A_2000 = tpu.memref_slice %arg9[%gather3A_1998, %gather3A_1999] : memref<4x832xf32, #tpu.memory_space<vmem>> -> memref<1x832xf32, #tpu.memory_space<vmem>>
      %gather3A_2001 = tpu.memref_squeeze %gather3A_2000 : memref<1x832xf32, #tpu.memory_space<vmem>> -> memref<832xf32, #tpu.memory_space<vmem>>
      %gather3A_2002 = tpu.vector_load_idx %gather3A_2001[%add3A_1997] : memref<832xf32, #tpu.memory_space<vmem>>[vector<16xi32>], vector<16xf32>,
      %add3A_2003 = arith.addf %add3A_1994, %gather3A_2002 : vector<16xf32>
      %add3A_2004 = arith.constant 8 : i32
      %add3A_2005 = vector.broadcast %add3A_2004 : i32 to vector<16xi32>
      %add3A_2006 = arith.addi %mul3A_1935, %add3A_2005 : vector<16xi32>
      %gather3A_2007 = arith.constant 3 : i32
      %gather3A_2008 = arith.constant 0 : i32
      %gather3A_2009 = tpu.memref_slice %arg9[%gather3A_2007, %gather3A_2008] : memref<4x832xf32, #tpu.memory_space<vmem>> -> memref<1x832xf32, #tpu.memory_space<vmem>>
      %gather3A_2010 = tpu.memref_squeeze %gather3A_2009 : memref<1x832xf32, #tpu.memory_space<vmem>> -> memref<832xf32, #tpu.memory_space<vmem>>
      %gather3A_2011 = tpu.vector_load_idx %gather3A_2010[%add3A_2006] : memref<832xf32, #tpu.memory_space<vmem>>[vector<16xi32>], vector<16xf32>,
      %add3A_2012 = arith.addf %add3A_2003, %gather3A_2011 : vector<16xf32>
      %add3A_2013 = arith.constant 9 : i32
      %add3A_2014 = vector.broadcast %add3A_2013 : i32 to vector<16xi32>
      %add3A_2015 = arith.addi %mul3A_1935, %add3A_2014 : vector<16xi32>
      %gather3A_2016 = arith.constant 3 : i32
      %gather3A_2017 = arith.constant 0 : i32
      %gather3A_2018 = tpu.memref_slice %arg9[%gather3A_2016, %gather3A_2017] : memref<4x832xf32, #tpu.memory_space<vmem>> -> memref<1x832xf32, #tpu.memory_space<vmem>>
      %gather3A_2019 = tpu.memref_squeeze %gather3A_2018 : memref<1x832xf32, #tpu.memory_space<vmem>> -> memref<832xf32, #tpu.memory_space<vmem>>
      %gather3A_2020 = tpu.vector_load_idx %gather3A_2019[%add3A_2015] : memref<832xf32, #tpu.memory_space<vmem>>[vector<16xi32>], vector<16xf32>,
      %add3A_2021 = arith.addf %add3A_2012, %gather3A_2020 : vector<16xf32>
      %add3A_2022 = arith.constant 10 : i32
      %add3A_2023 = vector.broadcast %add3A_2022 : i32 to vector<16xi32>
      %add3A_2024 = arith.addi %mul3A_1935, %add3A_2023 : vector<16xi32>
      %gather3A_2025 = arith.constant 3 : i32
      %gather3A_2026 = arith.constant 0 : i32
      %gather3A_2027 = tpu.memref_slice %arg9[%gather3A_2025, %gather3A_2026] : memref<4x832xf32, #tpu.memory_space<vmem>> -> memref<1x832xf32, #tpu.memory_space<vmem>>
      %gather3A_2028 = tpu.memref_squeeze %gather3A_2027 : memref<1x832xf32, #tpu.memory_space<vmem>> -> memref<832xf32, #tpu.memory_space<vmem>>
      %gather3A_2029 = tpu.vector_load_idx %gather3A_2028[%add3A_2024] : memref<832xf32, #tpu.memory_space<vmem>>[vector<16xi32>], vector<16xf32>,
      %add3A_2030 = arith.addf %add3A_2021, %gather3A_2029 : vector<16xf32>
      %add3A_2031 = arith.constant 11 : i32
      %add3A_2032 = vector.broadcast %add3A_2031 : i32 to vector<16xi32>
      %add3A_2033 = arith.addi %mul3A_1935, %add3A_2032 : vector<16xi32>
      %gather3A_2034 = arith.constant 3 : i32
      %gather3A_2035 = arith.constant 0 : i32
      %gather3A_2036 = tpu.memref_slice %arg9[%gather3A_2034, %gather3A_2035] : memref<4x832xf32, #tpu.memory_space<vmem>> -> memref<1x832xf32, #tpu.memory_space<vmem>>
      %gather3A_2037 = tpu.memref_squeeze %gather3A_2036 : memref<1x832xf32, #tpu.memory_space<vmem>> -> memref<832xf32, #tpu.memory_space<vmem>>
      %gather3A_2038 = tpu.vector_load_idx %gather3A_2037[%add3A_2033] : memref<832xf32, #tpu.memory_space<vmem>>[vector<16xi32>], vector<16xf32>,
      %add3A_2039 = arith.addf %add3A_2030, %gather3A_2038 : vector<16xf32>
      %add3A_2040 = arith.constant 12 : i32
      %add3A_2041 = vector.broadcast %add3A_2040 : i32 to vector<16xi32>
      %add3A_2042 = arith.addi %mul3A_1935, %add3A_2041 : vector<16xi32>
      %gather3A_2043 = arith.constant 3 : i32
      %gather3A_2044 = arith.constant 0 : i32
      %gather3A_2045 = tpu.memref_slice %arg9[%gather3A_2043, %gather3A_2044] : memref<4x832xf32, #tpu.memory_space<vmem>> -> memref<1x832xf32, #tpu.memory_space<vmem>>
      %gather3A_2046 = tpu.memref_squeeze %gather3A_2045 : memref<1x832xf32, #tpu.memory_space<vmem>> -> memref<832xf32, #tpu.memory_space<vmem>>
      %gather3A_2047 = tpu.vector_load_idx %gather3A_2046[%add3A_2042] : memref<832xf32, #tpu.memory_space<vmem>>[vector<16xi32>], vector<16xf32>,
      %add3A_2048 = arith.addf %add3A_2039, %gather3A_2047 : vector<16xf32>
      %add3A_2049 = arith.constant 13 : i32
      %add3A_2050 = vector.broadcast %add3A_2049 : i32 to vector<16xi32>
      %add3A_2051 = arith.addi %mul3A_1935, %add3A_2050 : vector<16xi32>
      %gather3A_2052 = arith.constant 3 : i32
      %gather3A_2053 = arith.constant 0 : i32
      %gather3A_2054 = tpu.memref_slice %arg9[%gather3A_2052, %gather3A_2053] : memref<4x832xf32, #tpu.memory_space<vmem>> -> memref<1x832xf32, #tpu.memory_space<vmem>>
      %gather3A_2055 = tpu.memref_squeeze %gather3A_2054 : memref<1x832xf32, #tpu.memory_space<vmem>> -> memref<832xf32, #tpu.memory_space<vmem>>
      %gather3A_2056 = tpu.vector_load_idx %gather3A_2055[%add3A_2051] : memref<832xf32, #tpu.memory_space<vmem>>[vector<16xi32>], vector<16xf32>,
      %add3A_2057 = arith.addf %add3A_2048, %gather3A_2056 : vector<16xf32>
      %add3A_2058 = arith.constant 14 : i32
      %add3A_2059 = vector.broadcast %add3A_2058 : i32 to vector<16xi32>
      %add3A_2060 = arith.addi %mul3A_1935, %add3A_2059 : vector<16xi32>
      %gather3A_2061 = arith.constant 3 : i32
      %gather3A_2062 = arith.constant 0 : i32
      %gather3A_2063 = tpu.memref_slice %arg9[%gather3A_2061, %gather3A_2062] : memref<4x832xf32, #tpu.memory_space<vmem>> -> memref<1x832xf32, #tpu.memory_space<vmem>>
      %gather3A_2064 = tpu.memref_squeeze %gather3A_2063 : memref<1x832xf32, #tpu.memory_space<vmem>> -> memref<832xf32, #tpu.memory_space<vmem>>
      %gather3A_2065 = tpu.vector_load_idx %gather3A_2064[%add3A_2060] : memref<832xf32, #tpu.memory_space<vmem>>[vector<16xi32>], vector<16xf32>,
      %add3A_2066 = arith.addf %add3A_2057, %gather3A_2065 : vector<16xf32>
      %add3A_2067 = arith.constant 15 : i32
      %add3A_2068 = vector.broadcast %add3A_2067 : i32 to vector<16xi32>
      %add3A_2069 = arith.addi %mul3A_1935, %add3A_2068 : vector<16xi32>
      %gather3A_2070 = arith.constant 3 : i32
      %gather3A_2071 = arith.constant 0 : i32
      %gather3A_2072 = tpu.memref_slice %arg9[%gather3A_2070, %gather3A_2071] : memref<4x832xf32, #tpu.memory_space<vmem>> -> memref<1x832xf32, #tpu.memory_space<vmem>>
      %gather3A_2073 = tpu.memref_squeeze %gather3A_2072 : memref<1x832xf32, #tpu.memory_space<vmem>> -> memref<832xf32, #tpu.memory_space<vmem>>
      %gather3A_2074 = tpu.vector_load_idx %gather3A_2073[%add3A_2069] : memref<832xf32, #tpu.memory_space<vmem>>[vector<16xi32>], vector<16xf32>,
      %add3A_2075 = arith.addf %add3A_2066, %gather3A_2074 : vector<16xf32>
      %add3A_2076 = arith.constant 16 : i32
      %add3A_2077 = vector.broadcast %add3A_2076 : i32 to vector<16xi32>
      %add3A_2078 = arith.addi %mul3A_1935, %add3A_2077 : vector<16xi32>
      %gather3A_2079 = arith.constant 3 : i32
      %gather3A_2080 = arith.constant 0 : i32
      %gather3A_2081 = tpu.memref_slice %arg9[%gather3A_2079, %gather3A_2080] : memref<4x832xf32, #tpu.memory_space<vmem>> -> memref<1x832xf32, #tpu.memory_space<vmem>>
      %gather3A_2082 = tpu.memref_squeeze %gather3A_2081 : memref<1x832xf32, #tpu.memory_space<vmem>> -> memref<832xf32, #tpu.memory_space<vmem>>
      %gather3A_2083 = tpu.vector_load_idx %gather3A_2082[%add3A_2078] : memref<832xf32, #tpu.memory_space<vmem>>[vector<16xi32>], vector<16xf32>,
      %add3A_2084 = arith.addf %add3A_2075, %gather3A_2083 : vector<16xf32>
      %add3A_2085 = arith.constant 17 : i32
      %add3A_2086 = vector.broadcast %add3A_2085 : i32 to vector<16xi32>
      %add3A_2087 = arith.addi %mul3A_1935, %add3A_2086 : vector<16xi32>
      %gather3A_2088 = arith.constant 3 : i32
      %gather3A_2089 = arith.constant 0 : i32
      %gather3A_2090 = tpu.memref_slice %arg9[%gather3A_2088, %gather3A_2089] : memref<4x832xf32, #tpu.memory_space<vmem>> -> memref<1x832xf32, #tpu.memory_space<vmem>>
      %gather3A_2091 = tpu.memref_squeeze %gather3A_2090 : memref<1x832xf32, #tpu.memory_space<vmem>> -> memref<832xf32, #tpu.memory_space<vmem>>
      %gather3A_2092 = tpu.vector_load_idx %gather3A_2091[%add3A_2087] : memref<832xf32, #tpu.memory_space<vmem>>[vector<16xi32>], vector<16xf32>,
      %add3A_2093 = arith.addf %add3A_2084, %gather3A_2092 : vector<16xf32>
      %add3A_2094 = arith.constant 18 : i32
      %add3A_2095 = vector.broadcast %add3A_2094 : i32 to vector<16xi32>
      %add3A_2096 = arith.addi %mul3A_1935, %add3A_2095 : vector<16xi32>
      %gather3A_2097 = arith.constant 3 : i32
      %gather3A_2098 = arith.constant 0 : i32
      %gather3A_2099 = tpu.memref_slice %arg9[%gather3A_2097, %gather3A_2098] : memref<4x832xf32, #tpu.memory_space<vmem>> -> memref<1x832xf32, #tpu.memory_space<vmem>>
      %gather3A_2100 = tpu.memref_squeeze %gather3A_2099 : memref<1x832xf32, #tpu.memory_space<vmem>> -> memref<832xf32, #tpu.memory_space<vmem>>
      %gather3A_2101 = tpu.vector_load_idx %gather3A_2100[%add3A_2096] : memref<832xf32, #tpu.memory_space<vmem>>[vector<16xi32>], vector<16xf32>,
      %add3A_2102 = arith.addf %add3A_2093, %gather3A_2101 : vector<16xf32>
      %add3A_2103 = arith.constant 19 : i32
      %add3A_2104 = vector.broadcast %add3A_2103 : i32 to vector<16xi32>
      %add3A_2105 = arith.addi %mul3A_1935, %add3A_2104 : vector<16xi32>
      %gather3A_2106 = arith.constant 3 : i32
      %gather3A_2107 = arith.constant 0 : i32
      %gather3A_2108 = tpu.memref_slice %arg9[%gather3A_2106, %gather3A_2107] : memref<4x832xf32, #tpu.memory_space<vmem>> -> memref<1x832xf32, #tpu.memory_space<vmem>>
      %gather3A_2109 = tpu.memref_squeeze %gather3A_2108 : memref<1x832xf32, #tpu.memory_space<vmem>> -> memref<832xf32, #tpu.memory_space<vmem>>
      %gather3A_2110 = tpu.vector_load_idx %gather3A_2109[%add3A_2105] : memref<832xf32, #tpu.memory_space<vmem>>[vector<16xi32>], vector<16xf32>,
      %add3A_2111 = arith.addf %add3A_2102, %gather3A_2110 : vector<16xf32>
      %add3A_2112 = arith.constant 20 : i32
      %add3A_2113 = vector.broadcast %add3A_2112 : i32 to vector<16xi32>
      %add3A_2114 = arith.addi %mul3A_1935, %add3A_2113 : vector<16xi32>
      %gather3A_2115 = arith.constant 3 : i32
      %gather3A_2116 = arith.constant 0 : i32
      %gather3A_2117 = tpu.memref_slice %arg9[%gather3A_2115, %gather3A_2116] : memref<4x832xf32, #tpu.memory_space<vmem>> -> memref<1x832xf32, #tpu.memory_space<vmem>>
      %gather3A_2118 = tpu.memref_squeeze %gather3A_2117 : memref<1x832xf32, #tpu.memory_space<vmem>> -> memref<832xf32, #tpu.memory_space<vmem>>
      %gather3A_2119 = tpu.vector_load_idx %gather3A_2118[%add3A_2114] : memref<832xf32, #tpu.memory_space<vmem>>[vector<16xi32>], vector<16xf32>,
      %add3A_2120 = arith.addf %add3A_2111, %gather3A_2119 : vector<16xf32>
      %add3A_2121 = arith.constant 21 : i32
      %add3A_2122 = vector.broadcast %add3A_2121 : i32 to vector<16xi32>
      %add3A_2123 = arith.addi %mul3A_1935, %add3A_2122 : vector<16xi32>
      %gather3A_2124 = arith.constant 3 : i32
      %gather3A_2125 = arith.constant 0 : i32
      %gather3A_2126 = tpu.memref_slice %arg9[%gather3A_2124, %gather3A_2125] : memref<4x832xf32, #tpu.memory_space<vmem>> -> memref<1x832xf32, #tpu.memory_space<vmem>>
      %gather3A_2127 = tpu.memref_squeeze %gather3A_2126 : memref<1x832xf32, #tpu.memory_space<vmem>> -> memref<832xf32, #tpu.memory_space<vmem>>
      %gather3A_2128 = tpu.vector_load_idx %gather3A_2127[%add3A_2123] : memref<832xf32, #tpu.memory_space<vmem>>[vector<16xi32>], vector<16xf32>,
      %add3A_2129 = arith.addf %add3A_2120, %gather3A_2128 : vector<16xf32>
      %add3A_2130 = arith.constant 22 : i32
      %add3A_2131 = vector.broadcast %add3A_2130 : i32 to vector<16xi32>
      %add3A_2132 = arith.addi %mul3A_1935, %add3A_2131 : vector<16xi32>
      %gather3A_2133 = arith.constant 3 : i32
      %gather3A_2134 = arith.constant 0 : i32
      %gather3A_2135 = tpu.memref_slice %arg9[%gather3A_2133, %gather3A_2134] : memref<4x832xf32, #tpu.memory_space<vmem>> -> memref<1x832xf32, #tpu.memory_space<vmem>>
      %gather3A_2136 = tpu.memref_squeeze %gather3A_2135 : memref<1x832xf32, #tpu.memory_space<vmem>> -> memref<832xf32, #tpu.memory_space<vmem>>
      %gather3A_2137 = tpu.vector_load_idx %gather3A_2136[%add3A_2132] : memref<832xf32, #tpu.memory_space<vmem>>[vector<16xi32>], vector<16xf32>,
      %add3A_2138 = arith.addf %add3A_2129, %gather3A_2137 : vector<16xf32>
      %add3A_2139 = arith.constant 23 : i32
      %add3A_2140 = vector.broadcast %add3A_2139 : i32 to vector<16xi32>
      %add3A_2141 = arith.addi %mul3A_1935, %add3A_2140 : vector<16xi32>
      %gather3A_2142 = arith.constant 3 : i32
      %gather3A_2143 = arith.constant 0 : i32
      %gather3A_2144 = tpu.memref_slice %arg9[%gather3A_2142, %gather3A_2143] : memref<4x832xf32, #tpu.memory_space<vmem>> -> memref<1x832xf32, #tpu.memory_space<vmem>>
      %gather3A_2145 = tpu.memref_squeeze %gather3A_2144 : memref<1x832xf32, #tpu.memory_space<vmem>> -> memref<832xf32, #tpu.memory_space<vmem>>
      %gather3A_2146 = tpu.vector_load_idx %gather3A_2145[%add3A_2141] : memref<832xf32, #tpu.memory_space<vmem>>[vector<16xi32>], vector<16xf32>,
      %add3A_2147 = arith.addf %add3A_2138, %gather3A_2146 : vector<16xf32>
      %add3A_2148 = arith.constant 24 : i32
      %add3A_2149 = vector.broadcast %add3A_2148 : i32 to vector<16xi32>
      %add3A_2150 = arith.addi %mul3A_1935, %add3A_2149 : vector<16xi32>
      %gather3A_2151 = arith.constant 3 : i32
      %gather3A_2152 = arith.constant 0 : i32
      %gather3A_2153 = tpu.memref_slice %arg9[%gather3A_2151, %gather3A_2152] : memref<4x832xf32, #tpu.memory_space<vmem>> -> memref<1x832xf32, #tpu.memory_space<vmem>>
      %gather3A_2154 = tpu.memref_squeeze %gather3A_2153 : memref<1x832xf32, #tpu.memory_space<vmem>> -> memref<832xf32, #tpu.memory_space<vmem>>
      %gather3A_2155 = tpu.vector_load_idx %gather3A_2154[%add3A_2150] : memref<832xf32, #tpu.memory_space<vmem>>[vector<16xi32>], vector<16xf32>,
      %add3A_2156 = arith.addf %add3A_2147, %gather3A_2155 : vector<16xf32>
      %add3A_2157 = arith.constant 25 : i32
      %add3A_2158 = vector.broadcast %add3A_2157 : i32 to vector<16xi32>
      %add3A_2159 = arith.addi %mul3A_1935, %add3A_2158 : vector<16xi32>
      %gather3A_2160 = arith.constant 3 : i32
      %gather3A_2161 = arith.constant 0 : i32
      %gather3A_2162 = tpu.memref_slice %arg9[%gather3A_2160, %gather3A_2161] : memref<4x832xf32, #tpu.memory_space<vmem>> -> memref<1x832xf32, #tpu.memory_space<vmem>>
      %gather3A_2163 = tpu.memref_squeeze %gather3A_2162 : memref<1x832xf32, #tpu.memory_space<vmem>> -> memref<832xf32, #tpu.memory_space<vmem>>
      %gather3A_2164 = tpu.vector_load_idx %gather3A_2163[%add3A_2159] : memref<832xf32, #tpu.memory_space<vmem>>[vector<16xi32>], vector<16xf32>,
      %add3A_2165 = arith.addf %add3A_2156, %gather3A_2164 : vector<16xf32>
      %mul3A_2166 = arith.constant 32 : i32
      %mul3A_2167 = arith.muli %add3A_1660, %mul3A_2166 : i32
      %add3A_2168 = arith.constant 16 : i32
      %add3A_2169 = arith.addi %mul3A_2167, %add3A_2168 : i32
      %swap3A_2170 = arith.index_cast %add3A_2169 : i32 to index
      %swap3A_2171 = tpu.vector_load %arg11[%swap3A_2170] {strides = array<i32>} : memref<512xf32, #tpu.memory_space<vmem>>, vector<16xf32>,
      tpu.vector_store %arg11[%swap3A_2170], %add3A_2165 {strides = array<i32>} : memref<512xf32, #tpu.memory_space<vmem>>, vector<16xf32>,
      %parallel_loop3A_2172 = arith.constant 0 : i32
      %parallel_loop3A_2173 = arith.constant 32 : i32
      %parallel_loop3A_2174 = arith.constant 1 : i32
      scf.for %parallel_loop3A_2183 = %parallel_loop3A_2172 to %parallel_loop3A_2173 step %parallel_loop3A_2174  : i32 {
        %parallel_loop3A_2184 = arith.constant 26 : i32
        %parallel_loop3A_2185 = arith.muli %parallel_loop3A_2183, %parallel_loop3A_2184 : i32
        %parallel_loop3A_2186 = arith.constant 3 : i32
        %parallel_loop3A_2187 = arith.index_cast %parallel_loop3A_2186 : i32 to index
        %parallel_loop3A_2188 = arith.index_cast %parallel_loop3A_2185 : i32 to index
        %parallel_loop3A_2189 = arith.constant 0 : index
        %parallel_loop3A_2190 = tpu.vector_load %arg8[%parallel_loop3A_2187, %parallel_loop3A_2188, %parallel_loop3A_2189] {strides = array<i32>} : memref<4x832x16xf32, #tpu.memory_space<vmem>>, vector<16xf32>,
        %parallel_loop3A_2191 = arith.mulf %parallel_loop3A_2190, %parallel_loop3A_2190 : vector<16xf32>
        %parallel_loop3A_2192 = arith.constant 1 : i32
        %parallel_loop3A_2193 = arith.addi %parallel_loop3A_2185, %parallel_loop3A_2192 : i32
        %parallel_loop3A_2194 = arith.constant 3 : i32
        %parallel_loop3A_2195 = arith.index_cast %parallel_loop3A_2194 : i32 to index
        %parallel_loop3A_2196 = arith.index_cast %parallel_loop3A_2193 : i32 to index
        %parallel_loop3A_2197 = arith.constant 0 : index
        %parallel_loop3A_2198 = tpu.vector_load %arg8[%parallel_loop3A_2195, %parallel_loop3A_2196, %parallel_loop3A_2197] {strides = array<i32>} : memref<4x832x16xf32, #tpu.memory_space<vmem>>, vector<16xf32>,
        %parallel_loop3A_2199 = arith.addf %parallel_loop3A_2190, %parallel_loop3A_2198 : vector<16xf32>
        %parallel_loop3A_2200 = arith.mulf %parallel_loop3A_2198, %parallel_loop3A_2198 : vector<16xf32>
        %parallel_loop3A_2201 = arith.addf %parallel_loop3A_2191, %parallel_loop3A_2200 : vector<16xf32>
        %parallel_loop3A_2202 = arith.constant 2 : i32
        %parallel_loop3A_2203 = arith.addi %parallel_loop3A_2185, %parallel_loop3A_2202 : i32
        %parallel_loop3A_2204 = arith.constant 3 : i32
        %parallel_loop3A_2205 = arith.index_cast %parallel_loop3A_2204 : i32 to index
        %parallel_loop3A_2206 = arith.index_cast %parallel_loop3A_2203 : i32 to index
        %parallel_loop3A_2207 = arith.constant 0 : index
        %parallel_loop3A_2208 = tpu.vector_load %arg8[%parallel_loop3A_2205, %parallel_loop3A_2206, %parallel_loop3A_2207] {strides = array<i32>} : memref<4x832x16xf32, #tpu.memory_space<vmem>>, vector<16xf32>,
        %parallel_loop3A_2209 = arith.addf %parallel_loop3A_2199, %parallel_loop3A_2208 : vector<16xf32>
        %parallel_loop3A_2210 = arith.mulf %parallel_loop3A_2208, %parallel_loop3A_2208 : vector<16xf32>
        %parallel_loop3A_2211 = arith.addf %parallel_loop3A_2201, %parallel_loop3A_2210 : vector<16xf32>
        %parallel_loop3A_2212 = arith.constant 3 : i32
        %parallel_loop3A_2213 = arith.addi %parallel_loop3A_2185, %parallel_loop3A_2212 : i32
        %parallel_loop3A_2214 = arith.constant 3 : i32
        %parallel_loop3A_2215 = arith.index_cast %parallel_loop3A_2214 : i32 to index
        %parallel_loop3A_2216 = arith.index_cast %parallel_loop3A_2213 : i32 to index
        %parallel_loop3A_2217 = arith.constant 0 : index
        %parallel_loop3A_2218 = tpu.vector_load %arg8[%parallel_loop3A_2215, %parallel_loop3A_2216, %parallel_loop3A_2217] {strides = array<i32>} : memref<4x832x16xf32, #tpu.memory_space<vmem>>, vector<16xf32>,
        %parallel_loop3A_2219 = arith.addf %parallel_loop3A_2209, %parallel_loop3A_2218 : vector<16xf32>
        %parallel_loop3A_2220 = arith.mulf %parallel_loop3A_2218, %parallel_loop3A_2218 : vector<16xf32>
        %parallel_loop3A_2221 = arith.addf %parallel_loop3A_2211, %parallel_loop3A_2220 : vector<16xf32>
        %parallel_loop3A_2222 = arith.constant 4 : i32
        %parallel_loop3A_2223 = arith.addi %parallel_loop3A_2185, %parallel_loop3A_2222 : i32
        %parallel_loop3A_2224 = arith.constant 3 : i32
        %parallel_loop3A_2225 = arith.index_cast %parallel_loop3A_2224 : i32 to index
        %parallel_loop3A_2226 = arith.index_cast %parallel_loop3A_2223 : i32 to index
        %parallel_loop3A_2227 = arith.constant 0 : index
        %parallel_loop3A_2228 = tpu.vector_load %arg8[%parallel_loop3A_2225, %parallel_loop3A_2226, %parallel_loop3A_2227] {strides = array<i32>} : memref<4x832x16xf32, #tpu.memory_space<vmem>>, vector<16xf32>,
        %parallel_loop3A_2229 = arith.addf %parallel_loop3A_2219, %parallel_loop3A_2228 : vector<16xf32>
        %parallel_loop3A_2230 = arith.mulf %parallel_loop3A_2228, %parallel_loop3A_2228 : vector<16xf32>
        %parallel_loop3A_2231 = arith.addf %parallel_loop3A_2221, %parallel_loop3A_2230 : vector<16xf32>
        %parallel_loop3A_2232 = arith.constant 5 : i32
        %parallel_loop3A_2233 = arith.addi %parallel_loop3A_2185, %parallel_loop3A_2232 : i32
        %parallel_loop3A_2234 = arith.constant 3 : i32
        %parallel_loop3A_2235 = arith.index_cast %parallel_loop3A_2234 : i32 to index
        %parallel_loop3A_2236 = arith.index_cast %parallel_loop3A_2233 : i32 to index
        %parallel_loop3A_2237 = arith.constant 0 : index
        %parallel_loop3A_2238 = tpu.vector_load %arg8[%parallel_loop3A_2235, %parallel_loop3A_2236, %parallel_loop3A_2237] {strides = array<i32>} : memref<4x832x16xf32, #tpu.memory_space<vmem>>, vector<16xf32>,
        %parallel_loop3A_2239 = arith.addf %parallel_loop3A_2229, %parallel_loop3A_2238 : vector<16xf32>
        %parallel_loop3A_2240 = arith.mulf %parallel_loop3A_2238, %parallel_loop3A_2238 : vector<16xf32>
        %parallel_loop3A_2241 = arith.addf %parallel_loop3A_2231, %parallel_loop3A_2240 : vector<16xf32>
        %parallel_loop3A_2242 = arith.constant 6 : i32
        %parallel_loop3A_2243 = arith.addi %parallel_loop3A_2185, %parallel_loop3A_2242 : i32
        %parallel_loop3A_2244 = arith.constant 3 : i32
        %parallel_loop3A_2245 = arith.index_cast %parallel_loop3A_2244 : i32 to index
        %parallel_loop3A_2246 = arith.index_cast %parallel_loop3A_2243 : i32 to index
        %parallel_loop3A_2247 = arith.constant 0 : index
        %parallel_loop3A_2248 = tpu.vector_load %arg8[%parallel_loop3A_2245, %parallel_loop3A_2246, %parallel_loop3A_2247] {strides = array<i32>} : memref<4x832x16xf32, #tpu.memory_space<vmem>>, vector<16xf32>,
        %parallel_loop3A_2249 = arith.addf %parallel_loop3A_2239, %parallel_loop3A_2248 : vector<16xf32>
        %parallel_loop3A_2250 = arith.mulf %parallel_loop3A_2248, %parallel_loop3A_2248 : vector<16xf32>
        %parallel_loop3A_2251 = arith.addf %parallel_loop3A_2241, %parallel_loop3A_2250 : vector<16xf32>
        %parallel_loop3A_2252 = arith.constant 7 : i32
        %parallel_loop3A_2253 = arith.addi %parallel_loop3A_2185, %parallel_loop3A_2252 : i32
        %parallel_loop3A_2254 = arith.constant 3 : i32
        %parallel_loop3A_2255 = arith.index_cast %parallel_loop3A_2254 : i32 to index
        %parallel_loop3A_2256 = arith.index_cast %parallel_loop3A_2253 : i32 to index
        %parallel_loop3A_2257 = arith.constant 0 : index
        %parallel_loop3A_2258 = tpu.vector_load %arg8[%parallel_loop3A_2255, %parallel_loop3A_2256, %parallel_loop3A_2257] {strides = array<i32>} : memref<4x832x16xf32, #tpu.memory_space<vmem>>, vector<16xf32>,
        %parallel_loop3A_2259 = arith.addf %parallel_loop3A_2249, %parallel_loop3A_2258 : vector<16xf32>
        %parallel_loop3A_2260 = arith.mulf %parallel_loop3A_2258, %parallel_loop3A_2258 : vector<16xf32>
        %parallel_loop3A_2261 = arith.addf %parallel_loop3A_2251, %parallel_loop3A_2260 : vector<16xf32>
        %parallel_loop3A_2262 = arith.constant 8 : i32
        %parallel_loop3A_2263 = arith.addi %parallel_loop3A_2185, %parallel_loop3A_2262 : i32
        %parallel_loop3A_2264 = arith.constant 3 : i32
        %parallel_loop3A_2265 = arith.index_cast %parallel_loop3A_2264 : i32 to index
        %parallel_loop3A_2266 = arith.index_cast %parallel_loop3A_2263 : i32 to index
        %parallel_loop3A_2267 = arith.constant 0 : index
        %parallel_loop3A_2268 = tpu.vector_load %arg8[%parallel_loop3A_2265, %parallel_loop3A_2266, %parallel_loop3A_2267] {strides = array<i32>} : memref<4x832x16xf32, #tpu.memory_space<vmem>>, vector<16xf32>,
        %parallel_loop3A_2269 = arith.addf %parallel_loop3A_2259, %parallel_loop3A_2268 : vector<16xf32>
        %parallel_loop3A_2270 = arith.mulf %parallel_loop3A_2268, %parallel_loop3A_2268 : vector<16xf32>
        %parallel_loop3A_2271 = arith.addf %parallel_loop3A_2261, %parallel_loop3A_2270 : vector<16xf32>
        %parallel_loop3A_2272 = arith.constant 9 : i32
        %parallel_loop3A_2273 = arith.addi %parallel_loop3A_2185, %parallel_loop3A_2272 : i32
        %parallel_loop3A_2274 = arith.constant 3 : i32
        %parallel_loop3A_2275 = arith.index_cast %parallel_loop3A_2274 : i32 to index
        %parallel_loop3A_2276 = arith.index_cast %parallel_loop3A_2273 : i32 to index
        %parallel_loop3A_2277 = arith.constant 0 : index
        %parallel_loop3A_2278 = tpu.vector_load %arg8[%parallel_loop3A_2275, %parallel_loop3A_2276, %parallel_loop3A_2277] {strides = array<i32>} : memref<4x832x16xf32, #tpu.memory_space<vmem>>, vector<16xf32>,
        %parallel_loop3A_2279 = arith.addf %parallel_loop3A_2269, %parallel_loop3A_2278 : vector<16xf32>
        %parallel_loop3A_2280 = arith.mulf %parallel_loop3A_2278, %parallel_loop3A_2278 : vector<16xf32>
        %parallel_loop3A_2281 = arith.addf %parallel_loop3A_2271, %parallel_loop3A_2280 : vector<16xf32>
        %parallel_loop3A_2282 = arith.constant 10 : i32
        %parallel_loop3A_2283 = arith.addi %parallel_loop3A_2185, %parallel_loop3A_2282 : i32
        %parallel_loop3A_2284 = arith.constant 3 : i32
        %parallel_loop3A_2285 = arith.index_cast %parallel_loop3A_2284 : i32 to index
        %parallel_loop3A_2286 = arith.index_cast %parallel_loop3A_2283 : i32 to index
        %parallel_loop3A_2287 = arith.constant 0 : index
        %parallel_loop3A_2288 = tpu.vector_load %arg8[%parallel_loop3A_2285, %parallel_loop3A_2286, %parallel_loop3A_2287] {strides = array<i32>} : memref<4x832x16xf32, #tpu.memory_space<vmem>>, vector<16xf32>,
        %parallel_loop3A_2289 = arith.addf %parallel_loop3A_2279, %parallel_loop3A_2288 : vector<16xf32>
        %parallel_loop3A_2290 = arith.mulf %parallel_loop3A_2288, %parallel_loop3A_2288 : vector<16xf32>
        %parallel_loop3A_2291 = arith.addf %parallel_loop3A_2281, %parallel_loop3A_2290 : vector<16xf32>
        %parallel_loop3A_2292 = arith.constant 11 : i32
        %parallel_loop3A_2293 = arith.addi %parallel_loop3A_2185, %parallel_loop3A_2292 : i32
        %parallel_loop3A_2294 = arith.constant 3 : i32
        %parallel_loop3A_2295 = arith.index_cast %parallel_loop3A_2294 : i32 to index
        %parallel_loop3A_2296 = arith.index_cast %parallel_loop3A_2293 : i32 to index
        %parallel_loop3A_2297 = arith.constant 0 : index
        %parallel_loop3A_2298 = tpu.vector_load %arg8[%parallel_loop3A_2295, %parallel_loop3A_2296, %parallel_loop3A_2297] {strides = array<i32>} : memref<4x832x16xf32, #tpu.memory_space<vmem>>, vector<16xf32>,
        %parallel_loop3A_2299 = arith.addf %parallel_loop3A_2289, %parallel_loop3A_2298 : vector<16xf32>
        %parallel_loop3A_2300 = arith.mulf %parallel_loop3A_2298, %parallel_loop3A_2298 : vector<16xf32>
        %parallel_loop3A_2301 = arith.addf %parallel_loop3A_2291, %parallel_loop3A_2300 : vector<16xf32>
        %parallel_loop3A_2302 = arith.constant 12 : i32
        %parallel_loop3A_2303 = arith.addi %parallel_loop3A_2185, %parallel_loop3A_2302 : i32
        %parallel_loop3A_2304 = arith.constant 3 : i32
        %parallel_loop3A_2305 = arith.index_cast %parallel_loop3A_2304 : i32 to index
        %parallel_loop3A_2306 = arith.index_cast %parallel_loop3A_2303 : i32 to index
        %parallel_loop3A_2307 = arith.constant 0 : index
        %parallel_loop3A_2308 = tpu.vector_load %arg8[%parallel_loop3A_2305, %parallel_loop3A_2306, %parallel_loop3A_2307] {strides = array<i32>} : memref<4x832x16xf32, #tpu.memory_space<vmem>>, vector<16xf32>,
        %parallel_loop3A_2309 = arith.addf %parallel_loop3A_2299, %parallel_loop3A_2308 : vector<16xf32>
        %parallel_loop3A_2310 = arith.mulf %parallel_loop3A_2308, %parallel_loop3A_2308 : vector<16xf32>
        %parallel_loop3A_2311 = arith.addf %parallel_loop3A_2301, %parallel_loop3A_2310 : vector<16xf32>
        %parallel_loop3A_2312 = arith.constant 13 : i32
        %parallel_loop3A_2313 = arith.addi %parallel_loop3A_2185, %parallel_loop3A_2312 : i32
        %parallel_loop3A_2314 = arith.constant 3 : i32
        %parallel_loop3A_2315 = arith.index_cast %parallel_loop3A_2314 : i32 to index
        %parallel_loop3A_2316 = arith.index_cast %parallel_loop3A_2313 : i32 to index
        %parallel_loop3A_2317 = arith.constant 0 : index
        %parallel_loop3A_2318 = tpu.vector_load %arg8[%parallel_loop3A_2315, %parallel_loop3A_2316, %parallel_loop3A_2317] {strides = array<i32>} : memref<4x832x16xf32, #tpu.memory_space<vmem>>, vector<16xf32>,
        %parallel_loop3A_2319 = arith.addf %parallel_loop3A_2309, %parallel_loop3A_2318 : vector<16xf32>
        %parallel_loop3A_2320 = arith.mulf %parallel_loop3A_2318, %parallel_loop3A_2318 : vector<16xf32>
        %parallel_loop3A_2321 = arith.addf %parallel_loop3A_2311, %parallel_loop3A_2320 : vector<16xf32>
        %parallel_loop3A_2322 = arith.constant 14 : i32
        %parallel_loop3A_2323 = arith.addi %parallel_loop3A_2185, %parallel_loop3A_2322 : i32
        %parallel_loop3A_2324 = arith.constant 3 : i32
        %parallel_loop3A_2325 = arith.index_cast %parallel_loop3A_2324 : i32 to index
        %parallel_loop3A_2326 = arith.index_cast %parallel_loop3A_2323 : i32 to index
        %parallel_loop3A_2327 = arith.constant 0 : index
        %parallel_loop3A_2328 = tpu.vector_load %arg8[%parallel_loop3A_2325, %parallel_loop3A_2326, %parallel_loop3A_2327] {strides = array<i32>} : memref<4x832x16xf32, #tpu.memory_space<vmem>>, vector<16xf32>,
        %parallel_loop3A_2329 = arith.addf %parallel_loop3A_2319, %parallel_loop3A_2328 : vector<16xf32>
        %parallel_loop3A_2330 = arith.mulf %parallel_loop3A_2328, %parallel_loop3A_2328 : vector<16xf32>
        %parallel_loop3A_2331 = arith.addf %parallel_loop3A_2321, %parallel_loop3A_2330 : vector<16xf32>
        %parallel_loop3A_2332 = arith.constant 15 : i32
        %parallel_loop3A_2333 = arith.addi %parallel_loop3A_2185, %parallel_loop3A_2332 : i32
        %parallel_loop3A_2334 = arith.constant 3 : i32
        %parallel_loop3A_2335 = arith.index_cast %parallel_loop3A_2334 : i32 to index
        %parallel_loop3A_2336 = arith.index_cast %parallel_loop3A_2333 : i32 to index
        %parallel_loop3A_2337 = arith.constant 0 : index
        %parallel_loop3A_2338 = tpu.vector_load %arg8[%parallel_loop3A_2335, %parallel_loop3A_2336, %parallel_loop3A_2337] {strides = array<i32>} : memref<4x832x16xf32, #tpu.memory_space<vmem>>, vector<16xf32>,
        %parallel_loop3A_2339 = arith.addf %parallel_loop3A_2329, %parallel_loop3A_2338 : vector<16xf32>
        %parallel_loop3A_2340 = arith.mulf %parallel_loop3A_2338, %parallel_loop3A_2338 : vector<16xf32>
        %parallel_loop3A_2341 = arith.addf %parallel_loop3A_2331, %parallel_loop3A_2340 : vector<16xf32>
        %parallel_loop3A_2342 = arith.constant 16 : i32
        %parallel_loop3A_2343 = arith.addi %parallel_loop3A_2185, %parallel_loop3A_2342 : i32
        %parallel_loop3A_2344 = arith.constant 3 : i32
        %parallel_loop3A_2345 = arith.index_cast %parallel_loop3A_2344 : i32 to index
        %parallel_loop3A_2346 = arith.index_cast %parallel_loop3A_2343 : i32 to index
        %parallel_loop3A_2347 = arith.constant 0 : index
        %parallel_loop3A_2348 = tpu.vector_load %arg8[%parallel_loop3A_2345, %parallel_loop3A_2346, %parallel_loop3A_2347] {strides = array<i32>} : memref<4x832x16xf32, #tpu.memory_space<vmem>>, vector<16xf32>,
        %parallel_loop3A_2349 = arith.addf %parallel_loop3A_2339, %parallel_loop3A_2348 : vector<16xf32>
        %parallel_loop3A_2350 = arith.mulf %parallel_loop3A_2348, %parallel_loop3A_2348 : vector<16xf32>
        %parallel_loop3A_2351 = arith.addf %parallel_loop3A_2341, %parallel_loop3A_2350 : vector<16xf32>
        %parallel_loop3A_2352 = arith.constant 17 : i32
        %parallel_loop3A_2353 = arith.addi %parallel_loop3A_2185, %parallel_loop3A_2352 : i32
        %parallel_loop3A_2354 = arith.constant 3 : i32
        %parallel_loop3A_2355 = arith.index_cast %parallel_loop3A_2354 : i32 to index
        %parallel_loop3A_2356 = arith.index_cast %parallel_loop3A_2353 : i32 to index
        %parallel_loop3A_2357 = arith.constant 0 : index
        %parallel_loop3A_2358 = tpu.vector_load %arg8[%parallel_loop3A_2355, %parallel_loop3A_2356, %parallel_loop3A_2357] {strides = array<i32>} : memref<4x832x16xf32, #tpu.memory_space<vmem>>, vector<16xf32>,
        %parallel_loop3A_2359 = arith.addf %parallel_loop3A_2349, %parallel_loop3A_2358 : vector<16xf32>
        %parallel_loop3A_2360 = arith.mulf %parallel_loop3A_2358, %parallel_loop3A_2358 : vector<16xf32>
        %parallel_loop3A_2361 = arith.addf %parallel_loop3A_2351, %parallel_loop3A_2360 : vector<16xf32>
        %parallel_loop3A_2362 = arith.constant 18 : i32
        %parallel_loop3A_2363 = arith.addi %parallel_loop3A_2185, %parallel_loop3A_2362 : i32
        %parallel_loop3A_2364 = arith.constant 3 : i32
        %parallel_loop3A_2365 = arith.index_cast %parallel_loop3A_2364 : i32 to index
        %parallel_loop3A_2366 = arith.index_cast %parallel_loop3A_2363 : i32 to index
        %parallel_loop3A_2367 = arith.constant 0 : index
        %parallel_loop3A_2368 = tpu.vector_load %arg8[%parallel_loop3A_2365, %parallel_loop3A_2366, %parallel_loop3A_2367] {strides = array<i32>} : memref<4x832x16xf32, #tpu.memory_space<vmem>>, vector<16xf32>,
        %parallel_loop3A_2369 = arith.addf %parallel_loop3A_2359, %parallel_loop3A_2368 : vector<16xf32>
        %parallel_loop3A_2370 = arith.mulf %parallel_loop3A_2368, %parallel_loop3A_2368 : vector<16xf32>
        %parallel_loop3A_2371 = arith.addf %parallel_loop3A_2361, %parallel_loop3A_2370 : vector<16xf32>
        %parallel_loop3A_2372 = arith.constant 19 : i32
        %parallel_loop3A_2373 = arith.addi %parallel_loop3A_2185, %parallel_loop3A_2372 : i32
        %parallel_loop3A_2374 = arith.constant 3 : i32
        %parallel_loop3A_2375 = arith.index_cast %parallel_loop3A_2374 : i32 to index
        %parallel_loop3A_2376 = arith.index_cast %parallel_loop3A_2373 : i32 to index
        %parallel_loop3A_2377 = arith.constant 0 : index
        %parallel_loop3A_2378 = tpu.vector_load %arg8[%parallel_loop3A_2375, %parallel_loop3A_2376, %parallel_loop3A_2377] {strides = array<i32>} : memref<4x832x16xf32, #tpu.memory_space<vmem>>, vector<16xf32>,
        %parallel_loop3A_2379 = arith.addf %parallel_loop3A_2369, %parallel_loop3A_2378 : vector<16xf32>
        %parallel_loop3A_2380 = arith.mulf %parallel_loop3A_2378, %parallel_loop3A_2378 : vector<16xf32>
        %parallel_loop3A_2381 = arith.addf %parallel_loop3A_2371, %parallel_loop3A_2380 : vector<16xf32>
        %parallel_loop3A_2382 = arith.constant 20 : i32
        %parallel_loop3A_2383 = arith.addi %parallel_loop3A_2185, %parallel_loop3A_2382 : i32
        %parallel_loop3A_2384 = arith.constant 3 : i32
        %parallel_loop3A_2385 = arith.index_cast %parallel_loop3A_2384 : i32 to index
        %parallel_loop3A_2386 = arith.index_cast %parallel_loop3A_2383 : i32 to index
        %parallel_loop3A_2387 = arith.constant 0 : index
        %parallel_loop3A_2388 = tpu.vector_load %arg8[%parallel_loop3A_2385, %parallel_loop3A_2386, %parallel_loop3A_2387] {strides = array<i32>} : memref<4x832x16xf32, #tpu.memory_space<vmem>>, vector<16xf32>,
        %parallel_loop3A_2389 = arith.addf %parallel_loop3A_2379, %parallel_loop3A_2388 : vector<16xf32>
        %parallel_loop3A_2390 = arith.mulf %parallel_loop3A_2388, %parallel_loop3A_2388 : vector<16xf32>
        %parallel_loop3A_2391 = arith.addf %parallel_loop3A_2381, %parallel_loop3A_2390 : vector<16xf32>
        %parallel_loop3A_2392 = arith.constant 21 : i32
        %parallel_loop3A_2393 = arith.addi %parallel_loop3A_2185, %parallel_loop3A_2392 : i32
        %parallel_loop3A_2394 = arith.constant 3 : i32
        %parallel_loop3A_2395 = arith.index_cast %parallel_loop3A_2394 : i32 to index
        %parallel_loop3A_2396 = arith.index_cast %parallel_loop3A_2393 : i32 to index
        %parallel_loop3A_2397 = arith.constant 0 : index
        %parallel_loop3A_2398 = tpu.vector_load %arg8[%parallel_loop3A_2395, %parallel_loop3A_2396, %parallel_loop3A_2397] {strides = array<i32>} : memref<4x832x16xf32, #tpu.memory_space<vmem>>, vector<16xf32>,
        %parallel_loop3A_2399 = arith.addf %parallel_loop3A_2389, %parallel_loop3A_2398 : vector<16xf32>
        %parallel_loop3A_2400 = arith.mulf %parallel_loop3A_2398, %parallel_loop3A_2398 : vector<16xf32>
        %parallel_loop3A_2401 = arith.addf %parallel_loop3A_2391, %parallel_loop3A_2400 : vector<16xf32>
        %parallel_loop3A_2402 = arith.constant 22 : i32
        %parallel_loop3A_2403 = arith.addi %parallel_loop3A_2185, %parallel_loop3A_2402 : i32
        %parallel_loop3A_2404 = arith.constant 3 : i32
        %parallel_loop3A_2405 = arith.index_cast %parallel_loop3A_2404 : i32 to index
        %parallel_loop3A_2406 = arith.index_cast %parallel_loop3A_2403 : i32 to index
        %parallel_loop3A_2407 = arith.constant 0 : index
        %parallel_loop3A_2408 = tpu.vector_load %arg8[%parallel_loop3A_2405, %parallel_loop3A_2406, %parallel_loop3A_2407] {strides = array<i32>} : memref<4x832x16xf32, #tpu.memory_space<vmem>>, vector<16xf32>,
        %parallel_loop3A_2409 = arith.addf %parallel_loop3A_2399, %parallel_loop3A_2408 : vector<16xf32>
        %parallel_loop3A_2410 = arith.mulf %parallel_loop3A_2408, %parallel_loop3A_2408 : vector<16xf32>
        %parallel_loop3A_2411 = arith.addf %parallel_loop3A_2401, %parallel_loop3A_2410 : vector<16xf32>
        %parallel_loop3A_2412 = arith.constant 23 : i32
        %parallel_loop3A_2413 = arith.addi %parallel_loop3A_2185, %parallel_loop3A_2412 : i32
        %parallel_loop3A_2414 = arith.constant 3 : i32
        %parallel_loop3A_2415 = arith.index_cast %parallel_loop3A_2414 : i32 to index
        %parallel_loop3A_2416 = arith.index_cast %parallel_loop3A_2413 : i32 to index
        %parallel_loop3A_2417 = arith.constant 0 : index
        %parallel_loop3A_2418 = tpu.vector_load %arg8[%parallel_loop3A_2415, %parallel_loop3A_2416, %parallel_loop3A_2417] {strides = array<i32>} : memref<4x832x16xf32, #tpu.memory_space<vmem>>, vector<16xf32>,
        %parallel_loop3A_2419 = arith.addf %parallel_loop3A_2409, %parallel_loop3A_2418 : vector<16xf32>
        %parallel_loop3A_2420 = arith.mulf %parallel_loop3A_2418, %parallel_loop3A_2418 : vector<16xf32>
        %parallel_loop3A_2421 = arith.addf %parallel_loop3A_2411, %parallel_loop3A_2420 : vector<16xf32>
        %parallel_loop3A_2422 = arith.constant 24 : i32
        %parallel_loop3A_2423 = arith.addi %parallel_loop3A_2185, %parallel_loop3A_2422 : i32
        %parallel_loop3A_2424 = arith.constant 3 : i32
        %parallel_loop3A_2425 = arith.index_cast %parallel_loop3A_2424 : i32 to index
        %parallel_loop3A_2426 = arith.index_cast %parallel_loop3A_2423 : i32 to index
        %parallel_loop3A_2427 = arith.constant 0 : index
        %parallel_loop3A_2428 = tpu.vector_load %arg8[%parallel_loop3A_2425, %parallel_loop3A_2426, %parallel_loop3A_2427] {strides = array<i32>} : memref<4x832x16xf32, #tpu.memory_space<vmem>>, vector<16xf32>,
        %parallel_loop3A_2429 = arith.addf %parallel_loop3A_2419, %parallel_loop3A_2428 : vector<16xf32>
        %parallel_loop3A_2430 = arith.mulf %parallel_loop3A_2428, %parallel_loop3A_2428 : vector<16xf32>
        %parallel_loop3A_2431 = arith.addf %parallel_loop3A_2421, %parallel_loop3A_2430 : vector<16xf32>
        %parallel_loop3A_2432 = arith.constant 25 : i32
        %parallel_loop3A_2433 = arith.addi %parallel_loop3A_2185, %parallel_loop3A_2432 : i32
        %parallel_loop3A_2434 = arith.constant 3 : i32
        %parallel_loop3A_2435 = arith.index_cast %parallel_loop3A_2434 : i32 to index
        %parallel_loop3A_2436 = arith.index_cast %parallel_loop3A_2433 : i32 to index
        %parallel_loop3A_2437 = arith.constant 0 : index
        %parallel_loop3A_2438 = tpu.vector_load %arg8[%parallel_loop3A_2435, %parallel_loop3A_2436, %parallel_loop3A_2437] {strides = array<i32>} : memref<4x832x16xf32, #tpu.memory_space<vmem>>, vector<16xf32>,
        %parallel_loop3A_2439 = arith.addf %parallel_loop3A_2429, %parallel_loop3A_2438 : vector<16xf32>
        %parallel_loop3A_2440 = arith.mulf %parallel_loop3A_2438, %parallel_loop3A_2438 : vector<16xf32>
        %parallel_loop3A_2441 = arith.addf %parallel_loop3A_2431, %parallel_loop3A_2440 : vector<16xf32>
        %parallel_loop3A_2442 = arith.mulf %parallel_loop3A_2439, %parallel_loop3A_2439 : vector<16xf32>
        %parallel_loop3A_2443 = arith.subf %parallel_loop3A_2442, %parallel_loop3A_2441 : vector<16xf32>
        %parallel_loop3A_2444 = arith.constant 32 : i32
        %parallel_loop3A_2445 = arith.muli %add3A_1660, %parallel_loop3A_2444 : i32
        %parallel_loop3A_2446 = arith.addi %parallel_loop3A_2445, %parallel_loop3A_2183 : i32
        %parallel_loop3A_2447 = arith.index_cast %parallel_loop3A_2446 : i32 to index
        %parallel_loop3A_2448 = arith.constant 0 : index
        %parallel_loop3A_2449 = tpu.vector_load %arg10[%parallel_loop3A_2447, %parallel_loop3A_2448] {strides = array<i32>} : memref<512x16xf32, #tpu.memory_space<vmem>>, vector<16xf32>,
        tpu.vector_store %arg10[%parallel_loop3A_2447, %parallel_loop3A_2448], %parallel_loop3A_2443 {strides = array<i32>} : memref<512x16xf32, #tpu.memory_space<vmem>>, vector<16xf32>,
      } {sc.loop_unroll_factor = 4 : i64, sc.parallel_access}
      %add3A_2175 = arith.constant 4 : i32
      %add3A_2176 = arith.addi %add3A_1660, %add3A_2175 : i32
      %lt3A_2177 = arith.constant 16 : i32
      %lt3A_2178 = arith.cmpi slt, %add3A_2176, %lt3A_2177 : i32
      %convert_element_type3A_2179 = arith.extui %lt3A_2178 : i1 to i32
      %cond3A_2180 = arith.constant 0 : i32
      %cond3A_2181 = arith.cmpi ne, %convert_element_type3A_2179, %cond3A_2180 : i32
      scf.if %cond3A_2181 {
        %add3A_2183 = arith.constant 4 : i32
        %add3A_2184 = arith.addi %add3A_1660, %add3A_2183 : i32
        %dma_start3A_2185 = arith.constant 3 : i32
        %dma_start3A_2186 = arith.constant 0 : i32
        %dma_start3A_2187 = arith.constant 0 : i32
        %dma_start3A_2188 = tpu.memref_slice %arg8[%dma_start3A_2185, %dma_start3A_2186, %dma_start3A_2187] : memref<4x832x16xf32, #tpu.memory_space<vmem>> -> memref<1x832x16xf32, #tpu.memory_space<vmem>>
        %dma_start3A_2189 = tpu.memref_squeeze %dma_start3A_2188 : memref<1x832x16xf32, #tpu.memory_space<vmem>> -> memref<832x16xf32, #tpu.memory_space<vmem>>
        %dma_start3A_2190 = arith.constant 0 : i32
        %dma_start3A_2191 = tpu.memref_slice %arg7[%add3A_2184, %dma_start3A_2190] : memref<16x832xi32, #tpu.memory_space<vmem>> -> memref<1x832xi32, #tpu.memory_space<vmem>>
        %dma_start3A_2192 = tpu.memref_squeeze %dma_start3A_2191 : memref<1x832xi32, #tpu.memory_space<vmem>> -> memref<832xi32, #tpu.memory_space<vmem>>
        %dma_start3A_2193 = arith.constant 0 : i32
        %dma_start3A_2194 = arith.constant 0 : i32
        %dma_start3A_2195 = tpu.memref_slice %arg3[%dma_start3A_2193, %dma_start3A_2194] : memref<2600000x16xf32, #tpu.memory_space<hbm>> -> memref<2600000x16xf32, #tpu.memory_space<hbm>>
        tpu.enqueue_indirect_dma source(%dma_start3A_2195 : memref<2600000x16xf32, #tpu.memory_space<hbm>>) target(%dma_start3A_2189 : memref<832x16xf32, #tpu.memory_space<vmem>>) offsets(%dma_start3A_2192 : memref<832xi32, #tpu.memory_space<vmem>>) semaphore(%arg15 : memref<!tpu.dma_semaphore, #tpu.memory_space<semaphore_mem>>)
        %dma_start3A_2196 = arith.constant 3 : i32
        %dma_start3A_2197 = arith.constant 0 : i32
        %dma_start3A_2198 = tpu.memref_slice %arg9[%dma_start3A_2196, %dma_start3A_2197] : memref<4x832xf32, #tpu.memory_space<vmem>> -> memref<1x832xf32, #tpu.memory_space<vmem>>
        %dma_start3A_2199 = tpu.memref_squeeze %dma_start3A_2198 : memref<1x832xf32, #tpu.memory_space<vmem>> -> memref<832xf32, #tpu.memory_space<vmem>>
        %dma_start3A_2200 = arith.constant 0 : i32
        %dma_start3A_2201 = tpu.memref_slice %arg7[%add3A_2184, %dma_start3A_2200] : memref<16x832xi32, #tpu.memory_space<vmem>> -> memref<1x832xi32, #tpu.memory_space<vmem>>
        %dma_start3A_2202 = tpu.memref_squeeze %dma_start3A_2201 : memref<1x832xi32, #tpu.memory_space<vmem>> -> memref<832xi32, #tpu.memory_space<vmem>>
        %dma_start3A_2203 = arith.constant 0 : i32
        %dma_start3A_2204 = tpu.memref_slice %arg4[%dma_start3A_2203] : memref<2600000xf32, #tpu.memory_space<hbm>> -> memref<2600000xf32, #tpu.memory_space<hbm>>
        tpu.enqueue_indirect_dma source(%dma_start3A_2204 : memref<2600000xf32, #tpu.memory_space<hbm>>) target(%dma_start3A_2199 : memref<832xf32, #tpu.memory_space<vmem>>) offsets(%dma_start3A_2202 : memref<832xi32, #tpu.memory_space<vmem>>) semaphore(%arg15 : memref<!tpu.dma_semaphore, #tpu.memory_space<semaphore_mem>>)
      } else {
      }
      %scan3A_2182 = arith.constant 0 : i32
      scf.yield %scan3A_2182 : i32
    }
    %scan3A_93 = arith.constant 4 : i32
    "tpu.region"() ({
      %run_scoped3A = tpu.sem_alloc : memref<!tpu.dma_semaphore, #tpu.memory_space<semaphore_mem>>
      %dma_start3A_94 = arith.constant 0 : i32
      %dma_start3A_95 = arith.constant 0 : i32
      %dma_start3A_96 = tpu.memref_slice %arg5[%add3A, %dma_start3A_94, %dma_start3A_95] : memref<32x512x16xf32, #tpu.memory_space<hbm>> -> memref<1x512x16xf32, #tpu.memory_space<hbm>>
      %dma_start3A_97 = tpu.memref_squeeze %dma_start3A_96 : memref<1x512x16xf32, #tpu.memory_space<hbm>> -> memref<512x16xf32, #tpu.memory_space<hbm>>
      %dma_start3A_98 = arith.constant 0 : i32
      %dma_start3A_99 = arith.constant 0 : i32
      %dma_start3A_100 = tpu.memref_slice %arg5[%add3A, %dma_start3A_98, %dma_start3A_99] : memref<32x512x16xf32, #tpu.memory_space<hbm>> -> memref<1x512x16xf32, #tpu.memory_space<hbm>>
      %dma_start3A_101 = tpu.memref_squeeze %dma_start3A_100 : memref<1x512x16xf32, #tpu.memory_space<hbm>> -> memref<512x16xf32, #tpu.memory_space<hbm>>
      tpu.enqueue_dma source(%arg10 : memref<512x16xf32, #tpu.memory_space<vmem>>) target(%dma_start3A_101 : memref<512x16xf32, #tpu.memory_space<hbm>>) target_semaphore(%run_scoped3A : memref<!tpu.dma_semaphore, #tpu.memory_space<semaphore_mem>>)
      %dma_wait3A = arith.constant 0 : i32
      %dma_wait3A_102 = arith.constant 0 : i32
      %dma_wait3A_103 = tpu.memref_slice %arg5[%add3A, %dma_wait3A, %dma_wait3A_102] : memref<32x512x16xf32, #tpu.memory_space<hbm>> -> memref<1x512x16xf32, #tpu.memory_space<hbm>>
      %dma_wait3A_104 = tpu.memref_squeeze %dma_wait3A_103 : memref<1x512x16xf32, #tpu.memory_space<hbm>> -> memref<512x16xf32, #tpu.memory_space<hbm>>
      %dma_wait3A_105 = arith.constant 0 : i32
      %dma_wait3A_106 = arith.constant 0 : i32
      %dma_wait3A_107 = tpu.memref_slice %arg5[%add3A, %dma_wait3A_105, %dma_wait3A_106] : memref<32x512x16xf32, #tpu.memory_space<hbm>> -> memref<1x512x16xf32, #tpu.memory_space<hbm>>
      %dma_wait3A_108 = tpu.memref_squeeze %dma_wait3A_107 : memref<1x512x16xf32, #tpu.memory_space<hbm>> -> memref<512x16xf32, #tpu.memory_space<hbm>>
      tpu.wait_dma2 semaphore(%run_scoped3A : memref<!tpu.dma_semaphore, #tpu.memory_space<semaphore_mem>>) src(%arg10 : memref<512x16xf32, #tpu.memory_space<vmem>>) dst(%dma_wait3A_108 : memref<512x16xf32, #tpu.memory_space<hbm>>)
      tpu.yield
    }) : () -> ()
    "tpu.region"() ({
      %run_scoped3A = tpu.sem_alloc : memref<!tpu.dma_semaphore, #tpu.memory_space<semaphore_mem>>
      %dma_start3A_94 = arith.constant 0 : i32
      %dma_start3A_95 = tpu.memref_slice %arg6[%add3A, %dma_start3A_94] : memref<32x512xf32, #tpu.memory_space<hbm>> -> memref<1x512xf32, #tpu.memory_space<hbm>>
      %dma_start3A_96 = tpu.memref_squeeze %dma_start3A_95 : memref<1x512xf32, #tpu.memory_space<hbm>> -> memref<512xf32, #tpu.memory_space<hbm>>
      %dma_start3A_97 = arith.constant 0 : i32
      %dma_start3A_98 = tpu.memref_slice %arg6[%add3A, %dma_start3A_97] : memref<32x512xf32, #tpu.memory_space<hbm>> -> memref<1x512xf32, #tpu.memory_space<hbm>>
      %dma_start3A_99 = tpu.memref_squeeze %dma_start3A_98 : memref<1x512xf32, #tpu.memory_space<hbm>> -> memref<512xf32, #tpu.memory_space<hbm>>
      tpu.enqueue_dma source(%arg11 : memref<512xf32, #tpu.memory_space<vmem>>) target(%dma_start3A_99 : memref<512xf32, #tpu.memory_space<hbm>>) target_semaphore(%run_scoped3A : memref<!tpu.dma_semaphore, #tpu.memory_space<semaphore_mem>>)
      %dma_wait3A = arith.constant 0 : i32
      %dma_wait3A_100 = tpu.memref_slice %arg6[%add3A, %dma_wait3A] : memref<32x512xf32, #tpu.memory_space<hbm>> -> memref<1x512xf32, #tpu.memory_space<hbm>>
      %dma_wait3A_101 = tpu.memref_squeeze %dma_wait3A_100 : memref<1x512xf32, #tpu.memory_space<hbm>> -> memref<512xf32, #tpu.memory_space<hbm>>
      %dma_wait3A_102 = arith.constant 0 : i32
      %dma_wait3A_103 = tpu.memref_slice %arg6[%add3A, %dma_wait3A_102] : memref<32x512xf32, #tpu.memory_space<hbm>> -> memref<1x512xf32, #tpu.memory_space<hbm>>
      %dma_wait3A_104 = tpu.memref_squeeze %dma_wait3A_103 : memref<1x512xf32, #tpu.memory_space<hbm>> -> memref<512xf32, #tpu.memory_space<hbm>>
      tpu.wait_dma2 semaphore(%run_scoped3A : memref<!tpu.dma_semaphore, #tpu.memory_space<semaphore_mem>>) src(%arg11 : memref<512xf32, #tpu.memory_space<vmem>>) dst(%dma_wait3A_104 : memref<512xf32, #tpu.memory_space<hbm>>)
      tpu.yield
    }) : () -> ()
    return
  }
}

module attributes {stable_mosaic.version = 14 : i64} {
  func.func @_fm_tc_body(%arg0: i32, %arg1: memref<2048x128xf32, #tpu.memory_space<vmem>>, %arg2: memref<2048x8xf32, #tpu.memory_space<vmem>>, %arg3: memref<2048x8xf32, #tpu.memory_space<vmem>>) attributes {dimension_semantics = [#tpu.dimension_semantics<arbitrary>], iteration_bounds = array<i64: 1>, scalar_prefetch = 0 : i64, scratch_operands = 0 : i64, tpu.core_type = #tpu.core_type<tc>, window_params = [{pipeline_mode = #tpu.pipeline_mode<synchronous>, transform_indices = @transform_0, window_bounds = array<i64: 2048, 128>}, {pipeline_mode = #tpu.pipeline_mode<synchronous>, transform_indices = @transform_1, window_bounds = array<i64: 2048, 8>}, {pipeline_mode = #tpu.pipeline_mode<synchronous>, transform_indices = @transform_2, window_bounds = array<i64: 2048, 8>}]} {
    %get3A = arith.constant 0 : index
    %get3A_0 = arith.constant 0 : index
    %get3A_1 = vector.load %arg1[%get3A, %get3A_0] : memref<2048x128xf32, #tpu.memory_space<vmem>>, vector<2048x128xf32>
    %iota3A = tpu.iota {dimensions = array<i32: 0>} : vector<128x8xi32>
    %iota3A_2 = tpu.iota {dimensions = array<i32: 1>} : vector<128x8xi32>
    %jit3A = arith.constant 16 : i32
    %div3A = vector.broadcast %jit3A : i32 to vector<128x8xi32>
    %div3A_3 = arith.divsi %iota3A, %div3A : vector<128x8xi32>
    %sign3A = arith.constant 0 : i32
    %sign3A_4 = vector.broadcast %sign3A : i32 to vector<128x8xi32>
    %sign3A_5 = arith.cmpi sgt, %iota3A, %sign3A_4 : vector<128x8xi32>
    %sign3A_6 = arith.extui %sign3A_5 : vector<128x8xi1> to vector<128x8xi32>
    %sign3A_7 = arith.constant 0 : i32
    %sign3A_8 = vector.broadcast %sign3A_7 : i32 to vector<128x8xi32>
    %sign3A_9 = arith.cmpi slt, %iota3A, %sign3A_8 : vector<128x8xi32>
    %sign3A_10 = arith.extui %sign3A_9 : vector<128x8xi1> to vector<128x8xi32>
    %sign3A_11 = arith.subi %sign3A_6, %sign3A_10 : vector<128x8xi32>
    %sign3A_12 = arith.constant 0 : i32
    %sign3A_13 = arith.cmpi sgt, %jit3A, %sign3A_12 : i32
    %sign3A_14 = arith.extui %sign3A_13 : i1 to i32
    %sign3A_15 = arith.constant 0 : i32
    %sign3A_16 = arith.cmpi slt, %jit3A, %sign3A_15 : i32
    %sign3A_17 = arith.extui %sign3A_16 : i1 to i32
    %sign3A_18 = arith.subi %sign3A_14, %sign3A_17 : i32
    %ne3A = vector.broadcast %sign3A_18 : i32 to vector<128x8xi32>
    %ne3A_19 = arith.cmpi ne, %sign3A_11, %ne3A : vector<128x8xi32>
    %rem3A = vector.broadcast %jit3A : i32 to vector<128x8xi32>
    %rem3A_20 = arith.remsi %iota3A, %rem3A : vector<128x8xi32>
    %ne3A_21 = arith.constant 0 : i32
    %ne3A_22 = vector.broadcast %ne3A_21 : i32 to vector<128x8xi32>
    %ne3A_23 = arith.cmpi ne, %rem3A_20, %ne3A_22 : vector<128x8xi32>
    %and3A = arith.andi %ne3A_19, %ne3A_23 : vector<128x8xi1>
    %sub3A = arith.constant 1 : i32
    %sub3A_24 = vector.broadcast %sub3A : i32 to vector<128x8xi32>
    %sub3A_25 = arith.subi %div3A_3, %sub3A_24 : vector<128x8xi32>
    %select_n3A = arith.select %and3A, %sub3A_25, %div3A_3 : vector<128x8xi1>, vector<128x8xi32>
    %eq3A = arith.cmpi eq, %select_n3A, %iota3A_2 : vector<128x8xi32>
    %convert_element_type3A = arith.extui %eq3A : vector<128x8xi1> to vector<128x8xi32>
    %convert_element_type3A_26 = arith.sitofp %convert_element_type3A : vector<128x8xi32> to vector<128x8xf32>
    %dot_general3A = arith.constant dense<0.000000e+00> : vector<2048x8xf32>
    %dot_general3A_27 = tpu.matmul %get3A_1, %convert_element_type3A_26, %dot_general3A {dimension_numbers = #tpu.dot_dimension_numbers<[1], [0], [0], [1], [0, 0, 1, 1], [], []>, precision = #tpu.contract_precision<fp32>, transpose_lhs_hint = false} : vector<2048x128xf32>, vector<128x8xf32>, vector<2048x8xf32> -> vector<2048x8xf32>
    %get3A_28 = arith.constant 0 : index
    %get3A_29 = arith.constant 0 : index
    %get3A_30 = vector.load %arg2[%get3A_28, %get3A_29] : memref<2048x8xf32, #tpu.memory_space<vmem>>, vector<2048x8xf32>
    %mul3A = arith.constant 5.000000e-01 : f32
    %mul3A_31 = vector.broadcast %mul3A : f32 to vector<2048x8xf32>
    %mul3A_32 = arith.mulf %mul3A_31, %dot_general3A_27 : vector<2048x8xf32>
    %add3A = arith.addf %get3A_30, %mul3A_32 : vector<2048x8xf32>
    %swap3A = arith.constant 0 : index
    %swap3A_33 = arith.constant 0 : index
    %swap3A_34 = vector.load %arg3[%swap3A, %swap3A_33] : memref<2048x8xf32, #tpu.memory_space<vmem>>, vector<2048x8xf32>
    tpu.vector_store %arg3[%swap3A, %swap3A_33], %add3A {strides = array<i32>} : memref<2048x8xf32, #tpu.memory_space<vmem>>, vector<2048x8xf32>,
    return
  }
  func.func @transform_0(%arg0: i32) -> (i32, i32) {
    %c0_i32 = arith.constant 0 : i32
    %c0_i32_0 = arith.constant 0 : i32
    %c0_i32_1 = arith.constant 0 : i32
    return %c0_i32, %c0_i32_0 : i32, i32
  }
  func.func @transform_1(%arg0: i32) -> (i32, i32) {
    %c0_i32 = arith.constant 0 : i32
    %c0_i32_0 = arith.constant 0 : i32
    %c0_i32_1 = arith.constant 0 : i32
    return %c0_i32, %c0_i32_0 : i32, i32
  }
  func.func @transform_2(%arg0: i32) -> (i32, i32) {
    %c0_i32 = arith.constant 0 : i32
    %c0_i32_0 = arith.constant 0 : i32
    %c0_i32_1 = arith.constant 0 : i32
    return %c0_i32, %c0_i32_0 : i32, i32
  }
}

</mosaic_0001>

<sc_bundles>
// kernel: _fm.4.cloned.1.call-start
scs
__scs_entry_jumppad:
0x0: {  	(pc) =	sbr.rel $0x88, $3  }
0x1: {  	(tag) =	ssettag $0x0;
	lr =	simm.s32 $0x1  }
0x2: {  	[smem:$0x3F9E] =	sst lr;
	_ =	strace $0xD0000000  }
0x3: {  	_ = 	snop  }
0x4: {  	_ = 	snop  }
0x5: {  	_ = 	snop  }
0x6: {  	_ = 	snop  }
0x7: {  	_ = 	snop  }
__scs_overlays_trampoline_lowered:
0x8: {  	[smem:$0x3FAD] =	sst s0  }
0x9: {  	[smem:$0x3FAE] =	sst s1  }
0xa: {  	[smem:$0x3FAF] =	sst s2  }
0xb: {  	[smem:$0x3FB0] =	sst s3  }
0xc: {  	[smem:$0x3FB1] =	sst s4  }
0xd: {  	[smem:$0x3FB2] =	sst s5  }
0xe: {  	[smem:$0x3FB3] =	sst s6  }
0xf: {  	[smem:$0x3FB4] =	sst s7  }
0x10: {  	[smem:$0x3FB5] =	sst s8  }
0x11: {  	[smem:$0x3FB6] =	sst s9;
	s0 =	simm.s32 @!p0 $0x0  }
0x12: {  	s1 =	sld [smem:$0x3F9C];
	s0 =	simm.s32 @p0 $0x1  }
0x13: {  	[smem:$0x3FB7] =	sst s0;
	s0 =	simm.s32 @!p1 $0x0  }
0x14: {  	s2 =	sld [smem:$0x3F9B];
	s0 =	simm.s32 @p1 $0x1  }
0x15: {  	[smem:$0x3FB8] =	sst s0;
	s0 =	simm.s32 @!p2 $0x0  }
0x16: {  	s3 =	sld [smem:$0x3FDB];
	s0 =	simm.s32 @p2 $0x1  }
0x17: {  	s4 =	simm.s32 $0x1BF5;
	[smem:$0x3FBA] =	sst s0  }
0x18: {  	s0 =	sld [smem:$0x3F9D];
	_ =	swait.ge [sflag:s4], $0x0  }
0x19: {  	s7 =	sld [smem:$0x3F9E]  }
0x1a: {  	s8 =	sadd.s32 $0xFFFFE003, lr  }
0x1b: {  	s9 =	sadd.s32 $0xFFFFFEF7, lr;
	s5 =	simm.s32 $0xFFFFFFFF;
	p2 =	slt.u32 s8, $0xFFFFF086  }
0x1c: {  	p1 =	slt.u32 s9, $0xF7A;
	s5 =	simm.s32 @!p2 $0x0  }
0x1d: {  	s5 =	simm.s32 @p1 $0x1;
	p0 =	seq.s32 s7, s2  }
0x1e: {  	s7 =	smul.u32 @!p0 $0xF7A, s2;
	p2 =	seq.s32 @!p0 s5, $0x0  }
0x1f: {  	s9 =	smul.u32 $0xF7A, s1;
	s8 =	simm.s32 @!p0 $0x1BF5;
	p2 =	por !p2, p0  }
0x20: {  	[sflag:s8] =	ssyncset.s32 @!p0 $0xFFFFF086;
	s6 =	sadd.s32 @!p0 s3, s7;
	s7 =	simm.s32 @!p0 $0x108  }
0x21: {  	s3 =	sadd.s32 s3, s9;
	s6 =	sadd.s32 @!p0 $0x88, s6;
	s7 =	simm.s32 @p2 $0x1082  }
0x22: {  	[simem:s7], [sflag:s8] =	dma.local @!p0 [hbm:s6], $0xF7A  }
0x23: {  	s9 =	sor.u32 $0xD0000000, s2;
	s6 =	simm.s32 $0x108;
	_ =	swait.ge @!p0 [sflag:s8], $0x0  }
0x24: {  	s3 =	sadd.s32 $0x88, s3;
	s6 =	simm.s32 @!p1 $0x1082;
	[sflag:s4] =	ssyncset.s32 $0xFFFFF086  }
0x25: {  	[simem:s6], [sflag:s4] =	dma.local [hbm:s3], $0xF7A  }
0x26: {  	[smem:$0x3F9E] =	sst s1;
	(tag) =	ssettag s2;
	_ =	strace s9  }
0x27: {  	s1 =	sld [smem:$0x3FAE]  }
0x28: {  	s2 =	sld [smem:$0x3FAF]  }
0x29: {  	s4 =	sld [smem:$0x3FB1]  }
0x2a: {  	p0 =	seq.s32 s5, $0x0;
	s5 =	sld [smem:$0x3FB2]  }
0x2b: {  	s6 =	sld [smem:$0x3FB3]  }
0x2c: {  	s7 =	sld [smem:$0x3FB4]  }
0x2d: {  	s3 =	simm.s32 $0x108;
	s8 =	sld [smem:$0x3FB5]  }
0x2e: {  	s3 =	simm.s32 @!p0 $0x1082;
	s9 =	sld [smem:$0x3FB6]  }
0x2f: {  	lr =	sadd.s32 s0, s3;
	s0 =	sld [smem:$0x3FAD]  }
0x30: {  	s3 =	sld [smem:$0x3FB0]  }
0x31: {  	[smem:$0x3FB9] =	sst s10  }
0x32: {  	s10 =	sld [smem:$0x3FB7];
	_ =	sdelay $0x3  }
0x33: {  	p0 =	seq.s32 s10, $0x1;
	s10 =	sld [smem:$0x3FB9];
	_ =	sdelay $0x3  }
0x34: {  	[smem:$0x3FB9] =	sst s10  }
0x35: {  	s10 =	sld [smem:$0x3FB8];
	_ =	sdelay $0x3  }
0x36: {  	p1 =	seq.s32 s10, $0x1;
	s10 =	sld [smem:$0x3FB9];
	_ =	sdelay $0x3  }
0x37: {  	[smem:$0x3FB9] =	sst s10  }
0x38: {  	s10 =	sld [smem:$0x3FBA]  }
0x39: {  	_ = 	snop;
	(pc) =	sbr.ind lr, $3  }
0x3a: {  	_ = 	snop  }
0x3b: {  	_ = 	snop  }
0x3c: {  	p2 =	seq.s32 s10, $0x1;
	s10 =	sld [smem:$0x3FB9]  }
0x3d: {  	_ =	shalt  }
0x3e: {  	_ =	shalt  }
0x3f: {  	_ =	shalt  }
0x40: {  	_ =	shalt  }
0x41: {  	_ =	shalt  }
0x42: {  	_ =	shalt  }
0x43: {  	_ =	shalt  }
0x44: {  	_ =	shalt  }
0x45: {  	_ =	shalt  }
0x46: {  	_ =	shalt  }
0x47: {  	_ =	shalt  }
0x48: {  	_ =	shalt  }
0x49: {  	_ =	shalt  }
0x4a: {  	_ =	shalt  }
0x4b: {  	_ =	shalt  }
0x4c: {  	_ =	shalt  }
0x4d: {  	_ =	shalt  }
0x4e: {  	_ =	shalt  }
0x4f: {  	_ =	shalt  }
0x50: {  	_ =	shalt  }
0x51: {  	_ =	shalt  }
0x52: {  	_ =	shalt  }
0x53: {  	_ =	shalt  }
0x54: {  	_ =	shalt  }
0x55: {  	_ =	shalt  }
0x56: {  	_ =	shalt  }
0x57: {  	_ =	shalt  }
0x58: {  	_ =	shalt  }
0x59: {  	_ =	shalt  }
0x5a: {  	_ =	shalt  }
0x5b: {  	_ =	shalt  }
0x5c: {  	_ =	shalt  }
0x5d: {  	_ =	shalt  }
0x5e: {  	_ =	shalt  }
0x5f: {  	_ =	shalt  }
0x60: {  	_ =	shalt  }
0x61: {  	_ =	shalt  }
0x62: {  	_ =	shalt  }
0x63: {  	_ =	shalt  }
0x64: {  	_ =	shalt  }
0x65: {  	_ =	shalt  }
0x66: {  	_ =	shalt  }
0x67: {  	_ =	shalt  }
0x68: {  	_ =	shalt  }
0x69: {  	_ =	shalt  }
0x6a: {  	_ =	shalt  }
0x6b: {  	_ =	shalt  }
0x6c: {  	_ =	shalt  }
0x6d: {  	_ =	shalt  }
0x6e: {  	_ =	shalt  }
0x6f: {  	_ =	shalt  }
0x70: {  	_ =	shalt  }
0x71: {  	_ =	shalt  }
0x72: {  	_ =	shalt  }
0x73: {  	_ =	shalt  }
0x74: {  	_ =	shalt  }
0x75: {  	_ =	shalt  }
0x76: {  	_ =	shalt  }
0x77: {  	_ =	shalt  }
0x78: {  	_ =	shalt  }
0x79: {  	_ =	shalt  }
0x7a: {  	_ =	shalt  }
0x7b: {  	_ =	shalt  }
0x7c: {  	_ =	shalt  }
0x7d: {  	_ =	shalt  }
0x7e: {  	_ =	shalt  }
0x7f: {  	_ =	shalt  }
0x80: {  	_ =	shalt  }
0x81: {  	_ =	shalt  }
0x82: {  	_ =	shalt  }
0x83: {  	_ =	shalt  }
0x84: {  	_ =	shalt  }
0x85: {  	_ =	shalt  }
0x86: {  	_ =	shalt  }
0x87: {  	_ =	shalt  }
.Lfunc_end0:
.L_simem_size_0:
called_computation_lowered:
.L_overlay_start_0:
0x88: {  	s2 =	sld [smem:$0x3FD9]  }
0x89: {  	s3 =	sld [smem:$0x3FFE];
	_ =	sdelay $0x1  }
0x8a: {  	s1 =	srdreg.scid  }
0x8b: {  	s0 =	sand.u32 $0x1, s1  }
0x8c: {  	s17 =	sshll.u32 s0, $0xA;
	s2 =	sadd.s32 s3, s2  }
0x8d: {  	s2 =	sadd.s32 s2, s17  }
0x8e: {  	[smem:$0x3FC5] =	sst s2  }
0x8f: {  	_ = 	snop  }
0x90: {  	s2 =	sld [smem:$0x3FC7]  }
0x91: {  	s18 =	sld [smem:$0x3FD0];
	(tm) =	ssettm $0x1  }
0x92: {  	s4 =	sld [smem:$0x3FFB];
	_ =	sdelay $0x3  }
0x93: {  	_ =	strace s4  }
0x94: {  	s4 =	sld [smem:$0x3FFC];
	_ =	sdelay $0x3  }
0x95: {  	_ =	strace s4  }
0x96: {  	s4 =	sld [smem:$0x3FFD];
	_ =	sdelay $0x3  }
0x97: {  	_ =	strace s4  }
0x98: {  	_ =	strace $0x8FFFFFFF  }
0x99: {  	s19 =	sld [smem:$0x3FDB];
	_ =	sdelay $0x1  }
0x9a: {  	s5 =	simm.s32 $_scs_section_size  }
0x9b: {  	s6 =	simm.s32 $_size__tile_overlayer_lowered;
	s7 =	simm.s32 $_tile_overlayer_lowered  }
0x9c: {  	s22 =	simm.s32 $0x1BFF;
	s21 =	sshll.u32 s7, $0x1;
	s4 =	sadd.s32 s5, s19  }
0x9d: {  	s8 =	simm.s32 $0x0;
	s20 =	sshll.u32 s6, $0x1;
	s6 =	sadd.s32 s21, s4  }
0x9e: {  	[timem:s8], [sflag:s22] =	dma.local [hbm:s6], s20  }
0x9f: {  	_ =	swait.ge [sflag:s22], s20  }
0xa0: {  	s5 =	ssub.s32 $0x0, s20;
	[sflag:s22] =	ssyncset.done $0x0  }
0xa1: {  	[sflag:s22] =	ssyncadd.s32 s5;
	_ =	sdelay $0x1  }
0xa2: {  	s23 =	simm.s32 $0x1B8B  }
0xa3: {  	_ =	swait.ge [sflag:s23], $0x1  }
0xa4: {  	[sflag:s23] =	ssyncset.done $0x0  }
0xa5: {  	s25 =	simm.s32 $0x1B8E;
	s24 =	sld [smem:$0x3FFE];
	[sflag:s23] =	ssyncadd.s32 $0xFFFFFFFF  }
0xa6: {  	s26 =	simm.s32 $execute0_lowered;
	[smem:$0x3FD2] =	sst s25  }
0xa7: {  	s6 =	sshll.u32 s26, $0x1;
	_ =	strace $0x80000046;
	[dreg:$0x1] =	wrdreg $0xFFFFFFFF  }
0xa8: {  	s28 =	simm.s32 $_size_execute0_lowered;
	s4 =	sadd.s32 s4, s6;
	[dreg:$0x0] =	wrdreg $0x0  }
0xa9: {  	s6 =	sshll.u32 s28, $0x1;
	[dreg:$0x2] =	wrdreg s4  }
0xaa: {  	[dreg:$0x3] =	wrdreg s6  }
0xab: {  	[dreg:$0x4] =	wrdreg $0xC0  }
0xac: {  	_ =	task [dreg:s8], $0x5FFFF  }
0xad: {  	[dreg:$0x1] =	wrdreg $0xFFFFFFFF  }
0xae: {  	[dreg:$0x0] =	wrdreg $0x60  }
0xaf: {  	[dreg:$0x2] =	wrdreg s24  }
0xb0: {  	[dreg:$0x3] =	wrdreg s2  }
0xb1: {  	[dreg:$0x4] =	wrdreg s18  }
0xb2: {  	[dreg:$0x5] =	wrdreg $0x9  }
0xb3: {  	_ =	task.clear_ibuf [dreg:s8], $0x6FFFF;
	_ =	strace $0x90000046  }
0xb4: {  	s29 =	simm.s32 $0x9;
	_ =	strace $0x80000048  }
0xb5: {  	_ =	swait.ge [sflag:s29], $0x1  }
0xb6: {  	[sflag:s29] =	ssyncadd.s32 $0xFFFFFFFF  }
0xb7: {  	_ =	strace $0x90000048  }
0xb8: {  	_ =	sfence  }
0xb9: {  	s30 =	sld [smem:$0x0];
	_ =	sdelay $0x2  }
0xba: {  	s31 =	sshll.u32 s1, $0xD;
	s1 =	sshrl.u32 s1, $0x2  }
0xbb: {  	s3 =	sand.u32 $0x4000, s31;
	s1 =	sadd.s32 s1, s30  }
0xbc: {  	s0 =	sor.u32 s3, s0;
	s1 =	sshll.u32 s1, $0x11  }
0xbd: {  	s0 =	sor.u32 s1, s0  }
0xbe: {  	s0 =	sadd.s32 $0x8F2B, s0  }
0xbf: {  	[sflag:s0] =	ssyncadd.remote.s32 $0x1  }
0xc0: {  	_ =	sfence.sel $0xFFFF  }
0xc1: {  	[dreg:$0x0] =	wrdreg $0xFFFFFFFF;
	(pc) =	sbr.abs _section_cstart, $3  }
0xc2: {  	[dreg:$0x1] =	wrdreg $0xFFFFFFFF  }
0xc3: {  	_ =	task.clear_ibuf [dreg:s8], $0x2FFFF;
	_ =	strace $0x9FFFFFFF  }
0xc4: {  	(tm) =	ssettm $0x7FFFFFFF  }
0xc5: {  	_ =	shalt  }
tec
execute0_lowered:
.L_overlay_start_1:
0x0: {  	(tag) =	ssettag $0x1  }
0x1: {  	v0 =	vlaneseq.u32  }
0x2: {  	v0 =	vmul.u32 $0x1A, v0;
	_ =	sdelay $0x1  }
0x3: {  	v1 =	vor.u32 $0x1, v0  }
0x4: {  	v10 =	vadd.s32 $0xA, v0;
	v11 =	vadd.s32 $0xB, v0;
	v12 =	vadd.s32 $0xC, v0  }
0x5: {  	v13 =	vadd.s32 $0xD, v0;
	v14 =	vadd.s32 $0xE, v0;
	v15 =	vadd.s32 $0xF, v0  }
0x6: {  	v16 =	vadd.s32 $0x10, v0;
	v17 =	vadd.s32 $0x11, v0;
	v18 =	vadd.s32 $0x12, v0  }
0x7: {  	s1 =	rddreg [dreg:$0x0];
	v19 =	vadd.s32 $0x13, v0;
	v20 =	vadd.s32 $0x14, v0;
	v21 =	vadd.s32 $0x15, v0  }
0x8: {  	s0 =	rddreg [dreg:$0x1];
	s2 =	srdreg.scid;
	v22 =	vadd.s32 $0x16, v0;
	v23 =	vadd.s32 $0x17, v0;
	v24 =	vadd.s32 $0x18, v0  }
0x9: {  	s3 =	stileid.u32;
	s7 =	rddreg [dreg:$0x2];
	s10 =	simm.s32 $0x340;
	v25 =	vadd.s32 $0x19, v0;
	v26 =	vadd.s32 $0x1A0, v0;
	v27 =	vadd.s32 $0x1A1, v0  }
0xa: {  	s12 =	simm.s32 $0x10400;
	s14 =	simm.s32 $0x10740;
	s15 =	simm.s32 $0x680;
	v28 =	vadd.s32 $0x1A2, v0;
	v29 =	vadd.s32 $0x1A3, v0;
	v30 =	vadd.s32 $0x1A4, v0  }
0xb: {  	s17 =	simm.s32 $0x10A80;
	s18 =	simm.s32 $0x9C0;
	s19 =	simm.s32 $0xD000;
	v31 =	vadd.s32 $0x1A5, v0;
	v32 =	vadd.s32 $0x1A6, v0;
	[tilespmem:$0x1FF70] =	vst v1;
	v1 =	vadd.s32 $0x2, v0  }
0xc: {  	s20 =	simm.s32 $0x10DC0;
	s21 =	simm.s32 $0x1;
	s22 =	simm.s32 $0x2;
	v33 =	vadd.s32 $0x1A7, v0;
	v34 =	vadd.s32 $0x1A8, v0;
	[tilespmem:$0x1FF80] =	vst v1;
	v1 =	vadd.s32 $0x3, v0  }
0xd: {  	s23 =	simm.s32 $0x3;
	s2 =	sand.u32 $0x1, s2;
	s4 =	sshll.u32 s3, $0x1;
	v35 =	vadd.s32 $0x1A9, v0;
	v36 =	vadd.s32 $0x1AA, v0;
	[tilespmem:$0x1FF90] =	vst v1;
	v1 =	vadd.s32 $0x4, v0  }
0xe: {  	s24 =	simm.s32 $0x4;
	s28 =	simm.s32 $0x0;
	s8 =	sor.u32 s2, s4;
	v37 =	vadd.s32 $0x1AB, v0;
	v38 =	vadd.s32 $0x1AC, v0;
	[tilespmem:$0x1FFA0] =	vst v1;
	v1 =	vadd.s32 $0x5, v0  }
0xf: {  	s3 =	simm.s32 $0x0;
	s2 =	ssub.s32 $0x2, s2;
	s4 =	smul.u32 $0x680, s8;
	v39 =	vadd.s32 $0x1AD, v0;
	v40 =	vadd.s32 $0x1AE, v0;
	[tilespmem:$0x1FFB0] =	vst v1;
	v1 =	vadd.s32 $0x6, v0  }
.Ltmp0:
0x10: {  	[smem:$0x7FF] =	sst s3;
	s9 =	sshrl.u32 s2, $0x1;
	v41 =	vadd.s32 $0x1AF, v0;
	v42 =	vadd.s32 $0x1B0, v0;
	[tilespmem:$0x1FFC0] =	vst v1;
	v1 =	vadd.s32 $0x7, v0;
	(pc) =	sbr.rel .LBB2_1-.Ltmp0, $4  }
0x11: {  	s6 =	sshll.u32 s8, $0xA;
	s31 =	sshll.u32 s8, $0x6;
	v43 =	vadd.s32 $0x1B1, v0;
	v44 =	vadd.s32 $0x1B2, v0;
	s2 =	ssub.s32 s2, s9;
	[tilespmem:$0x1FFD0] =	vst v1;
	v1 =	vadd.s32 $0x8, v0  }
0x12: {  	v45 =	vadd.s32 $0x1B3, v0;
	v46 =	vadd.s32 $0x1B4, v0;
	s7 =	sadd.s32 s7, s31;
	s9 =	simm.s32 $0x5;
	s5 =	sadd.s32 s4, s1;
	[tilespmem:$0x1FFE0] =	vst v1;
	v1 =	vadd.s32 $0x9, v0  }
0x13: {  	v47 =	vadd.s32 $0x1B5, v0;
	v48 =	vadd.s32 $0x1B6, v0;
	v49 =	vadd.s32 $0x1B7, v0;
	s4 =	sadd.s32 $0x27AD000, s1;
	s1 =	sadd.s32 s6, s1;
	s8 =	smax.u32 s2, $0x1;
	[tilespmem:$0x1FFF0] =	vst v1  }
0x14: {  	v50 =	vadd.s32 $0x1B8, v0;
	v51 =	vadd.s32 $0x1B9, v0;
	s5 =	sadd.s32 $0xC00, s5;
	s6 =	sadd.s32 $0xDC00, s1;
	_ =	strace $0x80000047  }
.LBB2_12:
0x15: {  	s1 =	simm.s32 $0x11100  }
0x16: {  	[hbm4b:s6+s3] =	stream.linear.scatter [tilespmem:s1], [sflag:$0x5], $0x2000, $0x38;
	[tilespmem:$0x13300] =	vst v63  }
0x17: {  	s28 =	sadd.s32 $0x1, s28;
	_ =	swait.ge [sflag:s9], $0x2000  }
0x18: {  	p0 =	sne.s32 s28, s8;
	[sflag:s9] =	ssyncset.done $0x0  }
.Ltmp1:
0x19: {  	s31 =	simm.s32 $0x13100;
	[sflag:s9] =	ssyncadd.s32 $0xFFFFE000;
	(pc) =	sbr.rel @!p0 .LBB2_13-.Ltmp1, $4  }
0x1a: {  	[hbm4b:s7+s3] =	stream.linear.scatter [tilespmem:s31], [sflag:$0x5], $0x200, $0x38;
	[tilespmem:$0x13300] =	vst v63  }
0x1b: {  	_ =	swait.ge [sflag:s9], $0x200  }
0x1c: {  	[sflag:s9] =	ssyncset.done $0x0  }
0x1d: {  	[sflag:s9] =	ssyncadd.s32 $0xFFFFFE00  }
.LBB2_1:
0x1e: {  	[tilespmem:s3], [sflag:$0x5] =	stream.linear.gather [hbm4b:s5+s3], $0x3400, $0x38;
	[tilespmem:$0x13300] =	vst v63  }
0x1f: {  	_ =	swait.ge [sflag:s9], $0x3400  }
0x20: {  	[sflag:s9] =	ssyncset.done $0x0  }
0x21: {  	s1 =	simm.s32 $0x3400;
	[sflag:s9] =	ssyncadd.s32 $0xFFFFCC00  }
0x22: {  	[tilespmem:s1], [sflag:$0x1] =	stream.indirect.gather [hbm4b:s4+s10], $0x10, s3, s10, $0xb8;
	[tilespmem:$0x13300] =	vst v63  }
0x23: {  	_ = 	snop  }
0x24: {  	[tilespmem:s12], [sflag:$0x1] =	stream.indirect.gather [hbm4b:s0+s10], $0x1, s3, s10, $0xb8;
	[tilespmem:$0x13300] =	vst v63  }
0x25: {  	s26 =	simm.s32 $0x6800  }
0x26: {  	[tilespmem:s26], [sflag:$0x2] =	stream.indirect.gather [hbm4b:s4+s10], $0x10, s10, s10, $0xb8;
	[tilespmem:$0x13300] =	vst v63  }
0x27: {  	_ = 	snop  }
0x28: {  	[tilespmem:s14], [sflag:$0x2] =	stream.indirect.gather [hbm4b:s0+s10], $0x1, s10, s10, $0xb8;
	[tilespmem:$0x13300] =	vst v63  }
0x29: {  	s29 =	simm.s32 $0x9C00  }
0x2a: {  	[tilespmem:s29], [sflag:$0x3] =	stream.indirect.gather [hbm4b:s4+s10], $0x10, s15, s10, $0xb8;
	[tilespmem:$0x13300] =	vst v63  }
0x2b: {  	_ = 	snop  }
0x2c: {  	[tilespmem:s17], [sflag:$0x3] =	stream.indirect.gather [hbm4b:s0+s10], $0x1, s15, s10, $0xb8;
	[tilespmem:$0x13300] =	vst v63  }
0x2d: {  	s16 =	simm.s32 $0x11120;
	s30 =	simm.s32 $0x11330  }
0x2e: {  	[tilespmem:s19], [sflag:$0x4] =	stream.indirect.gather [hbm4b:s4+s10], $0x10, s18, s10, $0xb8;
	[tilespmem:$0x13300] =	vst v63  }
0x2f: {  	s31 =	simm.s32 $0x11530;
	s2 =	simm.s32 $0x11730;
	s1 =	simm.s32 $0x0  }
0x30: {  	[tilespmem:s20], [sflag:$0x4] =	stream.indirect.gather [hbm4b:s0+s10], $0x1, s18, s10, $0xb8;
	[tilespmem:$0x13300] =	vst v63  }
.LBB2_2:
0x31: {  	_ =	swait.ge [sflag:s21], $0x3400  }
0x32: {  	[sflag:s21] =	ssyncset.done $0x0  }
0x33: {  	[sflag:s21] =	ssyncadd.s32 $0xFFFFCC00  }
0x34: {  	_ =	swait.ge [sflag:s21], $0x340  }
0x35: {  	v2 =	vld [tilespmem:$0x1FF70];
	_ =	sdelay $0x1  }
0x36: {  	v3 =	vld [tilespmem:$0x1FF80];
	_ =	sdelay $0x2  }
0x37: {  	[sflag:s21] =	ssyncset.done $0x0  }
0x38: {  	[sflag:s21] =	ssyncadd.s32 $0xFFFFFCC0  }
0x39: {  	v1 =	vld.idx.msk [tilespmem:v0+s12+$0x0], $0xffff  }
0x3a: {  	v2 =	vld.idx.msk [tilespmem:v2+s12+$0x0], $0xffff;
	_ =	sdelay $0x1  }
0x3b: {  	v3 =	vld.idx.msk [tilespmem:v3+s12+$0x0], $0xffff  }
0x3c: {  	v4 =	vld [tilespmem:$0x1FF90];
	_ =	sdelay $0x1  }
0x3d: {  	v1 =	vadd.f32 v2, v1;
	v2 =	vld [tilespmem:$0x1FFA0];
	_ =	sdelay $0x1  }
0x3e: {  	v1 =	vadd.f32 v3, v1;
	v3 =	vld [tilespmem:$0x1FFB0];
	_ =	sdelay $0x3  }
0x3f: {  	v52 =	vld.idx.msk [tilespmem:v4+s12+$0x0], $0xffff  }
0x40: {  	v4 =	vld [tilespmem:$0x1FFC0]  }
0x41: {  	v2 =	vld.idx.msk [tilespmem:v2+s12+$0x0], $0xffff;
	_ =	sdelay $0x1  }
0x42: {  	v3 =	vld.idx.msk [tilespmem:v3+s12+$0x0], $0xffff  }
0x43: {  	v1 =	vadd.f32 v52, v1;
	_ =	sdelay $0x1  }
0x44: {  	v1 =	vadd.f32 v2, v1;
	v2 =	vld [tilespmem:$0x1FFD0];
	_ =	sdelay $0x1  }
0x45: {  	v1 =	vadd.f32 v3, v1;
	v3 =	vld [tilespmem:$0x1FFE0]  }
0x46: {  	v58 =	vld.idx.msk [tilespmem:v4+s12+$0x0], $0xffff  }
0x47: {  	v4 =	vld [tilespmem:$0x1FFF0];
	_ =	sdelay $0x3  }
0x48: {  	v2 =	vld.idx.msk [tilespmem:v2+s12+$0x0], $0xffff;
	_ =	sdelay $0x1  }
0x49: {  	v3 =	vld.idx.msk [tilespmem:v3+s12+$0x0], $0xffff  }
0x4a: {  	v1 =	vadd.f32 v58, v1  }
0x4b: {  	v59 =	vld.idx.msk [tilespmem:v4+s12+$0x0], $0xffff  }
0x4c: {  	v1 =	vadd.f32 v2, v1  }
0x4d: {  	v2 =	vld.idx.msk [tilespmem:v10+s12+$0x0], $0xffff  }
0x4e: {  	v1 =	vadd.f32 v3, v1  }
0x4f: {  	v3 =	vld.idx.msk [tilespmem:v11+s12+$0x0], $0xffff  }
0x50: {  	v1 =	vadd.f32 v59, v1  }
0x51: {  	v60 =	vld.idx.msk [tilespmem:v12+s12+$0x0], $0xffff  }
0x52: {  	v1 =	vadd.f32 v2, v1  }
0x53: {  	v2 =	vld.idx.msk [tilespmem:v13+s12+$0x0], $0xffff  }
0x54: {  	v1 =	vadd.f32 v3, v1  }
0x55: {  	v3 =	vld.idx.msk [tilespmem:v14+s12+$0x0], $0xffff  }
0x56: {  	v1 =	vadd.f32 v60, v1  }
0x57: {  	v61 =	vld.idx.msk [tilespmem:v15+s12+$0x0], $0xffff  }
0x58: {  	v1 =	vadd.f32 v2, v1  }
0x59: {  	v2 =	vld.idx.msk [tilespmem:v16+s12+$0x0], $0xffff  }
0x5a: {  	v1 =	vadd.f32 v3, v1  }
0x5b: {  	v3 =	vld.idx.msk [tilespmem:v17+s12+$0x0], $0xffff  }
0x5c: {  	v1 =	vadd.f32 v61, v1  }
0x5d: {  	v62 =	vld.idx.msk [tilespmem:v18+s12+$0x0], $0xffff  }
0x5e: {  	v1 =	vadd.f32 v2, v1  }
0x5f: {  	v2 =	vld.idx.msk [tilespmem:v19+s12+$0x0], $0xffff  }
0x60: {  	v1 =	vadd.f32 v3, v1  }
0x61: {  	v3 =	vld.idx.msk [tilespmem:v20+s12+$0x0], $0xffff  }
0x62: {  	v1 =	vadd.f32 v62, v1  }
0x63: {  	v63 =	vld.idx.msk [tilespmem:v21+s12+$0x0], $0xffff  }
0x64: {  	v1 =	vadd.f32 v2, v1  }
0x65: {  	v2 =	vld.idx.msk [tilespmem:v22+s12+$0x0], $0xffff  }
0x66: {  	v1 =	vadd.f32 v3, v1  }
0x67: {  	v3 =	vld.idx.msk [tilespmem:v23+s12+$0x0], $0xffff  }
0x68: {  	v1 =	vadd.f32 v63, v1  }
0x69: {  	v6 =	vld.idx.msk [tilespmem:v24+s12+$0x0], $0xffff  }
0x6a: {  	v1 =	vadd.f32 v2, v1  }
0x6b: {  	v2 =	vld.idx.msk [tilespmem:v25+s12+$0x0], $0xffff  }
0x6c: {  	v1 =	vadd.f32 v3, v1;
	_ =	sdelay $0x1  }
0x6d: {  	v1 =	vadd.f32 v6, v1;
	_ =	sdelay $0x1  }
0x6e: {  	v1 =	vadd.f32 v2, v1  }
0x6f: {  	s11 =	sshll.u32 s1, $0x7  }
0x70: {  	[tilespmem:s11+$0x13100] =	vst v1  }
0x71: {  	v1 =	vld.idx.msk [tilespmem:v26+s12+$0x0], $0xffff  }
0x72: {  	v2 =	vld.idx.msk [tilespmem:v27+s12+$0x0], $0xffff;
	_ =	sdelay $0x1  }
0x73: {  	v3 =	vld.idx.msk [tilespmem:v28+s12+$0x0], $0xffff;
	_ =	sdelay $0x1  }
0x74: {  	v7 =	vld.idx.msk [tilespmem:v29+s12+$0x0], $0xffff  }
0x75: {  	v1 =	vadd.f32 v2, v1  }
0x76: {  	v2 =	vld.idx.msk [tilespmem:v30+s12+$0x0], $0xffff  }
0x77: {  	v1 =	vadd.f32 v3, v1  }
0x78: {  	v3 =	vld.idx.msk [tilespmem:v31+s12+$0x0], $0xffff  }
0x79: {  	v1 =	vadd.f32 v7, v1  }
0x7a: {  	v56 =	vld.idx.msk [tilespmem:v32+s12+$0x0], $0xffff  }
0x7b: {  	v1 =	vadd.f32 v2, v1  }
0x7c: {  	v2 =	vld.idx.msk [tilespmem:v33+s12+$0x0], $0xffff  }
0x7d: {  	v1 =	vadd.f32 v3, v1  }
0x7e: {  	v3 =	vld.idx.msk [tilespmem:v34+s12+$0x0], $0xffff  }
0x7f: {  	v1 =	vadd.f32 v56, v1  }
0x80: {  	v57 =	vld.idx.msk [tilespmem:v35+s12+$0x0], $0xffff  }
0x81: {  	v1 =	vadd.f32 v2, v1  }
0x82: {  	v2 =	vld.idx.msk [tilespmem:v36+s12+$0x0], $0xffff  }
0x83: {  	v1 =	vadd.f32 v3, v1  }
0x84: {  	v3 =	vld.idx.msk [tilespmem:v37+s12+$0x0], $0xffff  }
0x85: {  	v1 =	vadd.f32 v57, v1  }
0x86: {  	v58 =	vld.idx.msk [tilespmem:v38+s12+$0x0], $0xffff  }
0x87: {  	v1 =	vadd.f32 v2, v1  }
0x88: {  	v2 =	vld.idx.msk [tilespmem:v39+s12+$0x0], $0xffff  }
0x89: {  	v1 =	vadd.f32 v3, v1  }
0x8a: {  	v3 =	vld.idx.msk [tilespmem:v40+s12+$0x0], $0xffff  }
0x8b: {  	v1 =	vadd.f32 v58, v1  }
0x8c: {  	v59 =	vld.idx.msk [tilespmem:v41+s12+$0x0], $0xffff  }
0x8d: {  	v1 =	vadd.f32 v2, v1  }
0x8e: {  	v2 =	vld.idx.msk [tilespmem:v42+s12+$0x0], $0xffff  }
0x8f: {  	v1 =	vadd.f32 v3, v1  }
0x90: {  	v3 =	vld.idx.msk [tilespmem:v43+s12+$0x0], $0xffff  }
0x91: {  	v1 =	vadd.f32 v59, v1  }
0x92: {  	v60 =	vld.idx.msk [tilespmem:v44+s12+$0x0], $0xffff  }
0x93: {  	v1 =	vadd.f32 v2, v1  }
0x94: {  	v2 =	vld.idx.msk [tilespmem:v45+s12+$0x0], $0xffff  }
0x95: {  	v1 =	vadd.f32 v3, v1  }
0x96: {  	v3 =	vld.idx.msk [tilespmem:v46+s12+$0x0], $0xffff  }
0x97: {  	v1 =	vadd.f32 v60, v1  }
0x98: {  	v61 =	vld.idx.msk [tilespmem:v47+s12+$0x0], $0xffff  }
0x99: {  	v1 =	vadd.f32 v2, v1  }
0x9a: {  	v2 =	vld.idx.msk [tilespmem:v48+s12+$0x0], $0xffff  }
0x9b: {  	v1 =	vadd.f32 v3, v1  }
0x9c: {  	v3 =	vld.idx.msk [tilespmem:v49+s12+$0x0], $0xffff  }
0x9d: {  	v1 =	vadd.f32 v61, v1  }
0x9e: {  	v62 =	vld.idx.msk [tilespmem:v50+s12+$0x0], $0xffff  }
0x9f: {  	v1 =	vadd.f32 v2, v1  }
0xa0: {  	v2 =	vld.idx.msk [tilespmem:v51+s12+$0x0], $0xffff  }
0xa1: {  	v1 =	vadd.f32 v3, v1;
	_ =	sdelay $0x1  }
0xa2: {  	v1 =	vadd.f32 v62, v1;
	_ =	sdelay $0x1  }
0xa3: {  	v1 =	vadd.f32 v2, v1;
	_ =	sdelay $0x1  }
0xa4: {  	s25 =	simm.s32 $0x3740;
	[tilespmem:s11+$0x13110] =	vst v1  }
0xa5: {  	v1 =	vld [tilespmem:s25+$0x1A0]  }
0xa6: {  	v2 =	vld [tilespmem:s25+$0x1B0]  }
0xa7: {  	v3 =	vld [tilespmem:s25+$0xFFFFFCD0]  }
0xa8: {  	v63 =	vld [tilespmem:s25+$0x1C0]  }
0xa9: {  	v53 =	vld [tilespmem:s25+$0xFFFFFE60]  }
0xaa: {  	v54 =	vld [tilespmem:s25+$0x1D0]  }
0xab: {  	v55 =	vld [tilespmem:s25+$0xFFFFFE70]  }
0xac: {  	v57 =	vld [tilespmem:s25+$0x1E0];
	v56 =	vmul.f32 v1, v1;
	v1 =	vadd.f32 v2, v1;
	v2 =	vmul.f32 v2, v2  }
0xad: {  	v58 =	vld [tilespmem:s25+$0x0]  }
0xae: {  	v4 =	vld [tilespmem:s25+$0xFFFFFE80];
	v52 =	vmul.f32 v63, v63;
	v2 =	vadd.f32 v2, v56;
	v1 =	vadd.f32 v63, v1  }
0xaf: {  	v56 =	vld [tilespmem:s25+$0x1F0]  }
0xb0: {  	v59 =	vld [tilespmem:s25+$0x10];
	v6 =	vmul.f32 v54, v54;
	v2 =	vadd.f32 v52, v2;
	v1 =	vadd.f32 v54, v1  }
0xb1: {  	v62 =	vld [tilespmem:s25+$0xFFFFFCC0];
	v7 =	vmul.f32 v53, v53;
	v60 =	vmul.f32 v55, v55;
	v53 =	vadd.f32 v55, v53  }
0xb2: {  	v61 =	vld [tilespmem:s25+$0x200];
	v2 =	vadd.f32 v6, v2;
	v1 =	vadd.f32 v57, v1;
	v6 =	vmul.f32 v57, v57  }
0xb3: {  	v53 =	vadd.f32 v4, v53;
	v54 =	vadd.f32 v60, v7;
	v60 =	vld [tilespmem:s25+$0xFFFFFCE0]  }
0xb4: {  	v55 =	vld [tilespmem:s25+$0x210];
	v52 =	vmul.f32 v56, v56;
	v2 =	vadd.f32 v6, v2;
	v1 =	vadd.f32 v56, v1  }
0xb5: {  	v63 =	vld [tilespmem:s25+$0x220];
	v56 =	vmul.f32 v58, v58;
	v58 =	vadd.f32 v59, v58;
	v59 =	vmul.f32 v59, v59  }
0xb6: {  	v57 =	vmul.f32 v3, v3;
	v3 =	vadd.f32 v3, v62;
	v6 =	vmul.f32 v62, v62;
	v62 =	vld [tilespmem:s25+$0x20]  }
0xb7: {  	v7 =	vmul.f32 v61, v61;
	v2 =	vadd.f32 v52, v2;
	v56 =	vadd.f32 v59, v56;
	v59 =	vld [tilespmem:s25+$0x230]  }
0xb8: {  	v4 =	vmul.f32 v4, v4;
	v3 =	vadd.f32 v60, v3;
	v1 =	vadd.f32 v61, v1;
	v61 =	vld [tilespmem:s25+$0xFFFFFCF0]  }
0xb9: {  	v2 =	vadd.f32 v7, v2;
	v7 =	vadd.f32 v57, v6;
	v6 =	vmul.f32 v60, v60;
	v60 =	vld [tilespmem:s25+$0x240]  }
0xba: {  	v52 =	vmul.f32 v55, v55;
	v1 =	vadd.f32 v55, v1;
	v57 =	vld [tilespmem:s25+$0x250]  }
0xbb: {  	v4 =	vadd.f32 v4, v54;
	v54 =	vadd.f32 v62, v58;
	v58 =	vmul.f32 v62, v62;
	v62 =	vld [tilespmem:s25+$0x30]  }
0xbc: {  	v2 =	vadd.f32 v52, v2;
	v1 =	vadd.f32 v63, v1;
	v52 =	vmul.f32 v63, v63;
	v63 =	vld [tilespmem:s25+$0xFFFFFE90]  }
0xbd: {  	v55 =	vadd.f32 v6, v7;
	v3 =	vadd.f32 v61, v3;
	v6 =	vmul.f32 v61, v61;
	v61 =	vld [tilespmem:s25+$0xFFFFFD00]  }
0xbe: {  	v2 =	vadd.f32 v52, v2;
	v1 =	vadd.f32 v59, v1;
	v52 =	vmul.f32 v59, v59;
	v59 =	vld [tilespmem:s25+$0x260]  }
0xbf: {  	v56 =	vadd.f32 v58, v56;
	v55 =	vadd.f32 v6, v55  }
0xc0: {  	v7 =	vmul.f32 v60, v60;
	v2 =	vadd.f32 v52, v2;
	v1 =	vadd.f32 v60, v1  }
0xc1: {  	v58 =	vld [tilespmem:s25+$0x270];
	v54 =	vadd.f32 v62, v54;
	v53 =	vadd.f32 v63, v53;
	v6 =	vmul.f32 v63, v63  }
0xc2: {  	v63 =	vld [tilespmem:s25+$0xFFFFFEA0];
	v2 =	vadd.f32 v7, v2;
	v1 =	vadd.f32 v57, v1;
	v7 =	vmul.f32 v57, v57  }
0xc3: {  	v57 =	vmul.f32 v62, v62;
	v62 =	vld [tilespmem:s25+$0x40];
	v3 =	vadd.f32 v61, v3;
	v52 =	vmul.f32 v59, v59  }
0xc4: {  	v60 =	vld [tilespmem:s25+$0x280];
	v4 =	vadd.f32 v6, v4;
	v6 =	vmul.f32 v61, v61;
	v2 =	vadd.f32 v7, v2  }
0xc5: {  	v61 =	vld [tilespmem:s25+$0xFFFFFD10];
	v1 =	vadd.f32 v59, v1;
	v56 =	vadd.f32 v57, v56  }
0xc6: {  	v59 =	vld [tilespmem:s25+$0x290];
	v55 =	vadd.f32 v6, v55;
	v2 =	vadd.f32 v52, v2  }
0xc7: {  	v7 =	vmul.f32 v58, v58;
	v57 =	vld [tilespmem:s25+$0x2A0];
	v1 =	vadd.f32 v58, v1;
	v53 =	vadd.f32 v63, v53  }
0xc8: {  	v6 =	vmul.f32 v63, v63;
	v63 =	vld [tilespmem:s25+$0xFFFFFEB0];
	v54 =	vadd.f32 v62, v54;
	v58 =	vmul.f32 v62, v62  }
0xc9: {  	v62 =	vld [tilespmem:s25+$0x50];
	v2 =	vadd.f32 v7, v2;
	v1 =	vadd.f32 v60, v1;
	v7 =	vmul.f32 v60, v60  }
0xca: {  	v4 =	vadd.f32 v6, v4;
	v3 =	vadd.f32 v61, v3;
	v6 =	vmul.f32 v61, v61;
	v61 =	vld [tilespmem:s25+$0xFFFFFD20]  }
0xcb: {  	v60 =	vld [tilespmem:s25+$0x2B0];
	v52 =	vmul.f32 v59, v59;
	v56 =	vadd.f32 v58, v56;
	v2 =	vadd.f32 v7, v2  }
0xcc: {  	v58 =	vld [tilespmem:s25+$0x2D0];
	v1 =	vadd.f32 v59, v1;
	v7 =	vmul.f32 v57, v57;
	v55 =	vadd.f32 v6, v55  }
0xcd: {  	v59 =	vld [tilespmem:s25+$0x2C0];
	v53 =	vadd.f32 v63, v53;
	v6 =	vmul.f32 v63, v63;
	v2 =	vadd.f32 v52, v2  }
0xce: {  	v63 =	vld [tilespmem:s25+$0xFFFFFEC0];
	v1 =	vadd.f32 v57, v1;
	v54 =	vadd.f32 v62, v54;
	v57 =	vmul.f32 v62, v62  }
0xcf: {  	v62 =	vld [tilespmem:s25+$0x60];
	v4 =	vadd.f32 v6, v4;
	v3 =	vadd.f32 v61, v3;
	v6 =	vmul.f32 v61, v61  }
0xd0: {  	v61 =	vld [tilespmem:s25+$0xFFFFFD30];
	v2 =	vadd.f32 v7, v2;
	v1 =	vadd.f32 v60, v1;
	v7 =	vmul.f32 v60, v60  }
0xd1: {  	v60 =	vld [tilespmem:s25+$0x2E0];
	v56 =	vadd.f32 v57, v56  }
0xd2: {  	v52 =	vmul.f32 v59, v59;
	v2 =	vadd.f32 v7, v2;
	v1 =	vadd.f32 v59, v1;
	v59 =	vld [tilespmem:s25+$0x2F0]  }
0xd3: {  	v55 =	vadd.f32 v6, v55;
	v53 =	vadd.f32 v63, v53;
	v6 =	vmul.f32 v63, v63;
	v63 =	vld [tilespmem:s25+$0xFFFFFED0]  }
0xd4: {  	v57 =	vld [tilespmem:s25+$0x300];
	v7 =	vmul.f32 v58, v58;
	v54 =	vadd.f32 v62, v54;
	v2 =	vadd.f32 v52, v2  }
0xd5: {  	v1 =	vadd.f32 v58, v1;
	v4 =	vadd.f32 v6, v4;
	v58 =	vmul.f32 v62, v62;
	v62 =	vld [tilespmem:s25+$0x70]  }
0xd6: {  	v3 =	vadd.f32 v61, v3;
	v6 =	vmul.f32 v61, v61;
	v61 =	vld [tilespmem:s25+$0xFFFFFD40];
	v2 =	vadd.f32 v7, v2  }
0xd7: {  	v1 =	vadd.f32 v60, v1;
	v7 =	vmul.f32 v60, v60;
	v60 =	vld [tilespmem:s25+$0x310];
	v56 =	vadd.f32 v58, v56  }
0xd8: {  	v58 =	vld [tilespmem:s25+$0x330];
	v55 =	vadd.f32 v6, v55;
	v52 =	vmul.f32 v59, v59;
	v53 =	vadd.f32 v63, v53  }
0xd9: {  	v6 =	vmul.f32 v63, v63;
	v63 =	vld [tilespmem:s25+$0x80];
	v2 =	vadd.f32 v7, v2;
	v1 =	vadd.f32 v59, v1  }
0xda: {  	v59 =	vld [tilespmem:s25+$0x320]  }
0xdb: {  	v7 =	vmul.f32 v57, v57;
	v2 =	vadd.f32 v52, v2;
	v1 =	vadd.f32 v57, v1;
	v57 =	vld [tilespmem:s25+$0x90]  }
0xdc: {  	v4 =	vadd.f32 v6, v4;
	v54 =	vadd.f32 v62, v54  }
0xdd: {  	v2 =	vadd.f32 v7, v2;
	v1 =	vadd.f32 v60, v1;
	v7 =	vmul.f32 v60, v60;
	v60 =	vld [tilespmem:s25+$0xFFFFFEE0]  }
0xde: {  	v3 =	vadd.f32 v61, v3;
	v6 =	vmul.f32 v58, v58;
	v54 =	vadd.f32 v63, v54  }
0xdf: {  	v52 =	vmul.f32 v59, v59;
	v2 =	vadd.f32 v7, v2;
	v1 =	vadd.f32 v59, v1;
	v59 =	vld [tilespmem:s25+$0xFFFFFD50]  }
0xe0: {  	v63 =	vmul.f32 v63, v63;
	v7 =	vmul.f32 v62, v62;
	v62 =	vld [tilespmem:s25+$0xFFFFFEF0];
	v54 =	vadd.f32 v57, v54  }
0xe1: {  	v5 =	vld [tilespmem:s25+$0xFFFFFF00];
	v2 =	vadd.f32 v52, v2;
	v1 =	vadd.f32 v58, v1;
	v58 =	vmul.f32 v61, v61  }
0xe2: {  	v56 =	vadd.f32 v7, v56;
	v61 =	vld [tilespmem:s25+$0xFFFFFD60];
	v53 =	vadd.f32 v60, v53;
	v60 =	vmul.f32 v60, v60  }
0xe3: {  	v2 =	vadd.f32 v6, v2;
	v1 =	vmul.f32 v1, v1;
	v55 =	vadd.f32 v58, v55  }
0xe4: {  	v56 =	vadd.f32 v63, v56;
	v58 =	vmul.f32 v59, v59;
	v4 =	vadd.f32 v60, v4;
	v60 =	vld [tilespmem:s25+$0xFFFFFF10]  }
0xe5: {  	v7 =	vmul.f32 v62, v62;
	v53 =	vadd.f32 v62, v53;
	v52 =	vsub.f32 v1, v2;
	v1 =	vld [tilespmem:s25+$0xA0]  }
0xe6: {  	v62 =	vmul.f32 v57, v57;
	v2 =	vadd.f32 v59, v3;
	v3 =	vld [tilespmem:s25+$0xFFFFFD70];
	v59 =	vmul.f32 v5, v5  }
0xe7: {  	v55 =	vadd.f32 v58, v55;
	v58 =	vmul.f32 v61, v61;
	v5 =	vadd.f32 v5, v53;
	v53 =	vld [tilespmem:s25+$0xFFFFFF20]  }
0xe8: {  	v57 =	vld [tilespmem:s25+$0xB0];
	v4 =	vadd.f32 v7, v4;
	v56 =	vadd.f32 v62, v56  }
0xe9: {  	v2 =	vadd.f32 v61, v2;
	v61 =	vld [tilespmem:s25+$0xFFFFFD80];
	v55 =	vadd.f32 v58, v55  }
0xea: {  	v4 =	vadd.f32 v59, v4;
	v59 =	vmul.f32 v60, v60;
	v5 =	vadd.f32 v60, v5  }
0xeb: {  	v60 =	vld [tilespmem:s25+$0xFFFFFF30];
	v62 =	vmul.f32 v1, v1;
	v58 =	vmul.f32 v3, v3;
	v1 =	vadd.f32 v1, v54  }
0xec: {  	v54 =	vld [tilespmem:s25+$0xC0];
	v2 =	vadd.f32 v3, v2;
	v4 =	vadd.f32 v59, v4;
	v59 =	vmul.f32 v53, v53  }
0xed: {  	v3 =	vld [tilespmem:s25+$0xFFFFFD90];
	v5 =	vadd.f32 v53, v5;
	v56 =	vadd.f32 v62, v56;
	v62 =	vmul.f32 v57, v57  }
0xee: {  	v53 =	vld [tilespmem:s25+$0xFFFFFF40];
	v55 =	vadd.f32 v58, v55;
	v58 =	vmul.f32 v61, v61;
	v1 =	vadd.f32 v57, v1  }
0xef: {  	v57 =	vld [tilespmem:s25+$0xD0];
	v2 =	vadd.f32 v61, v2;
	v4 =	vadd.f32 v59, v4  }
0xf0: {  	v61 =	vld [tilespmem:s25+$0xFFFFFDA0];
	v56 =	vadd.f32 v62, v56;
	v55 =	vadd.f32 v58, v55  }
0xf1: {  	v59 =	vmul.f32 v60, v60;
	v5 =	vadd.f32 v60, v5;
	v60 =	vld [tilespmem:s25+$0xFFFFFF50];
	v62 =	vmul.f32 v54, v54  }
0xf2: {  	v58 =	vmul.f32 v3, v3;
	v1 =	vadd.f32 v54, v1;
	v54 =	vld [tilespmem:s25+$0xE0];
	v2 =	vadd.f32 v3, v2  }
0xf3: {  	v3 =	vld [tilespmem:s25+$0xFFFFFDB0];
	v4 =	vadd.f32 v59, v4;
	v59 =	vmul.f32 v53, v53;
	v5 =	vadd.f32 v53, v5  }
0xf4: {  	v53 =	vld [tilespmem:s25+$0xFFFFFF60];
	v56 =	vadd.f32 v62, v56;
	v62 =	vmul.f32 v57, v57;
	v55 =	vadd.f32 v58, v55  }
0xf5: {  	v58 =	vmul.f32 v61, v61;
	v1 =	vadd.f32 v57, v1;
	v57 =	vld [tilespmem:s25+$0xF0];
	v2 =	vadd.f32 v61, v2  }
0xf6: {  	v61 =	vld [tilespmem:s25+$0xFFFFFDC0];
	v4 =	vadd.f32 v59, v4;
	v56 =	vadd.f32 v62, v56  }
0xf7: {  	v55 =	vadd.f32 v58, v55;
	v59 =	vmul.f32 v60, v60;
	v5 =	vadd.f32 v60, v5  }
0xf8: {  	v60 =	vld [tilespmem:s25+$0xFFFFFF70];
	v62 =	vmul.f32 v54, v54;
	v58 =	vmul.f32 v3, v3;
	v1 =	vadd.f32 v54, v1  }
0xf9: {  	v54 =	vld [tilespmem:s25+$0x100];
	v2 =	vadd.f32 v3, v2;
	v4 =	vadd.f32 v59, v4;
	v59 =	vmul.f32 v53, v53  }
0xfa: {  	v3 =	vld [tilespmem:s25+$0xFFFFFDD0];
	v5 =	vadd.f32 v53, v5;
	v56 =	vadd.f32 v62, v56;
	v62 =	vmul.f32 v57, v57  }
0xfb: {  	v53 =	vld [tilespmem:s25+$0xFFFFFF80];
	v55 =	vadd.f32 v58, v55;
	v58 =	vmul.f32 v61, v61;
	v1 =	vadd.f32 v57, v1  }
0xfc: {  	v57 =	vld [tilespmem:s25+$0x110];
	v2 =	vadd.f32 v61, v2;
	v4 =	vadd.f32 v59, v4  }
0xfd: {  	v61 =	vld [tilespmem:s25+$0xFFFFFDE0];
	v56 =	vadd.f32 v62, v56;
	v55 =	vadd.f32 v58, v55  }
0xfe: {  	v59 =	vmul.f32 v60, v60;
	v5 =	vadd.f32 v60, v5;
	v60 =	vld [tilespmem:s25+$0xFFFFFF90];
	v62 =	vmul.f32 v54, v54  }
0xff: {  	v58 =	vmul.f32 v3, v3;
	v1 =	vadd.f32 v54, v1;
	v54 =	vld [tilespmem:s25+$0x120];
	v2 =	vadd.f32 v3, v2  }
0x100: {  	v3 =	vld [tilespmem:s25+$0xFFFFFDF0];
	v4 =	vadd.f32 v59, v4;
	v59 =	vmul.f32 v53, v53;
	v5 =	vadd.f32 v53, v5  }
0x101: {  	v53 =	vld [tilespmem:s25+$0xFFFFFFA0];
	v56 =	vadd.f32 v62, v56;
	v62 =	vmul.f32 v57, v57;
	v55 =	vadd.f32 v58, v55  }
0x102: {  	v58 =	vmul.f32 v61, v61;
	v1 =	vadd.f32 v57, v1;
	v57 =	vld [tilespmem:s25+$0x130];
	v2 =	vadd.f32 v61, v2  }
0x103: {  	v61 =	vld [tilespmem:s25+$0xFFFFFE00];
	v4 =	vadd.f32 v59, v4;
	v56 =	vadd.f32 v62, v56  }
0x104: {  	v55 =	vadd.f32 v58, v55;
	v59 =	vmul.f32 v60, v60;
	v5 =	vadd.f32 v60, v5;
	v60 =	vld [tilespmem:s25+$0xFFFFFFB0]  }
0x105: {  	v62 =	vmul.f32 v54, v54;
	v58 =	vmul.f32 v3, v3;
	v1 =	vadd.f32 v54, v1;
	v54 =	vld [tilespmem:s25+$0x140]  }
0x106: {  	v2 =	vadd.f32 v3, v2;
	v3 =	vld [tilespmem:s25+$0xFFFFFE10];
	v4 =	vadd.f32 v59, v4;
	v59 =	vmul.f32 v53, v53  }
0x107: {  	v63 =	vld [tilespmem:s25+$0xFFFFFFC0];
	v5 =	vadd.f32 v53, v5;
	v56 =	vadd.f32 v62, v56;
	v62 =	vmul.f32 v57, v57  }
0x108: {  	v55 =	vadd.f32 v58, v55;
	v58 =	vmul.f32 v61, v61;
	v1 =	vadd.f32 v57, v1;
	v57 =	vld [tilespmem:s25+$0x150]  }
0x109: {  	v2 =	vadd.f32 v61, v2;
	v61 =	vld [tilespmem:s25+$0xFFFFFE20];
	v4 =	vadd.f32 v59, v4  }
0x10a: {  	v53 =	vadd.f32 v62, v56;
	v55 =	vadd.f32 v58, v55  }
0x10b: {  	v59 =	vld [tilespmem:s25+$0xFFFFFFD0];
	v5 =	vadd.f32 v60, v5;
	v56 =	vmul.f32 v54, v54;
	v58 =	vmul.f32 v3, v3  }
0x10c: {  	v62 =	vld [tilespmem:s25+$0x160];
	v1 =	vadd.f32 v54, v1;
	v2 =	vadd.f32 v3, v2;
	v54 =	vmul.f32 v60, v60  }
0x10d: {  	v3 =	vld [tilespmem:s25+$0xFFFFFE30];
	v5 =	vadd.f32 v63, v5;
	v56 =	vadd.f32 v56, v53;
	v60 =	vmul.f32 v57, v57  }
0x10e: {  	v6 =	vld [tilespmem:s25+$0x170];
	v55 =	vadd.f32 v58, v55;
	v58 =	vmul.f32 v61, v61;
	v1 =	vadd.f32 v57, v1  }
0x10f: {  	v2 =	vadd.f32 v61, v2;
	v53 =	vld [tilespmem:s25+$0xFFFFFE40];
	v4 =	vadd.f32 v54, v4;
	v57 =	vmul.f32 v63, v63  }
0x110: {  	v54 =	vld [tilespmem:s25+$0xFFFFFFE0];
	v61 =	vadd.f32 v60, v56;
	v7 =	vadd.f32 v58, v55  }
0x111: {  	v63 =	vmul.f32 v62, v62;
	v9 =	vadd.f32 v62, v1;
	v55 =	vld [tilespmem:s25+$0x180];
	v60 =	vadd.f32 v57, v4  }
0x112: {  	v56 =	vld [tilespmem:s25+$0xFFFFFE50];
	v1 =	vmul.f32 v59, v59;
	v59 =	vadd.f32 v59, v5;
	v8 =	vmul.f32 v3, v3  }
0x113: {  	v57 =	vld [tilespmem:s25+$0xFFFFFFF0];
	v58 =	vadd.f32 v3, v2;
	v2 =	vmul.f32 v6, v6;
	v61 =	vadd.f32 v63, v61  }
0x114: {  	s13 =	simm.s32 $0x0;
	s29 =	smov.u32 s16;
	[tilespmem:s16+$0x10] =	vst v52;
	v52 =	vld [tilespmem:s25+$0x190];
	s25 =	simm.s32 $0x3DC0;
	v63 =	vadd.f32 v6, v9;
	v62 =	vadd.f32 v8, v7;
	v3 =	vmul.f32 v53, v53  }
.LBB2_3:
0x115: {  	v4 =	vld [tilespmem:s25+$0x1A0];
	v5 =	vadd.f32 v53, v58;
	v1 =	vadd.f32 v1, v60;
	v6 =	vmul.f32 v54, v54  }
0x116: {  	s13 =	sadd.s32 $0x4, s13;
	v8 =	vadd.f32 v54, v59;
	v2 =	vadd.f32 v2, v61;
	v7 =	vld [tilespmem:s25+$0x1B0];
	v9 =	vmul.f32 v55, v55  }
0x117: {  	p0 =	slt.u32 s13, $0x1C;
	v3 =	vadd.f32 v3, v62;
	v55 =	vadd.f32 v55, v63;
	v53 =	vld [tilespmem:s25+$0xFFFFFCD0];
	v54 =	vmul.f32 v56, v56  }
0x118: {  	v5 =	vadd.f32 v56, v5;
	v1 =	vadd.f32 v6, v1;
	v58 =	vld [tilespmem:s25+$0x1C0];
	v6 =	vmul.f32 v57, v57  }
0x119: {  	v8 =	vadd.f32 v57, v8;
	v2 =	vadd.f32 v9, v2;
	v56 =	vld [tilespmem:s25+$0xFFFFFE60];
	v9 =	vmul.f32 v52, v52  }
0x11a: {  	v3 =	vadd.f32 v54, v3;
	v5 =	vmul.f32 v5, v5;
	v52 =	vadd.f32 v52, v55;
	v57 =	vld [tilespmem:s25+$0x1D0]  }
0x11b: {  	v55 =	vmul.f32 v4, v4;
	v54 =	vld [tilespmem:s25+$0xFFFFFE70];
	v4 =	vadd.f32 v7, v4;
	v7 =	vmul.f32 v7, v7  }
0x11c: {  	v1 =	vadd.f32 v6, v1;
	v6 =	vmul.f32 v8, v8;
	v59 =	vmul.f32 v53, v53;
	v60 =	vld [tilespmem:s25+$0x1E0]  }
0x11d: {  	v8 =	vld [tilespmem:s25+$0x0];
	v7 =	vadd.f32 v7, v55;
	v4 =	vadd.f32 v58, v4;
	v55 =	vmul.f32 v58, v58  }
0x11e: {  	v2 =	vadd.f32 v9, v2;
	v9 =	vmul.f32 v52, v52;
	v58 =	vmul.f32 v56, v56;
	v61 =	vld [tilespmem:s25+$0x1F0]  }
0x11f: {  	v52 =	vld [tilespmem:s25+$0x10];
	v7 =	vadd.f32 v55, v7;
	v4 =	vadd.f32 v57, v4;
	v55 =	vmul.f32 v57, v57  }
0x120: {  	v3 =	vsub.f32 v5, v3;
	v56 =	vadd.f32 v54, v56;
	v54 =	vmul.f32 v54, v54;
	v57 =	vld [tilespmem:s25+$0x200]  }
0x121: {  	v5 =	vld [tilespmem:s25+$0xFFFFFCC0];
	v7 =	vadd.f32 v55, v7;
	v4 =	vadd.f32 v60, v4;
	v55 =	vmul.f32 v60, v60  }
0x122: {  	v1 =	vsub.f32 v6, v1;
	v54 =	vadd.f32 v54, v58;
	v58 =	vmul.f32 v8, v8;
	v60 =	vld [tilespmem:s25+$0x210];
	[tilespmem:s29+$0xFFFFFFE0] =	vst v3  }
0x123: {  	v3 =	vld [tilespmem:s25+$0xFFFFFCE0];
	v6 =	vadd.f32 v55, v7;
	v4 =	vadd.f32 v61, v4;
	v7 =	vmul.f32 v61, v61  }
0x124: {  	v8 =	vadd.f32 v52, v8;
	v52 =	vmul.f32 v52, v52;
	v55 =	vld [tilespmem:s25+$0x220];
	[tilespmem:s29+$0xFFFFFFF0] =	vst v1;
	v1 =	vsub.f32 v9, v2  }
0x125: {  	v2 =	vld [tilespmem:s25+$0xFFFFFE80];
	v6 =	vadd.f32 v7, v6;
	v4 =	vadd.f32 v57, v4;
	v7 =	vmul.f32 v57, v57  }
0x126: {  	v9 =	vmul.f32 v5, v5;
	v5 =	vadd.f32 v53, v5;
	v52 =	vadd.f32 v52, v58;
	v53 =	vld [tilespmem:s25+$0x230];
	[tilespmem:s29+$0x0] =	vst v1  }
0x127: {  	v1 =	vld [tilespmem:s25+$0x20];
	v6 =	vadd.f32 v7, v6;
	v4 =	vadd.f32 v60, v4;
	v7 =	vmul.f32 v60, v60  }
0x128: {  	v9 =	vadd.f32 v59, v9;
	v5 =	vadd.f32 v3, v5;
	v3 =	vmul.f32 v3, v3;
	v57 =	vld [tilespmem:s25+$0x240]  }
0x129: {  	v58 =	vld [tilespmem:s25+$0xFFFFFCF0];
	v6 =	vadd.f32 v7, v6;
	v4 =	vadd.f32 v55, v4;
	v7 =	vmul.f32 v55, v55  }
0x12a: {  	v3 =	vadd.f32 v3, v9;
	v9 =	vadd.f32 v2, v56;
	v2 =	vmul.f32 v2, v2;
	v55 =	vld [tilespmem:s25+$0x250]  }
0x12b: {  	v56 =	vld [tilespmem:s25+$0xFFFFFE90];
	v6 =	vadd.f32 v7, v6;
	v4 =	vadd.f32 v53, v4;
	v7 =	vmul.f32 v53, v53  }
0x12c: {  	v2 =	vadd.f32 v2, v54;
	v8 =	vadd.f32 v1, v8;
	v1 =	vmul.f32 v1, v1;
	v53 =	vld [tilespmem:s25+$0x260]  }
0x12d: {  	v54 =	vld [tilespmem:s25+$0x30];
	v6 =	vadd.f32 v7, v6;
	v4 =	vadd.f32 v57, v4;
	v7 =	vmul.f32 v57, v57  }
0x12e: {  	v5 =	vadd.f32 v58, v5;
	v57 =	vmul.f32 v58, v58;
	v1 =	vadd.f32 v1, v52;
	v52 =	vld [tilespmem:s25+$0x270]  }
0x12f: {  	v58 =	vld [tilespmem:s25+$0xFFFFFD00];
	v6 =	vadd.f32 v7, v6;
	v4 =	vadd.f32 v55, v4;
	v7 =	vmul.f32 v55, v55  }
0x130: {  	v3 =	vadd.f32 v57, v3;
	v9 =	vadd.f32 v56, v9;
	v55 =	vmul.f32 v56, v56;
	v56 =	vld [tilespmem:s25+$0x280]  }
0x131: {  	v57 =	vld [tilespmem:s25+$0xFFFFFEA0];
	v6 =	vadd.f32 v7, v6;
	v4 =	vadd.f32 v53, v4;
	v7 =	vmul.f32 v53, v53  }
0x132: {  	v2 =	vadd.f32 v55, v2;
	v8 =	vadd.f32 v54, v8;
	v53 =	vmul.f32 v54, v54;
	v54 =	vld [tilespmem:s25+$0x290]  }
0x133: {  	v55 =	vld [tilespmem:s25+$0x40];
	v6 =	vadd.f32 v7, v6;
	v4 =	vadd.f32 v52, v4;
	v7 =	vmul.f32 v52, v52  }
0x134: {  	v5 =	vadd.f32 v58, v5;
	v52 =	vmul.f32 v58, v58;
	v1 =	vadd.f32 v53, v1;
	v53 =	vld [tilespmem:s25+$0x2A0]  }
0x135: {  	v58 =	vld [tilespmem:s25+$0xFFFFFD10];
	v6 =	vadd.f32 v7, v6;
	v4 =	vadd.f32 v56, v4;
	v7 =	vmul.f32 v56, v56  }
0x136: {  	v3 =	vadd.f32 v52, v3;
	v9 =	vadd.f32 v57, v9;
	v52 =	vmul.f32 v57, v57;
	v56 =	vld [tilespmem:s25+$0x2B0]  }
0x137: {  	v57 =	vld [tilespmem:s25+$0xFFFFFEB0];
	v6 =	vadd.f32 v7, v6;
	v4 =	vadd.f32 v54, v4;
	v7 =	vmul.f32 v54, v54  }
0x138: {  	v2 =	vadd.f32 v52, v2;
	v8 =	vadd.f32 v55, v8;
	v52 =	vmul.f32 v55, v55;
	v54 =	vld [tilespmem:s25+$0x2C0]  }
0x139: {  	v55 =	vld [tilespmem:s25+$0x50];
	v6 =	vadd.f32 v7, v6;
	v4 =	vadd.f32 v53, v4;
	v7 =	vmul.f32 v53, v53  }
0x13a: {  	v5 =	vadd.f32 v58, v5;
	v53 =	vmul.f32 v58, v58;
	v1 =	vadd.f32 v52, v1;
	v52 =	vld [tilespmem:s25+$0x2D0]  }
0x13b: {  	v58 =	vld [tilespmem:s25+$0xFFFFFD20];
	v6 =	vadd.f32 v7, v6;
	v4 =	vadd.f32 v56, v4;
	v7 =	vmul.f32 v56, v56  }
0x13c: {  	v3 =	vadd.f32 v53, v3;
	v9 =	vadd.f32 v57, v9;
	v53 =	vmul.f32 v57, v57;
	v56 =	vld [tilespmem:s25+$0x2E0]  }
0x13d: {  	v57 =	vld [tilespmem:s25+$0xFFFFFEC0];
	v6 =	vadd.f32 v7, v6;
	v4 =	vadd.f32 v54, v4;
	v7 =	vmul.f32 v54, v54  }
0x13e: {  	v2 =	vadd.f32 v53, v2;
	v8 =	vadd.f32 v55, v8;
	v53 =	vmul.f32 v55, v55;
	v54 =	vld [tilespmem:s25+$0x2F0]  }
0x13f: {  	v55 =	vld [tilespmem:s25+$0x60];
	v6 =	vadd.f32 v7, v6;
	v4 =	vadd.f32 v52, v4;
	v7 =	vmul.f32 v52, v52  }
0x140: {  	v5 =	vadd.f32 v58, v5;
	v52 =	vmul.f32 v58, v58;
	v1 =	vadd.f32 v53, v1;
	v53 =	vld [tilespmem:s25+$0x300]  }
0x141: {  	v58 =	vld [tilespmem:s25+$0xFFFFFD30];
	v6 =	vadd.f32 v7, v6;
	v4 =	vadd.f32 v56, v4;
	v7 =	vmul.f32 v56, v56  }
0x142: {  	v3 =	vadd.f32 v52, v3;
	v9 =	vadd.f32 v57, v9;
	v52 =	vmul.f32 v57, v57;
	v56 =	vld [tilespmem:s25+$0x310]  }
0x143: {  	v57 =	vld [tilespmem:s25+$0xFFFFFED0];
	v6 =	vadd.f32 v7, v6;
	v4 =	vadd.f32 v54, v4;
	v7 =	vmul.f32 v54, v54  }
0x144: {  	v2 =	vadd.f32 v52, v2;
	v8 =	vadd.f32 v55, v8;
	v52 =	vmul.f32 v55, v55;
	v54 =	vld [tilespmem:s25+$0x320]  }
0x145: {  	v55 =	vld [tilespmem:s25+$0x70];
	v6 =	vadd.f32 v7, v6;
	v4 =	vadd.f32 v53, v4;
	v7 =	vmul.f32 v53, v53  }
0x146: {  	v5 =	vadd.f32 v58, v5;
	v53 =	vmul.f32 v58, v58;
	v1 =	vadd.f32 v52, v1;
	v52 =	vld [tilespmem:s25+$0x330]  }
0x147: {  	v58 =	vld [tilespmem:s25+$0xFFFFFD40];
	v6 =	vadd.f32 v7, v6;
	v4 =	vadd.f32 v56, v4;
	v7 =	vmul.f32 v56, v56  }
0x148: {  	v3 =	vadd.f32 v53, v3;
	v9 =	vadd.f32 v57, v9;
	v53 =	vmul.f32 v57, v57;
	v56 =	vld [tilespmem:s25+$0xFFFFFEE0]  }
0x149: {  	v57 =	vld [tilespmem:s25+$0x80];
	v6 =	vadd.f32 v7, v6;
	v4 =	vadd.f32 v54, v4;
	v7 =	vmul.f32 v54, v54  }
0x14a: {  	v54 =	vld [tilespmem:s25+$0xFFFFFD50];
	v2 =	vadd.f32 v53, v2;
	v8 =	vadd.f32 v55, v8;
	v53 =	vmul.f32 v55, v55  }
0x14b: {  	v55 =	vld [tilespmem:s25+$0xFFFFFEF0];
	v6 =	vadd.f32 v7, v6;
	v4 =	vadd.f32 v52, v4;
	v7 =	vmul.f32 v52, v52  }
0x14c: {  	v5 =	vadd.f32 v58, v5;
	v52 =	vmul.f32 v58, v58;
	v1 =	vadd.f32 v53, v1;
	v53 =	vld [tilespmem:s25+$0x90]  }
0x14d: {  	v58 =	vld [tilespmem:s25+$0xFFFFFD60];
	v9 =	vadd.f32 v56, v9;
	v6 =	vadd.f32 v7, v6;
	v4 =	vmul.f32 v4, v4  }
0x14e: {  	v7 =	vmul.f32 v56, v56;
	v56 =	vld [tilespmem:s25+$0xFFFFFF00];
	v8 =	vadd.f32 v57, v8;
	v57 =	vmul.f32 v57, v57  }
0x14f: {  	v3 =	vadd.f32 v52, v3;
	v52 =	vmul.f32 v54, v54;
	v59 =	vld [tilespmem:s25+$0xA0];
	v4 =	vsub.f32 v4, v6  }
0x150: {  	s29 =	sadd.s32 $0x40, s29;
	v5 =	vadd.f32 v54, v5;
	v2 =	vadd.f32 v7, v2;
	v6 =	vld [tilespmem:s25+$0xFFFFFD70];
	v7 =	vmul.f32 v55, v55  }
0x151: {  	v9 =	vadd.f32 v55, v9;
	v1 =	vadd.f32 v57, v1;
	v54 =	vld [tilespmem:s25+$0xFFFFFF10];
	v55 =	vmul.f32 v53, v53;
	[tilespmem:s29+$0x10] =	vst v4  }
0x152: {  	v3 =	vadd.f32 v52, v3;
	v8 =	vadd.f32 v53, v8;
	v4 =	vmul.f32 v58, v58;
	v52 =	vld [tilespmem:s25+$0xB0]  }
0x153: {  	v5 =	vadd.f32 v58, v5;
	v2 =	vadd.f32 v7, v2;
	v53 =	vld [tilespmem:s25+$0xFFFFFD80];
	v7 =	vmul.f32 v56, v56  }
0x154: {  	v9 =	vadd.f32 v56, v9;
	v1 =	vadd.f32 v55, v1;
	v56 =	vld [tilespmem:s25+$0xFFFFFF20];
	v55 =	vmul.f32 v59, v59  }
0x155: {  	v3 =	vadd.f32 v4, v3;
	v8 =	vadd.f32 v59, v8;
	v4 =	vmul.f32 v6, v6;
	v57 =	vld [tilespmem:s25+$0xC0]  }
0x156: {  	v5 =	vadd.f32 v6, v5;
	v2 =	vadd.f32 v7, v2;
	v6 =	vld [tilespmem:s25+$0xFFFFFD90];
	v7 =	vmul.f32 v54, v54  }
0x157: {  	v9 =	vadd.f32 v54, v9;
	v1 =	vadd.f32 v55, v1;
	v54 =	vld [tilespmem:s25+$0xFFFFFF30];
	v55 =	vmul.f32 v52, v52  }
0x158: {  	v3 =	vadd.f32 v4, v3;
	v8 =	vadd.f32 v52, v8;
	v4 =	vmul.f32 v53, v53;
	v52 =	vld [tilespmem:s25+$0xD0]  }
0x159: {  	v5 =	vadd.f32 v53, v5;
	v2 =	vadd.f32 v7, v2;
	v53 =	vld [tilespmem:s25+$0xFFFFFDA0];
	v7 =	vmul.f32 v56, v56  }
0x15a: {  	v9 =	vadd.f32 v56, v9;
	v1 =	vadd.f32 v55, v1;
	v56 =	vld [tilespmem:s25+$0xFFFFFF40];
	v55 =	vmul.f32 v57, v57  }
0x15b: {  	v3 =	vadd.f32 v4, v3;
	v8 =	vadd.f32 v57, v8;
	v4 =	vmul.f32 v6, v6;
	v57 =	vld [tilespmem:s25+$0xE0]  }
0x15c: {  	v5 =	vadd.f32 v6, v5;
	v2 =	vadd.f32 v7, v2;
	v6 =	vld [tilespmem:s25+$0xFFFFFDB0];
	v7 =	vmul.f32 v54, v54  }
0x15d: {  	v9 =	vadd.f32 v54, v9;
	v1 =	vadd.f32 v55, v1;
	v54 =	vld [tilespmem:s25+$0xFFFFFF50];
	v55 =	vmul.f32 v52, v52  }
0x15e: {  	v3 =	vadd.f32 v4, v3;
	v8 =	vadd.f32 v52, v8;
	v4 =	vmul.f32 v53, v53;
	v52 =	vld [tilespmem:s25+$0xF0]  }
0x15f: {  	v5 =	vadd.f32 v53, v5;
	v2 =	vadd.f32 v7, v2;
	v53 =	vld [tilespmem:s25+$0xFFFFFDC0];
	v7 =	vmul.f32 v56, v56  }
0x160: {  	v9 =	vadd.f32 v56, v9;
	v1 =	vadd.f32 v55, v1;
	v56 =	vld [tilespmem:s25+$0xFFFFFF60];
	v55 =	vmul.f32 v57, v57  }
0x161: {  	v3 =	vadd.f32 v4, v3;
	v8 =	vadd.f32 v57, v8;
	v4 =	vmul.f32 v6, v6;
	v57 =	vld [tilespmem:s25+$0x100]  }
0x162: {  	v5 =	vadd.f32 v6, v5;
	v2 =	vadd.f32 v7, v2;
	v6 =	vld [tilespmem:s25+$0xFFFFFDD0];
	v7 =	vmul.f32 v54, v54  }
0x163: {  	v9 =	vadd.f32 v54, v9;
	v1 =	vadd.f32 v55, v1;
	v54 =	vld [tilespmem:s25+$0xFFFFFF70];
	v55 =	vmul.f32 v52, v52  }
0x164: {  	v3 =	vadd.f32 v4, v3;
	v8 =	vadd.f32 v52, v8;
	v4 =	vmul.f32 v53, v53;
	v52 =	vld [tilespmem:s25+$0x110]  }
0x165: {  	v5 =	vadd.f32 v53, v5;
	v2 =	vadd.f32 v7, v2;
	v53 =	vld [tilespmem:s25+$0xFFFFFDE0];
	v7 =	vmul.f32 v56, v56  }
0x166: {  	v9 =	vadd.f32 v56, v9;
	v1 =	vadd.f32 v55, v1;
	v56 =	vld [tilespmem:s25+$0xFFFFFF80];
	v55 =	vmul.f32 v57, v57  }
0x167: {  	v3 =	vadd.f32 v4, v3;
	v8 =	vadd.f32 v57, v8;
	v4 =	vmul.f32 v6, v6;
	v57 =	vld [tilespmem:s25+$0x120]  }
0x168: {  	v5 =	vadd.f32 v6, v5;
	v2 =	vadd.f32 v7, v2;
	v6 =	vld [tilespmem:s25+$0xFFFFFDF0];
	v7 =	vmul.f32 v54, v54  }
0x169: {  	v9 =	vadd.f32 v54, v9;
	v1 =	vadd.f32 v55, v1;
	v54 =	vld [tilespmem:s25+$0xFFFFFF90];
	v55 =	vmul.f32 v52, v52  }
0x16a: {  	v3 =	vadd.f32 v4, v3;
	v8 =	vadd.f32 v52, v8;
	v4 =	vmul.f32 v53, v53;
	v52 =	vld [tilespmem:s25+$0x130]  }
0x16b: {  	v5 =	vadd.f32 v53, v5;
	v2 =	vadd.f32 v7, v2;
	v53 =	vld [tilespmem:s25+$0xFFFFFE00];
	v7 =	vmul.f32 v56, v56  }
0x16c: {  	v9 =	vadd.f32 v56, v9;
	v1 =	vadd.f32 v55, v1;
	v56 =	vld [tilespmem:s25+$0xFFFFFFA0];
	v55 =	vmul.f32 v57, v57  }
0x16d: {  	v3 =	vadd.f32 v4, v3;
	v8 =	vadd.f32 v57, v8;
	v4 =	vmul.f32 v6, v6;
	v57 =	vld [tilespmem:s25+$0x140]  }
0x16e: {  	v5 =	vadd.f32 v6, v5;
	v2 =	vadd.f32 v7, v2;
	v6 =	vld [tilespmem:s25+$0xFFFFFE10];
	v7 =	vmul.f32 v54, v54  }
0x16f: {  	v9 =	vadd.f32 v54, v9;
	v1 =	vadd.f32 v55, v1;
	v54 =	vld [tilespmem:s25+$0xFFFFFFB0];
	v55 =	vmul.f32 v52, v52  }
0x170: {  	v3 =	vadd.f32 v4, v3;
	v8 =	vadd.f32 v52, v8;
	v4 =	vmul.f32 v53, v53;
	v52 =	vld [tilespmem:s25+$0x150]  }
0x171: {  	v5 =	vadd.f32 v53, v5;
	v2 =	vadd.f32 v7, v2;
	v53 =	vld [tilespmem:s25+$0xFFFFFE20];
	v7 =	vmul.f32 v56, v56  }
0x172: {  	v9 =	vadd.f32 v56, v9;
	v1 =	vadd.f32 v55, v1;
	v56 =	vld [tilespmem:s25+$0xFFFFFFC0];
	v55 =	vmul.f32 v57, v57  }
0x173: {  	v3 =	vadd.f32 v4, v3;
	v8 =	vadd.f32 v57, v8;
	v4 =	vmul.f32 v6, v6;
	v57 =	vld [tilespmem:s25+$0x160]  }
0x174: {  	v5 =	vadd.f32 v6, v5;
	v2 =	vadd.f32 v7, v2;
	v6 =	vld [tilespmem:s25+$0xFFFFFE30];
	v7 =	vmul.f32 v54, v54  }
0x175: {  	v9 =	vadd.f32 v54, v9;
	v1 =	vadd.f32 v55, v1;
	v59 =	vld [tilespmem:s25+$0xFFFFFFD0];
	v55 =	vmul.f32 v52, v52  }
0x176: {  	v3 =	vadd.f32 v4, v3;
	v8 =	vadd.f32 v52, v8;
	v4 =	vmul.f32 v53, v53;
	v52 =	vld [tilespmem:s25+$0x170]  }
0x177: {  	v5 =	vadd.f32 v53, v5;
	v2 =	vadd.f32 v7, v2;
	v53 =	vld [tilespmem:s25+$0xFFFFFE40];
	v7 =	vmul.f32 v56, v56  }
.Ltmp2:
0x178: {  	v9 =	vadd.f32 v56, v9;
	v61 =	vadd.f32 v55, v1;
	v54 =	vld [tilespmem:s25+$0xFFFFFFE0];
	v62 =	vmul.f32 v57, v57;
	(pc) =	sbr.rel @p0 .LBB2_3-.Ltmp2, $4  }
0x179: {  	v3 =	vadd.f32 v4, v3;
	v8 =	vadd.f32 v57, v8;
	v4 =	vmul.f32 v6, v6;
	v55 =	vld [tilespmem:s25+$0x180]  }
0x17a: {  	v58 =	vadd.f32 v6, v5;
	v60 =	vadd.f32 v7, v2;
	v56 =	vld [tilespmem:s25+$0xFFFFFE50];
	v1 =	vmul.f32 v59, v59  }
0x17b: {  	v59 =	vadd.f32 v59, v9;
	v61 =	vadd.f32 v62, v61;
	v57 =	vld [tilespmem:s25+$0xFFFFFFF0];
	v2 =	vmul.f32 v52, v52  }
0x17c: {  	v62 =	vadd.f32 v4, v3;
	v63 =	vadd.f32 v52, v8;
	v3 =	vmul.f32 v53, v53;
	v52 =	vld [tilespmem:s25+$0x190];
	s25 =	sadd.s32 $0x680, s25  }
0x17d: {  	v4 =	vadd.f32 v53, v58;
	v1 =	vadd.f32 v1, v60;
	v5 =	vmul.f32 v54, v54  }
0x17e: {  	v6 =	vadd.f32 v54, v59;
	v2 =	vadd.f32 v2, v61;
	v7 =	vmul.f32 v55, v55  }
0x17f: {  	v3 =	vadd.f32 v3, v62;
	v9 =	vadd.f32 v55, v63;
	v8 =	vmul.f32 v56, v56  }
0x180: {  	v4 =	vadd.f32 v56, v4;
	v1 =	vadd.f32 v5, v1;
	v5 =	vmul.f32 v57, v57  }
0x181: {  	v6 =	vadd.f32 v57, v6;
	v2 =	vadd.f32 v7, v2;
	v57 =	vmul.f32 v52, v52  }
0x182: {  	v3 =	vadd.f32 v8, v3;
	v4 =	vmul.f32 v4, v4;
	v8 =	vadd.f32 v52, v9  }
0x183: {  	v1 =	vadd.f32 v5, v1;
	v5 =	vmul.f32 v6, v6  }
0x184: {  	p0 =	seq.s32 s1, $0x3;
	v2 =	vadd.f32 v57, v2;
	v58 =	vmul.f32 v8, v8;
	v3 =	vsub.f32 v4, v3  }
0x185: {  	s13 =	smul.u32 @!p0 $0x3400, s1;
	v1 =	vsub.f32 v5, v1  }
0x186: {  	[tilespmem:s29+$0xFFFFFFE0] =	vst v3;
	v2 =	vsub.f32 v58, v2  }
0x187: {  	s13 =	sshra.s32 @!p0 s13, $0x2;
	[tilespmem:s29+$0xFFFFFFF0] =	vst v1  }
0x188: {  	s26 =	simm.s32 @!p0 $0x340;
	s25 =	sadd.s32 @!p0 $0xD00, s13;
	[tilespmem:s29+$0x0] =	vst v2;
	s29 =	simm.s32 @!p0 $0x3400  }
0x189: {  	[tilespmem:s29], [sflag:$0x1] =	stream.indirect.gather @!p0 [hbm4b:s4+s26], $0x10, s25, s26, $0xb8;
	[tilespmem:$0x13300] =	vst v63  }
0x18a: {  	s29 =	simm.s32 @!p0 $0x10400  }
0x18b: {  	[tilespmem:s29], [sflag:$0x1] =	stream.indirect.gather @!p0 [hbm4b:s0+s26], $0x1, s25, s26, $0xb8;
	[tilespmem:$0x13300] =	vst v63  }
0x18c: {  	_ =	swait.ge [sflag:s22], $0x3400  }
0x18d: {  	[sflag:s22] =	ssyncset.done $0x0  }
0x18e: {  	[sflag:s22] =	ssyncadd.s32 $0xFFFFCC00  }
0x18f: {  	_ =	swait.ge [sflag:s22], $0x340  }
0x190: {  	v2 =	vld [tilespmem:$0x1FF70];
	_ =	sdelay $0x1  }
0x191: {  	v3 =	vld [tilespmem:$0x1FF80];
	_ =	sdelay $0x1  }
0x192: {  	v4 =	vld [tilespmem:$0x1FF90]  }
0x193: {  	[sflag:s22] =	ssyncset.done $0x0  }
0x194: {  	[sflag:s22] =	ssyncadd.s32 $0xFFFFFCC0  }
0x195: {  	v1 =	vld.idx.msk [tilespmem:v0+s14+$0x0], $0xffff  }
0x196: {  	v2 =	vld.idx.msk [tilespmem:v2+s14+$0x0], $0xffff;
	_ =	sdelay $0x1  }
0x197: {  	v3 =	vld.idx.msk [tilespmem:v3+s14+$0x0], $0xffff;
	_ =	sdelay $0x1  }
0x198: {  	v4 =	vld.idx.msk [tilespmem:v4+s14+$0x0], $0xffff  }
0x199: {  	v1 =	vadd.f32 v2, v1;
	v2 =	vld [tilespmem:$0x1FFA0];
	_ =	sdelay $0x1  }
0x19a: {  	v1 =	vadd.f32 v3, v1;
	v3 =	vld [tilespmem:$0x1FFB0];
	_ =	sdelay $0x1  }
0x19b: {  	v1 =	vadd.f32 v4, v1;
	v4 =	vld [tilespmem:$0x1FFC0];
	_ =	sdelay $0x3  }
0x19c: {  	v2 =	vld.idx.msk [tilespmem:v2+s14+$0x0], $0xffff;
	_ =	sdelay $0x1  }
0x19d: {  	v3 =	vld.idx.msk [tilespmem:v3+s14+$0x0], $0xffff;
	_ =	sdelay $0x1  }
0x19e: {  	v4 =	vld.idx.msk [tilespmem:v4+s14+$0x0], $0xffff  }
0x19f: {  	v1 =	vadd.f32 v2, v1;
	v2 =	vld [tilespmem:$0x1FFD0];
	_ =	sdelay $0x1  }
0x1a0: {  	v1 =	vadd.f32 v3, v1;
	v3 =	vld [tilespmem:$0x1FFE0];
	_ =	sdelay $0x1  }
0x1a1: {  	v1 =	vadd.f32 v4, v1;
	v4 =	vld [tilespmem:$0x1FFF0];
	_ =	sdelay $0x3  }
0x1a2: {  	v2 =	vld.idx.msk [tilespmem:v2+s14+$0x0], $0xffff;
	_ =	sdelay $0x1  }
0x1a3: {  	v3 =	vld.idx.msk [tilespmem:v3+s14+$0x0], $0xffff;
	_ =	sdelay $0x1  }
0x1a4: {  	v4 =	vld.idx.msk [tilespmem:v4+s14+$0x0], $0xffff  }
0x1a5: {  	v1 =	vadd.f32 v2, v1  }
0x1a6: {  	v2 =	vld.idx.msk [tilespmem:v10+s14+$0x0], $0xffff  }
0x1a7: {  	v1 =	vadd.f32 v3, v1  }
0x1a8: {  	v3 =	vld.idx.msk [tilespmem:v11+s14+$0x0], $0xffff  }
0x1a9: {  	v1 =	vadd.f32 v4, v1  }
0x1aa: {  	v4 =	vld.idx.msk [tilespmem:v12+s14+$0x0], $0xffff  }
0x1ab: {  	v1 =	vadd.f32 v2, v1  }
0x1ac: {  	v2 =	vld.idx.msk [tilespmem:v13+s14+$0x0], $0xffff  }
0x1ad: {  	v1 =	vadd.f32 v3, v1  }
0x1ae: {  	v3 =	vld.idx.msk [tilespmem:v14+s14+$0x0], $0xffff  }
0x1af: {  	v1 =	vadd.f32 v4, v1  }
0x1b0: {  	v4 =	vld.idx.msk [tilespmem:v15+s14+$0x0], $0xffff  }
0x1b1: {  	v1 =	vadd.f32 v2, v1  }
0x1b2: {  	v2 =	vld.idx.msk [tilespmem:v16+s14+$0x0], $0xffff  }
0x1b3: {  	v1 =	vadd.f32 v3, v1  }
0x1b4: {  	v3 =	vld.idx.msk [tilespmem:v17+s14+$0x0], $0xffff  }
0x1b5: {  	v1 =	vadd.f32 v4, v1  }
0x1b6: {  	v4 =	vld.idx.msk [tilespmem:v18+s14+$0x0], $0xffff  }
0x1b7: {  	v1 =	vadd.f32 v2, v1  }
0x1b8: {  	v2 =	vld.idx.msk [tilespmem:v19+s14+$0x0], $0xffff  }
0x1b9: {  	v1 =	vadd.f32 v3, v1  }
0x1ba: {  	v3 =	vld.idx.msk [tilespmem:v20+s14+$0x0], $0xffff  }
0x1bb: {  	v1 =	vadd.f32 v4, v1  }
0x1bc: {  	v4 =	vld.idx.msk [tilespmem:v21+s14+$0x0], $0xffff  }
0x1bd: {  	v1 =	vadd.f32 v2, v1  }
0x1be: {  	v2 =	vld.idx.msk [tilespmem:v22+s14+$0x0], $0xffff  }
0x1bf: {  	v1 =	vadd.f32 v3, v1  }
0x1c0: {  	v3 =	vld.idx.msk [tilespmem:v23+s14+$0x0], $0xffff  }
0x1c1: {  	v1 =	vadd.f32 v4, v1  }
0x1c2: {  	v4 =	vld.idx.msk [tilespmem:v24+s14+$0x0], $0xffff  }
0x1c3: {  	v1 =	vadd.f32 v2, v1  }
0x1c4: {  	v2 =	vld.idx.msk [tilespmem:v25+s14+$0x0], $0xffff  }
0x1c5: {  	v1 =	vadd.f32 v3, v1;
	_ =	sdelay $0x1  }
0x1c6: {  	v1 =	vadd.f32 v4, v1;
	_ =	sdelay $0x1  }
0x1c7: {  	v1 =	vadd.f32 v2, v1;
	_ =	sdelay $0x1  }
0x1c8: {  	[tilespmem:s11+$0x13120] =	vst v1  }
0x1c9: {  	v1 =	vld.idx.msk [tilespmem:v26+s14+$0x0], $0xffff  }
0x1ca: {  	v2 =	vld.idx.msk [tilespmem:v27+s14+$0x0], $0xffff;
	_ =	sdelay $0x1  }
0x1cb: {  	v3 =	vld.idx.msk [tilespmem:v28+s14+$0x0], $0xffff;
	_ =	sdelay $0x1  }
0x1cc: {  	v4 =	vld.idx.msk [tilespmem:v29+s14+$0x0], $0xffff  }
0x1cd: {  	v1 =	vadd.f32 v2, v1  }
0x1ce: {  	v2 =	vld.idx.msk [tilespmem:v30+s14+$0x0], $0xffff  }
0x1cf: {  	v1 =	vadd.f32 v3, v1  }
0x1d0: {  	v3 =	vld.idx.msk [tilespmem:v31+s14+$0x0], $0xffff  }
0x1d1: {  	v1 =	vadd.f32 v4, v1  }
0x1d2: {  	v4 =	vld.idx.msk [tilespmem:v32+s14+$0x0], $0xffff  }
0x1d3: {  	v1 =	vadd.f32 v2, v1  }
0x1d4: {  	v2 =	vld.idx.msk [tilespmem:v33+s14+$0x0], $0xffff  }
0x1d5: {  	v1 =	vadd.f32 v3, v1  }
0x1d6: {  	v3 =	vld.idx.msk [tilespmem:v34+s14+$0x0], $0xffff  }
0x1d7: {  	v1 =	vadd.f32 v4, v1  }
0x1d8: {  	v4 =	vld.idx.msk [tilespmem:v35+s14+$0x0], $0xffff  }
0x1d9: {  	v1 =	vadd.f32 v2, v1  }
0x1da: {  	v2 =	vld.idx.msk [tilespmem:v36+s14+$0x0], $0xffff  }
0x1db: {  	v1 =	vadd.f32 v3, v1  }
0x1dc: {  	v3 =	vld.idx.msk [tilespmem:v37+s14+$0x0], $0xffff  }
0x1dd: {  	v1 =	vadd.f32 v4, v1  }
0x1de: {  	v4 =	vld.idx.msk [tilespmem:v38+s14+$0x0], $0xffff  }
0x1df: {  	v1 =	vadd.f32 v2, v1  }
0x1e0: {  	v2 =	vld.idx.msk [tilespmem:v39+s14+$0x0], $0xffff  }
0x1e1: {  	v1 =	vadd.f32 v3, v1  }
0x1e2: {  	v3 =	vld.idx.msk [tilespmem:v40+s14+$0x0], $0xffff  }
0x1e3: {  	v1 =	vadd.f32 v4, v1  }
0x1e4: {  	v4 =	vld.idx.msk [tilespmem:v41+s14+$0x0], $0xffff  }
0x1e5: {  	v1 =	vadd.f32 v2, v1  }
0x1e6: {  	v2 =	vld.idx.msk [tilespmem:v42+s14+$0x0], $0xffff  }
0x1e7: {  	v1 =	vadd.f32 v3, v1  }
0x1e8: {  	v3 =	vld.idx.msk [tilespmem:v43+s14+$0x0], $0xffff  }
0x1e9: {  	v1 =	vadd.f32 v4, v1  }
0x1ea: {  	v4 =	vld.idx.msk [tilespmem:v44+s14+$0x0], $0xffff  }
0x1eb: {  	v1 =	vadd.f32 v2, v1  }
0x1ec: {  	v2 =	vld.idx.msk [tilespmem:v45+s14+$0x0], $0xffff  }
0x1ed: {  	v1 =	vadd.f32 v3, v1  }
0x1ee: {  	v3 =	vld.idx.msk [tilespmem:v46+s14+$0x0], $0xffff  }
0x1ef: {  	v1 =	vadd.f32 v4, v1  }
0x1f0: {  	v4 =	vld.idx.msk [tilespmem:v47+s14+$0x0], $0xffff  }
0x1f1: {  	v1 =	vadd.f32 v2, v1  }
0x1f2: {  	v2 =	vld.idx.msk [tilespmem:v48+s14+$0x0], $0xffff  }
0x1f3: {  	v1 =	vadd.f32 v3, v1  }
0x1f4: {  	v3 =	vld.idx.msk [tilespmem:v49+s14+$0x0], $0xffff  }
0x1f5: {  	v1 =	vadd.f32 v4, v1  }
0x1f6: {  	v4 =	vld.idx.msk [tilespmem:v50+s14+$0x0], $0xffff  }
0x1f7: {  	v1 =	vadd.f32 v2, v1  }
0x1f8: {  	v2 =	vld.idx.msk [tilespmem:v51+s14+$0x0], $0xffff  }
0x1f9: {  	v1 =	vadd.f32 v3, v1;
	_ =	sdelay $0x1  }
0x1fa: {  	v1 =	vadd.f32 v4, v1;
	_ =	sdelay $0x1  }
0x1fb: {  	v1 =	vadd.f32 v2, v1;
	_ =	sdelay $0x1  }
0x1fc: {  	s26 =	simm.s32 $0x6E70;
	[tilespmem:s11+$0x13130] =	vst v1  }
0x1fd: {  	v1 =	vld [tilespmem:s26+$0xFFFFFE70]  }
0x1fe: {  	v2 =	vld [tilespmem:s26+$0xFFFFFE80]  }
0x1ff: {  	v3 =	vld [tilespmem:s26+$0xFFFFF9A0]  }
0x200: {  	v5 =	vld [tilespmem:s26+$0xFFFFFB30]  }
0x201: {  	v7 =	vld [tilespmem:s26+$0xFFFFFB40]  }
0x202: {  	v4 =	vld [tilespmem:s26+$0xFFFFFE90]  }
0x203: {  	v59 =	vld [tilespmem:s26+$0xFFFFFEA0]  }
0x204: {  	v9 =	vld [tilespmem:s26+$0xFFFFFEB0]  }
0x205: {  	v52 =	vld [tilespmem:s26+$0xFFFFFCD0];
	v8 =	vmul.f32 v1, v1;
	v1 =	vadd.f32 v2, v1;
	v2 =	vmul.f32 v2, v2  }
0x206: {  	v53 =	vld [tilespmem:s26+$0xFFFFFCE0];
	v60 =	vmul.f32 v5, v5;
	v61 =	vmul.f32 v7, v7  }
0x207: {  	v63 =	vld [tilespmem:s26+$0xFFFFF990];
	v2 =	vadd.f32 v2, v8;
	v1 =	vadd.f32 v4, v1;
	v4 =	vmul.f32 v4, v4  }
0x208: {  	v8 =	vld [tilespmem:s26+$0xFFFFFEC0];
	v6 =	vadd.f32 v61, v60  }
0x209: {  	v60 =	vld [tilespmem:s26+$0xFFFFF9B0];
	v2 =	vadd.f32 v4, v2;
	v1 =	vadd.f32 v59, v1;
	v4 =	vmul.f32 v59, v59  }
0x20a: {  	v62 =	vld [tilespmem:s26+$0xFFFFFED0];
	v5 =	vadd.f32 v7, v5  }
0x20b: {  	v57 =	vld [tilespmem:s26+$0xFFFFFEF0];
	v2 =	vadd.f32 v4, v2;
	v1 =	vadd.f32 v9, v1;
	v4 =	vmul.f32 v9, v9  }
0x20c: {  	v58 =	vld [tilespmem:s26+$0xFFFFFB50];
	v61 =	vmul.f32 v63, v63;
	v9 =	vmul.f32 v3, v3;
	v3 =	vadd.f32 v3, v63  }
0x20d: {  	v7 =	vld [tilespmem:s26+$0xFFFFFEE0];
	v2 =	vadd.f32 v4, v2;
	v1 =	vadd.f32 v8, v1;
	v4 =	vmul.f32 v8, v8  }
0x20e: {  	v59 =	vadd.f32 v9, v61;
	v3 =	vadd.f32 v60, v3;
	v9 =	vmul.f32 v60, v60;
	v60 =	vld [tilespmem:s26+$0xFFFFF9C0]  }
0x20f: {  	v8 =	vmul.f32 v52, v52;
	v52 =	vadd.f32 v53, v52;
	v53 =	vmul.f32 v53, v53;
	v61 =	vld [tilespmem:s26+$0xFFFFFB60]  }
0x210: {  	v2 =	vadd.f32 v4, v2;
	v1 =	vadd.f32 v62, v1;
	v4 =	vmul.f32 v62, v62  }
0x211: {  	v5 =	vadd.f32 v58, v5;
	v63 =	vld [tilespmem:s26+$0xFFFFFCF0];
	v8 =	vadd.f32 v53, v8  }
0x212: {  	v62 =	vld [tilespmem:s26+$0xFFFFFF00];
	v2 =	vadd.f32 v4, v2;
	v1 =	vadd.f32 v7, v1;
	v4 =	vmul.f32 v7, v7  }
0x213: {  	v55 =	vld [tilespmem:s26+$0xFFFFF9D0];
	v7 =	vadd.f32 v9, v59;
	v9 =	vmul.f32 v58, v58;
	v3 =	vadd.f32 v60, v3  }
0x214: {  	v5 =	vadd.f32 v61, v5;
	v2 =	vadd.f32 v4, v2;
	v4 =	vmul.f32 v57, v57  }
0x215: {  	v54 =	vld [tilespmem:s26+$0xFFFFFF10];
	v60 =	vmul.f32 v60, v60;
	v1 =	vadd.f32 v57, v1;
	v6 =	vadd.f32 v9, v6  }
0x216: {  	v61 =	vmul.f32 v61, v61;
	v57 =	vld [tilespmem:s26+$0xFFFFFF20];
	v9 =	vadd.f32 v63, v52;
	v2 =	vadd.f32 v4, v2  }
0x217: {  	v1 =	vadd.f32 v62, v1;
	v4 =	vmul.f32 v62, v62;
	v62 =	vmul.f32 v63, v63;
	v63 =	vld [tilespmem:s26+$0xFFFFFD00]  }
0x218: {  	v3 =	vadd.f32 v55, v3;
	v6 =	vadd.f32 v61, v6;
	v61 =	vmul.f32 v55, v55;
	v55 =	vld [tilespmem:s26+$0xFFFFF9E0]  }
0x219: {  	v53 =	vld [tilespmem:s26+$0xFFFFFF30];
	v7 =	vadd.f32 v60, v7;
	v2 =	vadd.f32 v4, v2  }
0x21a: {  	v1 =	vadd.f32 v54, v1;
	v4 =	vmul.f32 v54, v54;
	v8 =	vadd.f32 v62, v8;
	v62 =	vld [tilespmem:s26+$0xFFFFFB70]  }
0x21b: {  	v52 =	vld [tilespmem:s26+$0xFFFFFF40];
	v7 =	vadd.f32 v61, v7  }
0x21c: {  	v60 =	vld [tilespmem:s26+$0xFFFFFD10];
	v2 =	vadd.f32 v4, v2;
	v1 =	vadd.f32 v57, v1;
	v4 =	vmul.f32 v57, v57  }
0x21d: {  	v57 =	vld [tilespmem:s26+$0xFFFFFF50];
	v9 =	vadd.f32 v63, v9;
	v63 =	vmul.f32 v63, v63;
	v3 =	vadd.f32 v55, v3  }
0x21e: {  	v2 =	vadd.f32 v4, v2;
	v1 =	vadd.f32 v53, v1;
	v4 =	vmul.f32 v53, v53  }
0x21f: {  	v54 =	vld [tilespmem:s26+$0xFFFFFF60];
	v8 =	vadd.f32 v63, v8;
	v5 =	vadd.f32 v62, v5  }
0x220: {  	v61 =	vld [tilespmem:s26+$0xFFFFFD20];
	v2 =	vadd.f32 v4, v2;
	v1 =	vadd.f32 v52, v1;
	v4 =	vmul.f32 v52, v52  }
0x221: {  	v53 =	vld [tilespmem:s26+$0xFFFFFF70];
	v62 =	vmul.f32 v62, v62;
	v9 =	vadd.f32 v60, v9;
	v60 =	vmul.f32 v60, v60  }
0x222: {  	v63 =	vld [tilespmem:s26+$0xFFFFFB80];
	v2 =	vadd.f32 v4, v2;
	v1 =	vadd.f32 v57, v1;
	v4 =	vmul.f32 v57, v57  }
0x223: {  	v6 =	vadd.f32 v62, v6;
	v62 =	vmul.f32 v55, v55;
	v8 =	vadd.f32 v60, v8;
	v57 =	vld [tilespmem:s26+$0xFFFFFF80]  }
0x224: {  	v55 =	vld [tilespmem:s26+$0xFFFFF9F0];
	v2 =	vadd.f32 v4, v2;
	v1 =	vadd.f32 v54, v1;
	v4 =	vmul.f32 v54, v54  }
0x225: {  	v9 =	vadd.f32 v61, v9;
	v61 =	vmul.f32 v61, v61;
	v7 =	vadd.f32 v62, v7;
	v54 =	vld [tilespmem:s26+$0xFFFFFF90]  }
0x226: {  	v60 =	vld [tilespmem:s26+$0xFFFFFB90];
	v2 =	vadd.f32 v4, v2;
	v1 =	vadd.f32 v53, v1;
	v4 =	vmul.f32 v53, v53  }
0x227: {  	v52 =	vld [tilespmem:s26+$0xFFFFFFA0];
	v8 =	vadd.f32 v61, v8;
	v5 =	vadd.f32 v63, v5  }
0x228: {  	v61 =	vld [tilespmem:s26+$0xFFFFFBA0];
	v2 =	vadd.f32 v4, v2;
	v1 =	vadd.f32 v57, v1;
	v4 =	vmul.f32 v57, v57  }
0x229: {  	v63 =	vmul.f32 v63, v63;
	v3 =	vadd.f32 v55, v3;
	v59 =	vmul.f32 v55, v55;
	v57 =	vld [tilespmem:s26+$0xFFFFFFB0]  }
0x22a: {  	v55 =	vld [tilespmem:s26+$0xFFFFFA00];
	v2 =	vadd.f32 v4, v2;
	v1 =	vadd.f32 v54, v1;
	v4 =	vmul.f32 v54, v54  }
0x22b: {  	v62 =	vld [tilespmem:s26+$0xFFFFFFC0];
	v6 =	vadd.f32 v63, v6;
	v5 =	vadd.f32 v60, v5;
	v60 =	vmul.f32 v60, v60  }
0x22c: {  	v63 =	vld [tilespmem:s26+$0xFFFFFD30];
	v2 =	vadd.f32 v4, v2;
	v1 =	vadd.f32 v52, v1;
	v4 =	vmul.f32 v52, v52  }
0x22d: {  	v53 =	vld [tilespmem:s26+$0xFFFFFFD0];
	v7 =	vadd.f32 v59, v7;
	v6 =	vadd.f32 v60, v6  }
0x22e: {  	v2 =	vadd.f32 v4, v2;
	v1 =	vadd.f32 v57, v1;
	v4 =	vmul.f32 v57, v57  }
0x22f: {  	v5 =	vadd.f32 v61, v5;
	v3 =	vadd.f32 v55, v3;
	v60 =	vmul.f32 v55, v55;
	v57 =	vld [tilespmem:s26+$0xFFFFFFE0]  }
0x230: {  	v55 =	vld [tilespmem:s26+$0xFFFFFA10];
	v2 =	vadd.f32 v4, v2;
	v1 =	vadd.f32 v62, v1;
	v4 =	vmul.f32 v62, v62  }
0x231: {  	v61 =	vmul.f32 v61, v61;
	v54 =	vld [tilespmem:s26+$0xFFFFFFF0];
	v9 =	vadd.f32 v63, v9;
	v62 =	vmul.f32 v63, v63  }
0x232: {  	v63 =	vld [tilespmem:s26+$0xFFFFFD40];
	v2 =	vadd.f32 v4, v2;
	v1 =	vadd.f32 v53, v1;
	v4 =	vmul.f32 v53, v53  }
0x233: {  	v6 =	vadd.f32 v61, v6;
	v52 =	vld [tilespmem:s26+$0x0];
	v8 =	vadd.f32 v62, v8  }
0x234: {  	v62 =	vld [tilespmem:s26+$0xFFFFFD50];
	v2 =	vadd.f32 v4, v2;
	v1 =	vadd.f32 v57, v1;
	v4 =	vmul.f32 v57, v57  }
0x235: {  	v7 =	vadd.f32 v60, v7;
	v60 =	vld [tilespmem:s26+$0xFFFFFBC0];
	v3 =	vadd.f32 v55, v3;
	v61 =	vmul.f32 v55, v55  }
0x236: {  	v57 =	vld [tilespmem:s26+$0xFFFFFBB0];
	v2 =	vadd.f32 v4, v2;
	v1 =	vadd.f32 v54, v1;
	v4 =	vmul.f32 v54, v54  }
0x237: {  	v7 =	vadd.f32 v61, v7;
	v9 =	vadd.f32 v63, v9;
	v63 =	vmul.f32 v63, v63;
	v54 =	vld [tilespmem:s26+$0xFFFFFA20]  }
0x238: {  	v53 =	vld [tilespmem:s26+$0xFFFFFD60];
	v2 =	vadd.f32 v4, v2;
	v1 =	vadd.f32 v52, v1;
	v4 =	vmul.f32 v52, v52  }
0x239: {  	v8 =	vadd.f32 v63, v8;
	v9 =	vadd.f32 v62, v9  }
0x23a: {  	v55 =	vld [tilespmem:s26+$0xFFFFFA30];
	v58 =	vmul.f32 v62, v62;
	v2 =	vadd.f32 v4, v2;
	v1 =	vmul.f32 v1, v1  }
0x23b: {  	v63 =	vmul.f32 v60, v60;
	v5 =	vadd.f32 v57, v5;
	v4 =	vmul.f32 v57, v57;
	v57 =	vld [tilespmem:s26+$0xFFFFFBD0]  }
0x23c: {  	v8 =	vadd.f32 v58, v8;
	v62 =	vmul.f32 v54, v54;
	v52 =	vsub.f32 v1, v2;
	v1 =	vld [tilespmem:s26+$0xFFFFFD70]  }
0x23d: {  	v5 =	vadd.f32 v60, v5;
	v60 =	vmul.f32 v53, v53;
	v2 =	vadd.f32 v54, v3;
	v3 =	vld [tilespmem:s26+$0xFFFFFA40]  }
0x23e: {  	v9 =	vadd.f32 v53, v9;
	v4 =	vadd.f32 v4, v6;
	v54 =	vld [tilespmem:s26+$0xFFFFFBE0]  }
0x23f: {  	v61 =	vmul.f32 v55, v55;
	v53 =	vld [tilespmem:s26+$0xFFFFFD80];
	v7 =	vadd.f32 v62, v7;
	v8 =	vadd.f32 v60, v8  }
0x240: {  	v2 =	vadd.f32 v55, v2;
	v55 =	vld [tilespmem:s26+$0xFFFFFA50];
	v4 =	vadd.f32 v63, v4;
	v62 =	vmul.f32 v57, v57  }
0x241: {  	v5 =	vadd.f32 v57, v5;
	v57 =	vld [tilespmem:s26+$0xFFFFFBF0];
	v7 =	vadd.f32 v61, v7;
	v63 =	vmul.f32 v1, v1  }
0x242: {  	v60 =	vmul.f32 v3, v3;
	v1 =	vadd.f32 v1, v9;
	v9 =	vld [tilespmem:s26+$0xFFFFFD90];
	v2 =	vadd.f32 v3, v2  }
0x243: {  	v3 =	vld [tilespmem:s26+$0xFFFFFA60];
	v4 =	vadd.f32 v62, v4;
	v61 =	vmul.f32 v54, v54;
	v5 =	vadd.f32 v54, v5  }
0x244: {  	v54 =	vld [tilespmem:s26+$0xFFFFFC00];
	v62 =	vmul.f32 v53, v53;
	v8 =	vadd.f32 v63, v8;
	v7 =	vadd.f32 v60, v7  }
0x245: {  	v63 =	vmul.f32 v55, v55;
	v1 =	vadd.f32 v53, v1;
	v53 =	vld [tilespmem:s26+$0xFFFFFDA0];
	v2 =	vadd.f32 v55, v2  }
0x246: {  	v55 =	vld [tilespmem:s26+$0xFFFFFA70];
	v4 =	vadd.f32 v61, v4;
	v60 =	vmul.f32 v57, v57;
	v5 =	vadd.f32 v57, v5  }
0x247: {  	v57 =	vld [tilespmem:s26+$0xFFFFFC10];
	v8 =	vadd.f32 v62, v8;
	v7 =	vadd.f32 v63, v7;
	v61 =	vmul.f32 v9, v9  }
0x248: {  	v62 =	vmul.f32 v3, v3;
	v1 =	vadd.f32 v9, v1;
	v9 =	vld [tilespmem:s26+$0xFFFFFDB0];
	v2 =	vadd.f32 v3, v2  }
0x249: {  	v3 =	vld [tilespmem:s26+$0xFFFFFA80];
	v4 =	vadd.f32 v60, v4;
	v63 =	vmul.f32 v54, v54;
	v5 =	vadd.f32 v54, v5  }
0x24a: {  	v54 =	vld [tilespmem:s26+$0xFFFFFC20];
	v8 =	vadd.f32 v61, v8;
	v60 =	vmul.f32 v53, v53;
	v7 =	vadd.f32 v62, v7  }
0x24b: {  	v61 =	vmul.f32 v55, v55;
	v1 =	vadd.f32 v53, v1;
	v53 =	vld [tilespmem:s26+$0xFFFFFDC0];
	v2 =	vadd.f32 v55, v2  }
0x24c: {  	v55 =	vld [tilespmem:s26+$0xFFFFFA90];
	v4 =	vadd.f32 v63, v4;
	v62 =	vmul.f32 v57, v57;
	v5 =	vadd.f32 v57, v5  }
0x24d: {  	v57 =	vld [tilespmem:s26+$0xFFFFFC30];
	v8 =	vadd.f32 v60, v8;
	v7 =	vadd.f32 v61, v7;
	v63 =	vmul.f32 v9, v9  }
0x24e: {  	v60 =	vmul.f32 v3, v3;
	v1 =	vadd.f32 v9, v1;
	v9 =	vld [tilespmem:s26+$0xFFFFFDD0];
	v2 =	vadd.f32 v3, v2  }
0x24f: {  	v3 =	vld [tilespmem:s26+$0xFFFFFAA0];
	v4 =	vadd.f32 v62, v4;
	v61 =	vmul.f32 v54, v54;
	v5 =	vadd.f32 v54, v5  }
0x250: {  	v54 =	vld [tilespmem:s26+$0xFFFFFC40];
	v8 =	vadd.f32 v63, v8;
	v62 =	vmul.f32 v53, v53;
	v7 =	vadd.f32 v60, v7  }
0x251: {  	v63 =	vmul.f32 v55, v55;
	v1 =	vadd.f32 v53, v1;
	v53 =	vld [tilespmem:s26+$0xFFFFFDE0];
	v2 =	vadd.f32 v55, v2  }
0x252: {  	v55 =	vld [tilespmem:s26+$0xFFFFFAB0];
	v4 =	vadd.f32 v61, v4;
	v60 =	vmul.f32 v57, v57;
	v5 =	vadd.f32 v57, v5  }
0x253: {  	v57 =	vld [tilespmem:s26+$0xFFFFFC50];
	v8 =	vadd.f32 v62, v8;
	v7 =	vadd.f32 v63, v7;
	v61 =	vmul.f32 v9, v9  }
0x254: {  	v62 =	vmul.f32 v3, v3;
	v1 =	vadd.f32 v9, v1;
	v9 =	vld [tilespmem:s26+$0xFFFFFDF0];
	v2 =	vadd.f32 v3, v2  }
0x255: {  	v3 =	vld [tilespmem:s26+$0xFFFFFAC0];
	v4 =	vadd.f32 v60, v4;
	v63 =	vmul.f32 v54, v54;
	v5 =	vadd.f32 v54, v5  }
0x256: {  	v54 =	vld [tilespmem:s26+$0xFFFFFC60];
	v8 =	vadd.f32 v61, v8;
	v60 =	vmul.f32 v53, v53;
	v7 =	vadd.f32 v62, v7  }
0x257: {  	v61 =	vmul.f32 v55, v55;
	v1 =	vadd.f32 v53, v1;
	v53 =	vld [tilespmem:s26+$0xFFFFFE00];
	v2 =	vadd.f32 v55, v2  }
0x258: {  	v55 =	vld [tilespmem:s26+$0xFFFFFAD0];
	v4 =	vadd.f32 v63, v4;
	v62 =	vmul.f32 v57, v57;
	v5 =	vadd.f32 v57, v5  }
0x259: {  	v57 =	vld [tilespmem:s26+$0xFFFFFC70];
	v8 =	vadd.f32 v60, v8;
	v7 =	vadd.f32 v61, v7;
	v63 =	vmul.f32 v9, v9  }
0x25a: {  	v60 =	vmul.f32 v3, v3;
	v1 =	vadd.f32 v9, v1;
	v9 =	vld [tilespmem:s26+$0xFFFFFE10];
	v2 =	vadd.f32 v3, v2  }
0x25b: {  	v3 =	vld [tilespmem:s26+$0xFFFFFAE0];
	v4 =	vadd.f32 v62, v4;
	v61 =	vmul.f32 v54, v54;
	v5 =	vadd.f32 v54, v5  }
0x25c: {  	v54 =	vld [tilespmem:s26+$0xFFFFFC80];
	v8 =	vadd.f32 v63, v8;
	v62 =	vmul.f32 v53, v53;
	v7 =	vadd.f32 v60, v7  }
0x25d: {  	v63 =	vmul.f32 v55, v55;
	v1 =	vadd.f32 v53, v1;
	v60 =	vld [tilespmem:s26+$0xFFFFFE20];
	v2 =	vadd.f32 v55, v2  }
0x25e: {  	v55 =	vld [tilespmem:s26+$0xFFFFFAF0];
	v4 =	vadd.f32 v61, v4;
	v61 =	vmul.f32 v57, v57;
	v5 =	vadd.f32 v57, v5  }
0x25f: {  	v57 =	vld [tilespmem:s26+$0xFFFFFC90];
	v8 =	vadd.f32 v62, v8;
	v7 =	vadd.f32 v63, v7;
	v62 =	vmul.f32 v9, v9  }
0x260: {  	v63 =	vmul.f32 v3, v3;
	v1 =	vadd.f32 v9, v1;
	v9 =	vld [tilespmem:s26+$0xFFFFFE30];
	v2 =	vadd.f32 v3, v2  }
0x261: {  	v3 =	vld [tilespmem:s26+$0xFFFFFB00];
	v4 =	vadd.f32 v61, v4;
	v6 =	vmul.f32 v54, v54;
	v5 =	vadd.f32 v54, v5  }
0x262: {  	v59 =	vld [tilespmem:s26+$0xFFFFFCA0];
	v8 =	vadd.f32 v62, v8;
	v56 =	vmul.f32 v60, v60;
	v7 =	vadd.f32 v63, v7  }
0x263: {  	v53 =	vld [tilespmem:s26+$0xFFFFFB10];
	v58 =	vmul.f32 v55, v55;
	v1 =	vadd.f32 v60, v1;
	v2 =	vadd.f32 v55, v2  }
0x264: {  	v63 =	vld [tilespmem:s26+$0xFFFFFE40];
	v4 =	vadd.f32 v6, v4;
	v5 =	vadd.f32 v57, v5  }
0x265: {  	v54 =	vld [tilespmem:s26+$0xFFFFFCB0];
	v6 =	vmul.f32 v57, v57;
	v8 =	vadd.f32 v56, v8;
	v7 =	vadd.f32 v58, v7  }
0x266: {  	v55 =	vld [tilespmem:s26+$0xFFFFFE50];
	v61 =	vmul.f32 v9, v9;
	v62 =	vmul.f32 v3, v3;
	v9 =	vadd.f32 v9, v1  }
0x267: {  	v56 =	vld [tilespmem:s26+$0xFFFFFB20];
	v58 =	vadd.f32 v3, v2;
	v60 =	vadd.f32 v6, v4;
	v1 =	vmul.f32 v59, v59  }
0x268: {  	v57 =	vld [tilespmem:s26+$0xFFFFFCC0];
	v59 =	vadd.f32 v59, v5;
	v3 =	vmul.f32 v53, v53;
	v61 =	vadd.f32 v61, v8  }
0x269: {  	s25 =	simm.s32 $0x0;
	s29 =	smov.u32 s30;
	[tilespmem:s30+$0x0] =	vst v52;
	v52 =	vld [tilespmem:s26+$0xFFFFFE60];
	s26 =	simm.s32 $0x74F0;
	v2 =	vmul.f32 v63, v63;
	v62 =	vadd.f32 v62, v7;
	v63 =	vadd.f32 v63, v9  }
.LBB2_5:
0x26a: {  	v4 =	vld [tilespmem:s26+$0xFFFFFE70];
	v5 =	vadd.f32 v53, v58;
	v1 =	vadd.f32 v1, v60;
	v6 =	vmul.f32 v54, v54  }
0x26b: {  	s25 =	sadd.s32 $0x4, s25;
	v8 =	vadd.f32 v54, v59;
	v2 =	vadd.f32 v2, v61;
	v7 =	vld [tilespmem:s26+$0xFFFFFE80];
	v9 =	vmul.f32 v55, v55  }
0x26c: {  	p1 =	slt.u32 s25, $0x1C;
	v3 =	vadd.f32 v3, v62;
	v55 =	vadd.f32 v55, v63;
	v53 =	vld [tilespmem:s26+$0xFFFFF9A0];
	v54 =	vmul.f32 v56, v56  }
0x26d: {  	v5 =	vadd.f32 v56, v5;
	v1 =	vadd.f32 v6, v1;
	v58 =	vld [tilespmem:s26+$0xFFFFFE90];
	v6 =	vmul.f32 v57, v57  }
0x26e: {  	v8 =	vadd.f32 v57, v8;
	v2 =	vadd.f32 v9, v2;
	v56 =	vld [tilespmem:s26+$0xFFFFFB30];
	v9 =	vmul.f32 v52, v52  }
0x26f: {  	v3 =	vadd.f32 v54, v3;
	v5 =	vmul.f32 v5, v5;
	v52 =	vadd.f32 v52, v55;
	v57 =	vld [tilespmem:s26+$0xFFFFFEA0]  }
0x270: {  	v55 =	vmul.f32 v4, v4;
	v54 =	vld [tilespmem:s26+$0xFFFFFB40];
	v4 =	vadd.f32 v7, v4;
	v7 =	vmul.f32 v7, v7  }
0x271: {  	v1 =	vadd.f32 v6, v1;
	v6 =	vmul.f32 v8, v8;
	v59 =	vmul.f32 v53, v53;
	v60 =	vld [tilespmem:s26+$0xFFFFFEB0]  }
0x272: {  	v8 =	vld [tilespmem:s26+$0xFFFFFCD0];
	v7 =	vadd.f32 v7, v55;
	v4 =	vadd.f32 v58, v4;
	v55 =	vmul.f32 v58, v58  }
0x273: {  	v2 =	vadd.f32 v9, v2;
	v9 =	vmul.f32 v52, v52;
	v58 =	vmul.f32 v56, v56;
	v61 =	vld [tilespmem:s26+$0xFFFFFEC0]  }
0x274: {  	v52 =	vld [tilespmem:s26+$0xFFFFFCE0];
	v7 =	vadd.f32 v55, v7;
	v4 =	vadd.f32 v57, v4;
	v55 =	vmul.f32 v57, v57  }
0x275: {  	v3 =	vsub.f32 v5, v3;
	v56 =	vadd.f32 v54, v56;
	v54 =	vmul.f32 v54, v54;
	v57 =	vld [tilespmem:s26+$0xFFFFFED0]  }
0x276: {  	v5 =	vld [tilespmem:s26+$0xFFFFF990];
	v7 =	vadd.f32 v55, v7;
	v4 =	vadd.f32 v60, v4;
	v55 =	vmul.f32 v60, v60  }
0x277: {  	v1 =	vsub.f32 v6, v1;
	v54 =	vadd.f32 v54, v58;
	v58 =	vmul.f32 v8, v8;
	v60 =	vld [tilespmem:s26+$0xFFFFFEE0];
	[tilespmem:s29+$0xFFFFFFD0] =	vst v3  }
0x278: {  	v3 =	vld [tilespmem:s26+$0xFFFFF9B0];
	v6 =	vadd.f32 v55, v7;
	v4 =	vadd.f32 v61, v4;
	v7 =	vmul.f32 v61, v61  }
0x279: {  	v8 =	vadd.f32 v52, v8;
	v52 =	vmul.f32 v52, v52;
	v55 =	vld [tilespmem:s26+$0xFFFFFEF0];
	[tilespmem:s29+$0xFFFFFFE0] =	vst v1;
	v1 =	vsub.f32 v9, v2  }
0x27a: {  	v2 =	vld [tilespmem:s26+$0xFFFFFB50];
	v6 =	vadd.f32 v7, v6;
	v4 =	vadd.f32 v57, v4;
	v7 =	vmul.f32 v57, v57  }
0x27b: {  	v9 =	vmul.f32 v5, v5;
	v5 =	vadd.f32 v53, v5;
	v52 =	vadd.f32 v52, v58;
	v53 =	vld [tilespmem:s26+$0xFFFFFF00];
	[tilespmem:s29+$0xFFFFFFF0] =	vst v1  }
0x27c: {  	v1 =	vld [tilespmem:s26+$0xFFFFFCF0];
	v6 =	vadd.f32 v7, v6;
	v4 =	vadd.f32 v60, v4;
	v7 =	vmul.f32 v60, v60  }
0x27d: {  	v9 =	vadd.f32 v59, v9;
	v5 =	vadd.f32 v3, v5;
	v3 =	vmul.f32 v3, v3;
	v57 =	vld [tilespmem:s26+$0xFFFFFF10]  }
0x27e: {  	v58 =	vld [tilespmem:s26+$0xFFFFF9C0];
	v6 =	vadd.f32 v7, v6;
	v4 =	vadd.f32 v55, v4;
	v7 =	vmul.f32 v55, v55  }
0x27f: {  	v3 =	vadd.f32 v3, v9;
	v9 =	vadd.f32 v2, v56;
	v2 =	vmul.f32 v2, v2;
	v55 =	vld [tilespmem:s26+$0xFFFFFF20]  }
0x280: {  	v56 =	vld [tilespmem:s26+$0xFFFFFB60];
	v6 =	vadd.f32 v7, v6;
	v4 =	vadd.f32 v53, v4;
	v7 =	vmul.f32 v53, v53  }
0x281: {  	v2 =	vadd.f32 v2, v54;
	v8 =	vadd.f32 v1, v8;
	v1 =	vmul.f32 v1, v1;
	v53 =	vld [tilespmem:s26+$0xFFFFFF30]  }
0x282: {  	v54 =	vld [tilespmem:s26+$0xFFFFFD00];
	v6 =	vadd.f32 v7, v6;
	v4 =	vadd.f32 v57, v4;
	v7 =	vmul.f32 v57, v57  }
0x283: {  	v5 =	vadd.f32 v58, v5;
	v57 =	vmul.f32 v58, v58;
	v1 =	vadd.f32 v1, v52;
	v52 =	vld [tilespmem:s26+$0xFFFFFF40]  }
0x284: {  	v58 =	vld [tilespmem:s26+$0xFFFFF9D0];
	v6 =	vadd.f32 v7, v6;
	v4 =	vadd.f32 v55, v4;
	v7 =	vmul.f32 v55, v55  }
0x285: {  	v3 =	vadd.f32 v57, v3;
	v9 =	vadd.f32 v56, v9;
	v55 =	vmul.f32 v56, v56;
	v56 =	vld [tilespmem:s26+$0xFFFFFF50]  }
0x286: {  	v57 =	vld [tilespmem:s26+$0xFFFFFB70];
	v6 =	vadd.f32 v7, v6;
	v4 =	vadd.f32 v53, v4;
	v7 =	vmul.f32 v53, v53  }
0x287: {  	v2 =	vadd.f32 v55, v2;
	v8 =	vadd.f32 v54, v8;
	v53 =	vmul.f32 v54, v54;
	v54 =	vld [tilespmem:s26+$0xFFFFFF60]  }
0x288: {  	v55 =	vld [tilespmem:s26+$0xFFFFFD10];
	v6 =	vadd.f32 v7, v6;
	v4 =	vadd.f32 v52, v4;
	v7 =	vmul.f32 v52, v52  }
0x289: {  	v5 =	vadd.f32 v58, v5;
	v52 =	vmul.f32 v58, v58;
	v1 =	vadd.f32 v53, v1;
	v53 =	vld [tilespmem:s26+$0xFFFFFF70]  }
0x28a: {  	v58 =	vld [tilespmem:s26+$0xFFFFF9E0];
	v6 =	vadd.f32 v7, v6;
	v4 =	vadd.f32 v56, v4;
	v7 =	vmul.f32 v56, v56  }
0x28b: {  	v3 =	vadd.f32 v52, v3;
	v9 =	vadd.f32 v57, v9;
	v52 =	vmul.f32 v57, v57;
	v56 =	vld [tilespmem:s26+$0xFFFFFF80]  }
0x28c: {  	v57 =	vld [tilespmem:s26+$0xFFFFFB80];
	v6 =	vadd.f32 v7, v6;
	v4 =	vadd.f32 v54, v4;
	v7 =	vmul.f32 v54, v54  }
0x28d: {  	v2 =	vadd.f32 v52, v2;
	v8 =	vadd.f32 v55, v8;
	v52 =	vmul.f32 v55, v55;
	v54 =	vld [tilespmem:s26+$0xFFFFFF90]  }
0x28e: {  	v55 =	vld [tilespmem:s26+$0xFFFFFD20];
	v6 =	vadd.f32 v7, v6;
	v4 =	vadd.f32 v53, v4;
	v7 =	vmul.f32 v53, v53  }
0x28f: {  	v5 =	vadd.f32 v58, v5;
	v53 =	vmul.f32 v58, v58;
	v1 =	vadd.f32 v52, v1;
	v52 =	vld [tilespmem:s26+$0xFFFFFFA0]  }
0x290: {  	v58 =	vld [tilespmem:s26+$0xFFFFF9F0];
	v6 =	vadd.f32 v7, v6;
	v4 =	vadd.f32 v56, v4;
	v7 =	vmul.f32 v56, v56  }
0x291: {  	v3 =	vadd.f32 v53, v3;
	v9 =	vadd.f32 v57, v9;
	v53 =	vmul.f32 v57, v57;
	v56 =	vld [tilespmem:s26+$0xFFFFFFB0]  }
0x292: {  	v57 =	vld [tilespmem:s26+$0xFFFFFB90];
	v6 =	vadd.f32 v7, v6;
	v4 =	vadd.f32 v54, v4;
	v7 =	vmul.f32 v54, v54  }
0x293: {  	v2 =	vadd.f32 v53, v2;
	v8 =	vadd.f32 v55, v8;
	v53 =	vmul.f32 v55, v55;
	v54 =	vld [tilespmem:s26+$0xFFFFFFC0]  }
0x294: {  	v55 =	vld [tilespmem:s26+$0xFFFFFD30];
	v6 =	vadd.f32 v7, v6;
	v4 =	vadd.f32 v52, v4;
	v7 =	vmul.f32 v52, v52  }
0x295: {  	v5 =	vadd.f32 v58, v5;
	v52 =	vmul.f32 v58, v58;
	v1 =	vadd.f32 v53, v1;
	v53 =	vld [tilespmem:s26+$0xFFFFFFD0]  }
0x296: {  	v58 =	vld [tilespmem:s26+$0xFFFFFA00];
	v6 =	vadd.f32 v7, v6;
	v4 =	vadd.f32 v56, v4;
	v7 =	vmul.f32 v56, v56  }
0x297: {  	v3 =	vadd.f32 v52, v3;
	v9 =	vadd.f32 v57, v9;
	v52 =	vmul.f32 v57, v57;
	v56 =	vld [tilespmem:s26+$0xFFFFFFE0]  }
0x298: {  	v57 =	vld [tilespmem:s26+$0xFFFFFBA0];
	v6 =	vadd.f32 v7, v6;
	v4 =	vadd.f32 v54, v4;
	v7 =	vmul.f32 v54, v54  }
0x299: {  	v2 =	vadd.f32 v52, v2;
	v8 =	vadd.f32 v55, v8;
	v52 =	vmul.f32 v55, v55;
	v54 =	vld [tilespmem:s26+$0xFFFFFFF0]  }
0x29a: {  	v55 =	vld [tilespmem:s26+$0xFFFFFD40];
	v6 =	vadd.f32 v7, v6;
	v4 =	vadd.f32 v53, v4;
	v7 =	vmul.f32 v53, v53  }
0x29b: {  	v5 =	vadd.f32 v58, v5;
	v53 =	vmul.f32 v58, v58;
	v1 =	vadd.f32 v52, v1;
	v52 =	vld [tilespmem:s26+$0x0]  }
0x29c: {  	v58 =	vld [tilespmem:s26+$0xFFFFFA10];
	v6 =	vadd.f32 v7, v6;
	v4 =	vadd.f32 v56, v4;
	v7 =	vmul.f32 v56, v56  }
0x29d: {  	v3 =	vadd.f32 v53, v3;
	v9 =	vadd.f32 v57, v9;
	v53 =	vmul.f32 v57, v57;
	v56 =	vld [tilespmem:s26+$0xFFFFFBB0]  }
0x29e: {  	v57 =	vld [tilespmem:s26+$0xFFFFFD50];
	v6 =	vadd.f32 v7, v6;
	v4 =	vadd.f32 v54, v4;
	v7 =	vmul.f32 v54, v54  }
0x29f: {  	v54 =	vld [tilespmem:s26+$0xFFFFFA20];
	v2 =	vadd.f32 v53, v2;
	v8 =	vadd.f32 v55, v8;
	v53 =	vmul.f32 v55, v55  }
0x2a0: {  	v55 =	vld [tilespmem:s26+$0xFFFFFBC0];
	v6 =	vadd.f32 v7, v6;
	v4 =	vadd.f32 v52, v4;
	v7 =	vmul.f32 v52, v52  }
0x2a1: {  	v5 =	vadd.f32 v58, v5;
	v52 =	vmul.f32 v58, v58;
	v1 =	vadd.f32 v53, v1;
	v53 =	vld [tilespmem:s26+$0xFFFFFD60]  }
0x2a2: {  	v58 =	vld [tilespmem:s26+$0xFFFFFA30];
	v9 =	vadd.f32 v56, v9;
	v6 =	vadd.f32 v7, v6;
	v4 =	vmul.f32 v4, v4  }
0x2a3: {  	v7 =	vmul.f32 v56, v56;
	v56 =	vld [tilespmem:s26+$0xFFFFFBD0];
	v8 =	vadd.f32 v57, v8;
	v57 =	vmul.f32 v57, v57  }
0x2a4: {  	v3 =	vadd.f32 v52, v3;
	v52 =	vmul.f32 v54, v54;
	v59 =	vld [tilespmem:s26+$0xFFFFFD70];
	v4 =	vsub.f32 v4, v6  }
0x2a5: {  	s29 =	sadd.s32 $0x40, s29;
	v5 =	vadd.f32 v54, v5;
	v2 =	vadd.f32 v7, v2;
	v6 =	vld [tilespmem:s26+$0xFFFFFA40];
	v7 =	vmul.f32 v55, v55  }
0x2a6: {  	v9 =	vadd.f32 v55, v9;
	v1 =	vadd.f32 v57, v1;
	v54 =	vld [tilespmem:s26+$0xFFFFFBE0];
	v55 =	vmul.f32 v53, v53;
	[tilespmem:s29+$0x0] =	vst v4  }
0x2a7: {  	v3 =	vadd.f32 v52, v3;
	v8 =	vadd.f32 v53, v8;
	v4 =	vmul.f32 v58, v58;
	v52 =	vld [tilespmem:s26+$0xFFFFFD80]  }
0x2a8: {  	v5 =	vadd.f32 v58, v5;
	v2 =	vadd.f32 v7, v2;
	v53 =	vld [tilespmem:s26+$0xFFFFFA50];
	v7 =	vmul.f32 v56, v56  }
0x2a9: {  	v9 =	vadd.f32 v56, v9;
	v1 =	vadd.f32 v55, v1;
	v56 =	vld [tilespmem:s26+$0xFFFFFBF0];
	v55 =	vmul.f32 v59, v59  }
0x2aa: {  	v3 =	vadd.f32 v4, v3;
	v8 =	vadd.f32 v59, v8;
	v4 =	vmul.f32 v6, v6;
	v57 =	vld [tilespmem:s26+$0xFFFFFD90]  }
0x2ab: {  	v5 =	vadd.f32 v6, v5;
	v2 =	vadd.f32 v7, v2;
	v6 =	vld [tilespmem:s26+$0xFFFFFA60];
	v7 =	vmul.f32 v54, v54  }
0x2ac: {  	v9 =	vadd.f32 v54, v9;
	v1 =	vadd.f32 v55, v1;
	v54 =	vld [tilespmem:s26+$0xFFFFFC00];
	v55 =	vmul.f32 v52, v52  }
0x2ad: {  	v3 =	vadd.f32 v4, v3;
	v8 =	vadd.f32 v52, v8;
	v4 =	vmul.f32 v53, v53;
	v52 =	vld [tilespmem:s26+$0xFFFFFDA0]  }
0x2ae: {  	v5 =	vadd.f32 v53, v5;
	v2 =	vadd.f32 v7, v2;
	v53 =	vld [tilespmem:s26+$0xFFFFFA70];
	v7 =	vmul.f32 v56, v56  }
0x2af: {  	v9 =	vadd.f32 v56, v9;
	v1 =	vadd.f32 v55, v1;
	v56 =	vld [tilespmem:s26+$0xFFFFFC10];
	v55 =	vmul.f32 v57, v57  }
0x2b0: {  	v3 =	vadd.f32 v4, v3;
	v8 =	vadd.f32 v57, v8;
	v4 =	vmul.f32 v6, v6;
	v57 =	vld [tilespmem:s26+$0xFFFFFDB0]  }
0x2b1: {  	v5 =	vadd.f32 v6, v5;
	v2 =	vadd.f32 v7, v2;
	v6 =	vld [tilespmem:s26+$0xFFFFFA80];
	v7 =	vmul.f32 v54, v54  }
0x2b2: {  	v9 =	vadd.f32 v54, v9;
	v1 =	vadd.f32 v55, v1;
	v54 =	vld [tilespmem:s26+$0xFFFFFC20];
	v55 =	vmul.f32 v52, v52  }
0x2b3: {  	v3 =	vadd.f32 v4, v3;
	v8 =	vadd.f32 v52, v8;
	v4 =	vmul.f32 v53, v53;
	v52 =	vld [tilespmem:s26+$0xFFFFFDC0]  }
0x2b4: {  	v5 =	vadd.f32 v53, v5;
	v2 =	vadd.f32 v7, v2;
	v53 =	vld [tilespmem:s26+$0xFFFFFA90];
	v7 =	vmul.f32 v56, v56  }
0x2b5: {  	v9 =	vadd.f32 v56, v9;
	v1 =	vadd.f32 v55, v1;
	v56 =	vld [tilespmem:s26+$0xFFFFFC30];
	v55 =	vmul.f32 v57, v57  }
0x2b6: {  	v3 =	vadd.f32 v4, v3;
	v8 =	vadd.f32 v57, v8;
	v4 =	vmul.f32 v6, v6;
	v57 =	vld [tilespmem:s26+$0xFFFFFDD0]  }
0x2b7: {  	v5 =	vadd.f32 v6, v5;
	v2 =	vadd.f32 v7, v2;
	v6 =	vld [tilespmem:s26+$0xFFFFFAA0];
	v7 =	vmul.f32 v54, v54  }
0x2b8: {  	v9 =	vadd.f32 v54, v9;
	v1 =	vadd.f32 v55, v1;
	v54 =	vld [tilespmem:s26+$0xFFFFFC40];
	v55 =	vmul.f32 v52, v52  }
0x2b9: {  	v3 =	vadd.f32 v4, v3;
	v8 =	vadd.f32 v52, v8;
	v4 =	vmul.f32 v53, v53;
	v52 =	vld [tilespmem:s26+$0xFFFFFDE0]  }
0x2ba: {  	v5 =	vadd.f32 v53, v5;
	v2 =	vadd.f32 v7, v2;
	v53 =	vld [tilespmem:s26+$0xFFFFFAB0];
	v7 =	vmul.f32 v56, v56  }
0x2bb: {  	v9 =	vadd.f32 v56, v9;
	v1 =	vadd.f32 v55, v1;
	v56 =	vld [tilespmem:s26+$0xFFFFFC50];
	v55 =	vmul.f32 v57, v57  }
0x2bc: {  	v3 =	vadd.f32 v4, v3;
	v8 =	vadd.f32 v57, v8;
	v4 =	vmul.f32 v6, v6;
	v57 =	vld [tilespmem:s26+$0xFFFFFDF0]  }
0x2bd: {  	v5 =	vadd.f32 v6, v5;
	v2 =	vadd.f32 v7, v2;
	v6 =	vld [tilespmem:s26+$0xFFFFFAC0];
	v7 =	vmul.f32 v54, v54  }
0x2be: {  	v9 =	vadd.f32 v54, v9;
	v1 =	vadd.f32 v55, v1;
	v54 =	vld [tilespmem:s26+$0xFFFFFC60];
	v55 =	vmul.f32 v52, v52  }
0x2bf: {  	v3 =	vadd.f32 v4, v3;
	v8 =	vadd.f32 v52, v8;
	v4 =	vmul.f32 v53, v53;
	v52 =	vld [tilespmem:s26+$0xFFFFFE00]  }
0x2c0: {  	v5 =	vadd.f32 v53, v5;
	v2 =	vadd.f32 v7, v2;
	v53 =	vld [tilespmem:s26+$0xFFFFFAD0];
	v7 =	vmul.f32 v56, v56  }
0x2c1: {  	v9 =	vadd.f32 v56, v9;
	v1 =	vadd.f32 v55, v1;
	v56 =	vld [tilespmem:s26+$0xFFFFFC70];
	v55 =	vmul.f32 v57, v57  }
0x2c2: {  	v3 =	vadd.f32 v4, v3;
	v8 =	vadd.f32 v57, v8;
	v4 =	vmul.f32 v6, v6;
	v57 =	vld [tilespmem:s26+$0xFFFFFE10]  }
0x2c3: {  	v5 =	vadd.f32 v6, v5;
	v2 =	vadd.f32 v7, v2;
	v6 =	vld [tilespmem:s26+$0xFFFFFAE0];
	v7 =	vmul.f32 v54, v54  }
0x2c4: {  	v9 =	vadd.f32 v54, v9;
	v1 =	vadd.f32 v55, v1;
	v54 =	vld [tilespmem:s26+$0xFFFFFC80];
	v55 =	vmul.f32 v52, v52  }
0x2c5: {  	v3 =	vadd.f32 v4, v3;
	v8 =	vadd.f32 v52, v8;
	v4 =	vmul.f32 v53, v53;
	v52 =	vld [tilespmem:s26+$0xFFFFFE20]  }
0x2c6: {  	v5 =	vadd.f32 v53, v5;
	v2 =	vadd.f32 v7, v2;
	v53 =	vld [tilespmem:s26+$0xFFFFFAF0];
	v7 =	vmul.f32 v56, v56  }
0x2c7: {  	v9 =	vadd.f32 v56, v9;
	v1 =	vadd.f32 v55, v1;
	v56 =	vld [tilespmem:s26+$0xFFFFFC90];
	v55 =	vmul.f32 v57, v57  }
0x2c8: {  	v3 =	vadd.f32 v4, v3;
	v8 =	vadd.f32 v57, v8;
	v4 =	vmul.f32 v6, v6;
	v57 =	vld [tilespmem:s26+$0xFFFFFE30]  }
0x2c9: {  	v5 =	vadd.f32 v6, v5;
	v2 =	vadd.f32 v7, v2;
	v6 =	vld [tilespmem:s26+$0xFFFFFB00];
	v7 =	vmul.f32 v54, v54  }
0x2ca: {  	v9 =	vadd.f32 v54, v9;
	v1 =	vadd.f32 v55, v1;
	v59 =	vld [tilespmem:s26+$0xFFFFFCA0];
	v55 =	vmul.f32 v52, v52  }
0x2cb: {  	v3 =	vadd.f32 v4, v3;
	v8 =	vadd.f32 v52, v8;
	v4 =	vmul.f32 v53, v53;
	v52 =	vld [tilespmem:s26+$0xFFFFFE40]  }
0x2cc: {  	v5 =	vadd.f32 v53, v5;
	v2 =	vadd.f32 v7, v2;
	v53 =	vld [tilespmem:s26+$0xFFFFFB10];
	v7 =	vmul.f32 v56, v56  }
.Ltmp3:
0x2cd: {  	v9 =	vadd.f32 v56, v9;
	v61 =	vadd.f32 v55, v1;
	v54 =	vld [tilespmem:s26+$0xFFFFFCB0];
	v62 =	vmul.f32 v57, v57;
	(pc) =	sbr.rel @p1 .LBB2_5-.Ltmp3, $4  }
0x2ce: {  	v3 =	vadd.f32 v4, v3;
	v8 =	vadd.f32 v57, v8;
	v4 =	vmul.f32 v6, v6;
	v55 =	vld [tilespmem:s26+$0xFFFFFE50]  }
0x2cf: {  	v58 =	vadd.f32 v6, v5;
	v60 =	vadd.f32 v7, v2;
	v56 =	vld [tilespmem:s26+$0xFFFFFB20];
	v1 =	vmul.f32 v59, v59  }
0x2d0: {  	v59 =	vadd.f32 v59, v9;
	v61 =	vadd.f32 v62, v61;
	v57 =	vld [tilespmem:s26+$0xFFFFFCC0];
	v2 =	vmul.f32 v52, v52  }
0x2d1: {  	v62 =	vadd.f32 v4, v3;
	v63 =	vadd.f32 v52, v8;
	v3 =	vmul.f32 v53, v53;
	v52 =	vld [tilespmem:s26+$0xFFFFFE60];
	s26 =	sadd.s32 $0x680, s26  }
0x2d2: {  	v4 =	vadd.f32 v53, v58;
	v1 =	vadd.f32 v1, v60;
	v5 =	vmul.f32 v54, v54  }
0x2d3: {  	v6 =	vadd.f32 v54, v59;
	v2 =	vadd.f32 v2, v61;
	v7 =	vmul.f32 v55, v55  }
0x2d4: {  	v3 =	vadd.f32 v3, v62;
	v9 =	vadd.f32 v55, v63;
	v8 =	vmul.f32 v56, v56  }
0x2d5: {  	v4 =	vadd.f32 v56, v4;
	v1 =	vadd.f32 v5, v1;
	v5 =	vmul.f32 v57, v57  }
0x2d6: {  	v6 =	vadd.f32 v57, v6;
	v2 =	vadd.f32 v7, v2;
	v57 =	vmul.f32 v52, v52  }
0x2d7: {  	v3 =	vadd.f32 v8, v3;
	v4 =	vmul.f32 v4, v4;
	v8 =	vadd.f32 v52, v9  }
0x2d8: {  	v1 =	vadd.f32 v5, v1;
	v5 =	vmul.f32 v6, v6  }
0x2d9: {  	v2 =	vadd.f32 v57, v2;
	v58 =	vmul.f32 v8, v8;
	v3 =	vsub.f32 v4, v3  }
0x2da: {  	v1 =	vsub.f32 v5, v1  }
0x2db: {  	[tilespmem:s29+$0xFFFFFFD0] =	vst v3;
	v2 =	vsub.f32 v58, v2  }
0x2dc: {  	[tilespmem:s29+$0xFFFFFFE0] =	vst v1  }
0x2dd: {  	s25 =	sadd.s32 @!p0 $0x1040, s13;
	s26 =	simm.s32 @!p0 $0x340;
	[tilespmem:s29+$0xFFFFFFF0] =	vst v2;
	s29 =	simm.s32 @!p0 $0x6800  }
0x2de: {  	[tilespmem:s29], [sflag:$0x2] =	stream.indirect.gather @!p0 [hbm4b:s4+s26], $0x10, s25, s26, $0xb8;
	[tilespmem:$0x13300] =	vst v63  }
0x2df: {  	s29 =	simm.s32 @!p0 $0x10740  }
0x2e0: {  	[tilespmem:s29], [sflag:$0x2] =	stream.indirect.gather @!p0 [hbm4b:s0+s26], $0x1, s25, s26, $0xb8;
	[tilespmem:$0x13300] =	vst v63  }
0x2e1: {  	_ =	swait.ge [sflag:s23], $0x3400  }
0x2e2: {  	[sflag:s23] =	ssyncset.done $0x0  }
0x2e3: {  	[sflag:s23] =	ssyncadd.s32 $0xFFFFCC00  }
0x2e4: {  	_ =	swait.ge [sflag:s23], $0x340  }
0x2e5: {  	v2 =	vld [tilespmem:$0x1FF70];
	_ =	sdelay $0x1  }
0x2e6: {  	v3 =	vld [tilespmem:$0x1FF80];
	_ =	sdelay $0x1  }
0x2e7: {  	v4 =	vld [tilespmem:$0x1FF90]  }
0x2e8: {  	[sflag:s23] =	ssyncset.done $0x0  }
0x2e9: {  	[sflag:s23] =	ssyncadd.s32 $0xFFFFFCC0  }
0x2ea: {  	v1 =	vld.idx.msk [tilespmem:v0+s17+$0x0], $0xffff  }
0x2eb: {  	v2 =	vld.idx.msk [tilespmem:v2+s17+$0x0], $0xffff;
	_ =	sdelay $0x1  }
0x2ec: {  	v3 =	vld.idx.msk [tilespmem:v3+s17+$0x0], $0xffff;
	_ =	sdelay $0x1  }
0x2ed: {  	v4 =	vld.idx.msk [tilespmem:v4+s17+$0x0], $0xffff  }
0x2ee: {  	v1 =	vadd.f32 v2, v1;
	v2 =	vld [tilespmem:$0x1FFA0];
	_ =	sdelay $0x1  }
0x2ef: {  	v1 =	vadd.f32 v3, v1;
	v3 =	vld [tilespmem:$0x1FFB0];
	_ =	sdelay $0x1  }
0x2f0: {  	v1 =	vadd.f32 v4, v1;
	v4 =	vld [tilespmem:$0x1FFC0];
	_ =	sdelay $0x3  }
0x2f1: {  	v2 =	vld.idx.msk [tilespmem:v2+s17+$0x0], $0xffff;
	_ =	sdelay $0x1  }
0x2f2: {  	v3 =	vld.idx.msk [tilespmem:v3+s17+$0x0], $0xffff;
	_ =	sdelay $0x1  }
0x2f3: {  	v4 =	vld.idx.msk [tilespmem:v4+s17+$0x0], $0xffff  }
0x2f4: {  	v1 =	vadd.f32 v2, v1;
	v2 =	vld [tilespmem:$0x1FFD0];
	_ =	sdelay $0x1  }
0x2f5: {  	v1 =	vadd.f32 v3, v1;
	v3 =	vld [tilespmem:$0x1FFE0];
	_ =	sdelay $0x1  }
0x2f6: {  	v1 =	vadd.f32 v4, v1;
	v4 =	vld [tilespmem:$0x1FFF0];
	_ =	sdelay $0x3  }
0x2f7: {  	v2 =	vld.idx.msk [tilespmem:v2+s17+$0x0], $0xffff;
	_ =	sdelay $0x1  }
0x2f8: {  	v3 =	vld.idx.msk [tilespmem:v3+s17+$0x0], $0xffff;
	_ =	sdelay $0x1  }
0x2f9: {  	v4 =	vld.idx.msk [tilespmem:v4+s17+$0x0], $0xffff  }
0x2fa: {  	v1 =	vadd.f32 v2, v1  }
0x2fb: {  	v2 =	vld.idx.msk [tilespmem:v10+s17+$0x0], $0xffff  }
0x2fc: {  	v1 =	vadd.f32 v3, v1  }
0x2fd: {  	v3 =	vld.idx.msk [tilespmem:v11+s17+$0x0], $0xffff  }
0x2fe: {  	v1 =	vadd.f32 v4, v1  }
0x2ff: {  	v4 =	vld.idx.msk [tilespmem:v12+s17+$0x0], $0xffff  }
0x300: {  	v1 =	vadd.f32 v2, v1  }
0x301: {  	v2 =	vld.idx.msk [tilespmem:v13+s17+$0x0], $0xffff  }
0x302: {  	v1 =	vadd.f32 v3, v1  }
0x303: {  	v3 =	vld.idx.msk [tilespmem:v14+s17+$0x0], $0xffff  }
0x304: {  	v1 =	vadd.f32 v4, v1  }
0x305: {  	v4 =	vld.idx.msk [tilespmem:v15+s17+$0x0], $0xffff  }
0x306: {  	v1 =	vadd.f32 v2, v1  }
0x307: {  	v2 =	vld.idx.msk [tilespmem:v16+s17+$0x0], $0xffff  }
0x308: {  	v1 =	vadd.f32 v3, v1  }
0x309: {  	v3 =	vld.idx.msk [tilespmem:v17+s17+$0x0], $0xffff  }
0x30a: {  	v1 =	vadd.f32 v4, v1  }
0x30b: {  	v4 =	vld.idx.msk [tilespmem:v18+s17+$0x0], $0xffff  }
0x30c: {  	v1 =	vadd.f32 v2, v1  }
0x30d: {  	v2 =	vld.idx.msk [tilespmem:v19+s17+$0x0], $0xffff  }
0x30e: {  	v1 =	vadd.f32 v3, v1  }
0x30f: {  	v3 =	vld.idx.msk [tilespmem:v20+s17+$0x0], $0xffff  }
0x310: {  	v1 =	vadd.f32 v4, v1  }
0x311: {  	v4 =	vld.idx.msk [tilespmem:v21+s17+$0x0], $0xffff  }
0x312: {  	v1 =	vadd.f32 v2, v1  }
0x313: {  	v2 =	vld.idx.msk [tilespmem:v22+s17+$0x0], $0xffff  }
0x314: {  	v1 =	vadd.f32 v3, v1  }
0x315: {  	v3 =	vld.idx.msk [tilespmem:v23+s17+$0x0], $0xffff  }
0x316: {  	v1 =	vadd.f32 v4, v1  }
0x317: {  	v4 =	vld.idx.msk [tilespmem:v24+s17+$0x0], $0xffff  }
0x318: {  	v1 =	vadd.f32 v2, v1  }
0x319: {  	v2 =	vld.idx.msk [tilespmem:v25+s17+$0x0], $0xffff  }
0x31a: {  	v1 =	vadd.f32 v3, v1;
	_ =	sdelay $0x1  }
0x31b: {  	v1 =	vadd.f32 v4, v1;
	_ =	sdelay $0x1  }
0x31c: {  	v1 =	vadd.f32 v2, v1;
	_ =	sdelay $0x1  }
0x31d: {  	[tilespmem:s11+$0x13140] =	vst v1  }
0x31e: {  	v1 =	vld.idx.msk [tilespmem:v26+s17+$0x0], $0xffff  }
0x31f: {  	v2 =	vld.idx.msk [tilespmem:v27+s17+$0x0], $0xffff;
	_ =	sdelay $0x1  }
0x320: {  	v3 =	vld.idx.msk [tilespmem:v28+s17+$0x0], $0xffff;
	_ =	sdelay $0x1  }
0x321: {  	v4 =	vld.idx.msk [tilespmem:v29+s17+$0x0], $0xffff  }
0x322: {  	v1 =	vadd.f32 v2, v1  }
0x323: {  	v2 =	vld.idx.msk [tilespmem:v30+s17+$0x0], $0xffff  }
0x324: {  	v1 =	vadd.f32 v3, v1  }
0x325: {  	v3 =	vld.idx.msk [tilespmem:v31+s17+$0x0], $0xffff  }
0x326: {  	v1 =	vadd.f32 v4, v1  }
0x327: {  	v4 =	vld.idx.msk [tilespmem:v32+s17+$0x0], $0xffff  }
0x328: {  	v1 =	vadd.f32 v2, v1  }
0x329: {  	v2 =	vld.idx.msk [tilespmem:v33+s17+$0x0], $0xffff  }
0x32a: {  	v1 =	vadd.f32 v3, v1  }
0x32b: {  	v3 =	vld.idx.msk [tilespmem:v34+s17+$0x0], $0xffff  }
0x32c: {  	v1 =	vadd.f32 v4, v1  }
0x32d: {  	v4 =	vld.idx.msk [tilespmem:v35+s17+$0x0], $0xffff  }
0x32e: {  	v1 =	vadd.f32 v2, v1  }
0x32f: {  	v2 =	vld.idx.msk [tilespmem:v36+s17+$0x0], $0xffff  }
0x330: {  	v1 =	vadd.f32 v3, v1  }
0x331: {  	v3 =	vld.idx.msk [tilespmem:v37+s17+$0x0], $0xffff  }
0x332: {  	v1 =	vadd.f32 v4, v1  }
0x333: {  	v4 =	vld.idx.msk [tilespmem:v38+s17+$0x0], $0xffff  }
0x334: {  	v1 =	vadd.f32 v2, v1  }
0x335: {  	v2 =	vld.idx.msk [tilespmem:v39+s17+$0x0], $0xffff  }
0x336: {  	v1 =	vadd.f32 v3, v1  }
0x337: {  	v3 =	vld.idx.msk [tilespmem:v40+s17+$0x0], $0xffff  }
0x338: {  	v1 =	vadd.f32 v4, v1  }
0x339: {  	v4 =	vld.idx.msk [tilespmem:v41+s17+$0x0], $0xffff  }
0x33a: {  	v1 =	vadd.f32 v2, v1  }
0x33b: {  	v2 =	vld.idx.msk [tilespmem:v42+s17+$0x0], $0xffff  }
0x33c: {  	v1 =	vadd.f32 v3, v1  }
0x33d: {  	v3 =	vld.idx.msk [tilespmem:v43+s17+$0x0], $0xffff  }
0x33e: {  	v1 =	vadd.f32 v4, v1  }
0x33f: {  	v4 =	vld.idx.msk [tilespmem:v44+s17+$0x0], $0xffff  }
0x340: {  	v1 =	vadd.f32 v2, v1  }
0x341: {  	v2 =	vld.idx.msk [tilespmem:v45+s17+$0x0], $0xffff  }
0x342: {  	v1 =	vadd.f32 v3, v1  }
0x343: {  	v3 =	vld.idx.msk [tilespmem:v46+s17+$0x0], $0xffff  }
0x344: {  	v1 =	vadd.f32 v4, v1  }
0x345: {  	v4 =	vld.idx.msk [tilespmem:v47+s17+$0x0], $0xffff  }
0x346: {  	v1 =	vadd.f32 v2, v1  }
0x347: {  	v2 =	vld.idx.msk [tilespmem:v48+s17+$0x0], $0xffff  }
0x348: {  	v1 =	vadd.f32 v3, v1  }
0x349: {  	v3 =	vld.idx.msk [tilespmem:v49+s17+$0x0], $0xffff  }
0x34a: {  	v1 =	vadd.f32 v4, v1  }
0x34b: {  	v4 =	vld.idx.msk [tilespmem:v50+s17+$0x0], $0xffff  }
0x34c: {  	v1 =	vadd.f32 v2, v1  }
0x34d: {  	v2 =	vld.idx.msk [tilespmem:v51+s17+$0x0], $0xffff  }
0x34e: {  	v1 =	vadd.f32 v3, v1;
	_ =	sdelay $0x1  }
0x34f: {  	v1 =	vadd.f32 v4, v1;
	_ =	sdelay $0x1  }
0x350: {  	v1 =	vadd.f32 v2, v1;
	_ =	sdelay $0x1  }
0x351: {  	s26 =	simm.s32 $0xA270;
	[tilespmem:s11+$0x13150] =	vst v1  }
0x352: {  	v1 =	vld [tilespmem:s26+$0xFFFFFE70]  }
0x353: {  	v2 =	vld [tilespmem:s26+$0xFFFFFE80]  }
0x354: {  	v3 =	vld [tilespmem:s26+$0xFFFFF9A0]  }
0x355: {  	v5 =	vld [tilespmem:s26+$0xFFFFFB30]  }
0x356: {  	v7 =	vld [tilespmem:s26+$0xFFFFFB40]  }
0x357: {  	v4 =	vld [tilespmem:s26+$0xFFFFFE90]  }
0x358: {  	v59 =	vld [tilespmem:s26+$0xFFFFFEA0]  }
0x359: {  	v9 =	vld [tilespmem:s26+$0xFFFFFEB0]  }
0x35a: {  	v52 =	vld [tilespmem:s26+$0xFFFFFCD0];
	v8 =	vmul.f32 v1, v1;
	v1 =	vadd.f32 v2, v1;
	v2 =	vmul.f32 v2, v2  }
0x35b: {  	v53 =	vld [tilespmem:s26+$0xFFFFFCE0];
	v60 =	vmul.f32 v5, v5;
	v61 =	vmul.f32 v7, v7  }
0x35c: {  	v63 =	vld [tilespmem:s26+$0xFFFFF990];
	v2 =	vadd.f32 v2, v8;
	v1 =	vadd.f32 v4, v1;
	v4 =	vmul.f32 v4, v4  }
0x35d: {  	v8 =	vld [tilespmem:s26+$0xFFFFFEC0];
	v6 =	vadd.f32 v61, v60  }
0x35e: {  	v60 =	vld [tilespmem:s26+$0xFFFFF9B0];
	v2 =	vadd.f32 v4, v2;
	v1 =	vadd.f32 v59, v1;
	v4 =	vmul.f32 v59, v59  }
0x35f: {  	v62 =	vld [tilespmem:s26+$0xFFFFFED0];
	v5 =	vadd.f32 v7, v5  }
0x360: {  	v57 =	vld [tilespmem:s26+$0xFFFFFEF0];
	v2 =	vadd.f32 v4, v2;
	v1 =	vadd.f32 v9, v1;
	v4 =	vmul.f32 v9, v9  }
0x361: {  	v58 =	vld [tilespmem:s26+$0xFFFFFB50];
	v61 =	vmul.f32 v63, v63;
	v9 =	vmul.f32 v3, v3;
	v3 =	vadd.f32 v3, v63  }
0x362: {  	v7 =	vld [tilespmem:s26+$0xFFFFFEE0];
	v2 =	vadd.f32 v4, v2;
	v1 =	vadd.f32 v8, v1;
	v4 =	vmul.f32 v8, v8  }
0x363: {  	v59 =	vadd.f32 v9, v61;
	v3 =	vadd.f32 v60, v3;
	v9 =	vmul.f32 v60, v60;
	v60 =	vld [tilespmem:s26+$0xFFFFF9C0]  }
0x364: {  	v8 =	vmul.f32 v52, v52;
	v52 =	vadd.f32 v53, v52;
	v53 =	vmul.f32 v53, v53;
	v61 =	vld [tilespmem:s26+$0xFFFFFB60]  }
0x365: {  	v2 =	vadd.f32 v4, v2;
	v1 =	vadd.f32 v62, v1;
	v4 =	vmul.f32 v62, v62  }
0x366: {  	v5 =	vadd.f32 v58, v5;
	v63 =	vld [tilespmem:s26+$0xFFFFFCF0];
	v8 =	vadd.f32 v53, v8  }
0x367: {  	v62 =	vld [tilespmem:s26+$0xFFFFFF00];
	v2 =	vadd.f32 v4, v2;
	v1 =	vadd.f32 v7, v1;
	v4 =	vmul.f32 v7, v7  }
0x368: {  	v55 =	vld [tilespmem:s26+$0xFFFFF9D0];
	v7 =	vadd.f32 v9, v59;
	v9 =	vmul.f32 v58, v58;
	v3 =	vadd.f32 v60, v3  }
0x369: {  	v5 =	vadd.f32 v61, v5;
	v2 =	vadd.f32 v4, v2;
	v4 =	vmul.f32 v57, v57  }
0x36a: {  	v54 =	vld [tilespmem:s26+$0xFFFFFF10];
	v60 =	vmul.f32 v60, v60;
	v1 =	vadd.f32 v57, v1;
	v6 =	vadd.f32 v9, v6  }
0x36b: {  	v61 =	vmul.f32 v61, v61;
	v57 =	vld [tilespmem:s26+$0xFFFFFF20];
	v9 =	vadd.f32 v63, v52;
	v2 =	vadd.f32 v4, v2  }
0x36c: {  	v1 =	vadd.f32 v62, v1;
	v4 =	vmul.f32 v62, v62;
	v62 =	vmul.f32 v63, v63;
	v63 =	vld [tilespmem:s26+$0xFFFFFD00]  }
0x36d: {  	v3 =	vadd.f32 v55, v3;
	v6 =	vadd.f32 v61, v6;
	v61 =	vmul.f32 v55, v55;
	v55 =	vld [tilespmem:s26+$0xFFFFF9E0]  }
0x36e: {  	v53 =	vld [tilespmem:s26+$0xFFFFFF30];
	v7 =	vadd.f32 v60, v7;
	v2 =	vadd.f32 v4, v2  }
0x36f: {  	v1 =	vadd.f32 v54, v1;
	v4 =	vmul.f32 v54, v54;
	v8 =	vadd.f32 v62, v8;
	v62 =	vld [tilespmem:s26+$0xFFFFFB70]  }
0x370: {  	v52 =	vld [tilespmem:s26+$0xFFFFFF40];
	v7 =	vadd.f32 v61, v7  }
0x371: {  	v60 =	vld [tilespmem:s26+$0xFFFFFD10];
	v2 =	vadd.f32 v4, v2;
	v1 =	vadd.f32 v57, v1;
	v4 =	vmul.f32 v57, v57  }
0x372: {  	v57 =	vld [tilespmem:s26+$0xFFFFFF50];
	v9 =	vadd.f32 v63, v9;
	v63 =	vmul.f32 v63, v63;
	v3 =	vadd.f32 v55, v3  }
0x373: {  	v2 =	vadd.f32 v4, v2;
	v1 =	vadd.f32 v53, v1;
	v4 =	vmul.f32 v53, v53  }
0x374: {  	v54 =	vld [tilespmem:s26+$0xFFFFFF60];
	v8 =	vadd.f32 v63, v8;
	v5 =	vadd.f32 v62, v5  }
0x375: {  	v61 =	vld [tilespmem:s26+$0xFFFFFD20];
	v2 =	vadd.f32 v4, v2;
	v1 =	vadd.f32 v52, v1;
	v4 =	vmul.f32 v52, v52  }
0x376: {  	v53 =	vld [tilespmem:s26+$0xFFFFFF70];
	v62 =	vmul.f32 v62, v62;
	v9 =	vadd.f32 v60, v9;
	v60 =	vmul.f32 v60, v60  }
0x377: {  	v63 =	vld [tilespmem:s26+$0xFFFFFB80];
	v2 =	vadd.f32 v4, v2;
	v1 =	vadd.f32 v57, v1;
	v4 =	vmul.f32 v57, v57  }
0x378: {  	v6 =	vadd.f32 v62, v6;
	v62 =	vmul.f32 v55, v55;
	v8 =	vadd.f32 v60, v8;
	v57 =	vld [tilespmem:s26+$0xFFFFFF80]  }
0x379: {  	v55 =	vld [tilespmem:s26+$0xFFFFF9F0];
	v2 =	vadd.f32 v4, v2;
	v1 =	vadd.f32 v54, v1;
	v4 =	vmul.f32 v54, v54  }
0x37a: {  	v9 =	vadd.f32 v61, v9;
	v61 =	vmul.f32 v61, v61;
	v7 =	vadd.f32 v62, v7;
	v54 =	vld [tilespmem:s26+$0xFFFFFF90]  }
0x37b: {  	v60 =	vld [tilespmem:s26+$0xFFFFFB90];
	v2 =	vadd.f32 v4, v2;
	v1 =	vadd.f32 v53, v1;
	v4 =	vmul.f32 v53, v53  }
0x37c: {  	v52 =	vld [tilespmem:s26+$0xFFFFFFA0];
	v8 =	vadd.f32 v61, v8;
	v5 =	vadd.f32 v63, v5  }
0x37d: {  	v61 =	vld [tilespmem:s26+$0xFFFFFBA0];
	v2 =	vadd.f32 v4, v2;
	v1 =	vadd.f32 v57, v1;
	v4 =	vmul.f32 v57, v57  }
0x37e: {  	v63 =	vmul.f32 v63, v63;
	v3 =	vadd.f32 v55, v3;
	v59 =	vmul.f32 v55, v55;
	v57 =	vld [tilespmem:s26+$0xFFFFFFB0]  }
0x37f: {  	v55 =	vld [tilespmem:s26+$0xFFFFFA00];
	v2 =	vadd.f32 v4, v2;
	v1 =	vadd.f32 v54, v1;
	v4 =	vmul.f32 v54, v54  }
0x380: {  	v62 =	vld [tilespmem:s26+$0xFFFFFFC0];
	v6 =	vadd.f32 v63, v6;
	v5 =	vadd.f32 v60, v5;
	v60 =	vmul.f32 v60, v60  }
0x381: {  	v63 =	vld [tilespmem:s26+$0xFFFFFD30];
	v2 =	vadd.f32 v4, v2;
	v1 =	vadd.f32 v52, v1;
	v4 =	vmul.f32 v52, v52  }
0x382: {  	v53 =	vld [tilespmem:s26+$0xFFFFFFD0];
	v7 =	vadd.f32 v59, v7;
	v6 =	vadd.f32 v60, v6  }
0x383: {  	v2 =	vadd.f32 v4, v2;
	v1 =	vadd.f32 v57, v1;
	v4 =	vmul.f32 v57, v57  }
0x384: {  	v5 =	vadd.f32 v61, v5;
	v3 =	vadd.f32 v55, v3;
	v60 =	vmul.f32 v55, v55;
	v57 =	vld [tilespmem:s26+$0xFFFFFFE0]  }
0x385: {  	v55 =	vld [tilespmem:s26+$0xFFFFFA10];
	v2 =	vadd.f32 v4, v2;
	v1 =	vadd.f32 v62, v1;
	v4 =	vmul.f32 v62, v62  }
0x386: {  	v61 =	vmul.f32 v61, v61;
	v54 =	vld [tilespmem:s26+$0xFFFFFFF0];
	v9 =	vadd.f32 v63, v9;
	v62 =	vmul.f32 v63, v63  }
0x387: {  	v63 =	vld [tilespmem:s26+$0xFFFFFD40];
	v2 =	vadd.f32 v4, v2;
	v1 =	vadd.f32 v53, v1;
	v4 =	vmul.f32 v53, v53  }
0x388: {  	v6 =	vadd.f32 v61, v6;
	v52 =	vld [tilespmem:s26+$0x0];
	v8 =	vadd.f32 v62, v8  }
0x389: {  	v62 =	vld [tilespmem:s26+$0xFFFFFD50];
	v2 =	vadd.f32 v4, v2;
	v1 =	vadd.f32 v57, v1;
	v4 =	vmul.f32 v57, v57  }
0x38a: {  	v7 =	vadd.f32 v60, v7;
	v60 =	vld [tilespmem:s26+$0xFFFFFBC0];
	v3 =	vadd.f32 v55, v3;
	v61 =	vmul.f32 v55, v55  }
0x38b: {  	v57 =	vld [tilespmem:s26+$0xFFFFFBB0];
	v2 =	vadd.f32 v4, v2;
	v1 =	vadd.f32 v54, v1;
	v4 =	vmul.f32 v54, v54  }
0x38c: {  	v7 =	vadd.f32 v61, v7;
	v9 =	vadd.f32 v63, v9;
	v63 =	vmul.f32 v63, v63;
	v54 =	vld [tilespmem:s26+$0xFFFFFA20]  }
0x38d: {  	v53 =	vld [tilespmem:s26+$0xFFFFFD60];
	v2 =	vadd.f32 v4, v2;
	v1 =	vadd.f32 v52, v1;
	v4 =	vmul.f32 v52, v52  }
0x38e: {  	v8 =	vadd.f32 v63, v8;
	v9 =	vadd.f32 v62, v9  }
0x38f: {  	v55 =	vld [tilespmem:s26+$0xFFFFFA30];
	v58 =	vmul.f32 v62, v62;
	v2 =	vadd.f32 v4, v2;
	v1 =	vmul.f32 v1, v1  }
0x390: {  	v63 =	vmul.f32 v60, v60;
	v5 =	vadd.f32 v57, v5;
	v4 =	vmul.f32 v57, v57;
	v57 =	vld [tilespmem:s26+$0xFFFFFBD0]  }
0x391: {  	v8 =	vadd.f32 v58, v8;
	v62 =	vmul.f32 v54, v54;
	v52 =	vsub.f32 v1, v2;
	v1 =	vld [tilespmem:s26+$0xFFFFFD70]  }
0x392: {  	v5 =	vadd.f32 v60, v5;
	v60 =	vmul.f32 v53, v53;
	v2 =	vadd.f32 v54, v3;
	v3 =	vld [tilespmem:s26+$0xFFFFFA40]  }
0x393: {  	v9 =	vadd.f32 v53, v9;
	v4 =	vadd.f32 v4, v6;
	v54 =	vld [tilespmem:s26+$0xFFFFFBE0]  }
0x394: {  	v61 =	vmul.f32 v55, v55;
	v53 =	vld [tilespmem:s26+$0xFFFFFD80];
	v7 =	vadd.f32 v62, v7;
	v8 =	vadd.f32 v60, v8  }
0x395: {  	v2 =	vadd.f32 v55, v2;
	v55 =	vld [tilespmem:s26+$0xFFFFFA50];
	v4 =	vadd.f32 v63, v4;
	v62 =	vmul.f32 v57, v57  }
0x396: {  	v5 =	vadd.f32 v57, v5;
	v57 =	vld [tilespmem:s26+$0xFFFFFBF0];
	v7 =	vadd.f32 v61, v7;
	v63 =	vmul.f32 v1, v1  }
0x397: {  	v60 =	vmul.f32 v3, v3;
	v1 =	vadd.f32 v1, v9;
	v9 =	vld [tilespmem:s26+$0xFFFFFD90];
	v2 =	vadd.f32 v3, v2  }
0x398: {  	v3 =	vld [tilespmem:s26+$0xFFFFFA60];
	v4 =	vadd.f32 v62, v4;
	v61 =	vmul.f32 v54, v54;
	v5 =	vadd.f32 v54, v5  }
0x399: {  	v54 =	vld [tilespmem:s26+$0xFFFFFC00];
	v62 =	vmul.f32 v53, v53;
	v8 =	vadd.f32 v63, v8;
	v7 =	vadd.f32 v60, v7  }
0x39a: {  	v63 =	vmul.f32 v55, v55;
	v1 =	vadd.f32 v53, v1;
	v53 =	vld [tilespmem:s26+$0xFFFFFDA0];
	v2 =	vadd.f32 v55, v2  }
0x39b: {  	v55 =	vld [tilespmem:s26+$0xFFFFFA70];
	v4 =	vadd.f32 v61, v4;
	v60 =	vmul.f32 v57, v57;
	v5 =	vadd.f32 v57, v5  }
0x39c: {  	v57 =	vld [tilespmem:s26+$0xFFFFFC10];
	v8 =	vadd.f32 v62, v8;
	v7 =	vadd.f32 v63, v7;
	v61 =	vmul.f32 v9, v9  }
0x39d: {  	v62 =	vmul.f32 v3, v3;
	v1 =	vadd.f32 v9, v1;
	v9 =	vld [tilespmem:s26+$0xFFFFFDB0];
	v2 =	vadd.f32 v3, v2  }
0x39e: {  	v3 =	vld [tilespmem:s26+$0xFFFFFA80];
	v4 =	vadd.f32 v60, v4;
	v63 =	vmul.f32 v54, v54;
	v5 =	vadd.f32 v54, v5  }
0x39f: {  	v54 =	vld [tilespmem:s26+$0xFFFFFC20];
	v8 =	vadd.f32 v61, v8;
	v60 =	vmul.f32 v53, v53;
	v7 =	vadd.f32 v62, v7  }
0x3a0: {  	v61 =	vmul.f32 v55, v55;
	v1 =	vadd.f32 v53, v1;
	v53 =	vld [tilespmem:s26+$0xFFFFFDC0];
	v2 =	vadd.f32 v55, v2  }
0x3a1: {  	v55 =	vld [tilespmem:s26+$0xFFFFFA90];
	v4 =	vadd.f32 v63, v4;
	v62 =	vmul.f32 v57, v57;
	v5 =	vadd.f32 v57, v5  }
0x3a2: {  	v57 =	vld [tilespmem:s26+$0xFFFFFC30];
	v8 =	vadd.f32 v60, v8;
	v7 =	vadd.f32 v61, v7;
	v63 =	vmul.f32 v9, v9  }
0x3a3: {  	v60 =	vmul.f32 v3, v3;
	v1 =	vadd.f32 v9, v1;
	v9 =	vld [tilespmem:s26+$0xFFFFFDD0];
	v2 =	vadd.f32 v3, v2  }
0x3a4: {  	v3 =	vld [tilespmem:s26+$0xFFFFFAA0];
	v4 =	vadd.f32 v62, v4;
	v61 =	vmul.f32 v54, v54;
	v5 =	vadd.f32 v54, v5  }
0x3a5: {  	v54 =	vld [tilespmem:s26+$0xFFFFFC40];
	v8 =	vadd.f32 v63, v8;
	v62 =	vmul.f32 v53, v53;
	v7 =	vadd.f32 v60, v7  }
0x3a6: {  	v63 =	vmul.f32 v55, v55;
	v1 =	vadd.f32 v53, v1;
	v53 =	vld [tilespmem:s26+$0xFFFFFDE0];
	v2 =	vadd.f32 v55, v2  }
0x3a7: {  	v55 =	vld [tilespmem:s26+$0xFFFFFAB0];
	v4 =	vadd.f32 v61, v4;
	v60 =	vmul.f32 v57, v57;
	v5 =	vadd.f32 v57, v5  }
0x3a8: {  	v57 =	vld [tilespmem:s26+$0xFFFFFC50];
	v8 =	vadd.f32 v62, v8;
	v7 =	vadd.f32 v63, v7;
	v61 =	vmul.f32 v9, v9  }
0x3a9: {  	v62 =	vmul.f32 v3, v3;
	v1 =	vadd.f32 v9, v1;
	v9 =	vld [tilespmem:s26+$0xFFFFFDF0];
	v2 =	vadd.f32 v3, v2  }
0x3aa: {  	v3 =	vld [tilespmem:s26+$0xFFFFFAC0];
	v4 =	vadd.f32 v60, v4;
	v63 =	vmul.f32 v54, v54;
	v5 =	vadd.f32 v54, v5  }
0x3ab: {  	v54 =	vld [tilespmem:s26+$0xFFFFFC60];
	v8 =	vadd.f32 v61, v8;
	v60 =	vmul.f32 v53, v53;
	v7 =	vadd.f32 v62, v7  }
0x3ac: {  	v61 =	vmul.f32 v55, v55;
	v1 =	vadd.f32 v53, v1;
	v53 =	vld [tilespmem:s26+$0xFFFFFE00];
	v2 =	vadd.f32 v55, v2  }
0x3ad: {  	v55 =	vld [tilespmem:s26+$0xFFFFFAD0];
	v4 =	vadd.f32 v63, v4;
	v62 =	vmul.f32 v57, v57;
	v5 =	vadd.f32 v57, v5  }
0x3ae: {  	v57 =	vld [tilespmem:s26+$0xFFFFFC70];
	v8 =	vadd.f32 v60, v8;
	v7 =	vadd.f32 v61, v7;
	v63 =	vmul.f32 v9, v9  }
0x3af: {  	v60 =	vmul.f32 v3, v3;
	v1 =	vadd.f32 v9, v1;
	v9 =	vld [tilespmem:s26+$0xFFFFFE10];
	v2 =	vadd.f32 v3, v2  }
0x3b0: {  	v3 =	vld [tilespmem:s26+$0xFFFFFAE0];
	v4 =	vadd.f32 v62, v4;
	v61 =	vmul.f32 v54, v54;
	v5 =	vadd.f32 v54, v5  }
0x3b1: {  	v54 =	vld [tilespmem:s26+$0xFFFFFC80];
	v8 =	vadd.f32 v63, v8;
	v62 =	vmul.f32 v53, v53;
	v7 =	vadd.f32 v60, v7  }
0x3b2: {  	v63 =	vmul.f32 v55, v55;
	v1 =	vadd.f32 v53, v1;
	v60 =	vld [tilespmem:s26+$0xFFFFFE20];
	v2 =	vadd.f32 v55, v2  }
0x3b3: {  	v55 =	vld [tilespmem:s26+$0xFFFFFAF0];
	v4 =	vadd.f32 v61, v4;
	v61 =	vmul.f32 v57, v57;
	v5 =	vadd.f32 v57, v5  }
0x3b4: {  	v57 =	vld [tilespmem:s26+$0xFFFFFC90];
	v8 =	vadd.f32 v62, v8;
	v7 =	vadd.f32 v63, v7;
	v62 =	vmul.f32 v9, v9  }
0x3b5: {  	v63 =	vmul.f32 v3, v3;
	v1 =	vadd.f32 v9, v1;
	v9 =	vld [tilespmem:s26+$0xFFFFFE30];
	v2 =	vadd.f32 v3, v2  }
0x3b6: {  	v3 =	vld [tilespmem:s26+$0xFFFFFB00];
	v4 =	vadd.f32 v61, v4;
	v6 =	vmul.f32 v54, v54;
	v5 =	vadd.f32 v54, v5  }
0x3b7: {  	v59 =	vld [tilespmem:s26+$0xFFFFFCA0];
	v8 =	vadd.f32 v62, v8;
	v56 =	vmul.f32 v60, v60;
	v7 =	vadd.f32 v63, v7  }
0x3b8: {  	v53 =	vld [tilespmem:s26+$0xFFFFFB10];
	v58 =	vmul.f32 v55, v55;
	v1 =	vadd.f32 v60, v1;
	v2 =	vadd.f32 v55, v2  }
0x3b9: {  	v63 =	vld [tilespmem:s26+$0xFFFFFE40];
	v4 =	vadd.f32 v6, v4;
	v5 =	vadd.f32 v57, v5  }
0x3ba: {  	v54 =	vld [tilespmem:s26+$0xFFFFFCB0];
	v6 =	vmul.f32 v57, v57;
	v8 =	vadd.f32 v56, v8;
	v7 =	vadd.f32 v58, v7  }
0x3bb: {  	v55 =	vld [tilespmem:s26+$0xFFFFFE50];
	v61 =	vmul.f32 v9, v9;
	v62 =	vmul.f32 v3, v3;
	v9 =	vadd.f32 v9, v1  }
0x3bc: {  	v56 =	vld [tilespmem:s26+$0xFFFFFB20];
	v58 =	vadd.f32 v3, v2;
	v60 =	vadd.f32 v6, v4;
	v1 =	vmul.f32 v59, v59  }
0x3bd: {  	v57 =	vld [tilespmem:s26+$0xFFFFFCC0];
	v59 =	vadd.f32 v59, v5;
	v3 =	vmul.f32 v53, v53;
	v61 =	vadd.f32 v61, v8  }
0x3be: {  	s25 =	simm.s32 $0x0;
	s29 =	smov.u32 s31;
	[tilespmem:s31+$0x0] =	vst v52;
	v52 =	vld [tilespmem:s26+$0xFFFFFE60];
	s26 =	simm.s32 $0xA8F0;
	v2 =	vmul.f32 v63, v63;
	v62 =	vadd.f32 v62, v7;
	v63 =	vadd.f32 v63, v9  }
.LBB2_7:
0x3bf: {  	v4 =	vld [tilespmem:s26+$0xFFFFFE70];
	v5 =	vadd.f32 v53, v58;
	v1 =	vadd.f32 v1, v60;
	v6 =	vmul.f32 v54, v54  }
0x3c0: {  	s25 =	sadd.s32 $0x4, s25;
	v8 =	vadd.f32 v54, v59;
	v2 =	vadd.f32 v2, v61;
	v7 =	vld [tilespmem:s26+$0xFFFFFE80];
	v9 =	vmul.f32 v55, v55  }
0x3c1: {  	p1 =	slt.u32 s25, $0x1C;
	v3 =	vadd.f32 v3, v62;
	v55 =	vadd.f32 v55, v63;
	v53 =	vld [tilespmem:s26+$0xFFFFF9A0];
	v54 =	vmul.f32 v56, v56  }
0x3c2: {  	v5 =	vadd.f32 v56, v5;
	v1 =	vadd.f32 v6, v1;
	v58 =	vld [tilespmem:s26+$0xFFFFFE90];
	v6 =	vmul.f32 v57, v57  }
0x3c3: {  	v8 =	vadd.f32 v57, v8;
	v2 =	vadd.f32 v9, v2;
	v56 =	vld [tilespmem:s26+$0xFFFFFB30];
	v9 =	vmul.f32 v52, v52  }
0x3c4: {  	v3 =	vadd.f32 v54, v3;
	v5 =	vmul.f32 v5, v5;
	v52 =	vadd.f32 v52, v55;
	v57 =	vld [tilespmem:s26+$0xFFFFFEA0]  }
0x3c5: {  	v55 =	vmul.f32 v4, v4;
	v54 =	vld [tilespmem:s26+$0xFFFFFB40];
	v4 =	vadd.f32 v7, v4;
	v7 =	vmul.f32 v7, v7  }
0x3c6: {  	v1 =	vadd.f32 v6, v1;
	v6 =	vmul.f32 v8, v8;
	v59 =	vmul.f32 v53, v53;
	v60 =	vld [tilespmem:s26+$0xFFFFFEB0]  }
0x3c7: {  	v8 =	vld [tilespmem:s26+$0xFFFFFCD0];
	v7 =	vadd.f32 v7, v55;
	v4 =	vadd.f32 v58, v4;
	v55 =	vmul.f32 v58, v58  }
0x3c8: {  	v2 =	vadd.f32 v9, v2;
	v9 =	vmul.f32 v52, v52;
	v58 =	vmul.f32 v56, v56;
	v61 =	vld [tilespmem:s26+$0xFFFFFEC0]  }
0x3c9: {  	v52 =	vld [tilespmem:s26+$0xFFFFFCE0];
	v7 =	vadd.f32 v55, v7;
	v4 =	vadd.f32 v57, v4;
	v55 =	vmul.f32 v57, v57  }
0x3ca: {  	v3 =	vsub.f32 v5, v3;
	v56 =	vadd.f32 v54, v56;
	v54 =	vmul.f32 v54, v54;
	v57 =	vld [tilespmem:s26+$0xFFFFFED0]  }
0x3cb: {  	v5 =	vld [tilespmem:s26+$0xFFFFF990];
	v7 =	vadd.f32 v55, v7;
	v4 =	vadd.f32 v60, v4;
	v55 =	vmul.f32 v60, v60  }
0x3cc: {  	v1 =	vsub.f32 v6, v1;
	v54 =	vadd.f32 v54, v58;
	v58 =	vmul.f32 v8, v8;
	v60 =	vld [tilespmem:s26+$0xFFFFFEE0];
	[tilespmem:s29+$0xFFFFFFD0] =	vst v3  }
0x3cd: {  	v3 =	vld [tilespmem:s26+$0xFFFFF9B0];
	v6 =	vadd.f32 v55, v7;
	v4 =	vadd.f32 v61, v4;
	v7 =	vmul.f32 v61, v61  }
0x3ce: {  	v8 =	vadd.f32 v52, v8;
	v52 =	vmul.f32 v52, v52;
	v55 =	vld [tilespmem:s26+$0xFFFFFEF0];
	[tilespmem:s29+$0xFFFFFFE0] =	vst v1;
	v1 =	vsub.f32 v9, v2  }
0x3cf: {  	v2 =	vld [tilespmem:s26+$0xFFFFFB50];
	v6 =	vadd.f32 v7, v6;
	v4 =	vadd.f32 v57, v4;
	v7 =	vmul.f32 v57, v57  }
0x3d0: {  	v9 =	vmul.f32 v5, v5;
	v5 =	vadd.f32 v53, v5;
	v52 =	vadd.f32 v52, v58;
	v53 =	vld [tilespmem:s26+$0xFFFFFF00];
	[tilespmem:s29+$0xFFFFFFF0] =	vst v1  }
0x3d1: {  	v1 =	vld [tilespmem:s26+$0xFFFFFCF0];
	v6 =	vadd.f32 v7, v6;
	v4 =	vadd.f32 v60, v4;
	v7 =	vmul.f32 v60, v60  }
0x3d2: {  	v9 =	vadd.f32 v59, v9;
	v5 =	vadd.f32 v3, v5;
	v3 =	vmul.f32 v3, v3;
	v57 =	vld [tilespmem:s26+$0xFFFFFF10]  }
0x3d3: {  	v58 =	vld [tilespmem:s26+$0xFFFFF9C0];
	v6 =	vadd.f32 v7, v6;
	v4 =	vadd.f32 v55, v4;
	v7 =	vmul.f32 v55, v55  }
0x3d4: {  	v3 =	vadd.f32 v3, v9;
	v9 =	vadd.f32 v2, v56;
	v2 =	vmul.f32 v2, v2;
	v55 =	vld [tilespmem:s26+$0xFFFFFF20]  }
0x3d5: {  	v56 =	vld [tilespmem:s26+$0xFFFFFB60];
	v6 =	vadd.f32 v7, v6;
	v4 =	vadd.f32 v53, v4;
	v7 =	vmul.f32 v53, v53  }
0x3d6: {  	v2 =	vadd.f32 v2, v54;
	v8 =	vadd.f32 v1, v8;
	v1 =	vmul.f32 v1, v1;
	v53 =	vld [tilespmem:s26+$0xFFFFFF30]  }
0x3d7: {  	v54 =	vld [tilespmem:s26+$0xFFFFFD00];
	v6 =	vadd.f32 v7, v6;
	v4 =	vadd.f32 v57, v4;
	v7 =	vmul.f32 v57, v57  }
0x3d8: {  	v5 =	vadd.f32 v58, v5;
	v57 =	vmul.f32 v58, v58;
	v1 =	vadd.f32 v1, v52;
	v52 =	vld [tilespmem:s26+$0xFFFFFF40]  }
0x3d9: {  	v58 =	vld [tilespmem:s26+$0xFFFFF9D0];
	v6 =	vadd.f32 v7, v6;
	v4 =	vadd.f32 v55, v4;
	v7 =	vmul.f32 v55, v55  }
0x3da: {  	v3 =	vadd.f32 v57, v3;
	v9 =	vadd.f32 v56, v9;
	v55 =	vmul.f32 v56, v56;
	v56 =	vld [tilespmem:s26+$0xFFFFFF50]  }
0x3db: {  	v57 =	vld [tilespmem:s26+$0xFFFFFB70];
	v6 =	vadd.f32 v7, v6;
	v4 =	vadd.f32 v53, v4;
	v7 =	vmul.f32 v53, v53  }
0x3dc: {  	v2 =	vadd.f32 v55, v2;
	v8 =	vadd.f32 v54, v8;
	v53 =	vmul.f32 v54, v54;
	v54 =	vld [tilespmem:s26+$0xFFFFFF60]  }
0x3dd: {  	v55 =	vld [tilespmem:s26+$0xFFFFFD10];
	v6 =	vadd.f32 v7, v6;
	v4 =	vadd.f32 v52, v4;
	v7 =	vmul.f32 v52, v52  }
0x3de: {  	v5 =	vadd.f32 v58, v5;
	v52 =	vmul.f32 v58, v58;
	v1 =	vadd.f32 v53, v1;
	v53 =	vld [tilespmem:s26+$0xFFFFFF70]  }
0x3df: {  	v58 =	vld [tilespmem:s26+$0xFFFFF9E0];
	v6 =	vadd.f32 v7, v6;
	v4 =	vadd.f32 v56, v4;
	v7 =	vmul.f32 v56, v56  }
0x3e0: {  	v3 =	vadd.f32 v52, v3;
	v9 =	vadd.f32 v57, v9;
	v52 =	vmul.f32 v57, v57;
	v56 =	vld [tilespmem:s26+$0xFFFFFF80]  }
0x3e1: {  	v57 =	vld [tilespmem:s26+$0xFFFFFB80];
	v6 =	vadd.f32 v7, v6;
	v4 =	vadd.f32 v54, v4;
	v7 =	vmul.f32 v54, v54  }
0x3e2: {  	v2 =	vadd.f32 v52, v2;
	v8 =	vadd.f32 v55, v8;
	v52 =	vmul.f32 v55, v55;
	v54 =	vld [tilespmem:s26+$0xFFFFFF90]  }
0x3e3: {  	v55 =	vld [tilespmem:s26+$0xFFFFFD20];
	v6 =	vadd.f32 v7, v6;
	v4 =	vadd.f32 v53, v4;
	v7 =	vmul.f32 v53, v53  }
0x3e4: {  	v5 =	vadd.f32 v58, v5;
	v53 =	vmul.f32 v58, v58;
	v1 =	vadd.f32 v52, v1;
	v52 =	vld [tilespmem:s26+$0xFFFFFFA0]  }
0x3e5: {  	v58 =	vld [tilespmem:s26+$0xFFFFF9F0];
	v6 =	vadd.f32 v7, v6;
	v4 =	vadd.f32 v56, v4;
	v7 =	vmul.f32 v56, v56  }
0x3e6: {  	v3 =	vadd.f32 v53, v3;
	v9 =	vadd.f32 v57, v9;
	v53 =	vmul.f32 v57, v57;
	v56 =	vld [tilespmem:s26+$0xFFFFFFB0]  }
0x3e7: {  	v57 =	vld [tilespmem:s26+$0xFFFFFB90];
	v6 =	vadd.f32 v7, v6;
	v4 =	vadd.f32 v54, v4;
	v7 =	vmul.f32 v54, v54  }
0x3e8: {  	v2 =	vadd.f32 v53, v2;
	v8 =	vadd.f32 v55, v8;
	v53 =	vmul.f32 v55, v55;
	v54 =	vld [tilespmem:s26+$0xFFFFFFC0]  }
0x3e9: {  	v55 =	vld [tilespmem:s26+$0xFFFFFD30];
	v6 =	vadd.f32 v7, v6;
	v4 =	vadd.f32 v52, v4;
	v7 =	vmul.f32 v52, v52  }
0x3ea: {  	v5 =	vadd.f32 v58, v5;
	v52 =	vmul.f32 v58, v58;
	v1 =	vadd.f32 v53, v1;
	v53 =	vld [tilespmem:s26+$0xFFFFFFD0]  }
0x3eb: {  	v58 =	vld [tilespmem:s26+$0xFFFFFA00];
	v6 =	vadd.f32 v7, v6;
	v4 =	vadd.f32 v56, v4;
	v7 =	vmul.f32 v56, v56  }
0x3ec: {  	v3 =	vadd.f32 v52, v3;
	v9 =	vadd.f32 v57, v9;
	v52 =	vmul.f32 v57, v57;
	v56 =	vld [tilespmem:s26+$0xFFFFFFE0]  }
0x3ed: {  	v57 =	vld [tilespmem:s26+$0xFFFFFBA0];
	v6 =	vadd.f32 v7, v6;
	v4 =	vadd.f32 v54, v4;
	v7 =	vmul.f32 v54, v54  }
0x3ee: {  	v2 =	vadd.f32 v52, v2;
	v8 =	vadd.f32 v55, v8;
	v52 =	vmul.f32 v55, v55;
	v54 =	vld [tilespmem:s26+$0xFFFFFFF0]  }
0x3ef: {  	v55 =	vld [tilespmem:s26+$0xFFFFFD40];
	v6 =	vadd.f32 v7, v6;
	v4 =	vadd.f32 v53, v4;
	v7 =	vmul.f32 v53, v53  }
0x3f0: {  	v5 =	vadd.f32 v58, v5;
	v53 =	vmul.f32 v58, v58;
	v1 =	vadd.f32 v52, v1;
	v52 =	vld [tilespmem:s26+$0x0]  }
0x3f1: {  	v58 =	vld [tilespmem:s26+$0xFFFFFA10];
	v6 =	vadd.f32 v7, v6;
	v4 =	vadd.f32 v56, v4;
	v7 =	vmul.f32 v56, v56  }
0x3f2: {  	v3 =	vadd.f32 v53, v3;
	v9 =	vadd.f32 v57, v9;
	v53 =	vmul.f32 v57, v57;
	v56 =	vld [tilespmem:s26+$0xFFFFFBB0]  }
0x3f3: {  	v57 =	vld [tilespmem:s26+$0xFFFFFD50];
	v6 =	vadd.f32 v7, v6;
	v4 =	vadd.f32 v54, v4;
	v7 =	vmul.f32 v54, v54  }
0x3f4: {  	v54 =	vld [tilespmem:s26+$0xFFFFFA20];
	v2 =	vadd.f32 v53, v2;
	v8 =	vadd.f32 v55, v8;
	v53 =	vmul.f32 v55, v55  }
0x3f5: {  	v55 =	vld [tilespmem:s26+$0xFFFFFBC0];
	v6 =	vadd.f32 v7, v6;
	v4 =	vadd.f32 v52, v4;
	v7 =	vmul.f32 v52, v52  }
0x3f6: {  	v5 =	vadd.f32 v58, v5;
	v52 =	vmul.f32 v58, v58;
	v1 =	vadd.f32 v53, v1;
	v53 =	vld [tilespmem:s26+$0xFFFFFD60]  }
0x3f7: {  	v58 =	vld [tilespmem:s26+$0xFFFFFA30];
	v9 =	vadd.f32 v56, v9;
	v6 =	vadd.f32 v7, v6;
	v4 =	vmul.f32 v4, v4  }
0x3f8: {  	v7 =	vmul.f32 v56, v56;
	v56 =	vld [tilespmem:s26+$0xFFFFFBD0];
	v8 =	vadd.f32 v57, v8;
	v57 =	vmul.f32 v57, v57  }
0x3f9: {  	v3 =	vadd.f32 v52, v3;
	v52 =	vmul.f32 v54, v54;
	v59 =	vld [tilespmem:s26+$0xFFFFFD70];
	v4 =	vsub.f32 v4, v6  }
0x3fa: {  	s29 =	sadd.s32 $0x40, s29;
	v5 =	vadd.f32 v54, v5;
	v2 =	vadd.f32 v7, v2;
	v6 =	vld [tilespmem:s26+$0xFFFFFA40];
	v7 =	vmul.f32 v55, v55  }
0x3fb: {  	v9 =	vadd.f32 v55, v9;
	v1 =	vadd.f32 v57, v1;
	v54 =	vld [tilespmem:s26+$0xFFFFFBE0];
	v55 =	vmul.f32 v53, v53;
	[tilespmem:s29+$0x0] =	vst v4  }
0x3fc: {  	v3 =	vadd.f32 v52, v3;
	v8 =	vadd.f32 v53, v8;
	v4 =	vmul.f32 v58, v58;
	v52 =	vld [tilespmem:s26+$0xFFFFFD80]  }
0x3fd: {  	v5 =	vadd.f32 v58, v5;
	v2 =	vadd.f32 v7, v2;
	v53 =	vld [tilespmem:s26+$0xFFFFFA50];
	v7 =	vmul.f32 v56, v56  }
0x3fe: {  	v9 =	vadd.f32 v56, v9;
	v1 =	vadd.f32 v55, v1;
	v56 =	vld [tilespmem:s26+$0xFFFFFBF0];
	v55 =	vmul.f32 v59, v59  }
0x3ff: {  	v3 =	vadd.f32 v4, v3;
	v8 =	vadd.f32 v59, v8;
	v4 =	vmul.f32 v6, v6;
	v57 =	vld [tilespmem:s26+$0xFFFFFD90]  }
0x400: {  	v5 =	vadd.f32 v6, v5;
	v2 =	vadd.f32 v7, v2;
	v6 =	vld [tilespmem:s26+$0xFFFFFA60];
	v7 =	vmul.f32 v54, v54  }
0x401: {  	v9 =	vadd.f32 v54, v9;
	v1 =	vadd.f32 v55, v1;
	v54 =	vld [tilespmem:s26+$0xFFFFFC00];
	v55 =	vmul.f32 v52, v52  }
0x402: {  	v3 =	vadd.f32 v4, v3;
	v8 =	vadd.f32 v52, v8;
	v4 =	vmul.f32 v53, v53;
	v52 =	vld [tilespmem:s26+$0xFFFFFDA0]  }
0x403: {  	v5 =	vadd.f32 v53, v5;
	v2 =	vadd.f32 v7, v2;
	v53 =	vld [tilespmem:s26+$0xFFFFFA70];
	v7 =	vmul.f32 v56, v56  }
0x404: {  	v9 =	vadd.f32 v56, v9;
	v1 =	vadd.f32 v55, v1;
	v56 =	vld [tilespmem:s26+$0xFFFFFC10];
	v55 =	vmul.f32 v57, v57  }
0x405: {  	v3 =	vadd.f32 v4, v3;
	v8 =	vadd.f32 v57, v8;
	v4 =	vmul.f32 v6, v6;
	v57 =	vld [tilespmem:s26+$0xFFFFFDB0]  }
0x406: {  	v5 =	vadd.f32 v6, v5;
	v2 =	vadd.f32 v7, v2;
	v6 =	vld [tilespmem:s26+$0xFFFFFA80];
	v7 =	vmul.f32 v54, v54  }
0x407: {  	v9 =	vadd.f32 v54, v9;
	v1 =	vadd.f32 v55, v1;
	v54 =	vld [tilespmem:s26+$0xFFFFFC20];
	v55 =	vmul.f32 v52, v52  }
0x408: {  	v3 =	vadd.f32 v4, v3;
	v8 =	vadd.f32 v52, v8;
	v4 =	vmul.f32 v53, v53;
	v52 =	vld [tilespmem:s26+$0xFFFFFDC0]  }
0x409: {  	v5 =	vadd.f32 v53, v5;
	v2 =	vadd.f32 v7, v2;
	v53 =	vld [tilespmem:s26+$0xFFFFFA90];
	v7 =	vmul.f32 v56, v56  }
0x40a: {  	v9 =	vadd.f32 v56, v9;
	v1 =	vadd.f32 v55, v1;
	v56 =	vld [tilespmem:s26+$0xFFFFFC30];
	v55 =	vmul.f32 v57, v57  }
0x40b: {  	v3 =	vadd.f32 v4, v3;
	v8 =	vadd.f32 v57, v8;
	v4 =	vmul.f32 v6, v6;
	v57 =	vld [tilespmem:s26+$0xFFFFFDD0]  }
0x40c: {  	v5 =	vadd.f32 v6, v5;
	v2 =	vadd.f32 v7, v2;
	v6 =	vld [tilespmem:s26+$0xFFFFFAA0];
	v7 =	vmul.f32 v54, v54  }
0x40d: {  	v9 =	vadd.f32 v54, v9;
	v1 =	vadd.f32 v55, v1;
	v54 =	vld [tilespmem:s26+$0xFFFFFC40];
	v55 =	vmul.f32 v52, v52  }
0x40e: {  	v3 =	vadd.f32 v4, v3;
	v8 =	vadd.f32 v52, v8;
	v4 =	vmul.f32 v53, v53;
	v52 =	vld [tilespmem:s26+$0xFFFFFDE0]  }
0x40f: {  	v5 =	vadd.f32 v53, v5;
	v2 =	vadd.f32 v7, v2;
	v53 =	vld [tilespmem:s26+$0xFFFFFAB0];
	v7 =	vmul.f32 v56, v56  }
0x410: {  	v9 =	vadd.f32 v56, v9;
	v1 =	vadd.f32 v55, v1;
	v56 =	vld [tilespmem:s26+$0xFFFFFC50];
	v55 =	vmul.f32 v57, v57  }
0x411: {  	v3 =	vadd.f32 v4, v3;
	v8 =	vadd.f32 v57, v8;
	v4 =	vmul.f32 v6, v6;
	v57 =	vld [tilespmem:s26+$0xFFFFFDF0]  }
0x412: {  	v5 =	vadd.f32 v6, v5;
	v2 =	vadd.f32 v7, v2;
	v6 =	vld [tilespmem:s26+$0xFFFFFAC0];
	v7 =	vmul.f32 v54, v54  }
0x413: {  	v9 =	vadd.f32 v54, v9;
	v1 =	vadd.f32 v55, v1;
	v54 =	vld [tilespmem:s26+$0xFFFFFC60];
	v55 =	vmul.f32 v52, v52  }
0x414: {  	v3 =	vadd.f32 v4, v3;
	v8 =	vadd.f32 v52, v8;
	v4 =	vmul.f32 v53, v53;
	v52 =	vld [tilespmem:s26+$0xFFFFFE00]  }
0x415: {  	v5 =	vadd.f32 v53, v5;
	v2 =	vadd.f32 v7, v2;
	v53 =	vld [tilespmem:s26+$0xFFFFFAD0];
	v7 =	vmul.f32 v56, v56  }
0x416: {  	v9 =	vadd.f32 v56, v9;
	v1 =	vadd.f32 v55, v1;
	v56 =	vld [tilespmem:s26+$0xFFFFFC70];
	v55 =	vmul.f32 v57, v57  }
0x417: {  	v3 =	vadd.f32 v4, v3;
	v8 =	vadd.f32 v57, v8;
	v4 =	vmul.f32 v6, v6;
	v57 =	vld [tilespmem:s26+$0xFFFFFE10]  }
0x418: {  	v5 =	vadd.f32 v6, v5;
	v2 =	vadd.f32 v7, v2;
	v6 =	vld [tilespmem:s26+$0xFFFFFAE0];
	v7 =	vmul.f32 v54, v54  }
0x419: {  	v9 =	vadd.f32 v54, v9;
	v1 =	vadd.f32 v55, v1;
	v54 =	vld [tilespmem:s26+$0xFFFFFC80];
	v55 =	vmul.f32 v52, v52  }
0x41a: {  	v3 =	vadd.f32 v4, v3;
	v8 =	vadd.f32 v52, v8;
	v4 =	vmul.f32 v53, v53;
	v52 =	vld [tilespmem:s26+$0xFFFFFE20]  }
0x41b: {  	v5 =	vadd.f32 v53, v5;
	v2 =	vadd.f32 v7, v2;
	v53 =	vld [tilespmem:s26+$0xFFFFFAF0];
	v7 =	vmul.f32 v56, v56  }
0x41c: {  	v9 =	vadd.f32 v56, v9;
	v1 =	vadd.f32 v55, v1;
	v56 =	vld [tilespmem:s26+$0xFFFFFC90];
	v55 =	vmul.f32 v57, v57  }
0x41d: {  	v3 =	vadd.f32 v4, v3;
	v8 =	vadd.f32 v57, v8;
	v4 =	vmul.f32 v6, v6;
	v57 =	vld [tilespmem:s26+$0xFFFFFE30]  }
0x41e: {  	v5 =	vadd.f32 v6, v5;
	v2 =	vadd.f32 v7, v2;
	v6 =	vld [tilespmem:s26+$0xFFFFFB00];
	v7 =	vmul.f32 v54, v54  }
0x41f: {  	v9 =	vadd.f32 v54, v9;
	v1 =	vadd.f32 v55, v1;
	v59 =	vld [tilespmem:s26+$0xFFFFFCA0];
	v55 =	vmul.f32 v52, v52  }
0x420: {  	v3 =	vadd.f32 v4, v3;
	v8 =	vadd.f32 v52, v8;
	v4 =	vmul.f32 v53, v53;
	v52 =	vld [tilespmem:s26+$0xFFFFFE40]  }
0x421: {  	v5 =	vadd.f32 v53, v5;
	v2 =	vadd.f32 v7, v2;
	v53 =	vld [tilespmem:s26+$0xFFFFFB10];
	v7 =	vmul.f32 v56, v56  }
.Ltmp4:
0x422: {  	v9 =	vadd.f32 v56, v9;
	v61 =	vadd.f32 v55, v1;
	v54 =	vld [tilespmem:s26+$0xFFFFFCB0];
	v62 =	vmul.f32 v57, v57;
	(pc) =	sbr.rel @p1 .LBB2_7-.Ltmp4, $4  }
0x423: {  	v3 =	vadd.f32 v4, v3;
	v8 =	vadd.f32 v57, v8;
	v4 =	vmul.f32 v6, v6;
	v55 =	vld [tilespmem:s26+$0xFFFFFE50]  }
0x424: {  	v58 =	vadd.f32 v6, v5;
	v60 =	vadd.f32 v7, v2;
	v56 =	vld [tilespmem:s26+$0xFFFFFB20];
	v1 =	vmul.f32 v59, v59  }
0x425: {  	v59 =	vadd.f32 v59, v9;
	v61 =	vadd.f32 v62, v61;
	v57 =	vld [tilespmem:s26+$0xFFFFFCC0];
	v2 =	vmul.f32 v52, v52  }
0x426: {  	v62 =	vadd.f32 v4, v3;
	v63 =	vadd.f32 v52, v8;
	v3 =	vmul.f32 v53, v53;
	v52 =	vld [tilespmem:s26+$0xFFFFFE60];
	s26 =	sadd.s32 $0x680, s26  }
0x427: {  	v4 =	vadd.f32 v53, v58;
	v1 =	vadd.f32 v1, v60;
	v5 =	vmul.f32 v54, v54  }
0x428: {  	v6 =	vadd.f32 v54, v59;
	v2 =	vadd.f32 v2, v61;
	v7 =	vmul.f32 v55, v55  }
0x429: {  	v3 =	vadd.f32 v3, v62;
	v9 =	vadd.f32 v55, v63;
	v8 =	vmul.f32 v56, v56  }
0x42a: {  	v4 =	vadd.f32 v56, v4;
	v1 =	vadd.f32 v5, v1;
	v5 =	vmul.f32 v57, v57  }
0x42b: {  	v6 =	vadd.f32 v57, v6;
	v2 =	vadd.f32 v7, v2;
	v57 =	vmul.f32 v52, v52  }
0x42c: {  	v3 =	vadd.f32 v8, v3;
	v4 =	vmul.f32 v4, v4;
	v8 =	vadd.f32 v52, v9  }
0x42d: {  	v1 =	vadd.f32 v5, v1;
	v5 =	vmul.f32 v6, v6  }
0x42e: {  	v2 =	vadd.f32 v57, v2;
	v58 =	vmul.f32 v8, v8;
	v3 =	vsub.f32 v4, v3  }
0x42f: {  	v1 =	vsub.f32 v5, v1  }
0x430: {  	[tilespmem:s29+$0xFFFFFFD0] =	vst v3;
	v2 =	vsub.f32 v58, v2  }
0x431: {  	[tilespmem:s29+$0xFFFFFFE0] =	vst v1  }
0x432: {  	s13 =	sadd.s32 @!p0 $0x1380, s13;
	s25 =	simm.s32 @!p0 $0x340;
	s26 =	simm.s32 @!p0 $0x9C00;
	[tilespmem:s29+$0xFFFFFFF0] =	vst v2  }
0x433: {  	[tilespmem:s26], [sflag:$0x3] =	stream.indirect.gather @!p0 [hbm4b:s4+s25], $0x10, s13, s25, $0xb8;
	[tilespmem:$0x13300] =	vst v63  }
0x434: {  	s26 =	simm.s32 @!p0 $0x10A80  }
0x435: {  	[tilespmem:s26], [sflag:$0x3] =	stream.indirect.gather @!p0 [hbm4b:s0+s25], $0x1, s13, s25, $0xb8;
	[tilespmem:$0x13300] =	vst v63  }
0x436: {  	_ =	swait.ge [sflag:s24], $0x3400  }
0x437: {  	[sflag:s24] =	ssyncset.done $0x0  }
0x438: {  	[sflag:s24] =	ssyncadd.s32 $0xFFFFCC00  }
0x439: {  	_ =	swait.ge [sflag:s24], $0x340  }
0x43a: {  	v2 =	vld [tilespmem:$0x1FF70];
	_ =	sdelay $0x1  }
0x43b: {  	v3 =	vld [tilespmem:$0x1FF80];
	_ =	sdelay $0x1  }
0x43c: {  	v4 =	vld [tilespmem:$0x1FF90]  }
0x43d: {  	[sflag:s24] =	ssyncset.done $0x0  }
0x43e: {  	[sflag:s24] =	ssyncadd.s32 $0xFFFFFCC0  }
0x43f: {  	v1 =	vld.idx.msk [tilespmem:v0+s20+$0x0], $0xffff  }
0x440: {  	v2 =	vld.idx.msk [tilespmem:v2+s20+$0x0], $0xffff;
	_ =	sdelay $0x1  }
0x441: {  	v3 =	vld.idx.msk [tilespmem:v3+s20+$0x0], $0xffff;
	_ =	sdelay $0x1  }
0x442: {  	v4 =	vld.idx.msk [tilespmem:v4+s20+$0x0], $0xffff  }
0x443: {  	v1 =	vadd.f32 v2, v1;
	v2 =	vld [tilespmem:$0x1FFA0];
	_ =	sdelay $0x1  }
0x444: {  	v1 =	vadd.f32 v3, v1;
	v3 =	vld [tilespmem:$0x1FFB0];
	_ =	sdelay $0x1  }
0x445: {  	v1 =	vadd.f32 v4, v1;
	v4 =	vld [tilespmem:$0x1FFC0];
	_ =	sdelay $0x3  }
0x446: {  	v2 =	vld.idx.msk [tilespmem:v2+s20+$0x0], $0xffff;
	_ =	sdelay $0x1  }
0x447: {  	v3 =	vld.idx.msk [tilespmem:v3+s20+$0x0], $0xffff;
	_ =	sdelay $0x1  }
0x448: {  	v4 =	vld.idx.msk [tilespmem:v4+s20+$0x0], $0xffff  }
0x449: {  	v1 =	vadd.f32 v2, v1;
	v2 =	vld [tilespmem:$0x1FFD0];
	_ =	sdelay $0x1  }
0x44a: {  	v1 =	vadd.f32 v3, v1;
	v3 =	vld [tilespmem:$0x1FFE0];
	_ =	sdelay $0x1  }
0x44b: {  	v1 =	vadd.f32 v4, v1;
	v4 =	vld [tilespmem:$0x1FFF0];
	_ =	sdelay $0x3  }
0x44c: {  	v2 =	vld.idx.msk [tilespmem:v2+s20+$0x0], $0xffff;
	_ =	sdelay $0x1  }
0x44d: {  	v3 =	vld.idx.msk [tilespmem:v3+s20+$0x0], $0xffff;
	_ =	sdelay $0x1  }
0x44e: {  	v4 =	vld.idx.msk [tilespmem:v4+s20+$0x0], $0xffff  }
0x44f: {  	v1 =	vadd.f32 v2, v1  }
0x450: {  	v2 =	vld.idx.msk [tilespmem:v10+s20+$0x0], $0xffff  }
0x451: {  	v1 =	vadd.f32 v3, v1  }
0x452: {  	v3 =	vld.idx.msk [tilespmem:v11+s20+$0x0], $0xffff  }
0x453: {  	v1 =	vadd.f32 v4, v1  }
0x454: {  	v4 =	vld.idx.msk [tilespmem:v12+s20+$0x0], $0xffff  }
0x455: {  	v1 =	vadd.f32 v2, v1  }
0x456: {  	v2 =	vld.idx.msk [tilespmem:v13+s20+$0x0], $0xffff  }
0x457: {  	v1 =	vadd.f32 v3, v1  }
0x458: {  	v3 =	vld.idx.msk [tilespmem:v14+s20+$0x0], $0xffff  }
0x459: {  	v1 =	vadd.f32 v4, v1  }
0x45a: {  	v4 =	vld.idx.msk [tilespmem:v15+s20+$0x0], $0xffff  }
0x45b: {  	v1 =	vadd.f32 v2, v1  }
0x45c: {  	v2 =	vld.idx.msk [tilespmem:v16+s20+$0x0], $0xffff  }
0x45d: {  	v1 =	vadd.f32 v3, v1  }
0x45e: {  	v3 =	vld.idx.msk [tilespmem:v17+s20+$0x0], $0xffff  }
0x45f: {  	v1 =	vadd.f32 v4, v1  }
0x460: {  	v4 =	vld.idx.msk [tilespmem:v18+s20+$0x0], $0xffff  }
0x461: {  	v1 =	vadd.f32 v2, v1  }
0x462: {  	v2 =	vld.idx.msk [tilespmem:v19+s20+$0x0], $0xffff  }
0x463: {  	v1 =	vadd.f32 v3, v1  }
0x464: {  	v3 =	vld.idx.msk [tilespmem:v20+s20+$0x0], $0xffff  }
0x465: {  	v1 =	vadd.f32 v4, v1  }
0x466: {  	v4 =	vld.idx.msk [tilespmem:v21+s20+$0x0], $0xffff  }
0x467: {  	v1 =	vadd.f32 v2, v1  }
0x468: {  	v2 =	vld.idx.msk [tilespmem:v22+s20+$0x0], $0xffff  }
0x469: {  	v1 =	vadd.f32 v3, v1  }
0x46a: {  	v3 =	vld.idx.msk [tilespmem:v23+s20+$0x0], $0xffff  }
0x46b: {  	v1 =	vadd.f32 v4, v1  }
0x46c: {  	v4 =	vld.idx.msk [tilespmem:v24+s20+$0x0], $0xffff  }
0x46d: {  	v1 =	vadd.f32 v2, v1  }
0x46e: {  	v2 =	vld.idx.msk [tilespmem:v25+s20+$0x0], $0xffff  }
0x46f: {  	v1 =	vadd.f32 v3, v1;
	_ =	sdelay $0x1  }
0x470: {  	v1 =	vadd.f32 v4, v1;
	_ =	sdelay $0x1  }
0x471: {  	v1 =	vadd.f32 v2, v1;
	_ =	sdelay $0x1  }
0x472: {  	[tilespmem:s11+$0x13160] =	vst v1  }
0x473: {  	v1 =	vld.idx.msk [tilespmem:v26+s20+$0x0], $0xffff  }
0x474: {  	v2 =	vld.idx.msk [tilespmem:v27+s20+$0x0], $0xffff;
	_ =	sdelay $0x1  }
0x475: {  	v3 =	vld.idx.msk [tilespmem:v28+s20+$0x0], $0xffff;
	_ =	sdelay $0x1  }
0x476: {  	v4 =	vld.idx.msk [tilespmem:v29+s20+$0x0], $0xffff  }
0x477: {  	v1 =	vadd.f32 v2, v1  }
0x478: {  	v2 =	vld.idx.msk [tilespmem:v30+s20+$0x0], $0xffff  }
0x479: {  	v1 =	vadd.f32 v3, v1  }
0x47a: {  	v3 =	vld.idx.msk [tilespmem:v31+s20+$0x0], $0xffff  }
0x47b: {  	v1 =	vadd.f32 v4, v1  }
0x47c: {  	v4 =	vld.idx.msk [tilespmem:v32+s20+$0x0], $0xffff  }
0x47d: {  	v1 =	vadd.f32 v2, v1  }
0x47e: {  	v2 =	vld.idx.msk [tilespmem:v33+s20+$0x0], $0xffff  }
0x47f: {  	v1 =	vadd.f32 v3, v1  }
0x480: {  	v3 =	vld.idx.msk [tilespmem:v34+s20+$0x0], $0xffff  }
0x481: {  	v1 =	vadd.f32 v4, v1  }
0x482: {  	v4 =	vld.idx.msk [tilespmem:v35+s20+$0x0], $0xffff  }
0x483: {  	v1 =	vadd.f32 v2, v1  }
0x484: {  	v2 =	vld.idx.msk [tilespmem:v36+s20+$0x0], $0xffff  }
0x485: {  	v1 =	vadd.f32 v3, v1  }
0x486: {  	v3 =	vld.idx.msk [tilespmem:v37+s20+$0x0], $0xffff  }
0x487: {  	v1 =	vadd.f32 v4, v1  }
0x488: {  	v4 =	vld.idx.msk [tilespmem:v38+s20+$0x0], $0xffff  }
0x489: {  	v1 =	vadd.f32 v2, v1  }
0x48a: {  	v2 =	vld.idx.msk [tilespmem:v39+s20+$0x0], $0xffff  }
0x48b: {  	v1 =	vadd.f32 v3, v1  }
0x48c: {  	v3 =	vld.idx.msk [tilespmem:v40+s20+$0x0], $0xffff  }
0x48d: {  	v1 =	vadd.f32 v4, v1  }
0x48e: {  	v4 =	vld.idx.msk [tilespmem:v41+s20+$0x0], $0xffff  }
0x48f: {  	v1 =	vadd.f32 v2, v1  }
0x490: {  	v2 =	vld.idx.msk [tilespmem:v42+s20+$0x0], $0xffff  }
0x491: {  	v1 =	vadd.f32 v3, v1  }
0x492: {  	v3 =	vld.idx.msk [tilespmem:v43+s20+$0x0], $0xffff  }
0x493: {  	v1 =	vadd.f32 v4, v1  }
0x494: {  	v4 =	vld.idx.msk [tilespmem:v44+s20+$0x0], $0xffff  }
0x495: {  	v1 =	vadd.f32 v2, v1  }
0x496: {  	v2 =	vld.idx.msk [tilespmem:v45+s20+$0x0], $0xffff  }
0x497: {  	v1 =	vadd.f32 v3, v1  }
0x498: {  	v3 =	vld.idx.msk [tilespmem:v46+s20+$0x0], $0xffff  }
0x499: {  	v1 =	vadd.f32 v4, v1  }
0x49a: {  	v4 =	vld.idx.msk [tilespmem:v47+s20+$0x0], $0xffff  }
0x49b: {  	v1 =	vadd.f32 v2, v1  }
0x49c: {  	v2 =	vld.idx.msk [tilespmem:v48+s20+$0x0], $0xffff  }
0x49d: {  	v1 =	vadd.f32 v3, v1  }
0x49e: {  	v3 =	vld.idx.msk [tilespmem:v49+s20+$0x0], $0xffff  }
0x49f: {  	v1 =	vadd.f32 v4, v1  }
0x4a0: {  	v4 =	vld.idx.msk [tilespmem:v50+s20+$0x0], $0xffff  }
0x4a1: {  	v1 =	vadd.f32 v2, v1  }
0x4a2: {  	v2 =	vld.idx.msk [tilespmem:v51+s20+$0x0], $0xffff  }
0x4a3: {  	v1 =	vadd.f32 v3, v1;
	_ =	sdelay $0x1  }
0x4a4: {  	v1 =	vadd.f32 v4, v1;
	_ =	sdelay $0x1  }
0x4a5: {  	v1 =	vadd.f32 v2, v1;
	_ =	sdelay $0x1  }
0x4a6: {  	s29 =	simm.s32 $0xD670;
	[tilespmem:s11+$0x13170] =	vst v1  }
0x4a7: {  	v1 =	vld [tilespmem:s29+$0xFFFFFE70]  }
0x4a8: {  	v2 =	vld [tilespmem:s29+$0xFFFFFE80]  }
0x4a9: {  	v3 =	vld [tilespmem:s29+$0xFFFFF9A0]  }
0x4aa: {  	v5 =	vld [tilespmem:s29+$0xFFFFFB30]  }
0x4ab: {  	v7 =	vld [tilespmem:s29+$0xFFFFFB40]  }
0x4ac: {  	v4 =	vld [tilespmem:s29+$0xFFFFFE90]  }
0x4ad: {  	v59 =	vld [tilespmem:s29+$0xFFFFFEA0]  }
0x4ae: {  	v9 =	vld [tilespmem:s29+$0xFFFFFEB0]  }
0x4af: {  	v52 =	vld [tilespmem:s29+$0xFFFFFCD0];
	v8 =	vmul.f32 v1, v1;
	v1 =	vadd.f32 v2, v1;
	v2 =	vmul.f32 v2, v2  }
0x4b0: {  	v53 =	vld [tilespmem:s29+$0xFFFFFCE0];
	v60 =	vmul.f32 v5, v5;
	v61 =	vmul.f32 v7, v7  }
0x4b1: {  	v63 =	vld [tilespmem:s29+$0xFFFFF990];
	v2 =	vadd.f32 v2, v8;
	v1 =	vadd.f32 v4, v1;
	v4 =	vmul.f32 v4, v4  }
0x4b2: {  	v8 =	vld [tilespmem:s29+$0xFFFFFEC0];
	v6 =	vadd.f32 v61, v60  }
0x4b3: {  	v60 =	vld [tilespmem:s29+$0xFFFFF9B0];
	v2 =	vadd.f32 v4, v2;
	v1 =	vadd.f32 v59, v1;
	v4 =	vmul.f32 v59, v59  }
0x4b4: {  	v62 =	vld [tilespmem:s29+$0xFFFFFED0];
	v5 =	vadd.f32 v7, v5  }
0x4b5: {  	v57 =	vld [tilespmem:s29+$0xFFFFFEF0];
	v2 =	vadd.f32 v4, v2;
	v1 =	vadd.f32 v9, v1;
	v4 =	vmul.f32 v9, v9  }
0x4b6: {  	v58 =	vld [tilespmem:s29+$0xFFFFFB50];
	v61 =	vmul.f32 v63, v63;
	v9 =	vmul.f32 v3, v3;
	v3 =	vadd.f32 v3, v63  }
0x4b7: {  	v7 =	vld [tilespmem:s29+$0xFFFFFEE0];
	v2 =	vadd.f32 v4, v2;
	v1 =	vadd.f32 v8, v1;
	v4 =	vmul.f32 v8, v8  }
0x4b8: {  	v59 =	vadd.f32 v9, v61;
	v3 =	vadd.f32 v60, v3;
	v9 =	vmul.f32 v60, v60;
	v60 =	vld [tilespmem:s29+$0xFFFFF9C0]  }
0x4b9: {  	v8 =	vmul.f32 v52, v52;
	v52 =	vadd.f32 v53, v52;
	v53 =	vmul.f32 v53, v53;
	v61 =	vld [tilespmem:s29+$0xFFFFFB60]  }
0x4ba: {  	v2 =	vadd.f32 v4, v2;
	v1 =	vadd.f32 v62, v1;
	v4 =	vmul.f32 v62, v62  }
0x4bb: {  	v5 =	vadd.f32 v58, v5;
	v63 =	vld [tilespmem:s29+$0xFFFFFCF0];
	v8 =	vadd.f32 v53, v8  }
0x4bc: {  	v62 =	vld [tilespmem:s29+$0xFFFFFF00];
	v2 =	vadd.f32 v4, v2;
	v1 =	vadd.f32 v7, v1;
	v4 =	vmul.f32 v7, v7  }
0x4bd: {  	v55 =	vld [tilespmem:s29+$0xFFFFF9D0];
	v7 =	vadd.f32 v9, v59;
	v9 =	vmul.f32 v58, v58;
	v3 =	vadd.f32 v60, v3  }
0x4be: {  	v5 =	vadd.f32 v61, v5;
	v2 =	vadd.f32 v4, v2;
	v4 =	vmul.f32 v57, v57  }
0x4bf: {  	v54 =	vld [tilespmem:s29+$0xFFFFFF10];
	v60 =	vmul.f32 v60, v60;
	v1 =	vadd.f32 v57, v1;
	v6 =	vadd.f32 v9, v6  }
0x4c0: {  	v61 =	vmul.f32 v61, v61;
	v57 =	vld [tilespmem:s29+$0xFFFFFF20];
	v9 =	vadd.f32 v63, v52;
	v2 =	vadd.f32 v4, v2  }
0x4c1: {  	v1 =	vadd.f32 v62, v1;
	v4 =	vmul.f32 v62, v62;
	v62 =	vmul.f32 v63, v63;
	v63 =	vld [tilespmem:s29+$0xFFFFFD00]  }
0x4c2: {  	v3 =	vadd.f32 v55, v3;
	v6 =	vadd.f32 v61, v6;
	v61 =	vmul.f32 v55, v55;
	v55 =	vld [tilespmem:s29+$0xFFFFF9E0]  }
0x4c3: {  	v53 =	vld [tilespmem:s29+$0xFFFFFF30];
	v7 =	vadd.f32 v60, v7;
	v2 =	vadd.f32 v4, v2  }
0x4c4: {  	v1 =	vadd.f32 v54, v1;
	v4 =	vmul.f32 v54, v54;
	v8 =	vadd.f32 v62, v8;
	v62 =	vld [tilespmem:s29+$0xFFFFFB70]  }
0x4c5: {  	v52 =	vld [tilespmem:s29+$0xFFFFFF40];
	v7 =	vadd.f32 v61, v7  }
0x4c6: {  	v60 =	vld [tilespmem:s29+$0xFFFFFD10];
	v2 =	vadd.f32 v4, v2;
	v1 =	vadd.f32 v57, v1;
	v4 =	vmul.f32 v57, v57  }
0x4c7: {  	v57 =	vld [tilespmem:s29+$0xFFFFFF50];
	v9 =	vadd.f32 v63, v9;
	v63 =	vmul.f32 v63, v63;
	v3 =	vadd.f32 v55, v3  }
0x4c8: {  	v2 =	vadd.f32 v4, v2;
	v1 =	vadd.f32 v53, v1;
	v4 =	vmul.f32 v53, v53  }
0x4c9: {  	v54 =	vld [tilespmem:s29+$0xFFFFFF60];
	v8 =	vadd.f32 v63, v8;
	v5 =	vadd.f32 v62, v5  }
0x4ca: {  	v61 =	vld [tilespmem:s29+$0xFFFFFD20];
	v2 =	vadd.f32 v4, v2;
	v1 =	vadd.f32 v52, v1;
	v4 =	vmul.f32 v52, v52  }
0x4cb: {  	v53 =	vld [tilespmem:s29+$0xFFFFFF70];
	v62 =	vmul.f32 v62, v62;
	v9 =	vadd.f32 v60, v9;
	v60 =	vmul.f32 v60, v60  }
0x4cc: {  	v63 =	vld [tilespmem:s29+$0xFFFFFB80];
	v2 =	vadd.f32 v4, v2;
	v1 =	vadd.f32 v57, v1;
	v4 =	vmul.f32 v57, v57  }
0x4cd: {  	v6 =	vadd.f32 v62, v6;
	v62 =	vmul.f32 v55, v55;
	v8 =	vadd.f32 v60, v8;
	v57 =	vld [tilespmem:s29+$0xFFFFFF80]  }
0x4ce: {  	v55 =	vld [tilespmem:s29+$0xFFFFF9F0];
	v2 =	vadd.f32 v4, v2;
	v1 =	vadd.f32 v54, v1;
	v4 =	vmul.f32 v54, v54  }
0x4cf: {  	v9 =	vadd.f32 v61, v9;
	v61 =	vmul.f32 v61, v61;
	v7 =	vadd.f32 v62, v7;
	v54 =	vld [tilespmem:s29+$0xFFFFFF90]  }
0x4d0: {  	v60 =	vld [tilespmem:s29+$0xFFFFFB90];
	v2 =	vadd.f32 v4, v2;
	v1 =	vadd.f32 v53, v1;
	v4 =	vmul.f32 v53, v53  }
0x4d1: {  	v52 =	vld [tilespmem:s29+$0xFFFFFFA0];
	v8 =	vadd.f32 v61, v8;
	v5 =	vadd.f32 v63, v5  }
0x4d2: {  	v61 =	vld [tilespmem:s29+$0xFFFFFBA0];
	v2 =	vadd.f32 v4, v2;
	v1 =	vadd.f32 v57, v1;
	v4 =	vmul.f32 v57, v57  }
0x4d3: {  	v63 =	vmul.f32 v63, v63;
	v3 =	vadd.f32 v55, v3;
	v59 =	vmul.f32 v55, v55;
	v57 =	vld [tilespmem:s29+$0xFFFFFFB0]  }
0x4d4: {  	v55 =	vld [tilespmem:s29+$0xFFFFFA00];
	v2 =	vadd.f32 v4, v2;
	v1 =	vadd.f32 v54, v1;
	v4 =	vmul.f32 v54, v54  }
0x4d5: {  	v62 =	vld [tilespmem:s29+$0xFFFFFFC0];
	v6 =	vadd.f32 v63, v6;
	v5 =	vadd.f32 v60, v5;
	v60 =	vmul.f32 v60, v60  }
0x4d6: {  	v63 =	vld [tilespmem:s29+$0xFFFFFD30];
	v2 =	vadd.f32 v4, v2;
	v1 =	vadd.f32 v52, v1;
	v4 =	vmul.f32 v52, v52  }
0x4d7: {  	v53 =	vld [tilespmem:s29+$0xFFFFFFD0];
	v7 =	vadd.f32 v59, v7;
	v6 =	vadd.f32 v60, v6  }
0x4d8: {  	v2 =	vadd.f32 v4, v2;
	v1 =	vadd.f32 v57, v1;
	v4 =	vmul.f32 v57, v57  }
0x4d9: {  	v5 =	vadd.f32 v61, v5;
	v3 =	vadd.f32 v55, v3;
	v60 =	vmul.f32 v55, v55;
	v57 =	vld [tilespmem:s29+$0xFFFFFFE0]  }
0x4da: {  	v55 =	vld [tilespmem:s29+$0xFFFFFA10];
	v2 =	vadd.f32 v4, v2;
	v1 =	vadd.f32 v62, v1;
	v4 =	vmul.f32 v62, v62  }
0x4db: {  	v61 =	vmul.f32 v61, v61;
	v54 =	vld [tilespmem:s29+$0xFFFFFFF0];
	v9 =	vadd.f32 v63, v9;
	v62 =	vmul.f32 v63, v63  }
0x4dc: {  	v63 =	vld [tilespmem:s29+$0xFFFFFD40];
	v2 =	vadd.f32 v4, v2;
	v1 =	vadd.f32 v53, v1;
	v4 =	vmul.f32 v53, v53  }
0x4dd: {  	v6 =	vadd.f32 v61, v6;
	v52 =	vld [tilespmem:s29+$0x0];
	v8 =	vadd.f32 v62, v8  }
0x4de: {  	v62 =	vld [tilespmem:s29+$0xFFFFFD50];
	v2 =	vadd.f32 v4, v2;
	v1 =	vadd.f32 v57, v1;
	v4 =	vmul.f32 v57, v57  }
0x4df: {  	v7 =	vadd.f32 v60, v7;
	v60 =	vld [tilespmem:s29+$0xFFFFFBC0];
	v3 =	vadd.f32 v55, v3;
	v61 =	vmul.f32 v55, v55  }
0x4e0: {  	v57 =	vld [tilespmem:s29+$0xFFFFFBB0];
	v2 =	vadd.f32 v4, v2;
	v1 =	vadd.f32 v54, v1;
	v4 =	vmul.f32 v54, v54  }
0x4e1: {  	v7 =	vadd.f32 v61, v7;
	v9 =	vadd.f32 v63, v9;
	v63 =	vmul.f32 v63, v63;
	v54 =	vld [tilespmem:s29+$0xFFFFFA20]  }
0x4e2: {  	v53 =	vld [tilespmem:s29+$0xFFFFFD60];
	v2 =	vadd.f32 v4, v2;
	v1 =	vadd.f32 v52, v1;
	v4 =	vmul.f32 v52, v52  }
0x4e3: {  	v8 =	vadd.f32 v63, v8;
	v9 =	vadd.f32 v62, v9  }
0x4e4: {  	v55 =	vld [tilespmem:s29+$0xFFFFFA30];
	v58 =	vmul.f32 v62, v62;
	v2 =	vadd.f32 v4, v2;
	v1 =	vmul.f32 v1, v1  }
0x4e5: {  	v63 =	vmul.f32 v60, v60;
	v5 =	vadd.f32 v57, v5;
	v4 =	vmul.f32 v57, v57;
	v57 =	vld [tilespmem:s29+$0xFFFFFBD0]  }
0x4e6: {  	v8 =	vadd.f32 v58, v8;
	v62 =	vmul.f32 v54, v54;
	v52 =	vsub.f32 v1, v2;
	v1 =	vld [tilespmem:s29+$0xFFFFFD70]  }
0x4e7: {  	v5 =	vadd.f32 v60, v5;
	v60 =	vmul.f32 v53, v53;
	v2 =	vadd.f32 v54, v3;
	v3 =	vld [tilespmem:s29+$0xFFFFFA40]  }
0x4e8: {  	v9 =	vadd.f32 v53, v9;
	v4 =	vadd.f32 v4, v6;
	v54 =	vld [tilespmem:s29+$0xFFFFFBE0]  }
0x4e9: {  	v61 =	vmul.f32 v55, v55;
	v53 =	vld [tilespmem:s29+$0xFFFFFD80];
	v7 =	vadd.f32 v62, v7;
	v8 =	vadd.f32 v60, v8  }
0x4ea: {  	v2 =	vadd.f32 v55, v2;
	v55 =	vld [tilespmem:s29+$0xFFFFFA50];
	v4 =	vadd.f32 v63, v4;
	v62 =	vmul.f32 v57, v57  }
0x4eb: {  	v5 =	vadd.f32 v57, v5;
	v57 =	vld [tilespmem:s29+$0xFFFFFBF0];
	v7 =	vadd.f32 v61, v7;
	v63 =	vmul.f32 v1, v1  }
0x4ec: {  	v60 =	vmul.f32 v3, v3;
	v1 =	vadd.f32 v1, v9;
	v9 =	vld [tilespmem:s29+$0xFFFFFD90];
	v2 =	vadd.f32 v3, v2  }
0x4ed: {  	v3 =	vld [tilespmem:s29+$0xFFFFFA60];
	v4 =	vadd.f32 v62, v4;
	v61 =	vmul.f32 v54, v54;
	v5 =	vadd.f32 v54, v5  }
0x4ee: {  	v54 =	vld [tilespmem:s29+$0xFFFFFC00];
	v62 =	vmul.f32 v53, v53;
	v8 =	vadd.f32 v63, v8;
	v7 =	vadd.f32 v60, v7  }
0x4ef: {  	v63 =	vmul.f32 v55, v55;
	v1 =	vadd.f32 v53, v1;
	v53 =	vld [tilespmem:s29+$0xFFFFFDA0];
	v2 =	vadd.f32 v55, v2  }
0x4f0: {  	v55 =	vld [tilespmem:s29+$0xFFFFFA70];
	v4 =	vadd.f32 v61, v4;
	v60 =	vmul.f32 v57, v57;
	v5 =	vadd.f32 v57, v5  }
0x4f1: {  	v57 =	vld [tilespmem:s29+$0xFFFFFC10];
	v8 =	vadd.f32 v62, v8;
	v7 =	vadd.f32 v63, v7;
	v61 =	vmul.f32 v9, v9  }
0x4f2: {  	v62 =	vmul.f32 v3, v3;
	v1 =	vadd.f32 v9, v1;
	v9 =	vld [tilespmem:s29+$0xFFFFFDB0];
	v2 =	vadd.f32 v3, v2  }
0x4f3: {  	v3 =	vld [tilespmem:s29+$0xFFFFFA80];
	v4 =	vadd.f32 v60, v4;
	v63 =	vmul.f32 v54, v54;
	v5 =	vadd.f32 v54, v5  }
0x4f4: {  	v54 =	vld [tilespmem:s29+$0xFFFFFC20];
	v8 =	vadd.f32 v61, v8;
	v60 =	vmul.f32 v53, v53;
	v7 =	vadd.f32 v62, v7  }
0x4f5: {  	v61 =	vmul.f32 v55, v55;
	v1 =	vadd.f32 v53, v1;
	v53 =	vld [tilespmem:s29+$0xFFFFFDC0];
	v2 =	vadd.f32 v55, v2  }
0x4f6: {  	v55 =	vld [tilespmem:s29+$0xFFFFFA90];
	v4 =	vadd.f32 v63, v4;
	v62 =	vmul.f32 v57, v57;
	v5 =	vadd.f32 v57, v5  }
0x4f7: {  	v57 =	vld [tilespmem:s29+$0xFFFFFC30];
	v8 =	vadd.f32 v60, v8;
	v7 =	vadd.f32 v61, v7;
	v63 =	vmul.f32 v9, v9  }
0x4f8: {  	v60 =	vmul.f32 v3, v3;
	v1 =	vadd.f32 v9, v1;
	v9 =	vld [tilespmem:s29+$0xFFFFFDD0];
	v2 =	vadd.f32 v3, v2  }
0x4f9: {  	v3 =	vld [tilespmem:s29+$0xFFFFFAA0];
	v4 =	vadd.f32 v62, v4;
	v61 =	vmul.f32 v54, v54;
	v5 =	vadd.f32 v54, v5  }
0x4fa: {  	v54 =	vld [tilespmem:s29+$0xFFFFFC40];
	v8 =	vadd.f32 v63, v8;
	v62 =	vmul.f32 v53, v53;
	v7 =	vadd.f32 v60, v7  }
0x4fb: {  	v63 =	vmul.f32 v55, v55;
	v1 =	vadd.f32 v53, v1;
	v53 =	vld [tilespmem:s29+$0xFFFFFDE0];
	v2 =	vadd.f32 v55, v2  }
0x4fc: {  	v55 =	vld [tilespmem:s29+$0xFFFFFAB0];
	v4 =	vadd.f32 v61, v4;
	v60 =	vmul.f32 v57, v57;
	v5 =	vadd.f32 v57, v5  }
0x4fd: {  	v57 =	vld [tilespmem:s29+$0xFFFFFC50];
	v8 =	vadd.f32 v62, v8;
	v7 =	vadd.f32 v63, v7;
	v61 =	vmul.f32 v9, v9  }
0x4fe: {  	v62 =	vmul.f32 v3, v3;
	v1 =	vadd.f32 v9, v1;
	v9 =	vld [tilespmem:s29+$0xFFFFFDF0];
	v2 =	vadd.f32 v3, v2  }
0x4ff: {  	v3 =	vld [tilespmem:s29+$0xFFFFFAC0];
	v4 =	vadd.f32 v60, v4;
	v63 =	vmul.f32 v54, v54;
	v5 =	vadd.f32 v54, v5  }
0x500: {  	v54 =	vld [tilespmem:s29+$0xFFFFFC60];
	v8 =	vadd.f32 v61, v8;
	v60 =	vmul.f32 v53, v53;
	v7 =	vadd.f32 v62, v7  }
0x501: {  	v61 =	vmul.f32 v55, v55;
	v1 =	vadd.f32 v53, v1;
	v53 =	vld [tilespmem:s29+$0xFFFFFE00];
	v2 =	vadd.f32 v55, v2  }
0x502: {  	v55 =	vld [tilespmem:s29+$0xFFFFFAD0];
	v4 =	vadd.f32 v63, v4;
	v62 =	vmul.f32 v57, v57;
	v5 =	vadd.f32 v57, v5  }
0x503: {  	v57 =	vld [tilespmem:s29+$0xFFFFFC70];
	v8 =	vadd.f32 v60, v8;
	v7 =	vadd.f32 v61, v7;
	v63 =	vmul.f32 v9, v9  }
0x504: {  	v60 =	vmul.f32 v3, v3;
	v1 =	vadd.f32 v9, v1;
	v9 =	vld [tilespmem:s29+$0xFFFFFE10];
	v2 =	vadd.f32 v3, v2  }
0x505: {  	v3 =	vld [tilespmem:s29+$0xFFFFFAE0];
	v4 =	vadd.f32 v62, v4;
	v61 =	vmul.f32 v54, v54;
	v5 =	vadd.f32 v54, v5  }
0x506: {  	v54 =	vld [tilespmem:s29+$0xFFFFFC80];
	v8 =	vadd.f32 v63, v8;
	v62 =	vmul.f32 v53, v53;
	v7 =	vadd.f32 v60, v7  }
0x507: {  	v63 =	vmul.f32 v55, v55;
	v1 =	vadd.f32 v53, v1;
	v60 =	vld [tilespmem:s29+$0xFFFFFE20];
	v2 =	vadd.f32 v55, v2  }
0x508: {  	v55 =	vld [tilespmem:s29+$0xFFFFFAF0];
	v4 =	vadd.f32 v61, v4;
	v61 =	vmul.f32 v57, v57;
	v5 =	vadd.f32 v57, v5  }
0x509: {  	v57 =	vld [tilespmem:s29+$0xFFFFFC90];
	v8 =	vadd.f32 v62, v8;
	v7 =	vadd.f32 v63, v7;
	v62 =	vmul.f32 v9, v9  }
0x50a: {  	v63 =	vmul.f32 v3, v3;
	v1 =	vadd.f32 v9, v1;
	v9 =	vld [tilespmem:s29+$0xFFFFFE30];
	v2 =	vadd.f32 v3, v2  }
0x50b: {  	v3 =	vld [tilespmem:s29+$0xFFFFFB00];
	v4 =	vadd.f32 v61, v4;
	v6 =	vmul.f32 v54, v54;
	v5 =	vadd.f32 v54, v5  }
0x50c: {  	v59 =	vld [tilespmem:s29+$0xFFFFFCA0];
	v8 =	vadd.f32 v62, v8;
	v56 =	vmul.f32 v60, v60;
	v7 =	vadd.f32 v63, v7  }
0x50d: {  	v53 =	vld [tilespmem:s29+$0xFFFFFB10];
	v58 =	vmul.f32 v55, v55;
	v1 =	vadd.f32 v60, v1;
	v2 =	vadd.f32 v55, v2  }
0x50e: {  	v63 =	vld [tilespmem:s29+$0xFFFFFE40];
	v4 =	vadd.f32 v6, v4;
	v5 =	vadd.f32 v57, v5  }
0x50f: {  	v54 =	vld [tilespmem:s29+$0xFFFFFCB0];
	v6 =	vmul.f32 v57, v57;
	v8 =	vadd.f32 v56, v8;
	v7 =	vadd.f32 v58, v7  }
0x510: {  	v55 =	vld [tilespmem:s29+$0xFFFFFE50];
	v61 =	vmul.f32 v9, v9;
	v62 =	vmul.f32 v3, v3;
	v9 =	vadd.f32 v9, v1  }
0x511: {  	v56 =	vld [tilespmem:s29+$0xFFFFFB20];
	v58 =	vadd.f32 v3, v2;
	v60 =	vadd.f32 v6, v4;
	v1 =	vmul.f32 v59, v59  }
0x512: {  	v57 =	vld [tilespmem:s29+$0xFFFFFCC0];
	v59 =	vadd.f32 v59, v5;
	v3 =	vmul.f32 v53, v53;
	v61 =	vadd.f32 v61, v8  }
0x513: {  	s13 =	simm.s32 $0x0;
	s25 =	simm.s32 $0xDCF0;
	s11 =	smov.u32 s2;
	[tilespmem:s2+$0x0] =	vst v52;
	v52 =	vld [tilespmem:s29+$0xFFFFFE60];
	v2 =	vmul.f32 v63, v63;
	v62 =	vadd.f32 v62, v7;
	v63 =	vadd.f32 v63, v9  }
.LBB2_9:
0x514: {  	v4 =	vld [tilespmem:s25+$0xFFFFFE70];
	v5 =	vadd.f32 v53, v58;
	v1 =	vadd.f32 v1, v60;
	v6 =	vmul.f32 v54, v54  }
0x515: {  	s13 =	sadd.s32 $0x4, s13;
	v8 =	vadd.f32 v54, v59;
	v2 =	vadd.f32 v2, v61;
	v7 =	vld [tilespmem:s25+$0xFFFFFE80];
	v9 =	vmul.f32 v55, v55  }
0x516: {  	p1 =	slt.u32 s13, $0x1C;
	v3 =	vadd.f32 v3, v62;
	v55 =	vadd.f32 v55, v63;
	v53 =	vld [tilespmem:s25+$0xFFFFF9A0];
	v54 =	vmul.f32 v56, v56  }
0x517: {  	v5 =	vadd.f32 v56, v5;
	v1 =	vadd.f32 v6, v1;
	v58 =	vld [tilespmem:s25+$0xFFFFFE90];
	v6 =	vmul.f32 v57, v57  }
0x518: {  	v8 =	vadd.f32 v57, v8;
	v2 =	vadd.f32 v9, v2;
	v56 =	vld [tilespmem:s25+$0xFFFFFB30];
	v9 =	vmul.f32 v52, v52  }
0x519: {  	v3 =	vadd.f32 v54, v3;
	v5 =	vmul.f32 v5, v5;
	v52 =	vadd.f32 v52, v55;
	v57 =	vld [tilespmem:s25+$0xFFFFFEA0]  }
0x51a: {  	v55 =	vmul.f32 v4, v4;
	v54 =	vld [tilespmem:s25+$0xFFFFFB40];
	v4 =	vadd.f32 v7, v4;
	v7 =	vmul.f32 v7, v7  }
0x51b: {  	v1 =	vadd.f32 v6, v1;
	v6 =	vmul.f32 v8, v8;
	v59 =	vmul.f32 v53, v53;
	v60 =	vld [tilespmem:s25+$0xFFFFFEB0]  }
0x51c: {  	v8 =	vld [tilespmem:s25+$0xFFFFFCD0];
	v7 =	vadd.f32 v7, v55;
	v4 =	vadd.f32 v58, v4;
	v55 =	vmul.f32 v58, v58  }
0x51d: {  	v2 =	vadd.f32 v9, v2;
	v9 =	vmul.f32 v52, v52;
	v58 =	vmul.f32 v56, v56;
	v61 =	vld [tilespmem:s25+$0xFFFFFEC0]  }
0x51e: {  	v52 =	vld [tilespmem:s25+$0xFFFFFCE0];
	v7 =	vadd.f32 v55, v7;
	v4 =	vadd.f32 v57, v4;
	v55 =	vmul.f32 v57, v57  }
0x51f: {  	v3 =	vsub.f32 v5, v3;
	v56 =	vadd.f32 v54, v56;
	v54 =	vmul.f32 v54, v54;
	v57 =	vld [tilespmem:s25+$0xFFFFFED0]  }
0x520: {  	v5 =	vld [tilespmem:s25+$0xFFFFF990];
	v7 =	vadd.f32 v55, v7;
	v4 =	vadd.f32 v60, v4;
	v55 =	vmul.f32 v60, v60  }
0x521: {  	v1 =	vsub.f32 v6, v1;
	v54 =	vadd.f32 v54, v58;
	v58 =	vmul.f32 v8, v8;
	v60 =	vld [tilespmem:s25+$0xFFFFFEE0];
	[tilespmem:s11+$0xFFFFFFD0] =	vst v3  }
0x522: {  	v3 =	vld [tilespmem:s25+$0xFFFFF9B0];
	v6 =	vadd.f32 v55, v7;
	v4 =	vadd.f32 v61, v4;
	v7 =	vmul.f32 v61, v61  }
0x523: {  	v8 =	vadd.f32 v52, v8;
	v52 =	vmul.f32 v52, v52;
	v55 =	vld [tilespmem:s25+$0xFFFFFEF0];
	[tilespmem:s11+$0xFFFFFFE0] =	vst v1;
	v1 =	vsub.f32 v9, v2  }
0x524: {  	v2 =	vld [tilespmem:s25+$0xFFFFFB50];
	v6 =	vadd.f32 v7, v6;
	v4 =	vadd.f32 v57, v4;
	v7 =	vmul.f32 v57, v57  }
0x525: {  	v9 =	vmul.f32 v5, v5;
	v5 =	vadd.f32 v53, v5;
	v52 =	vadd.f32 v52, v58;
	v53 =	vld [tilespmem:s25+$0xFFFFFF00];
	[tilespmem:s11+$0xFFFFFFF0] =	vst v1  }
0x526: {  	v1 =	vld [tilespmem:s25+$0xFFFFFCF0];
	v6 =	vadd.f32 v7, v6;
	v4 =	vadd.f32 v60, v4;
	v7 =	vmul.f32 v60, v60  }
0x527: {  	v9 =	vadd.f32 v59, v9;
	v5 =	vadd.f32 v3, v5;
	v3 =	vmul.f32 v3, v3;
	v57 =	vld [tilespmem:s25+$0xFFFFFF10]  }
0x528: {  	v58 =	vld [tilespmem:s25+$0xFFFFF9C0];
	v6 =	vadd.f32 v7, v6;
	v4 =	vadd.f32 v55, v4;
	v7 =	vmul.f32 v55, v55  }
0x529: {  	v3 =	vadd.f32 v3, v9;
	v9 =	vadd.f32 v2, v56;
	v2 =	vmul.f32 v2, v2;
	v55 =	vld [tilespmem:s25+$0xFFFFFF20]  }
0x52a: {  	v56 =	vld [tilespmem:s25+$0xFFFFFB60];
	v6 =	vadd.f32 v7, v6;
	v4 =	vadd.f32 v53, v4;
	v7 =	vmul.f32 v53, v53  }
0x52b: {  	v2 =	vadd.f32 v2, v54;
	v8 =	vadd.f32 v1, v8;
	v1 =	vmul.f32 v1, v1;
	v53 =	vld [tilespmem:s25+$0xFFFFFF30]  }
0x52c: {  	v54 =	vld [tilespmem:s25+$0xFFFFFD00];
	v6 =	vadd.f32 v7, v6;
	v4 =	vadd.f32 v57, v4;
	v7 =	vmul.f32 v57, v57  }
0x52d: {  	v5 =	vadd.f32 v58, v5;
	v57 =	vmul.f32 v58, v58;
	v1 =	vadd.f32 v1, v52;
	v52 =	vld [tilespmem:s25+$0xFFFFFF40]  }
0x52e: {  	v58 =	vld [tilespmem:s25+$0xFFFFF9D0];
	v6 =	vadd.f32 v7, v6;
	v4 =	vadd.f32 v55, v4;
	v7 =	vmul.f32 v55, v55  }
0x52f: {  	v3 =	vadd.f32 v57, v3;
	v9 =	vadd.f32 v56, v9;
	v55 =	vmul.f32 v56, v56;
	v56 =	vld [tilespmem:s25+$0xFFFFFF50]  }
0x530: {  	v57 =	vld [tilespmem:s25+$0xFFFFFB70];
	v6 =	vadd.f32 v7, v6;
	v4 =	vadd.f32 v53, v4;
	v7 =	vmul.f32 v53, v53  }
0x531: {  	v2 =	vadd.f32 v55, v2;
	v8 =	vadd.f32 v54, v8;
	v53 =	vmul.f32 v54, v54;
	v54 =	vld [tilespmem:s25+$0xFFFFFF60]  }
0x532: {  	v55 =	vld [tilespmem:s25+$0xFFFFFD10];
	v6 =	vadd.f32 v7, v6;
	v4 =	vadd.f32 v52, v4;
	v7 =	vmul.f32 v52, v52  }
0x533: {  	v5 =	vadd.f32 v58, v5;
	v52 =	vmul.f32 v58, v58;
	v1 =	vadd.f32 v53, v1;
	v53 =	vld [tilespmem:s25+$0xFFFFFF70]  }
0x534: {  	v58 =	vld [tilespmem:s25+$0xFFFFF9E0];
	v6 =	vadd.f32 v7, v6;
	v4 =	vadd.f32 v56, v4;
	v7 =	vmul.f32 v56, v56  }
0x535: {  	v3 =	vadd.f32 v52, v3;
	v9 =	vadd.f32 v57, v9;
	v52 =	vmul.f32 v57, v57;
	v56 =	vld [tilespmem:s25+$0xFFFFFF80]  }
0x536: {  	v57 =	vld [tilespmem:s25+$0xFFFFFB80];
	v6 =	vadd.f32 v7, v6;
	v4 =	vadd.f32 v54, v4;
	v7 =	vmul.f32 v54, v54  }
0x537: {  	v2 =	vadd.f32 v52, v2;
	v8 =	vadd.f32 v55, v8;
	v52 =	vmul.f32 v55, v55;
	v54 =	vld [tilespmem:s25+$0xFFFFFF90]  }
0x538: {  	v55 =	vld [tilespmem:s25+$0xFFFFFD20];
	v6 =	vadd.f32 v7, v6;
	v4 =	vadd.f32 v53, v4;
	v7 =	vmul.f32 v53, v53  }
0x539: {  	v5 =	vadd.f32 v58, v5;
	v53 =	vmul.f32 v58, v58;
	v1 =	vadd.f32 v52, v1;
	v52 =	vld [tilespmem:s25+$0xFFFFFFA0]  }
0x53a: {  	v58 =	vld [tilespmem:s25+$0xFFFFF9F0];
	v6 =	vadd.f32 v7, v6;
	v4 =	vadd.f32 v56, v4;
	v7 =	vmul.f32 v56, v56  }
0x53b: {  	v3 =	vadd.f32 v53, v3;
	v9 =	vadd.f32 v57, v9;
	v53 =	vmul.f32 v57, v57;
	v56 =	vld [tilespmem:s25+$0xFFFFFFB0]  }
0x53c: {  	v57 =	vld [tilespmem:s25+$0xFFFFFB90];
	v6 =	vadd.f32 v7, v6;
	v4 =	vadd.f32 v54, v4;
	v7 =	vmul.f32 v54, v54  }
0x53d: {  	v2 =	vadd.f32 v53, v2;
	v8 =	vadd.f32 v55, v8;
	v53 =	vmul.f32 v55, v55;
	v54 =	vld [tilespmem:s25+$0xFFFFFFC0]  }
0x53e: {  	v55 =	vld [tilespmem:s25+$0xFFFFFD30];
	v6 =	vadd.f32 v7, v6;
	v4 =	vadd.f32 v52, v4;
	v7 =	vmul.f32 v52, v52  }
0x53f: {  	v5 =	vadd.f32 v58, v5;
	v52 =	vmul.f32 v58, v58;
	v1 =	vadd.f32 v53, v1;
	v53 =	vld [tilespmem:s25+$0xFFFFFFD0]  }
0x540: {  	v58 =	vld [tilespmem:s25+$0xFFFFFA00];
	v6 =	vadd.f32 v7, v6;
	v4 =	vadd.f32 v56, v4;
	v7 =	vmul.f32 v56, v56  }
0x541: {  	v3 =	vadd.f32 v52, v3;
	v9 =	vadd.f32 v57, v9;
	v52 =	vmul.f32 v57, v57;
	v56 =	vld [tilespmem:s25+$0xFFFFFFE0]  }
0x542: {  	v57 =	vld [tilespmem:s25+$0xFFFFFBA0];
	v6 =	vadd.f32 v7, v6;
	v4 =	vadd.f32 v54, v4;
	v7 =	vmul.f32 v54, v54  }
0x543: {  	v2 =	vadd.f32 v52, v2;
	v8 =	vadd.f32 v55, v8;
	v52 =	vmul.f32 v55, v55;
	v54 =	vld [tilespmem:s25+$0xFFFFFFF0]  }
0x544: {  	v55 =	vld [tilespmem:s25+$0xFFFFFD40];
	v6 =	vadd.f32 v7, v6;
	v4 =	vadd.f32 v53, v4;
	v7 =	vmul.f32 v53, v53  }
0x545: {  	v5 =	vadd.f32 v58, v5;
	v53 =	vmul.f32 v58, v58;
	v1 =	vadd.f32 v52, v1;
	v52 =	vld [tilespmem:s25+$0x0]  }
0x546: {  	v58 =	vld [tilespmem:s25+$0xFFFFFA10];
	v6 =	vadd.f32 v7, v6;
	v4 =	vadd.f32 v56, v4;
	v7 =	vmul.f32 v56, v56  }
0x547: {  	v3 =	vadd.f32 v53, v3;
	v9 =	vadd.f32 v57, v9;
	v53 =	vmul.f32 v57, v57;
	v56 =	vld [tilespmem:s25+$0xFFFFFBB0]  }
0x548: {  	v57 =	vld [tilespmem:s25+$0xFFFFFD50];
	v6 =	vadd.f32 v7, v6;
	v4 =	vadd.f32 v54, v4;
	v7 =	vmul.f32 v54, v54  }
0x549: {  	v54 =	vld [tilespmem:s25+$0xFFFFFA20];
	v2 =	vadd.f32 v53, v2;
	v8 =	vadd.f32 v55, v8;
	v53 =	vmul.f32 v55, v55  }
0x54a: {  	v55 =	vld [tilespmem:s25+$0xFFFFFBC0];
	v6 =	vadd.f32 v7, v6;
	v4 =	vadd.f32 v52, v4;
	v7 =	vmul.f32 v52, v52  }
0x54b: {  	v5 =	vadd.f32 v58, v5;
	v52 =	vmul.f32 v58, v58;
	v1 =	vadd.f32 v53, v1;
	v53 =	vld [tilespmem:s25+$0xFFFFFD60]  }
0x54c: {  	v58 =	vld [tilespmem:s25+$0xFFFFFA30];
	v9 =	vadd.f32 v56, v9;
	v6 =	vadd.f32 v7, v6;
	v4 =	vmul.f32 v4, v4  }
0x54d: {  	v7 =	vmul.f32 v56, v56;
	v56 =	vld [tilespmem:s25+$0xFFFFFBD0];
	v8 =	vadd.f32 v57, v8;
	v57 =	vmul.f32 v57, v57  }
0x54e: {  	v3 =	vadd.f32 v52, v3;
	v52 =	vmul.f32 v54, v54;
	v59 =	vld [tilespmem:s25+$0xFFFFFD70];
	v4 =	vsub.f32 v4, v6  }
0x54f: {  	s11 =	sadd.s32 $0x40, s11;
	v5 =	vadd.f32 v54, v5;
	v2 =	vadd.f32 v7, v2;
	v6 =	vld [tilespmem:s25+$0xFFFFFA40];
	v7 =	vmul.f32 v55, v55  }
0x550: {  	v9 =	vadd.f32 v55, v9;
	v1 =	vadd.f32 v57, v1;
	v54 =	vld [tilespmem:s25+$0xFFFFFBE0];
	v55 =	vmul.f32 v53, v53;
	[tilespmem:s11+$0x0] =	vst v4  }
0x551: {  	v3 =	vadd.f32 v52, v3;
	v8 =	vadd.f32 v53, v8;
	v4 =	vmul.f32 v58, v58;
	v52 =	vld [tilespmem:s25+$0xFFFFFD80]  }
0x552: {  	v5 =	vadd.f32 v58, v5;
	v2 =	vadd.f32 v7, v2;
	v53 =	vld [tilespmem:s25+$0xFFFFFA50];
	v7 =	vmul.f32 v56, v56  }
0x553: {  	v9 =	vadd.f32 v56, v9;
	v1 =	vadd.f32 v55, v1;
	v56 =	vld [tilespmem:s25+$0xFFFFFBF0];
	v55 =	vmul.f32 v59, v59  }
0x554: {  	v3 =	vadd.f32 v4, v3;
	v8 =	vadd.f32 v59, v8;
	v4 =	vmul.f32 v6, v6;
	v57 =	vld [tilespmem:s25+$0xFFFFFD90]  }
0x555: {  	v5 =	vadd.f32 v6, v5;
	v2 =	vadd.f32 v7, v2;
	v6 =	vld [tilespmem:s25+$0xFFFFFA60];
	v7 =	vmul.f32 v54, v54  }
0x556: {  	v9 =	vadd.f32 v54, v9;
	v1 =	vadd.f32 v55, v1;
	v54 =	vld [tilespmem:s25+$0xFFFFFC00];
	v55 =	vmul.f32 v52, v52  }
0x557: {  	v3 =	vadd.f32 v4, v3;
	v8 =	vadd.f32 v52, v8;
	v4 =	vmul.f32 v53, v53;
	v52 =	vld [tilespmem:s25+$0xFFFFFDA0]  }
0x558: {  	v5 =	vadd.f32 v53, v5;
	v2 =	vadd.f32 v7, v2;
	v53 =	vld [tilespmem:s25+$0xFFFFFA70];
	v7 =	vmul.f32 v56, v56  }
0x559: {  	v9 =	vadd.f32 v56, v9;
	v1 =	vadd.f32 v55, v1;
	v56 =	vld [tilespmem:s25+$0xFFFFFC10];
	v55 =	vmul.f32 v57, v57  }
0x55a: {  	v3 =	vadd.f32 v4, v3;
	v8 =	vadd.f32 v57, v8;
	v4 =	vmul.f32 v6, v6;
	v57 =	vld [tilespmem:s25+$0xFFFFFDB0]  }
0x55b: {  	v5 =	vadd.f32 v6, v5;
	v2 =	vadd.f32 v7, v2;
	v6 =	vld [tilespmem:s25+$0xFFFFFA80];
	v7 =	vmul.f32 v54, v54  }
0x55c: {  	v9 =	vadd.f32 v54, v9;
	v1 =	vadd.f32 v55, v1;
	v54 =	vld [tilespmem:s25+$0xFFFFFC20];
	v55 =	vmul.f32 v52, v52  }
0x55d: {  	v3 =	vadd.f32 v4, v3;
	v8 =	vadd.f32 v52, v8;
	v4 =	vmul.f32 v53, v53;
	v52 =	vld [tilespmem:s25+$0xFFFFFDC0]  }
0x55e: {  	v5 =	vadd.f32 v53, v5;
	v2 =	vadd.f32 v7, v2;
	v53 =	vld [tilespmem:s25+$0xFFFFFA90];
	v7 =	vmul.f32 v56, v56  }
0x55f: {  	v9 =	vadd.f32 v56, v9;
	v1 =	vadd.f32 v55, v1;
	v56 =	vld [tilespmem:s25+$0xFFFFFC30];
	v55 =	vmul.f32 v57, v57  }
0x560: {  	v3 =	vadd.f32 v4, v3;
	v8 =	vadd.f32 v57, v8;
	v4 =	vmul.f32 v6, v6;
	v57 =	vld [tilespmem:s25+$0xFFFFFDD0]  }
0x561: {  	v5 =	vadd.f32 v6, v5;
	v2 =	vadd.f32 v7, v2;
	v6 =	vld [tilespmem:s25+$0xFFFFFAA0];
	v7 =	vmul.f32 v54, v54  }
0x562: {  	v9 =	vadd.f32 v54, v9;
	v1 =	vadd.f32 v55, v1;
	v54 =	vld [tilespmem:s25+$0xFFFFFC40];
	v55 =	vmul.f32 v52, v52  }
0x563: {  	v3 =	vadd.f32 v4, v3;
	v8 =	vadd.f32 v52, v8;
	v4 =	vmul.f32 v53, v53;
	v52 =	vld [tilespmem:s25+$0xFFFFFDE0]  }
0x564: {  	v5 =	vadd.f32 v53, v5;
	v2 =	vadd.f32 v7, v2;
	v53 =	vld [tilespmem:s25+$0xFFFFFAB0];
	v7 =	vmul.f32 v56, v56  }
0x565: {  	v9 =	vadd.f32 v56, v9;
	v1 =	vadd.f32 v55, v1;
	v56 =	vld [tilespmem:s25+$0xFFFFFC50];
	v55 =	vmul.f32 v57, v57  }
0x566: {  	v3 =	vadd.f32 v4, v3;
	v8 =	vadd.f32 v57, v8;
	v4 =	vmul.f32 v6, v6;
	v57 =	vld [tilespmem:s25+$0xFFFFFDF0]  }
0x567: {  	v5 =	vadd.f32 v6, v5;
	v2 =	vadd.f32 v7, v2;
	v6 =	vld [tilespmem:s25+$0xFFFFFAC0];
	v7 =	vmul.f32 v54, v54  }
0x568: {  	v9 =	vadd.f32 v54, v9;
	v1 =	vadd.f32 v55, v1;
	v54 =	vld [tilespmem:s25+$0xFFFFFC60];
	v55 =	vmul.f32 v52, v52  }
0x569: {  	v3 =	vadd.f32 v4, v3;
	v8 =	vadd.f32 v52, v8;
	v4 =	vmul.f32 v53, v53;
	v52 =	vld [tilespmem:s25+$0xFFFFFE00]  }
0x56a: {  	v5 =	vadd.f32 v53, v5;
	v2 =	vadd.f32 v7, v2;
	v53 =	vld [tilespmem:s25+$0xFFFFFAD0];
	v7 =	vmul.f32 v56, v56  }
0x56b: {  	v9 =	vadd.f32 v56, v9;
	v1 =	vadd.f32 v55, v1;
	v56 =	vld [tilespmem:s25+$0xFFFFFC70];
	v55 =	vmul.f32 v57, v57  }
0x56c: {  	v3 =	vadd.f32 v4, v3;
	v8 =	vadd.f32 v57, v8;
	v4 =	vmul.f32 v6, v6;
	v57 =	vld [tilespmem:s25+$0xFFFFFE10]  }
0x56d: {  	v5 =	vadd.f32 v6, v5;
	v2 =	vadd.f32 v7, v2;
	v6 =	vld [tilespmem:s25+$0xFFFFFAE0];
	v7 =	vmul.f32 v54, v54  }
0x56e: {  	v9 =	vadd.f32 v54, v9;
	v1 =	vadd.f32 v55, v1;
	v54 =	vld [tilespmem:s25+$0xFFFFFC80];
	v55 =	vmul.f32 v52, v52  }
0x56f: {  	v3 =	vadd.f32 v4, v3;
	v8 =	vadd.f32 v52, v8;
	v4 =	vmul.f32 v53, v53;
	v52 =	vld [tilespmem:s25+$0xFFFFFE20]  }
0x570: {  	v5 =	vadd.f32 v53, v5;
	v2 =	vadd.f32 v7, v2;
	v53 =	vld [tilespmem:s25+$0xFFFFFAF0];
	v7 =	vmul.f32 v56, v56  }
0x571: {  	v9 =	vadd.f32 v56, v9;
	v1 =	vadd.f32 v55, v1;
	v56 =	vld [tilespmem:s25+$0xFFFFFC90];
	v55 =	vmul.f32 v57, v57  }
0x572: {  	v3 =	vadd.f32 v4, v3;
	v8 =	vadd.f32 v57, v8;
	v4 =	vmul.f32 v6, v6;
	v57 =	vld [tilespmem:s25+$0xFFFFFE30]  }
0x573: {  	v5 =	vadd.f32 v6, v5;
	v2 =	vadd.f32 v7, v2;
	v6 =	vld [tilespmem:s25+$0xFFFFFB00];
	v7 =	vmul.f32 v54, v54  }
0x574: {  	v9 =	vadd.f32 v54, v9;
	v1 =	vadd.f32 v55, v1;
	v59 =	vld [tilespmem:s25+$0xFFFFFCA0];
	v55 =	vmul.f32 v52, v52  }
0x575: {  	v3 =	vadd.f32 v4, v3;
	v8 =	vadd.f32 v52, v8;
	v4 =	vmul.f32 v53, v53;
	v52 =	vld [tilespmem:s25+$0xFFFFFE40]  }
0x576: {  	v5 =	vadd.f32 v53, v5;
	v2 =	vadd.f32 v7, v2;
	v53 =	vld [tilespmem:s25+$0xFFFFFB10];
	v7 =	vmul.f32 v56, v56  }
.Ltmp5:
0x577: {  	v9 =	vadd.f32 v56, v9;
	v61 =	vadd.f32 v55, v1;
	v54 =	vld [tilespmem:s25+$0xFFFFFCB0];
	v62 =	vmul.f32 v57, v57;
	(pc) =	sbr.rel @p1 .LBB2_9-.Ltmp5, $4  }
0x578: {  	v3 =	vadd.f32 v4, v3;
	v8 =	vadd.f32 v57, v8;
	v4 =	vmul.f32 v6, v6;
	v55 =	vld [tilespmem:s25+$0xFFFFFE50]  }
0x579: {  	v58 =	vadd.f32 v6, v5;
	v60 =	vadd.f32 v7, v2;
	v56 =	vld [tilespmem:s25+$0xFFFFFB20];
	v1 =	vmul.f32 v59, v59  }
0x57a: {  	v59 =	vadd.f32 v59, v9;
	v61 =	vadd.f32 v62, v61;
	v57 =	vld [tilespmem:s25+$0xFFFFFCC0];
	v2 =	vmul.f32 v52, v52  }
0x57b: {  	v62 =	vadd.f32 v4, v3;
	v63 =	vadd.f32 v52, v8;
	v3 =	vmul.f32 v53, v53;
	v52 =	vld [tilespmem:s25+$0xFFFFFE60];
	s25 =	sadd.s32 $0x680, s25  }
0x57c: {  	v4 =	vadd.f32 v53, v58;
	v1 =	vadd.f32 v1, v60;
	v5 =	vmul.f32 v54, v54  }
0x57d: {  	v6 =	vadd.f32 v54, v59;
	v2 =	vadd.f32 v2, v61;
	v7 =	vmul.f32 v55, v55  }
0x57e: {  	v3 =	vadd.f32 v3, v62;
	v9 =	vadd.f32 v55, v63;
	v8 =	vmul.f32 v56, v56  }
0x57f: {  	v4 =	vadd.f32 v56, v4;
	v1 =	vadd.f32 v5, v1;
	v60 =	vmul.f32 v57, v57  }
0x580: {  	v6 =	vadd.f32 v57, v6;
	v2 =	vadd.f32 v7, v2;
	v61 =	vmul.f32 v52, v52  }
0x581: {  	v3 =	vadd.f32 v8, v3;
	v4 =	vmul.f32 v4, v4;
	v8 =	vadd.f32 v52, v9  }
0x582: {  	v1 =	vadd.f32 v60, v1;
	v62 =	vmul.f32 v6, v6  }
.Ltmp6:
0x583: {  	v2 =	vadd.f32 v61, v2;
	v63 =	vmul.f32 v8, v8;
	v3 =	vsub.f32 v4, v3;
	(pc) =	sbr.rel @p0 .LBB2_12-.Ltmp6, $4  }
0x584: {  	v1 =	vsub.f32 v62, v1  }
0x585: {  	[tilespmem:s11+$0xFFFFFFD0] =	vst v3;
	v2 =	vsub.f32 v63, v2  }
0x586: {  	[tilespmem:s11+$0xFFFFFFE0] =	vst v1  }
0x587: {  	[tilespmem:s11+$0xFFFFFFF0] =	vst v2  }
0x588: {  	s11 =	smul.u32 $0x3400, s1;
	_ =	sdelay $0x1  }
.Ltmp7:
0x589: {  	s11 =	sshra.s32 s11, $0x2;
	(pc) =	sbr.rel .LBB2_2-.Ltmp7, $4  }
0x58a: {  	s1 =	sadd.s32 $0x1, s1;
	s16 =	sadd.s32 $0x800, s16;
	s11 =	sadd.s32 $0x16C0, s11  }
0x58b: {  	[tilespmem:s19], [sflag:$0x4] =	stream.indirect.gather [hbm4b:s4+s10], $0x10, s11, s10, $0xb8;
	[tilespmem:$0x13300] =	vst v63  }
0x58c: {  	s30 =	sadd.s32 $0x800, s30;
	s31 =	sadd.s32 $0x800, s31;
	s2 =	sadd.s32 $0x800, s2  }
0x58d: {  	[tilespmem:s20], [sflag:$0x4] =	stream.indirect.gather [hbm4b:s0+s10], $0x1, s11, s10, $0xb8;
	[tilespmem:$0x13300] =	vst v63  }
.LBB2_13:
0x58e: {  	_ =	sfence.sel $0x180000  }
0x58f: {  	[bflag:$0x0] =	sbarrier.arrive $0xFFFF  }
0x590: {  	_ =	strace $0x90000047  }
0x591: {  	s0 =	stileid.u32;
	[bflag:$0x2] =	sbarrier.arrive $0xFFFF  }
0x592: {  	p0 =	sne.s32 s0, $0x0;
	s0 =	rddreg [dreg:$0x3]  }
0x593: {  	s0 =	sadd.s32 @!p0 $0x100000, s0  }
0x594: {  	[sflag:s0] =	ssyncadd.tile.s32 @!p0 $0x1;
	_ =	shalt  }
.Lfunc_end2:
_tile_overlayer_lowered:
.L_overlay_start_2:
0x595: {  	(tag) =	ssettag $0x2  }
0x596: {  	s0 =	rddreg [dreg:$0x0];
	s2 =	stileid.u32  }
0x597: {  	s1 =	rddreg [dreg:$0x1];
	p0 =	sne.s32 s2, $0x0  }
0x598: {  	s3 =	rddreg [dreg:$0x2];
	[bflag:$0x3] =	sbarrier.arrive $0xFFFF;
	s2 =	simm.s32 @!p0 $0x1C05  }
0x599: {  	[timem:s3], [sflag:s2] =	dma.local @!p0 [hbm:s0], s1  }
0x59a: {  	s0 =	simm.s32 @!p0 $0x5  }
0x59b: {  	_ =	swait.ge @!p0 [sflag:s0], s1  }
0x59c: {  	s1 =	ssub.s32 @!p0 $0x0, s1;
	[sflag:s0] =	ssyncset.done @!p0 $0x0  }
0x59d: {  	[sflag:s0] =	ssyncadd.s32 @!p0 s1  }
0x59e: {  	[bflag:$0x3] =	sbarrier.arrive $0xFFFF  }
0x59f: {  	_ =	shalt  }

</sc_bundles>
